<compile_context>
chip_gen: v7x
topology: tpu7x:2x2x1
jax: 0.10.2.dev20260603
libtpu: 0.0.44.dev20260713+nightly
codegen_flags: <defaults>
</compile_context>

<pallas_src>
import functools

import jax
import jax.numpy as jnp
from jax import lax
from jax.experimental import pallas as pl
from jax.experimental.pallas import tpu as pltpu
from jax.experimental.pallas import tpu_sc as plsc

_NC = 2
_NS = 16
_NW = _NC * _NS
_L = 16

_RW = 2
_IDX_PER_DMA = 128


def _make_kernel(BR, S, V, NP, D, DP):
    rows_w = BR // _NW
    G = rows_w // _RW
    n_grp = (S + _L - 1) // _L
    assert BR % _NW == 0 and rows_w % _RW == 0 and G >= 4
    mesh = plsc.VectorSubcoreMesh(core_axis_name="c", subcore_axis_name="s")

    @functools.partial(
        pl.kernel,
        out_type=jax.ShapeDtypeStruct((BR * S, DP), jnp.float32),
        mesh=mesh,
        compiler_params=pltpu.CompilerParams(
            needs_layout_passes=False, use_tc_tiling_on_sc=False
        ),
        scratch_types=[
            [pltpu.VMEM((_RW, S), jnp.int32) for _ in range(4)],
            [pltpu.VMEM((_RW, S), jnp.int32) for _ in range(2)],
            [pltpu.VMEM((_RW * S, D), jnp.float32) for _ in range(2)],
            pltpu.VMEM((NP, D), jnp.float32),
            [pltpu.SemaphoreType.DMA for _ in range(4)],
            [pltpu.SemaphoreType.DMA for _ in range(2)],
            [pltpu.SemaphoreType.DMA for _ in range(2)],
        ],
    )
    def k(idx_hbm, embed_hbm, ne_hbm, out_hbm, Q, Sv, R, ne_v, si, sg, so):
        wid = lax.axis_index("s") * _NC + lax.axis_index("c")
        base = wid * rows_w
        pltpu.sync_copy(ne_hbm, ne_v)

        def fire_idx(g, q):
            pltpu.async_copy(idx_hbm.at[pl.ds(base + g * _RW, _RW)], Q[q], si[q])

        def wait_idx(q):
            pltpu.make_async_copy(idx_hbm.at[pl.ds(0, _RW)], Q[q], si[q]).wait()

        def remap(q, b):
            for rr in range(_RW):
                def step(j, _):
                    off = jnp.minimum(j * _L, S - _L)
                    v = Q[q][rr, pl.ds(off, _L)]
                    Sv[b][rr, pl.ds(off, _L)] = jnp.where(v >= V, 0, v)
                    return 0

                lax.fori_loop(0, n_grp, step, 0, unroll=4)

        def fire_gathers(b):
            for rr in range(_RW):
                for off in range(0, S, _IDX_PER_DMA):
                    n = min(_IDX_PER_DMA, S - off)
                    pltpu.async_copy(
                        embed_hbm.at[Sv[b].at[rr].at[pl.ds(off, n)]],
                        R[b].at[pl.ds(rr * S + off, n)],
                        sg[b],
                    )

        def wait_gathers(b):
            pltpu.make_async_copy(embed_hbm.at[pl.ds(0, _RW * S)], R[b], sg[b]).wait()

        def fixup(q, b):
            for rr in range(_RW):
                def step(j, _):
                    off = jnp.minimum(j * _L, S - _L)
                    v = Q[q][rr, pl.ds(off, _L)]
                    m = v >= V
                    p = jnp.where(m, v - V, 0)

                    @pl.when(jnp.max(v) >= V)
                    def _():
                        rvec = rr * S + off + lax.iota(jnp.int32, _L)

                        def col(c, _):
                            cc = jnp.full((_L,), c, jnp.int32)
                            vals = plsc.load_gather(ne_v, [p, cc], mask=m)
                            plsc.store_scatter(R[b], [rvec, cc], vals, mask=m)
                            return 0

                        lax.fori_loop(0, D, col, 0)

                    return 0

                lax.fori_loop(0, n_grp, step, 0)

        def fire_store(g, b):
            pltpu.async_copy(
                R[b],
                out_hbm.at[pl.ds((base + g * _RW) * S, _RW * S)].at[:, pl.ds(0, D)],
                so[b],
            )

        def wait_store(b):
            pltpu.make_async_copy(
                R[b], out_hbm.at[pl.ds(0, _RW * S)].at[:, pl.ds(0, D)], so[b]
            ).wait()

        def body(g, q, b, prefetch):
            p, qp = 1 - b, (q - 1) % 4
            wait_idx(q)
            remap(q, b)
            wait_store(b)
            fire_gathers(b)
            wait_gathers(p)
            fixup(qp, p)
            fire_store(g - 1, p)
            if prefetch:
                fire_idx(g + 2, (q + 2) % 4)

        fire_idx(0, 0)
        fire_idx(1, 1)
        wait_idx(0)
        remap(0, 0)
        fire_gathers(0)
        fire_idx(2, 2)
        wait_idx(1)
        remap(1, 1)
        fire_gathers(1)
        wait_gathers(0)
        fixup(0, 0)
        fire_store(0, 0)
        fire_idx(3, 3)

        n_quads = (G - 2) // 4

        def quad(kk, _):
            for j in range(4):
                body(2 + kk * 4 + j, (2 + j) % 4, j % 2, True)
            return 0

        lax.fori_loop(0, n_quads, quad, 0)

        for g in range(2 + n_quads * 4, G):
            body(g, g % 4, g % 2, g + 2 <= G - 1)

        bl = (G - 1) % 2
        wait_gathers(bl)
        fixup((G - 1) % 4, bl)
        fire_store(G - 1, bl)
        wait_store(1 - bl)
        wait_store(bl)

    return k


@jax.jit
def kernel(input, embed_weight, new_embed_weight):
    BR, S = input.shape
    V, D = embed_weight.shape
    NP = new_embed_weight.shape[0]
    DP = 2 * D
    k = _make_kernel(BR, S, V, NP, D, DP)
    out = k(input, embed_weight, new_embed_weight)
    return out[:, :D].reshape(BR, S, D)

# --- scband reference (transcript-rebuilt; emitter-appended) ---
"""Pipeline reference for scband-with-prefix-embedding-51539607552250 (READ-ONLY COPY).

The authoritative reference and input builder live on the scoring server;
editing this copy changes nothing except your own understanding.
"""

import jax, jax.numpy as jnp
import numpy as np

VOCAB = 1000000
EMBED_DIM = 64
N_PREFIX = 20
BATCH = 4096
SEQ = 200


def setup_inputs(seed: int = 0) -> dict:
    key = jax.random.key(seed)
    k1, k2 = jax.random.split(key, 2)
    inp = jax.random.randint(k1, (BATCH, SEQ), 0, VOCAB + N_PREFIX, dtype=jnp.int32)
    embed_weight = jax.random.normal(k2, (VOCAB, EMBED_DIM), dtype=jnp.float32) * 0.02
    # WithPrefixEmbedding init: new_embed rows copied from a random permutation of the
    # first 5000 rows of the original embedding table.
    perm = np.random.default_rng(0).permutation(5000)[:N_PREFIX]
    new_embed_weight = embed_weight[jnp.asarray(perm, dtype=jnp.int32)]
    return {"input": inp, "embed_weight": embed_weight, "new_embed_weight": new_embed_weight}


def reference(input, embed_weight, new_embed_weight):
    # forward: F.embedding(input, cat([embed.weight, new_embed.weight], 0))
    # padding_idx / max_norm / scale_grad_by_freq / sparse are all defaults (None/False)
    table = jnp.concatenate([embed_weight, new_embed_weight], axis=0)
    return jnp.take(table, input, axis=0)

if __name__ == "__main__":
    import jax
    _d = setup_inputs()
    print(jax.jit(kernel)(*tuple(_d.values())))

</pallas_src>

<mosaic_0001>
#map = affine_map<(d0, d1) -> (0, 0)>
module attributes {stable_mosaic.version = 14 : i64} {
  func.func @k(%arg0: i32, %arg1: i32, %arg2: memref<4096x200xi32, #tpu.memory_space<hbm>>, %arg3: memref<1000000x64xf32, #tpu.memory_space<hbm>>, %arg4: memref<20x64xf32, #tpu.memory_space<hbm>>, %arg5: memref<819200x128xf32, #tpu.memory_space<hbm>>, %arg6: memref<2x200xi32, #tpu.memory_space<vmem>>, %arg7: memref<2x200xi32, #tpu.memory_space<vmem>>, %arg8: memref<2x200xi32, #tpu.memory_space<vmem>>, %arg9: memref<2x200xi32, #tpu.memory_space<vmem>>, %arg10: memref<2x200xi32, #tpu.memory_space<vmem>>, %arg11: memref<2x200xi32, #tpu.memory_space<vmem>>, %arg12: memref<400x64xf32, #tpu.memory_space<vmem>>, %arg13: memref<400x64xf32, #tpu.memory_space<vmem>>, %arg14: memref<20x64xf32, #tpu.memory_space<vmem>>, %arg15: memref<!tpu.dma_semaphore, #tpu.memory_space<semaphore_mem>>, %arg16: memref<!tpu.dma_semaphore, #tpu.memory_space<semaphore_mem>>, %arg17: memref<!tpu.dma_semaphore, #tpu.memory_space<semaphore_mem>>, %arg18: memref<!tpu.dma_semaphore, #tpu.memory_space<semaphore_mem>>, %arg19: memref<!tpu.dma_semaphore, #tpu.memory_space<semaphore_mem>>, %arg20: memref<!tpu.dma_semaphore, #tpu.memory_space<semaphore_mem>>, %arg21: memref<!tpu.dma_semaphore, #tpu.memory_space<semaphore_mem>>, %arg22: memref<!tpu.dma_semaphore, #tpu.memory_space<semaphore_mem>>) attributes {dimension_semantics = [#tpu.dimension_semantics<core_parallel>, #tpu.dimension_semantics<subcore_parallel>], iteration_bounds = array<i64: 2, 16>, scalar_prefetch = 0 : i64, scratch_operands = 17 : i64, tpu.core_type = #tpu.core_type<sc_vector_subcore>, window_params = [{transform_indices = #map}, {transform_indices = #map}, {transform_indices = #map}, {transform_indices = #map}]} {
    %mul3A = arith.constant 2 : i32
    %mul3A_0 = arith.muli %arg1, %mul3A : i32
    %add3A = arith.addi %mul3A_0, %arg0 : i32
    %mul3A_1 = arith.constant 128 : i32
    %mul3A_2 = arith.muli %add3A, %mul3A_1 : i32
    "tpu.region"() ({
      %run_scoped3A = tpu.sem_alloc : memref<!tpu.dma_semaphore, #tpu.memory_space<semaphore_mem>>
      tpu.enqueue_dma source(%arg4 : memref<20x64xf32, #tpu.memory_space<hbm>>) target(%arg14 : memref<20x64xf32, #tpu.memory_space<vmem>>) target_semaphore(%run_scoped3A : memref<!tpu.dma_semaphore, #tpu.memory_space<semaphore_mem>>)
      tpu.wait_dma2 semaphore(%run_scoped3A : memref<!tpu.dma_semaphore, #tpu.memory_space<semaphore_mem>>) src(%arg4 : memref<20x64xf32, #tpu.memory_space<hbm>>) dst(%arg14 : memref<20x64xf32, #tpu.memory_space<vmem>>)
      tpu.yield
    }) : () -> ()
    %add3A_3 = arith.constant 0 : i32
    %add3A_4 = arith.addi %mul3A_2, %add3A_3 : i32
    %dma_start3A = arith.constant 0 : i32
    %dma_start3A_5 = tpu.memref_slice %arg2[%add3A_4, %dma_start3A] : memref<4096x200xi32, #tpu.memory_space<hbm>> -> memref<2x200xi32, #tpu.memory_space<hbm>>
    %dma_start3A_6 = arith.constant 0 : i32
    %dma_start3A_7 = tpu.memref_slice %arg2[%add3A_4, %dma_start3A_6] : memref<4096x200xi32, #tpu.memory_space<hbm>> -> memref<2x200xi32, #tpu.memory_space<hbm>>
    tpu.enqueue_dma source(%dma_start3A_7 : memref<2x200xi32, #tpu.memory_space<hbm>>) target(%arg6 : memref<2x200xi32, #tpu.memory_space<vmem>>) target_semaphore(%arg15 : memref<!tpu.dma_semaphore, #tpu.memory_space<semaphore_mem>>)
    %add3A_8 = arith.constant 2 : i32
    %add3A_9 = arith.addi %mul3A_2, %add3A_8 : i32
    %dma_start3A_10 = arith.constant 0 : i32
    %dma_start3A_11 = tpu.memref_slice %arg2[%add3A_9, %dma_start3A_10] : memref<4096x200xi32, #tpu.memory_space<hbm>> -> memref<2x200xi32, #tpu.memory_space<hbm>>
    %dma_start3A_12 = arith.constant 0 : i32
    %dma_start3A_13 = tpu.memref_slice %arg2[%add3A_9, %dma_start3A_12] : memref<4096x200xi32, #tpu.memory_space<hbm>> -> memref<2x200xi32, #tpu.memory_space<hbm>>
    tpu.enqueue_dma source(%dma_start3A_13 : memref<2x200xi32, #tpu.memory_space<hbm>>) target(%arg7 : memref<2x200xi32, #tpu.memory_space<vmem>>) target_semaphore(%arg16 : memref<!tpu.dma_semaphore, #tpu.memory_space<semaphore_mem>>)
    %dma_wait3A = arith.constant 0 : i32
    %dma_wait3A_14 = arith.constant 0 : i32
    %dma_wait3A_15 = tpu.memref_slice %arg2[%dma_wait3A, %dma_wait3A_14] : memref<4096x200xi32, #tpu.memory_space<hbm>> -> memref<2x200xi32, #tpu.memory_space<hbm>>
    %dma_wait3A_16 = arith.constant 0 : i32
    %dma_wait3A_17 = arith.constant 0 : i32
    %dma_wait3A_18 = tpu.memref_slice %arg2[%dma_wait3A_16, %dma_wait3A_17] : memref<4096x200xi32, #tpu.memory_space<hbm>> -> memref<2x200xi32, #tpu.memory_space<hbm>>
    tpu.wait_dma2 semaphore(%arg15 : memref<!tpu.dma_semaphore, #tpu.memory_space<semaphore_mem>>) src(%dma_wait3A_18 : memref<2x200xi32, #tpu.memory_space<hbm>>) dst(%arg6 : memref<2x200xi32, #tpu.memory_space<vmem>>)
    %scan3A = arith.constant 0 : i32
    %scan3A_19 = arith.constant 0 : i32
    %scan3A_20 = arith.constant 12 : i32
    %scan3A_21 = arith.addi %scan3A_19, %scan3A_20 : i32
    %scan3A_22 = arith.constant 4 : i32
    %scan3A_23 = scf.for %scan3A_648 = %scan3A_19 to %scan3A_21 step %scan3A_22 iter_args(%scan3A_649 = %scan3A) -> (i32)  : i32 {
      %mul3A_650 = arith.constant 16 : i32
      %mul3A_651 = arith.muli %scan3A_648, %mul3A_650 : i32
      %min3A_652 = arith.constant 184 : i32
      %min3A_653 = arith.minsi %mul3A_651, %min3A_652 : i32
      %get3A_654 = arith.constant 0 : i32
      %get3A_655 = arith.index_cast %get3A_654 : i32 to index
      %get3A_656 = arith.index_cast %min3A_653 : i32 to index
      %get3A_657 = tpu.vector_load %arg6[%get3A_655, %get3A_656] {strides = array<i32>} : memref<2x200xi32, #tpu.memory_space<vmem>>, vector<16xi32>,
      %ge3A_658 = arith.constant 1000000 : i32
      %ge3A_659 = vector.broadcast %ge3A_658 : i32 to vector<16xi32>
      %ge3A_660 = arith.cmpi sge, %get3A_657, %ge3A_659 : vector<16xi32>
      %jit3A_661 = arith.constant 0 : i32
      %broadcast_in_dim3A_662 = vector.broadcast %jit3A_661 : i32 to vector<16xi32>
      %select_n3A_663 = arith.select %ge3A_660, %broadcast_in_dim3A_662, %get3A_657 : vector<16xi1>, vector<16xi32>
      %swap3A_664 = arith.constant 0 : i32
      %swap3A_665 = arith.index_cast %swap3A_664 : i32 to index
      %swap3A_666 = arith.index_cast %min3A_653 : i32 to index
      %swap3A_667 = tpu.vector_load %arg10[%swap3A_665, %swap3A_666] {strides = array<i32>} : memref<2x200xi32, #tpu.memory_space<vmem>>, vector<16xi32>,
      tpu.vector_store %arg10[%swap3A_665, %swap3A_666], %select_n3A_663 {strides = array<i32>} : memref<2x200xi32, #tpu.memory_space<vmem>>, vector<16xi32>,
      %scan3A_668 = arith.constant 0 : i32
      %scan3A_669 = arith.constant 1 : i32
      %scan3A_670 = arith.addi %scan3A_648, %scan3A_669 : i32
      %mul3A_671 = arith.constant 16 : i32
      %mul3A_672 = arith.muli %scan3A_670, %mul3A_671 : i32
      %min3A_673 = arith.constant 184 : i32
      %min3A_674 = arith.minsi %mul3A_672, %min3A_673 : i32
      %get3A_675 = arith.constant 0 : i32
      %get3A_676 = arith.index_cast %get3A_675 : i32 to index
      %get3A_677 = arith.index_cast %min3A_674 : i32 to index
      %get3A_678 = tpu.vector_load %arg6[%get3A_676, %get3A_677] {strides = array<i32>} : memref<2x200xi32, #tpu.memory_space<vmem>>, vector<16xi32>,
      %ge3A_679 = arith.constant 1000000 : i32
      %ge3A_680 = vector.broadcast %ge3A_679 : i32 to vector<16xi32>
      %ge3A_681 = arith.cmpi sge, %get3A_678, %ge3A_680 : vector<16xi32>
      %jit3A_682 = arith.constant 0 : i32
      %broadcast_in_dim3A_683 = vector.broadcast %jit3A_682 : i32 to vector<16xi32>
      %select_n3A_684 = arith.select %ge3A_681, %broadcast_in_dim3A_683, %get3A_678 : vector<16xi1>, vector<16xi32>
      %swap3A_685 = arith.constant 0 : i32
      %swap3A_686 = arith.index_cast %swap3A_685 : i32 to index
      %swap3A_687 = arith.index_cast %min3A_674 : i32 to index
      %swap3A_688 = tpu.vector_load %arg10[%swap3A_686, %swap3A_687] {strides = array<i32>} : memref<2x200xi32, #tpu.memory_space<vmem>>, vector<16xi32>,
      tpu.vector_store %arg10[%swap3A_686, %swap3A_687], %select_n3A_684 {strides = array<i32>} : memref<2x200xi32, #tpu.memory_space<vmem>>, vector<16xi32>,
      %scan3A_689 = arith.constant 0 : i32
      %scan3A_690 = arith.constant 2 : i32
      %scan3A_691 = arith.addi %scan3A_648, %scan3A_690 : i32
      %mul3A_692 = arith.constant 16 : i32
      %mul3A_693 = arith.muli %scan3A_691, %mul3A_692 : i32
      %min3A_694 = arith.constant 184 : i32
      %min3A_695 = arith.minsi %mul3A_693, %min3A_694 : i32
      %get3A_696 = arith.constant 0 : i32
      %get3A_697 = arith.index_cast %get3A_696 : i32 to index
      %get3A_698 = arith.index_cast %min3A_695 : i32 to index
      %get3A_699 = tpu.vector_load %arg6[%get3A_697, %get3A_698] {strides = array<i32>} : memref<2x200xi32, #tpu.memory_space<vmem>>, vector<16xi32>,
      %ge3A_700 = arith.constant 1000000 : i32
      %ge3A_701 = vector.broadcast %ge3A_700 : i32 to vector<16xi32>
      %ge3A_702 = arith.cmpi sge, %get3A_699, %ge3A_701 : vector<16xi32>
      %jit3A_703 = arith.constant 0 : i32
      %broadcast_in_dim3A_704 = vector.broadcast %jit3A_703 : i32 to vector<16xi32>
      %select_n3A_705 = arith.select %ge3A_702, %broadcast_in_dim3A_704, %get3A_699 : vector<16xi1>, vector<16xi32>
      %swap3A_706 = arith.constant 0 : i32
      %swap3A_707 = arith.index_cast %swap3A_706 : i32 to index
      %swap3A_708 = arith.index_cast %min3A_695 : i32 to index
      %swap3A_709 = tpu.vector_load %arg10[%swap3A_707, %swap3A_708] {strides = array<i32>} : memref<2x200xi32, #tpu.memory_space<vmem>>, vector<16xi32>,
      tpu.vector_store %arg10[%swap3A_707, %swap3A_708], %select_n3A_705 {strides = array<i32>} : memref<2x200xi32, #tpu.memory_space<vmem>>, vector<16xi32>,
      %scan3A_710 = arith.constant 0 : i32
      %scan3A_711 = arith.constant 3 : i32
      %scan3A_712 = arith.addi %scan3A_648, %scan3A_711 : i32
      %mul3A_713 = arith.constant 16 : i32
      %mul3A_714 = arith.muli %scan3A_712, %mul3A_713 : i32
      %min3A_715 = arith.constant 184 : i32
      %min3A_716 = arith.minsi %mul3A_714, %min3A_715 : i32
      %get3A_717 = arith.constant 0 : i32
      %get3A_718 = arith.index_cast %get3A_717 : i32 to index
      %get3A_719 = arith.index_cast %min3A_716 : i32 to index
      %get3A_720 = tpu.vector_load %arg6[%get3A_718, %get3A_719] {strides = array<i32>} : memref<2x200xi32, #tpu.memory_space<vmem>>, vector<16xi32>,
      %ge3A_721 = arith.constant 1000000 : i32
      %ge3A_722 = vector.broadcast %ge3A_721 : i32 to vector<16xi32>
      %ge3A_723 = arith.cmpi sge, %get3A_720, %ge3A_722 : vector<16xi32>
      %jit3A_724 = arith.constant 0 : i32
      %broadcast_in_dim3A_725 = vector.broadcast %jit3A_724 : i32 to vector<16xi32>
      %select_n3A_726 = arith.select %ge3A_723, %broadcast_in_dim3A_725, %get3A_720 : vector<16xi1>, vector<16xi32>
      %swap3A_727 = arith.constant 0 : i32
      %swap3A_728 = arith.index_cast %swap3A_727 : i32 to index
      %swap3A_729 = arith.index_cast %min3A_716 : i32 to index
      %swap3A_730 = tpu.vector_load %arg10[%swap3A_728, %swap3A_729] {strides = array<i32>} : memref<2x200xi32, #tpu.memory_space<vmem>>, vector<16xi32>,
      tpu.vector_store %arg10[%swap3A_728, %swap3A_729], %select_n3A_726 {strides = array<i32>} : memref<2x200xi32, #tpu.memory_space<vmem>>, vector<16xi32>,
      %scan3A_731 = arith.constant 0 : i32
      scf.yield %scan3A_731 : i32
    }
    %scan3A_24 = arith.constant 12 : i32
    %scan3A_25 = arith.addi %scan3A_19, %scan3A_24 : i32
    %mul3A_26 = arith.constant 16 : i32
    %mul3A_27 = arith.muli %scan3A_25, %mul3A_26 : i32
    %min3A = arith.constant 184 : i32
    %min3A_28 = arith.minsi %mul3A_27, %min3A : i32
    %get3A = arith.constant 0 : i32
    %get3A_29 = arith.index_cast %get3A : i32 to index
    %get3A_30 = arith.index_cast %min3A_28 : i32 to index
    %get3A_31 = tpu.vector_load %arg6[%get3A_29, %get3A_30] {strides = array<i32>} : memref<2x200xi32, #tpu.memory_space<vmem>>, vector<16xi32>,
    %ge3A = arith.constant 1000000 : i32
    %ge3A_32 = vector.broadcast %ge3A : i32 to vector<16xi32>
    %ge3A_33 = arith.cmpi sge, %get3A_31, %ge3A_32 : vector<16xi32>
    %jit3A = arith.constant 0 : i32
    %broadcast_in_dim3A = vector.broadcast %jit3A : i32 to vector<16xi32>
    %select_n3A = arith.select %ge3A_33, %broadcast_in_dim3A, %get3A_31 : vector<16xi1>, vector<16xi32>
    %swap3A = arith.constant 0 : i32
    %swap3A_34 = arith.index_cast %swap3A : i32 to index
    %swap3A_35 = arith.index_cast %min3A_28 : i32 to index
    %swap3A_36 = tpu.vector_load %arg10[%swap3A_34, %swap3A_35] {strides = array<i32>} : memref<2x200xi32, #tpu.memory_space<vmem>>, vector<16xi32>,
    tpu.vector_store %arg10[%swap3A_34, %swap3A_35], %select_n3A {strides = array<i32>} : memref<2x200xi32, #tpu.memory_space<vmem>>, vector<16xi32>,
    %scan3A_37 = arith.constant 0 : i32
    %scan3A_38 = arith.constant 13 : i32
    %scan3A_39 = arith.constant 0 : i32
    %scan3A_40 = arith.constant 0 : i32
    %scan3A_41 = arith.constant 12 : i32
    %scan3A_42 = arith.addi %scan3A_40, %scan3A_41 : i32
    %scan3A_43 = arith.constant 4 : i32
    %scan3A_44 = scf.for %scan3A_648 = %scan3A_40 to %scan3A_42 step %scan3A_43 iter_args(%scan3A_649 = %scan3A_39) -> (i32)  : i32 {
      %mul3A_650 = arith.constant 16 : i32
      %mul3A_651 = arith.muli %scan3A_648, %mul3A_650 : i32
      %min3A_652 = arith.constant 184 : i32
      %min3A_653 = arith.minsi %mul3A_651, %min3A_652 : i32
      %get3A_654 = arith.constant 1 : i32
      %get3A_655 = arith.index_cast %get3A_654 : i32 to index
      %get3A_656 = arith.index_cast %min3A_653 : i32 to index
      %get3A_657 = tpu.vector_load %arg6[%get3A_655, %get3A_656] {strides = array<i32>} : memref<2x200xi32, #tpu.memory_space<vmem>>, vector<16xi32>,
      %ge3A_658 = arith.constant 1000000 : i32
      %ge3A_659 = vector.broadcast %ge3A_658 : i32 to vector<16xi32>
      %ge3A_660 = arith.cmpi sge, %get3A_657, %ge3A_659 : vector<16xi32>
      %jit3A_661 = arith.constant 0 : i32
      %broadcast_in_dim3A_662 = vector.broadcast %jit3A_661 : i32 to vector<16xi32>
      %select_n3A_663 = arith.select %ge3A_660, %broadcast_in_dim3A_662, %get3A_657 : vector<16xi1>, vector<16xi32>
      %swap3A_664 = arith.constant 1 : i32
      %swap3A_665 = arith.index_cast %swap3A_664 : i32 to index
      %swap3A_666 = arith.index_cast %min3A_653 : i32 to index
      %swap3A_667 = tpu.vector_load %arg10[%swap3A_665, %swap3A_666] {strides = array<i32>} : memref<2x200xi32, #tpu.memory_space<vmem>>, vector<16xi32>,
      tpu.vector_store %arg10[%swap3A_665, %swap3A_666], %select_n3A_663 {strides = array<i32>} : memref<2x200xi32, #tpu.memory_space<vmem>>, vector<16xi32>,
      %scan3A_668 = arith.constant 0 : i32
      %scan3A_669 = arith.constant 1 : i32
      %scan3A_670 = arith.addi %scan3A_648, %scan3A_669 : i32
      %mul3A_671 = arith.constant 16 : i32
      %mul3A_672 = arith.muli %scan3A_670, %mul3A_671 : i32
      %min3A_673 = arith.constant 184 : i32
      %min3A_674 = arith.minsi %mul3A_672, %min3A_673 : i32
      %get3A_675 = arith.constant 1 : i32
      %get3A_676 = arith.index_cast %get3A_675 : i32 to index
      %get3A_677 = arith.index_cast %min3A_674 : i32 to index
      %get3A_678 = tpu.vector_load %arg6[%get3A_676, %get3A_677] {strides = array<i32>} : memref<2x200xi32, #tpu.memory_space<vmem>>, vector<16xi32>,
      %ge3A_679 = arith.constant 1000000 : i32
      %ge3A_680 = vector.broadcast %ge3A_679 : i32 to vector<16xi32>
      %ge3A_681 = arith.cmpi sge, %get3A_678, %ge3A_680 : vector<16xi32>
      %jit3A_682 = arith.constant 0 : i32
      %broadcast_in_dim3A_683 = vector.broadcast %jit3A_682 : i32 to vector<16xi32>
      %select_n3A_684 = arith.select %ge3A_681, %broadcast_in_dim3A_683, %get3A_678 : vector<16xi1>, vector<16xi32>
      %swap3A_685 = arith.constant 1 : i32
      %swap3A_686 = arith.index_cast %swap3A_685 : i32 to index
      %swap3A_687 = arith.index_cast %min3A_674 : i32 to index
      %swap3A_688 = tpu.vector_load %arg10[%swap3A_686, %swap3A_687] {strides = array<i32>} : memref<2x200xi32, #tpu.memory_space<vmem>>, vector<16xi32>,
      tpu.vector_store %arg10[%swap3A_686, %swap3A_687], %select_n3A_684 {strides = array<i32>} : memref<2x200xi32, #tpu.memory_space<vmem>>, vector<16xi32>,
      %scan3A_689 = arith.constant 0 : i32
      %scan3A_690 = arith.constant 2 : i32
      %scan3A_691 = arith.addi %scan3A_648, %scan3A_690 : i32
      %mul3A_692 = arith.constant 16 : i32
      %mul3A_693 = arith.muli %scan3A_691, %mul3A_692 : i32
      %min3A_694 = arith.constant 184 : i32
      %min3A_695 = arith.minsi %mul3A_693, %min3A_694 : i32
      %get3A_696 = arith.constant 1 : i32
      %get3A_697 = arith.index_cast %get3A_696 : i32 to index
      %get3A_698 = arith.index_cast %min3A_695 : i32 to index
      %get3A_699 = tpu.vector_load %arg6[%get3A_697, %get3A_698] {strides = array<i32>} : memref<2x200xi32, #tpu.memory_space<vmem>>, vector<16xi32>,
      %ge3A_700 = arith.constant 1000000 : i32
      %ge3A_701 = vector.broadcast %ge3A_700 : i32 to vector<16xi32>
      %ge3A_702 = arith.cmpi sge, %get3A_699, %ge3A_701 : vector<16xi32>
      %jit3A_703 = arith.constant 0 : i32
      %broadcast_in_dim3A_704 = vector.broadcast %jit3A_703 : i32 to vector<16xi32>
      %select_n3A_705 = arith.select %ge3A_702, %broadcast_in_dim3A_704, %get3A_699 : vector<16xi1>, vector<16xi32>
      %swap3A_706 = arith.constant 1 : i32
      %swap3A_707 = arith.index_cast %swap3A_706 : i32 to index
      %swap3A_708 = arith.index_cast %min3A_695 : i32 to index
      %swap3A_709 = tpu.vector_load %arg10[%swap3A_707, %swap3A_708] {strides = array<i32>} : memref<2x200xi32, #tpu.memory_space<vmem>>, vector<16xi32>,
      tpu.vector_store %arg10[%swap3A_707, %swap3A_708], %select_n3A_705 {strides = array<i32>} : memref<2x200xi32, #tpu.memory_space<vmem>>, vector<16xi32>,
      %scan3A_710 = arith.constant 0 : i32
      %scan3A_711 = arith.constant 3 : i32
      %scan3A_712 = arith.addi %scan3A_648, %scan3A_711 : i32
      %mul3A_713 = arith.constant 16 : i32
      %mul3A_714 = arith.muli %scan3A_712, %mul3A_713 : i32
      %min3A_715 = arith.constant 184 : i32
      %min3A_716 = arith.minsi %mul3A_714, %min3A_715 : i32
      %get3A_717 = arith.constant 1 : i32
      %get3A_718 = arith.index_cast %get3A_717 : i32 to index
      %get3A_719 = arith.index_cast %min3A_716 : i32 to index
      %get3A_720 = tpu.vector_load %arg6[%get3A_718, %get3A_719] {strides = array<i32>} : memref<2x200xi32, #tpu.memory_space<vmem>>, vector<16xi32>,
      %ge3A_721 = arith.constant 1000000 : i32
      %ge3A_722 = vector.broadcast %ge3A_721 : i32 to vector<16xi32>
      %ge3A_723 = arith.cmpi sge, %get3A_720, %ge3A_722 : vector<16xi32>
      %jit3A_724 = arith.constant 0 : i32
      %broadcast_in_dim3A_725 = vector.broadcast %jit3A_724 : i32 to vector<16xi32>
      %select_n3A_726 = arith.select %ge3A_723, %broadcast_in_dim3A_725, %get3A_720 : vector<16xi1>, vector<16xi32>
      %swap3A_727 = arith.constant 1 : i32
      %swap3A_728 = arith.index_cast %swap3A_727 : i32 to index
      %swap3A_729 = arith.index_cast %min3A_716 : i32 to index
      %swap3A_730 = tpu.vector_load %arg10[%swap3A_728, %swap3A_729] {strides = array<i32>} : memref<2x200xi32, #tpu.memory_space<vmem>>, vector<16xi32>,
      tpu.vector_store %arg10[%swap3A_728, %swap3A_729], %select_n3A_726 {strides = array<i32>} : memref<2x200xi32, #tpu.memory_space<vmem>>, vector<16xi32>,
      %scan3A_731 = arith.constant 0 : i32
      scf.yield %scan3A_731 : i32
    }
    %scan3A_45 = arith.constant 12 : i32
    %scan3A_46 = arith.addi %scan3A_40, %scan3A_45 : i32
    %mul3A_47 = arith.constant 16 : i32
    %mul3A_48 = arith.muli %scan3A_46, %mul3A_47 : i32
    %min3A_49 = arith.constant 184 : i32
    %min3A_50 = arith.minsi %mul3A_48, %min3A_49 : i32
    %get3A_51 = arith.constant 1 : i32
    %get3A_52 = arith.index_cast %get3A_51 : i32 to index
    %get3A_53 = arith.index_cast %min3A_50 : i32 to index
    %get3A_54 = tpu.vector_load %arg6[%get3A_52, %get3A_53] {strides = array<i32>} : memref<2x200xi32, #tpu.memory_space<vmem>>, vector<16xi32>,
    %ge3A_55 = arith.constant 1000000 : i32
    %ge3A_56 = vector.broadcast %ge3A_55 : i32 to vector<16xi32>
    %ge3A_57 = arith.cmpi sge, %get3A_54, %ge3A_56 : vector<16xi32>
    %jit3A_58 = arith.constant 0 : i32
    %broadcast_in_dim3A_59 = vector.broadcast %jit3A_58 : i32 to vector<16xi32>
    %select_n3A_60 = arith.select %ge3A_57, %broadcast_in_dim3A_59, %get3A_54 : vector<16xi1>, vector<16xi32>
    %swap3A_61 = arith.constant 1 : i32
    %swap3A_62 = arith.index_cast %swap3A_61 : i32 to index
    %swap3A_63 = arith.index_cast %min3A_50 : i32 to index
    %swap3A_64 = tpu.vector_load %arg10[%swap3A_62, %swap3A_63] {strides = array<i32>} : memref<2x200xi32, #tpu.memory_space<vmem>>, vector<16xi32>,
    tpu.vector_store %arg10[%swap3A_62, %swap3A_63], %select_n3A_60 {strides = array<i32>} : memref<2x200xi32, #tpu.memory_space<vmem>>, vector<16xi32>,
    %scan3A_65 = arith.constant 0 : i32
    %scan3A_66 = arith.constant 13 : i32
    %dma_start3A_67 = arith.constant 0 : i32
    %dma_start3A_68 = arith.constant 0 : i32
    %dma_start3A_69 = arith.constant 0 : i32
    %dma_start3A_70 = tpu.memref_slice %arg12[%dma_start3A_68, %dma_start3A_69] : memref<400x64xf32, #tpu.memory_space<vmem>> -> memref<128x64xf32, #tpu.memory_space<vmem>>
    %dma_start3A_71 = arith.constant 0 : i32
    %dma_start3A_72 = tpu.memref_slice %arg10[%dma_start3A_67, %dma_start3A_71] : memref<2x200xi32, #tpu.memory_space<vmem>> -> memref<1x200xi32, #tpu.memory_space<vmem>>
    %dma_start3A_73 = tpu.memref_squeeze %dma_start3A_72 : memref<1x200xi32, #tpu.memory_space<vmem>> -> memref<200xi32, #tpu.memory_space<vmem>>
    %dma_start3A_74 = arith.constant 0 : i32
    %dma_start3A_75 = tpu.memref_slice %dma_start3A_73[%dma_start3A_74] : memref<200xi32, #tpu.memory_space<vmem>> -> memref<128xi32, #tpu.memory_space<vmem>>
    %dma_start3A_76 = arith.constant 0 : i32
    %dma_start3A_77 = arith.constant 0 : i32
    %dma_start3A_78 = tpu.memref_slice %arg3[%dma_start3A_76, %dma_start3A_77] : memref<1000000x64xf32, #tpu.memory_space<hbm>> -> memref<1000000x64xf32, #tpu.memory_space<hbm>>
    tpu.enqueue_indirect_dma source(%dma_start3A_78 : memref<1000000x64xf32, #tpu.memory_space<hbm>>) target(%dma_start3A_70 : memref<128x64xf32, #tpu.memory_space<vmem>>) offsets(%dma_start3A_75 : memref<128xi32, #tpu.memory_space<vmem>>) semaphore(%arg19 : memref<!tpu.dma_semaphore, #tpu.memory_space<semaphore_mem>>)
    %dma_start3A_79 = arith.constant 0 : i32
    %dma_start3A_80 = arith.constant 128 : i32
    %dma_start3A_81 = arith.constant 0 : i32
    %dma_start3A_82 = tpu.memref_slice %arg12[%dma_start3A_80, %dma_start3A_81] : memref<400x64xf32, #tpu.memory_space<vmem>> -> memref<72x64xf32, #tpu.memory_space<vmem>>
    %dma_start3A_83 = arith.constant 0 : i32
    %dma_start3A_84 = tpu.memref_slice %arg10[%dma_start3A_79, %dma_start3A_83] : memref<2x200xi32, #tpu.memory_space<vmem>> -> memref<1x200xi32, #tpu.memory_space<vmem>>
    %dma_start3A_85 = tpu.memref_squeeze %dma_start3A_84 : memref<1x200xi32, #tpu.memory_space<vmem>> -> memref<200xi32, #tpu.memory_space<vmem>>
    %dma_start3A_86 = arith.constant 128 : i32
    %dma_start3A_87 = tpu.memref_slice %dma_start3A_85[%dma_start3A_86] : memref<200xi32, #tpu.memory_space<vmem>> -> memref<72xi32, #tpu.memory_space<vmem>>
    %dma_start3A_88 = arith.constant 0 : i32
    %dma_start3A_89 = arith.constant 0 : i32
    %dma_start3A_90 = tpu.memref_slice %arg3[%dma_start3A_88, %dma_start3A_89] : memref<1000000x64xf32, #tpu.memory_space<hbm>> -> memref<1000000x64xf32, #tpu.memory_space<hbm>>
    tpu.enqueue_indirect_dma source(%dma_start3A_90 : memref<1000000x64xf32, #tpu.memory_space<hbm>>) target(%dma_start3A_82 : memref<72x64xf32, #tpu.memory_space<vmem>>) offsets(%dma_start3A_87 : memref<72xi32, #tpu.memory_space<vmem>>) semaphore(%arg19 : memref<!tpu.dma_semaphore, #tpu.memory_space<semaphore_mem>>)
    %dma_start3A_91 = arith.constant 1 : i32
    %dma_start3A_92 = arith.constant 200 : i32
    %dma_start3A_93 = arith.constant 0 : i32
    %dma_start3A_94 = tpu.memref_slice %arg12[%dma_start3A_92, %dma_start3A_93] : memref<400x64xf32, #tpu.memory_space<vmem>> -> memref<128x64xf32, #tpu.memory_space<vmem>>
    %dma_start3A_95 = arith.constant 0 : i32
    %dma_start3A_96 = tpu.memref_slice %arg10[%dma_start3A_91, %dma_start3A_95] : memref<2x200xi32, #tpu.memory_space<vmem>> -> memref<1x200xi32, #tpu.memory_space<vmem>>
    %dma_start3A_97 = tpu.memref_squeeze %dma_start3A_96 : memref<1x200xi32, #tpu.memory_space<vmem>> -> memref<200xi32, #tpu.memory_space<vmem>>
    %dma_start3A_98 = arith.constant 0 : i32
    %dma_start3A_99 = tpu.memref_slice %dma_start3A_97[%dma_start3A_98] : memref<200xi32, #tpu.memory_space<vmem>> -> memref<128xi32, #tpu.memory_space<vmem>>
    %dma_start3A_100 = arith.constant 0 : i32
    %dma_start3A_101 = arith.constant 0 : i32
    %dma_start3A_102 = tpu.memref_slice %arg3[%dma_start3A_100, %dma_start3A_101] : memref<1000000x64xf32, #tpu.memory_space<hbm>> -> memref<1000000x64xf32, #tpu.memory_space<hbm>>
    tpu.enqueue_indirect_dma source(%dma_start3A_102 : memref<1000000x64xf32, #tpu.memory_space<hbm>>) target(%dma_start3A_94 : memref<128x64xf32, #tpu.memory_space<vmem>>) offsets(%dma_start3A_99 : memref<128xi32, #tpu.memory_space<vmem>>) semaphore(%arg19 : memref<!tpu.dma_semaphore, #tpu.memory_space<semaphore_mem>>)
    %dma_start3A_103 = arith.constant 1 : i32
    %dma_start3A_104 = arith.constant 328 : i32
    %dma_start3A_105 = arith.constant 0 : i32
    %dma_start3A_106 = tpu.memref_slice %arg12[%dma_start3A_104, %dma_start3A_105] : memref<400x64xf32, #tpu.memory_space<vmem>> -> memref<72x64xf32, #tpu.memory_space<vmem>>
    %dma_start3A_107 = arith.constant 0 : i32
    %dma_start3A_108 = tpu.memref_slice %arg10[%dma_start3A_103, %dma_start3A_107] : memref<2x200xi32, #tpu.memory_space<vmem>> -> memref<1x200xi32, #tpu.memory_space<vmem>>
    %dma_start3A_109 = tpu.memref_squeeze %dma_start3A_108 : memref<1x200xi32, #tpu.memory_space<vmem>> -> memref<200xi32, #tpu.memory_space<vmem>>
    %dma_start3A_110 = arith.constant 128 : i32
    %dma_start3A_111 = tpu.memref_slice %dma_start3A_109[%dma_start3A_110] : memref<200xi32, #tpu.memory_space<vmem>> -> memref<72xi32, #tpu.memory_space<vmem>>
    %dma_start3A_112 = arith.constant 0 : i32
    %dma_start3A_113 = arith.constant 0 : i32
    %dma_start3A_114 = tpu.memref_slice %arg3[%dma_start3A_112, %dma_start3A_113] : memref<1000000x64xf32, #tpu.memory_space<hbm>> -> memref<1000000x64xf32, #tpu.memory_space<hbm>>
    tpu.enqueue_indirect_dma source(%dma_start3A_114 : memref<1000000x64xf32, #tpu.memory_space<hbm>>) target(%dma_start3A_106 : memref<72x64xf32, #tpu.memory_space<vmem>>) offsets(%dma_start3A_111 : memref<72xi32, #tpu.memory_space<vmem>>) semaphore(%arg19 : memref<!tpu.dma_semaphore, #tpu.memory_space<semaphore_mem>>)
    %add3A_115 = arith.constant 4 : i32
    %add3A_116 = arith.addi %mul3A_2, %add3A_115 : i32
    %dma_start3A_117 = arith.constant 0 : i32
    %dma_start3A_118 = tpu.memref_slice %arg2[%add3A_116, %dma_start3A_117] : memref<4096x200xi32, #tpu.memory_space<hbm>> -> memref<2x200xi32, #tpu.memory_space<hbm>>
    %dma_start3A_119 = arith.constant 0 : i32
    %dma_start3A_120 = tpu.memref_slice %arg2[%add3A_116, %dma_start3A_119] : memref<4096x200xi32, #tpu.memory_space<hbm>> -> memref<2x200xi32, #tpu.memory_space<hbm>>
    tpu.enqueue_dma source(%dma_start3A_120 : memref<2x200xi32, #tpu.memory_space<hbm>>) target(%arg8 : memref<2x200xi32, #tpu.memory_space<vmem>>) target_semaphore(%arg17 : memref<!tpu.dma_semaphore, #tpu.memory_space<semaphore_mem>>)
    %dma_wait3A_121 = arith.constant 0 : i32
    %dma_wait3A_122 = arith.constant 0 : i32
    %dma_wait3A_123 = tpu.memref_slice %arg2[%dma_wait3A_121, %dma_wait3A_122] : memref<4096x200xi32, #tpu.memory_space<hbm>> -> memref<2x200xi32, #tpu.memory_space<hbm>>
    %dma_wait3A_124 = arith.constant 0 : i32
    %dma_wait3A_125 = arith.constant 0 : i32
    %dma_wait3A_126 = tpu.memref_slice %arg2[%dma_wait3A_124, %dma_wait3A_125] : memref<4096x200xi32, #tpu.memory_space<hbm>> -> memref<2x200xi32, #tpu.memory_space<hbm>>
    tpu.wait_dma2 semaphore(%arg16 : memref<!tpu.dma_semaphore, #tpu.memory_space<semaphore_mem>>) src(%dma_wait3A_126 : memref<2x200xi32, #tpu.memory_space<hbm>>) dst(%arg7 : memref<2x200xi32, #tpu.memory_space<vmem>>)
    %scan3A_127 = arith.constant 0 : i32
    %scan3A_128 = arith.constant 0 : i32
    %scan3A_129 = arith.constant 12 : i32
    %scan3A_130 = arith.addi %scan3A_128, %scan3A_129 : i32
    %scan3A_131 = arith.constant 4 : i32
    %scan3A_132 = scf.for %scan3A_648 = %scan3A_128 to %scan3A_130 step %scan3A_131 iter_args(%scan3A_649 = %scan3A_127) -> (i32)  : i32 {
      %mul3A_650 = arith.constant 16 : i32
      %mul3A_651 = arith.muli %scan3A_648, %mul3A_650 : i32
      %min3A_652 = arith.constant 184 : i32
      %min3A_653 = arith.minsi %mul3A_651, %min3A_652 : i32
      %get3A_654 = arith.constant 0 : i32
      %get3A_655 = arith.index_cast %get3A_654 : i32 to index
      %get3A_656 = arith.index_cast %min3A_653 : i32 to index
      %get3A_657 = tpu.vector_load %arg7[%get3A_655, %get3A_656] {strides = array<i32>} : memref<2x200xi32, #tpu.memory_space<vmem>>, vector<16xi32>,
      %ge3A_658 = arith.constant 1000000 : i32
      %ge3A_659 = vector.broadcast %ge3A_658 : i32 to vector<16xi32>
      %ge3A_660 = arith.cmpi sge, %get3A_657, %ge3A_659 : vector<16xi32>
      %jit3A_661 = arith.constant 0 : i32
      %broadcast_in_dim3A_662 = vector.broadcast %jit3A_661 : i32 to vector<16xi32>
      %select_n3A_663 = arith.select %ge3A_660, %broadcast_in_dim3A_662, %get3A_657 : vector<16xi1>, vector<16xi32>
      %swap3A_664 = arith.constant 0 : i32
      %swap3A_665 = arith.index_cast %swap3A_664 : i32 to index
      %swap3A_666 = arith.index_cast %min3A_653 : i32 to index
      %swap3A_667 = tpu.vector_load %arg11[%swap3A_665, %swap3A_666] {strides = array<i32>} : memref<2x200xi32, #tpu.memory_space<vmem>>, vector<16xi32>,
      tpu.vector_store %arg11[%swap3A_665, %swap3A_666], %select_n3A_663 {strides = array<i32>} : memref<2x200xi32, #tpu.memory_space<vmem>>, vector<16xi32>,
      %scan3A_668 = arith.constant 0 : i32
      %scan3A_669 = arith.constant 1 : i32
      %scan3A_670 = arith.addi %scan3A_648, %scan3A_669 : i32
      %mul3A_671 = arith.constant 16 : i32
      %mul3A_672 = arith.muli %scan3A_670, %mul3A_671 : i32
      %min3A_673 = arith.constant 184 : i32
      %min3A_674 = arith.minsi %mul3A_672, %min3A_673 : i32
      %get3A_675 = arith.constant 0 : i32
      %get3A_676 = arith.index_cast %get3A_675 : i32 to index
      %get3A_677 = arith.index_cast %min3A_674 : i32 to index
      %get3A_678 = tpu.vector_load %arg7[%get3A_676, %get3A_677] {strides = array<i32>} : memref<2x200xi32, #tpu.memory_space<vmem>>, vector<16xi32>,
      %ge3A_679 = arith.constant 1000000 : i32
      %ge3A_680 = vector.broadcast %ge3A_679 : i32 to vector<16xi32>
      %ge3A_681 = arith.cmpi sge, %get3A_678, %ge3A_680 : vector<16xi32>
      %jit3A_682 = arith.constant 0 : i32
      %broadcast_in_dim3A_683 = vector.broadcast %jit3A_682 : i32 to vector<16xi32>
      %select_n3A_684 = arith.select %ge3A_681, %broadcast_in_dim3A_683, %get3A_678 : vector<16xi1>, vector<16xi32>
      %swap3A_685 = arith.constant 0 : i32
      %swap3A_686 = arith.index_cast %swap3A_685 : i32 to index
      %swap3A_687 = arith.index_cast %min3A_674 : i32 to index
      %swap3A_688 = tpu.vector_load %arg11[%swap3A_686, %swap3A_687] {strides = array<i32>} : memref<2x200xi32, #tpu.memory_space<vmem>>, vector<16xi32>,
      tpu.vector_store %arg11[%swap3A_686, %swap3A_687], %select_n3A_684 {strides = array<i32>} : memref<2x200xi32, #tpu.memory_space<vmem>>, vector<16xi32>,
      %scan3A_689 = arith.constant 0 : i32
      %scan3A_690 = arith.constant 2 : i32
      %scan3A_691 = arith.addi %scan3A_648, %scan3A_690 : i32
      %mul3A_692 = arith.constant 16 : i32
      %mul3A_693 = arith.muli %scan3A_691, %mul3A_692 : i32
      %min3A_694 = arith.constant 184 : i32
      %min3A_695 = arith.minsi %mul3A_693, %min3A_694 : i32
      %get3A_696 = arith.constant 0 : i32
      %get3A_697 = arith.index_cast %get3A_696 : i32 to index
      %get3A_698 = arith.index_cast %min3A_695 : i32 to index
      %get3A_699 = tpu.vector_load %arg7[%get3A_697, %get3A_698] {strides = array<i32>} : memref<2x200xi32, #tpu.memory_space<vmem>>, vector<16xi32>,
      %ge3A_700 = arith.constant 1000000 : i32
      %ge3A_701 = vector.broadcast %ge3A_700 : i32 to vector<16xi32>
      %ge3A_702 = arith.cmpi sge, %get3A_699, %ge3A_701 : vector<16xi32>
      %jit3A_703 = arith.constant 0 : i32
      %broadcast_in_dim3A_704 = vector.broadcast %jit3A_703 : i32 to vector<16xi32>
      %select_n3A_705 = arith.select %ge3A_702, %broadcast_in_dim3A_704, %get3A_699 : vector<16xi1>, vector<16xi32>
      %swap3A_706 = arith.constant 0 : i32
      %swap3A_707 = arith.index_cast %swap3A_706 : i32 to index
      %swap3A_708 = arith.index_cast %min3A_695 : i32 to index
      %swap3A_709 = tpu.vector_load %arg11[%swap3A_707, %swap3A_708] {strides = array<i32>} : memref<2x200xi32, #tpu.memory_space<vmem>>, vector<16xi32>,
      tpu.vector_store %arg11[%swap3A_707, %swap3A_708], %select_n3A_705 {strides = array<i32>} : memref<2x200xi32, #tpu.memory_space<vmem>>, vector<16xi32>,
      %scan3A_710 = arith.constant 0 : i32
      %scan3A_711 = arith.constant 3 : i32
      %scan3A_712 = arith.addi %scan3A_648, %scan3A_711 : i32
      %mul3A_713 = arith.constant 16 : i32
      %mul3A_714 = arith.muli %scan3A_712, %mul3A_713 : i32
      %min3A_715 = arith.constant 184 : i32
      %min3A_716 = arith.minsi %mul3A_714, %min3A_715 : i32
      %get3A_717 = arith.constant 0 : i32
      %get3A_718 = arith.index_cast %get3A_717 : i32 to index
      %get3A_719 = arith.index_cast %min3A_716 : i32 to index
      %get3A_720 = tpu.vector_load %arg7[%get3A_718, %get3A_719] {strides = array<i32>} : memref<2x200xi32, #tpu.memory_space<vmem>>, vector<16xi32>,
      %ge3A_721 = arith.constant 1000000 : i32
      %ge3A_722 = vector.broadcast %ge3A_721 : i32 to vector<16xi32>
      %ge3A_723 = arith.cmpi sge, %get3A_720, %ge3A_722 : vector<16xi32>
      %jit3A_724 = arith.constant 0 : i32
      %broadcast_in_dim3A_725 = vector.broadcast %jit3A_724 : i32 to vector<16xi32>
      %select_n3A_726 = arith.select %ge3A_723, %broadcast_in_dim3A_725, %get3A_720 : vector<16xi1>, vector<16xi32>
      %swap3A_727 = arith.constant 0 : i32
      %swap3A_728 = arith.index_cast %swap3A_727 : i32 to index
      %swap3A_729 = arith.index_cast %min3A_716 : i32 to index
      %swap3A_730 = tpu.vector_load %arg11[%swap3A_728, %swap3A_729] {strides = array<i32>} : memref<2x200xi32, #tpu.memory_space<vmem>>, vector<16xi32>,
      tpu.vector_store %arg11[%swap3A_728, %swap3A_729], %select_n3A_726 {strides = array<i32>} : memref<2x200xi32, #tpu.memory_space<vmem>>, vector<16xi32>,
      %scan3A_731 = arith.constant 0 : i32
      scf.yield %scan3A_731 : i32
    }
    %scan3A_133 = arith.constant 12 : i32
    %scan3A_134 = arith.addi %scan3A_128, %scan3A_133 : i32
    %mul3A_135 = arith.constant 16 : i32
    %mul3A_136 = arith.muli %scan3A_134, %mul3A_135 : i32
    %min3A_137 = arith.constant 184 : i32
    %min3A_138 = arith.minsi %mul3A_136, %min3A_137 : i32
    %get3A_139 = arith.constant 0 : i32
    %get3A_140 = arith.index_cast %get3A_139 : i32 to index
    %get3A_141 = arith.index_cast %min3A_138 : i32 to index
    %get3A_142 = tpu.vector_load %arg7[%get3A_140, %get3A_141] {strides = array<i32>} : memref<2x200xi32, #tpu.memory_space<vmem>>, vector<16xi32>,
    %ge3A_143 = arith.constant 1000000 : i32
    %ge3A_144 = vector.broadcast %ge3A_143 : i32 to vector<16xi32>
    %ge3A_145 = arith.cmpi sge, %get3A_142, %ge3A_144 : vector<16xi32>
    %jit3A_146 = arith.constant 0 : i32
    %broadcast_in_dim3A_147 = vector.broadcast %jit3A_146 : i32 to vector<16xi32>
    %select_n3A_148 = arith.select %ge3A_145, %broadcast_in_dim3A_147, %get3A_142 : vector<16xi1>, vector<16xi32>
    %swap3A_149 = arith.constant 0 : i32
    %swap3A_150 = arith.index_cast %swap3A_149 : i32 to index
    %swap3A_151 = arith.index_cast %min3A_138 : i32 to index
    %swap3A_152 = tpu.vector_load %arg11[%swap3A_150, %swap3A_151] {strides = array<i32>} : memref<2x200xi32, #tpu.memory_space<vmem>>, vector<16xi32>,
    tpu.vector_store %arg11[%swap3A_150, %swap3A_151], %select_n3A_148 {strides = array<i32>} : memref<2x200xi32, #tpu.memory_space<vmem>>, vector<16xi32>,
    %scan3A_153 = arith.constant 0 : i32
    %scan3A_154 = arith.constant 13 : i32
    %scan3A_155 = arith.constant 0 : i32
    %scan3A_156 = arith.constant 0 : i32
    %scan3A_157 = arith.constant 12 : i32
    %scan3A_158 = arith.addi %scan3A_156, %scan3A_157 : i32
    %scan3A_159 = arith.constant 4 : i32
    %scan3A_160 = scf.for %scan3A_648 = %scan3A_156 to %scan3A_158 step %scan3A_159 iter_args(%scan3A_649 = %scan3A_155) -> (i32)  : i32 {
      %mul3A_650 = arith.constant 16 : i32
      %mul3A_651 = arith.muli %scan3A_648, %mul3A_650 : i32
      %min3A_652 = arith.constant 184 : i32
      %min3A_653 = arith.minsi %mul3A_651, %min3A_652 : i32
      %get3A_654 = arith.constant 1 : i32
      %get3A_655 = arith.index_cast %get3A_654 : i32 to index
      %get3A_656 = arith.index_cast %min3A_653 : i32 to index
      %get3A_657 = tpu.vector_load %arg7[%get3A_655, %get3A_656] {strides = array<i32>} : memref<2x200xi32, #tpu.memory_space<vmem>>, vector<16xi32>,
      %ge3A_658 = arith.constant 1000000 : i32
      %ge3A_659 = vector.broadcast %ge3A_658 : i32 to vector<16xi32>
      %ge3A_660 = arith.cmpi sge, %get3A_657, %ge3A_659 : vector<16xi32>
      %jit3A_661 = arith.constant 0 : i32
      %broadcast_in_dim3A_662 = vector.broadcast %jit3A_661 : i32 to vector<16xi32>
      %select_n3A_663 = arith.select %ge3A_660, %broadcast_in_dim3A_662, %get3A_657 : vector<16xi1>, vector<16xi32>
      %swap3A_664 = arith.constant 1 : i32
      %swap3A_665 = arith.index_cast %swap3A_664 : i32 to index
      %swap3A_666 = arith.index_cast %min3A_653 : i32 to index
      %swap3A_667 = tpu.vector_load %arg11[%swap3A_665, %swap3A_666] {strides = array<i32>} : memref<2x200xi32, #tpu.memory_space<vmem>>, vector<16xi32>,
      tpu.vector_store %arg11[%swap3A_665, %swap3A_666], %select_n3A_663 {strides = array<i32>} : memref<2x200xi32, #tpu.memory_space<vmem>>, vector<16xi32>,
      %scan3A_668 = arith.constant 0 : i32
      %scan3A_669 = arith.constant 1 : i32
      %scan3A_670 = arith.addi %scan3A_648, %scan3A_669 : i32
      %mul3A_671 = arith.constant 16 : i32
      %mul3A_672 = arith.muli %scan3A_670, %mul3A_671 : i32
      %min3A_673 = arith.constant 184 : i32
      %min3A_674 = arith.minsi %mul3A_672, %min3A_673 : i32
      %get3A_675 = arith.constant 1 : i32
      %get3A_676 = arith.index_cast %get3A_675 : i32 to index
      %get3A_677 = arith.index_cast %min3A_674 : i32 to index
      %get3A_678 = tpu.vector_load %arg7[%get3A_676, %get3A_677] {strides = array<i32>} : memref<2x200xi32, #tpu.memory_space<vmem>>, vector<16xi32>,
      %ge3A_679 = arith.constant 1000000 : i32
      %ge3A_680 = vector.broadcast %ge3A_679 : i32 to vector<16xi32>
      %ge3A_681 = arith.cmpi sge, %get3A_678, %ge3A_680 : vector<16xi32>
      %jit3A_682 = arith.constant 0 : i32
      %broadcast_in_dim3A_683 = vector.broadcast %jit3A_682 : i32 to vector<16xi32>
      %select_n3A_684 = arith.select %ge3A_681, %broadcast_in_dim3A_683, %get3A_678 : vector<16xi1>, vector<16xi32>
      %swap3A_685 = arith.constant 1 : i32
      %swap3A_686 = arith.index_cast %swap3A_685 : i32 to index
      %swap3A_687 = arith.index_cast %min3A_674 : i32 to index
      %swap3A_688 = tpu.vector_load %arg11[%swap3A_686, %swap3A_687] {strides = array<i32>} : memref<2x200xi32, #tpu.memory_space<vmem>>, vector<16xi32>,
      tpu.vector_store %arg11[%swap3A_686, %swap3A_687], %select_n3A_684 {strides = array<i32>} : memref<2x200xi32, #tpu.memory_space<vmem>>, vector<16xi32>,
      %scan3A_689 = arith.constant 0 : i32
      %scan3A_690 = arith.constant 2 : i32
      %scan3A_691 = arith.addi %scan3A_648, %scan3A_690 : i32
      %mul3A_692 = arith.constant 16 : i32
      %mul3A_693 = arith.muli %scan3A_691, %mul3A_692 : i32
      %min3A_694 = arith.constant 184 : i32
      %min3A_695 = arith.minsi %mul3A_693, %min3A_694 : i32
      %get3A_696 = arith.constant 1 : i32
      %get3A_697 = arith.index_cast %get3A_696 : i32 to index
      %get3A_698 = arith.index_cast %min3A_695 : i32 to index
      %get3A_699 = tpu.vector_load %arg7[%get3A_697, %get3A_698] {strides = array<i32>} : memref<2x200xi32, #tpu.memory_space<vmem>>, vector<16xi32>,
      %ge3A_700 = arith.constant 1000000 : i32
      %ge3A_701 = vector.broadcast %ge3A_700 : i32 to vector<16xi32>
      %ge3A_702 = arith.cmpi sge, %get3A_699, %ge3A_701 : vector<16xi32>
      %jit3A_703 = arith.constant 0 : i32
      %broadcast_in_dim3A_704 = vector.broadcast %jit3A_703 : i32 to vector<16xi32>
      %select_n3A_705 = arith.select %ge3A_702, %broadcast_in_dim3A_704, %get3A_699 : vector<16xi1>, vector<16xi32>
      %swap3A_706 = arith.constant 1 : i32
      %swap3A_707 = arith.index_cast %swap3A_706 : i32 to index
      %swap3A_708 = arith.index_cast %min3A_695 : i32 to index
      %swap3A_709 = tpu.vector_load %arg11[%swap3A_707, %swap3A_708] {strides = array<i32>} : memref<2x200xi32, #tpu.memory_space<vmem>>, vector<16xi32>,
      tpu.vector_store %arg11[%swap3A_707, %swap3A_708], %select_n3A_705 {strides = array<i32>} : memref<2x200xi32, #tpu.memory_space<vmem>>, vector<16xi32>,
      %scan3A_710 = arith.constant 0 : i32
      %scan3A_711 = arith.constant 3 : i32
      %scan3A_712 = arith.addi %scan3A_648, %scan3A_711 : i32
      %mul3A_713 = arith.constant 16 : i32
      %mul3A_714 = arith.muli %scan3A_712, %mul3A_713 : i32
      %min3A_715 = arith.constant 184 : i32
      %min3A_716 = arith.minsi %mul3A_714, %min3A_715 : i32
      %get3A_717 = arith.constant 1 : i32
      %get3A_718 = arith.index_cast %get3A_717 : i32 to index
      %get3A_719 = arith.index_cast %min3A_716 : i32 to index
      %get3A_720 = tpu.vector_load %arg7[%get3A_718, %get3A_719] {strides = array<i32>} : memref<2x200xi32, #tpu.memory_space<vmem>>, vector<16xi32>,
      %ge3A_721 = arith.constant 1000000 : i32
      %ge3A_722 = vector.broadcast %ge3A_721 : i32 to vector<16xi32>
      %ge3A_723 = arith.cmpi sge, %get3A_720, %ge3A_722 : vector<16xi32>
      %jit3A_724 = arith.constant 0 : i32
      %broadcast_in_dim3A_725 = vector.broadcast %jit3A_724 : i32 to vector<16xi32>
      %select_n3A_726 = arith.select %ge3A_723, %broadcast_in_dim3A_725, %get3A_720 : vector<16xi1>, vector<16xi32>
      %swap3A_727 = arith.constant 1 : i32
      %swap3A_728 = arith.index_cast %swap3A_727 : i32 to index
      %swap3A_729 = arith.index_cast %min3A_716 : i32 to index
      %swap3A_730 = tpu.vector_load %arg11[%swap3A_728, %swap3A_729] {strides = array<i32>} : memref<2x200xi32, #tpu.memory_space<vmem>>, vector<16xi32>,
      tpu.vector_store %arg11[%swap3A_728, %swap3A_729], %select_n3A_726 {strides = array<i32>} : memref<2x200xi32, #tpu.memory_space<vmem>>, vector<16xi32>,
      %scan3A_731 = arith.constant 0 : i32
      scf.yield %scan3A_731 : i32
    }
    %scan3A_161 = arith.constant 12 : i32
    %scan3A_162 = arith.addi %scan3A_156, %scan3A_161 : i32
    %mul3A_163 = arith.constant 16 : i32
    %mul3A_164 = arith.muli %scan3A_162, %mul3A_163 : i32
    %min3A_165 = arith.constant 184 : i32
    %min3A_166 = arith.minsi %mul3A_164, %min3A_165 : i32
    %get3A_167 = arith.constant 1 : i32
    %get3A_168 = arith.index_cast %get3A_167 : i32 to index
    %get3A_169 = arith.index_cast %min3A_166 : i32 to index
    %get3A_170 = tpu.vector_load %arg7[%get3A_168, %get3A_169] {strides = array<i32>} : memref<2x200xi32, #tpu.memory_space<vmem>>, vector<16xi32>,
    %ge3A_171 = arith.constant 1000000 : i32
    %ge3A_172 = vector.broadcast %ge3A_171 : i32 to vector<16xi32>
    %ge3A_173 = arith.cmpi sge, %get3A_170, %ge3A_172 : vector<16xi32>
    %jit3A_174 = arith.constant 0 : i32
    %broadcast_in_dim3A_175 = vector.broadcast %jit3A_174 : i32 to vector<16xi32>
    %select_n3A_176 = arith.select %ge3A_173, %broadcast_in_dim3A_175, %get3A_170 : vector<16xi1>, vector<16xi32>
    %swap3A_177 = arith.constant 1 : i32
    %swap3A_178 = arith.index_cast %swap3A_177 : i32 to index
    %swap3A_179 = arith.index_cast %min3A_166 : i32 to index
    %swap3A_180 = tpu.vector_load %arg11[%swap3A_178, %swap3A_179] {strides = array<i32>} : memref<2x200xi32, #tpu.memory_space<vmem>>, vector<16xi32>,
    tpu.vector_store %arg11[%swap3A_178, %swap3A_179], %select_n3A_176 {strides = array<i32>} : memref<2x200xi32, #tpu.memory_space<vmem>>, vector<16xi32>,
    %scan3A_181 = arith.constant 0 : i32
    %scan3A_182 = arith.constant 13 : i32
    %dma_start3A_183 = arith.constant 0 : i32
    %dma_start3A_184 = arith.constant 0 : i32
    %dma_start3A_185 = arith.constant 0 : i32
    %dma_start3A_186 = tpu.memref_slice %arg13[%dma_start3A_184, %dma_start3A_185] : memref<400x64xf32, #tpu.memory_space<vmem>> -> memref<128x64xf32, #tpu.memory_space<vmem>>
    %dma_start3A_187 = arith.constant 0 : i32
    %dma_start3A_188 = tpu.memref_slice %arg11[%dma_start3A_183, %dma_start3A_187] : memref<2x200xi32, #tpu.memory_space<vmem>> -> memref<1x200xi32, #tpu.memory_space<vmem>>
    %dma_start3A_189 = tpu.memref_squeeze %dma_start3A_188 : memref<1x200xi32, #tpu.memory_space<vmem>> -> memref<200xi32, #tpu.memory_space<vmem>>
    %dma_start3A_190 = arith.constant 0 : i32
    %dma_start3A_191 = tpu.memref_slice %dma_start3A_189[%dma_start3A_190] : memref<200xi32, #tpu.memory_space<vmem>> -> memref<128xi32, #tpu.memory_space<vmem>>
    %dma_start3A_192 = arith.constant 0 : i32
    %dma_start3A_193 = arith.constant 0 : i32
    %dma_start3A_194 = tpu.memref_slice %arg3[%dma_start3A_192, %dma_start3A_193] : memref<1000000x64xf32, #tpu.memory_space<hbm>> -> memref<1000000x64xf32, #tpu.memory_space<hbm>>
    tpu.enqueue_indirect_dma source(%dma_start3A_194 : memref<1000000x64xf32, #tpu.memory_space<hbm>>) target(%dma_start3A_186 : memref<128x64xf32, #tpu.memory_space<vmem>>) offsets(%dma_start3A_191 : memref<128xi32, #tpu.memory_space<vmem>>) semaphore(%arg20 : memref<!tpu.dma_semaphore, #tpu.memory_space<semaphore_mem>>)
    %dma_start3A_195 = arith.constant 0 : i32
    %dma_start3A_196 = arith.constant 128 : i32
    %dma_start3A_197 = arith.constant 0 : i32
    %dma_start3A_198 = tpu.memref_slice %arg13[%dma_start3A_196, %dma_start3A_197] : memref<400x64xf32, #tpu.memory_space<vmem>> -> memref<72x64xf32, #tpu.memory_space<vmem>>
    %dma_start3A_199 = arith.constant 0 : i32
    %dma_start3A_200 = tpu.memref_slice %arg11[%dma_start3A_195, %dma_start3A_199] : memref<2x200xi32, #tpu.memory_space<vmem>> -> memref<1x200xi32, #tpu.memory_space<vmem>>
    %dma_start3A_201 = tpu.memref_squeeze %dma_start3A_200 : memref<1x200xi32, #tpu.memory_space<vmem>> -> memref<200xi32, #tpu.memory_space<vmem>>
    %dma_start3A_202 = arith.constant 128 : i32
    %dma_start3A_203 = tpu.memref_slice %dma_start3A_201[%dma_start3A_202] : memref<200xi32, #tpu.memory_space<vmem>> -> memref<72xi32, #tpu.memory_space<vmem>>
    %dma_start3A_204 = arith.constant 0 : i32
    %dma_start3A_205 = arith.constant 0 : i32
    %dma_start3A_206 = tpu.memref_slice %arg3[%dma_start3A_204, %dma_start3A_205] : memref<1000000x64xf32, #tpu.memory_space<hbm>> -> memref<1000000x64xf32, #tpu.memory_space<hbm>>
    tpu.enqueue_indirect_dma source(%dma_start3A_206 : memref<1000000x64xf32, #tpu.memory_space<hbm>>) target(%dma_start3A_198 : memref<72x64xf32, #tpu.memory_space<vmem>>) offsets(%dma_start3A_203 : memref<72xi32, #tpu.memory_space<vmem>>) semaphore(%arg20 : memref<!tpu.dma_semaphore, #tpu.memory_space<semaphore_mem>>)
    %dma_start3A_207 = arith.constant 1 : i32
    %dma_start3A_208 = arith.constant 200 : i32
    %dma_start3A_209 = arith.constant 0 : i32
    %dma_start3A_210 = tpu.memref_slice %arg13[%dma_start3A_208, %dma_start3A_209] : memref<400x64xf32, #tpu.memory_space<vmem>> -> memref<128x64xf32, #tpu.memory_space<vmem>>
    %dma_start3A_211 = arith.constant 0 : i32
    %dma_start3A_212 = tpu.memref_slice %arg11[%dma_start3A_207, %dma_start3A_211] : memref<2x200xi32, #tpu.memory_space<vmem>> -> memref<1x200xi32, #tpu.memory_space<vmem>>
    %dma_start3A_213 = tpu.memref_squeeze %dma_start3A_212 : memref<1x200xi32, #tpu.memory_space<vmem>> -> memref<200xi32, #tpu.memory_space<vmem>>
    %dma_start3A_214 = arith.constant 0 : i32
    %dma_start3A_215 = tpu.memref_slice %dma_start3A_213[%dma_start3A_214] : memref<200xi32, #tpu.memory_space<vmem>> -> memref<128xi32, #tpu.memory_space<vmem>>
    %dma_start3A_216 = arith.constant 0 : i32
    %dma_start3A_217 = arith.constant 0 : i32
    %dma_start3A_218 = tpu.memref_slice %arg3[%dma_start3A_216, %dma_start3A_217] : memref<1000000x64xf32, #tpu.memory_space<hbm>> -> memref<1000000x64xf32, #tpu.memory_space<hbm>>
    tpu.enqueue_indirect_dma source(%dma_start3A_218 : memref<1000000x64xf32, #tpu.memory_space<hbm>>) target(%dma_start3A_210 : memref<128x64xf32, #tpu.memory_space<vmem>>) offsets(%dma_start3A_215 : memref<128xi32, #tpu.memory_space<vmem>>) semaphore(%arg20 : memref<!tpu.dma_semaphore, #tpu.memory_space<semaphore_mem>>)
    %dma_start3A_219 = arith.constant 1 : i32
    %dma_start3A_220 = arith.constant 328 : i32
    %dma_start3A_221 = arith.constant 0 : i32
    %dma_start3A_222 = tpu.memref_slice %arg13[%dma_start3A_220, %dma_start3A_221] : memref<400x64xf32, #tpu.memory_space<vmem>> -> memref<72x64xf32, #tpu.memory_space<vmem>>
    %dma_start3A_223 = arith.constant 0 : i32
    %dma_start3A_224 = tpu.memref_slice %arg11[%dma_start3A_219, %dma_start3A_223] : memref<2x200xi32, #tpu.memory_space<vmem>> -> memref<1x200xi32, #tpu.memory_space<vmem>>
    %dma_start3A_225 = tpu.memref_squeeze %dma_start3A_224 : memref<1x200xi32, #tpu.memory_space<vmem>> -> memref<200xi32, #tpu.memory_space<vmem>>
    %dma_start3A_226 = arith.constant 128 : i32
    %dma_start3A_227 = tpu.memref_slice %dma_start3A_225[%dma_start3A_226] : memref<200xi32, #tpu.memory_space<vmem>> -> memref<72xi32, #tpu.memory_space<vmem>>
    %dma_start3A_228 = arith.constant 0 : i32
    %dma_start3A_229 = arith.constant 0 : i32
    %dma_start3A_230 = tpu.memref_slice %arg3[%dma_start3A_228, %dma_start3A_229] : memref<1000000x64xf32, #tpu.memory_space<hbm>> -> memref<1000000x64xf32, #tpu.memory_space<hbm>>
    tpu.enqueue_indirect_dma source(%dma_start3A_230 : memref<1000000x64xf32, #tpu.memory_space<hbm>>) target(%dma_start3A_222 : memref<72x64xf32, #tpu.memory_space<vmem>>) offsets(%dma_start3A_227 : memref<72xi32, #tpu.memory_space<vmem>>) semaphore(%arg20 : memref<!tpu.dma_semaphore, #tpu.memory_space<semaphore_mem>>)
    %dma_wait3A_231 = arith.constant 0 : i32
    %dma_wait3A_232 = arith.constant 0 : i32
    %dma_wait3A_233 = tpu.memref_slice %arg3[%dma_wait3A_231, %dma_wait3A_232] : memref<1000000x64xf32, #tpu.memory_space<hbm>> -> memref<400x64xf32, #tpu.memory_space<hbm>>
    %dma_wait3A_234 = arith.constant 0 : i32
    %dma_wait3A_235 = arith.constant 0 : i32
    %dma_wait3A_236 = tpu.memref_slice %arg3[%dma_wait3A_234, %dma_wait3A_235] : memref<1000000x64xf32, #tpu.memory_space<hbm>> -> memref<400x64xf32, #tpu.memory_space<hbm>>
    tpu.wait_dma2 semaphore(%arg19 : memref<!tpu.dma_semaphore, #tpu.memory_space<semaphore_mem>>) src(%dma_wait3A_236 : memref<400x64xf32, #tpu.memory_space<hbm>>) dst(%arg12 : memref<400x64xf32, #tpu.memory_space<vmem>>)
    %scan3A_237 = arith.constant 0 : i32
    %scan3A_238 = arith.constant 0 : i32
    %scan3A_239 = arith.constant 13 : i32
    %scan3A_240 = arith.addi %scan3A_238, %scan3A_239 : i32
    %scan3A_241 = arith.constant 1 : i32
    %scan3A_242 = scf.for %scan3A_648 = %scan3A_238 to %scan3A_240 step %scan3A_241 iter_args(%scan3A_649 = %scan3A_237) -> (i32)  : i32 {
      %mul3A_650 = arith.constant 16 : i32
      %mul3A_651 = arith.muli %scan3A_648, %mul3A_650 : i32
      %min3A_652 = arith.constant 184 : i32
      %min3A_653 = arith.minsi %mul3A_651, %min3A_652 : i32
      %get3A_654 = arith.constant 0 : i32
      %get3A_655 = arith.index_cast %get3A_654 : i32 to index
      %get3A_656 = arith.index_cast %min3A_653 : i32 to index
      %get3A_657 = tpu.vector_load %arg6[%get3A_655, %get3A_656] {strides = array<i32>} : memref<2x200xi32, #tpu.memory_space<vmem>>, vector<16xi32>,
      %ge3A_658 = arith.constant 1000000 : i32
      %ge3A_659 = vector.broadcast %ge3A_658 : i32 to vector<16xi32>
      %ge3A_660 = arith.cmpi sge, %get3A_657, %ge3A_659 : vector<16xi32>
      %sub3A = arith.constant 1000000 : i32
      %sub3A_661 = vector.broadcast %sub3A : i32 to vector<16xi32>
      %sub3A_662 = arith.subi %get3A_657, %sub3A_661 : vector<16xi32>
      %jit3A_663 = arith.constant 0 : i32
      %broadcast_in_dim3A_664 = vector.broadcast %jit3A_663 : i32 to vector<16xi32>
      %select_n3A_665 = arith.select %ge3A_660, %sub3A_662, %broadcast_in_dim3A_664 : vector<16xi1>, vector<16xi32>
      %reduce_max3A = arith.constant true
      %reduce_max3A_666 = vector.broadcast %reduce_max3A : i1 to vector<16xi1>
      %reduce_max3A_667 = arith.constant -2147483648 : i32
      %reduce_max3A_668 = vector.broadcast %reduce_max3A_667 : i32 to vector<16xi32>
      %reduce_max3A_669 = arith.xori %get3A_657, %reduce_max3A_668 : vector<16xi32>
      %reduce_max3A_670 = tpu.scan <max>, %reduce_max3A_669 masked %reduce_max3A_666 : vector<16xi32>, vector<16xi1> -> vector<16xi32>
      %reduce_max3A_671 = arith.xori %reduce_max3A_670, %reduce_max3A_668 : vector<16xi32>
      %reduce_max3A_672 = vector.extract %reduce_max3A_671[15] : i32 from vector<16xi32>
      %ge3A_673 = arith.constant 1000000 : i32
      %ge3A_674 = arith.cmpi sge, %reduce_max3A_672, %ge3A_673 : i32
      %convert_element_type3A = arith.extui %ge3A_674 : i1 to i32
      %cond3A = arith.constant 0 : i32
      %cond3A_675 = arith.cmpi ne, %convert_element_type3A, %cond3A : i32
      scf.if %cond3A_675 {
        %add3A_677 = arith.constant 0 : i32
        %add3A_678 = arith.addi %add3A_677, %min3A_653 : i32
        %iota3A = tpu.iota {dimensions = array<i32: 0>} : vector<16xi32>
        %add3A_679 = vector.broadcast %add3A_678 : i32 to vector<16xi32>
        %add3A_680 = arith.addi %add3A_679, %iota3A : vector<16xi32>
        %scan3A_681 = arith.constant 0 : i32
        %scan3A_682 = arith.constant 0 : i32
        %scan3A_683 = arith.constant 64 : i32
        %scan3A_684 = arith.addi %scan3A_682, %scan3A_683 : i32
        %scan3A_685 = arith.constant 1 : i32
        %scan3A_686 = scf.for %scan3A_688 = %scan3A_682 to %scan3A_684 step %scan3A_685 iter_args(%scan3A_689 = %scan3A_681) -> (i32)  : i32 {
          %broadcast_in_dim3A_690 = vector.broadcast %scan3A_688 : i32 to vector<16xi32>
          %gather3A = tpu.vector_load_idx %arg14[%select_n3A_665, %broadcast_in_dim3A_690] masked %ge3A_660 : memref<20x64xf32, #tpu.memory_space<vmem>>[vector<16xi32>, vector<16xi32>], vector<16xf32>, vector<16xi1>
          tpu.vector_store_idx %arg12[%add3A_680, %broadcast_in_dim3A_690], %gather3A masked %ge3A_660 : memref<400x64xf32, #tpu.memory_space<vmem>>[vector<16xi32>, vector<16xi32>], vector<16xf32>, vector<16xi1>
          %scan3A_691 = arith.constant 0 : i32
          scf.yield %scan3A_691 : i32
        }
        %scan3A_687 = arith.constant 64 : i32
      } else {
      }
      %scan3A_676 = arith.constant 0 : i32
      scf.yield %scan3A_676 : i32
    }
    %scan3A_243 = arith.constant 13 : i32
    %scan3A_244 = arith.constant 0 : i32
    %scan3A_245 = arith.constant 0 : i32
    %scan3A_246 = arith.constant 13 : i32
    %scan3A_247 = arith.addi %scan3A_245, %scan3A_246 : i32
    %scan3A_248 = arith.constant 1 : i32
    %scan3A_249 = scf.for %scan3A_648 = %scan3A_245 to %scan3A_247 step %scan3A_248 iter_args(%scan3A_649 = %scan3A_244) -> (i32)  : i32 {
      %mul3A_650 = arith.constant 16 : i32
      %mul3A_651 = arith.muli %scan3A_648, %mul3A_650 : i32
      %min3A_652 = arith.constant 184 : i32
      %min3A_653 = arith.minsi %mul3A_651, %min3A_652 : i32
      %get3A_654 = arith.constant 1 : i32
      %get3A_655 = arith.index_cast %get3A_654 : i32 to index
      %get3A_656 = arith.index_cast %min3A_653 : i32 to index
      %get3A_657 = tpu.vector_load %arg6[%get3A_655, %get3A_656] {strides = array<i32>} : memref<2x200xi32, #tpu.memory_space<vmem>>, vector<16xi32>,
      %ge3A_658 = arith.constant 1000000 : i32
      %ge3A_659 = vector.broadcast %ge3A_658 : i32 to vector<16xi32>
      %ge3A_660 = arith.cmpi sge, %get3A_657, %ge3A_659 : vector<16xi32>
      %sub3A = arith.constant 1000000 : i32
      %sub3A_661 = vector.broadcast %sub3A : i32 to vector<16xi32>
      %sub3A_662 = arith.subi %get3A_657, %sub3A_661 : vector<16xi32>
      %jit3A_663 = arith.constant 0 : i32
      %broadcast_in_dim3A_664 = vector.broadcast %jit3A_663 : i32 to vector<16xi32>
      %select_n3A_665 = arith.select %ge3A_660, %sub3A_662, %broadcast_in_dim3A_664 : vector<16xi1>, vector<16xi32>
      %reduce_max3A = arith.constant true
      %reduce_max3A_666 = vector.broadcast %reduce_max3A : i1 to vector<16xi1>
      %reduce_max3A_667 = arith.constant -2147483648 : i32
      %reduce_max3A_668 = vector.broadcast %reduce_max3A_667 : i32 to vector<16xi32>
      %reduce_max3A_669 = arith.xori %get3A_657, %reduce_max3A_668 : vector<16xi32>
      %reduce_max3A_670 = tpu.scan <max>, %reduce_max3A_669 masked %reduce_max3A_666 : vector<16xi32>, vector<16xi1> -> vector<16xi32>
      %reduce_max3A_671 = arith.xori %reduce_max3A_670, %reduce_max3A_668 : vector<16xi32>
      %reduce_max3A_672 = vector.extract %reduce_max3A_671[15] : i32 from vector<16xi32>
      %ge3A_673 = arith.constant 1000000 : i32
      %ge3A_674 = arith.cmpi sge, %reduce_max3A_672, %ge3A_673 : i32
      %convert_element_type3A = arith.extui %ge3A_674 : i1 to i32
      %cond3A = arith.constant 0 : i32
      %cond3A_675 = arith.cmpi ne, %convert_element_type3A, %cond3A : i32
      scf.if %cond3A_675 {
        %add3A_677 = arith.constant 200 : i32
        %add3A_678 = arith.addi %add3A_677, %min3A_653 : i32
        %iota3A = tpu.iota {dimensions = array<i32: 0>} : vector<16xi32>
        %add3A_679 = vector.broadcast %add3A_678 : i32 to vector<16xi32>
        %add3A_680 = arith.addi %add3A_679, %iota3A : vector<16xi32>
        %scan3A_681 = arith.constant 0 : i32
        %scan3A_682 = arith.constant 0 : i32
        %scan3A_683 = arith.constant 64 : i32
        %scan3A_684 = arith.addi %scan3A_682, %scan3A_683 : i32
        %scan3A_685 = arith.constant 1 : i32
        %scan3A_686 = scf.for %scan3A_688 = %scan3A_682 to %scan3A_684 step %scan3A_685 iter_args(%scan3A_689 = %scan3A_681) -> (i32)  : i32 {
          %broadcast_in_dim3A_690 = vector.broadcast %scan3A_688 : i32 to vector<16xi32>
          %gather3A = tpu.vector_load_idx %arg14[%select_n3A_665, %broadcast_in_dim3A_690] masked %ge3A_660 : memref<20x64xf32, #tpu.memory_space<vmem>>[vector<16xi32>, vector<16xi32>], vector<16xf32>, vector<16xi1>
          tpu.vector_store_idx %arg12[%add3A_680, %broadcast_in_dim3A_690], %gather3A masked %ge3A_660 : memref<400x64xf32, #tpu.memory_space<vmem>>[vector<16xi32>, vector<16xi32>], vector<16xf32>, vector<16xi1>
          %scan3A_691 = arith.constant 0 : i32
          scf.yield %scan3A_691 : i32
        }
        %scan3A_687 = arith.constant 64 : i32
      } else {
      }
      %scan3A_676 = arith.constant 0 : i32
      scf.yield %scan3A_676 : i32
    }
    %scan3A_250 = arith.constant 13 : i32
    %add3A_251 = arith.constant 0 : i32
    %add3A_252 = arith.addi %mul3A_2, %add3A_251 : i32
    %mul3A_253 = arith.constant 200 : i32
    %mul3A_254 = arith.muli %add3A_252, %mul3A_253 : i32
    %dma_start3A_255 = arith.constant 0 : i32
    %dma_start3A_256 = tpu.memref_slice %arg5[%mul3A_254, %dma_start3A_255] : memref<819200x128xf32, #tpu.memory_space<hbm>> -> memref<400x128xf32, #tpu.memory_space<hbm>>
    %dma_start3A_257 = arith.constant 0 : i32
    %dma_start3A_258 = arith.constant 0 : i32
    %dma_start3A_259 = tpu.memref_slice %dma_start3A_256[%dma_start3A_257, %dma_start3A_258] : memref<400x128xf32, #tpu.memory_space<hbm>> -> memref<400x64xf32, #tpu.memory_space<hbm>>
    %dma_start3A_260 = arith.constant 0 : i32
    %dma_start3A_261 = tpu.memref_slice %arg5[%mul3A_254, %dma_start3A_260] : memref<819200x128xf32, #tpu.memory_space<hbm>> -> memref<400x128xf32, #tpu.memory_space<hbm>>
    %dma_start3A_262 = arith.constant 0 : i32
    %dma_start3A_263 = arith.constant 0 : i32
    %dma_start3A_264 = tpu.memref_slice %dma_start3A_261[%dma_start3A_262, %dma_start3A_263] : memref<400x128xf32, #tpu.memory_space<hbm>> -> memref<400x64xf32, #tpu.memory_space<hbm>>
    tpu.enqueue_dma source(%arg12 : memref<400x64xf32, #tpu.memory_space<vmem>>) target(%dma_start3A_264 : memref<400x64xf32, #tpu.memory_space<hbm>>) target_semaphore(%arg21 : memref<!tpu.dma_semaphore, #tpu.memory_space<semaphore_mem>>)
    %add3A_265 = arith.constant 6 : i32
    %add3A_266 = arith.addi %mul3A_2, %add3A_265 : i32
    %dma_start3A_267 = arith.constant 0 : i32
    %dma_start3A_268 = tpu.memref_slice %arg2[%add3A_266, %dma_start3A_267] : memref<4096x200xi32, #tpu.memory_space<hbm>> -> memref<2x200xi32, #tpu.memory_space<hbm>>
    %dma_start3A_269 = arith.constant 0 : i32
    %dma_start3A_270 = tpu.memref_slice %arg2[%add3A_266, %dma_start3A_269] : memref<4096x200xi32, #tpu.memory_space<hbm>> -> memref<2x200xi32, #tpu.memory_space<hbm>>
    tpu.enqueue_dma source(%dma_start3A_270 : memref<2x200xi32, #tpu.memory_space<hbm>>) target(%arg9 : memref<2x200xi32, #tpu.memory_space<vmem>>) target_semaphore(%arg18 : memref<!tpu.dma_semaphore, #tpu.memory_space<semaphore_mem>>)
    %scan3A_271 = arith.constant 0 : i32
    %scan3A_272 = arith.constant 0 : i32
    %scan3A_273 = arith.constant 15 : i32
    %scan3A_274 = arith.addi %scan3A_272, %scan3A_273 : i32
    %scan3A_275 = arith.constant 1 : i32
    %scan3A_276 = scf.for %scan3A_648 = %scan3A_272 to %scan3A_274 step %scan3A_275 iter_args(%scan3A_649 = %scan3A_271) -> (i32)  : i32 {
      %mul3A_650 = arith.constant 4 : i32
      %mul3A_651 = arith.muli %scan3A_648, %mul3A_650 : i32
      %add3A_652 = arith.constant 2 : i32
      %add3A_653 = arith.addi %add3A_652, %mul3A_651 : i32
      %add3A_654 = arith.constant 0 : i32
      %add3A_655 = arith.addi %add3A_653, %add3A_654 : i32
      %dma_wait3A_656 = arith.constant 0 : i32
      %dma_wait3A_657 = arith.constant 0 : i32
      %dma_wait3A_658 = tpu.memref_slice %arg2[%dma_wait3A_656, %dma_wait3A_657] : memref<4096x200xi32, #tpu.memory_space<hbm>> -> memref<2x200xi32, #tpu.memory_space<hbm>>
      %dma_wait3A_659 = arith.constant 0 : i32
      %dma_wait3A_660 = arith.constant 0 : i32
      %dma_wait3A_661 = tpu.memref_slice %arg2[%dma_wait3A_659, %dma_wait3A_660] : memref<4096x200xi32, #tpu.memory_space<hbm>> -> memref<2x200xi32, #tpu.memory_space<hbm>>
      tpu.wait_dma2 semaphore(%arg17 : memref<!tpu.dma_semaphore, #tpu.memory_space<semaphore_mem>>) src(%dma_wait3A_661 : memref<2x200xi32, #tpu.memory_space<hbm>>) dst(%arg8 : memref<2x200xi32, #tpu.memory_space<vmem>>)
      %scan3A_662 = arith.constant 0 : i32
      %scan3A_663 = arith.constant 0 : i32
      %scan3A_664 = arith.constant 12 : i32
      %scan3A_665 = arith.addi %scan3A_663, %scan3A_664 : i32
      %scan3A_666 = arith.constant 4 : i32
      %scan3A_667 = scf.for %scan3A_1346 = %scan3A_663 to %scan3A_665 step %scan3A_666 iter_args(%scan3A_1347 = %scan3A_662) -> (i32)  : i32 {
        %mul3A_1348 = arith.constant 16 : i32
        %mul3A_1349 = arith.muli %scan3A_1346, %mul3A_1348 : i32
        %min3A_1350 = arith.constant 184 : i32
        %min3A_1351 = arith.minsi %mul3A_1349, %min3A_1350 : i32
        %get3A_1352 = arith.constant 0 : i32
        %get3A_1353 = arith.index_cast %get3A_1352 : i32 to index
        %get3A_1354 = arith.index_cast %min3A_1351 : i32 to index
        %get3A_1355 = tpu.vector_load %arg8[%get3A_1353, %get3A_1354] {strides = array<i32>} : memref<2x200xi32, #tpu.memory_space<vmem>>, vector<16xi32>,
        %ge3A_1356 = arith.constant 1000000 : i32
        %ge3A_1357 = vector.broadcast %ge3A_1356 : i32 to vector<16xi32>
        %ge3A_1358 = arith.cmpi sge, %get3A_1355, %ge3A_1357 : vector<16xi32>
        %jit3A_1359 = arith.constant 0 : i32
        %broadcast_in_dim3A_1360 = vector.broadcast %jit3A_1359 : i32 to vector<16xi32>
        %select_n3A_1361 = arith.select %ge3A_1358, %broadcast_in_dim3A_1360, %get3A_1355 : vector<16xi1>, vector<16xi32>
        %swap3A_1362 = arith.constant 0 : i32
        %swap3A_1363 = arith.index_cast %swap3A_1362 : i32 to index
        %swap3A_1364 = arith.index_cast %min3A_1351 : i32 to index
        %swap3A_1365 = tpu.vector_load %arg10[%swap3A_1363, %swap3A_1364] {strides = array<i32>} : memref<2x200xi32, #tpu.memory_space<vmem>>, vector<16xi32>,
        tpu.vector_store %arg10[%swap3A_1363, %swap3A_1364], %select_n3A_1361 {strides = array<i32>} : memref<2x200xi32, #tpu.memory_space<vmem>>, vector<16xi32>,
        %scan3A_1366 = arith.constant 0 : i32
        %scan3A_1367 = arith.constant 1 : i32
        %scan3A_1368 = arith.addi %scan3A_1346, %scan3A_1367 : i32
        %mul3A_1369 = arith.constant 16 : i32
        %mul3A_1370 = arith.muli %scan3A_1368, %mul3A_1369 : i32
        %min3A_1371 = arith.constant 184 : i32
        %min3A_1372 = arith.minsi %mul3A_1370, %min3A_1371 : i32
        %get3A_1373 = arith.constant 0 : i32
        %get3A_1374 = arith.index_cast %get3A_1373 : i32 to index
        %get3A_1375 = arith.index_cast %min3A_1372 : i32 to index
        %get3A_1376 = tpu.vector_load %arg8[%get3A_1374, %get3A_1375] {strides = array<i32>} : memref<2x200xi32, #tpu.memory_space<vmem>>, vector<16xi32>,
        %ge3A_1377 = arith.constant 1000000 : i32
        %ge3A_1378 = vector.broadcast %ge3A_1377 : i32 to vector<16xi32>
        %ge3A_1379 = arith.cmpi sge, %get3A_1376, %ge3A_1378 : vector<16xi32>
        %jit3A_1380 = arith.constant 0 : i32
        %broadcast_in_dim3A_1381 = vector.broadcast %jit3A_1380 : i32 to vector<16xi32>
        %select_n3A_1382 = arith.select %ge3A_1379, %broadcast_in_dim3A_1381, %get3A_1376 : vector<16xi1>, vector<16xi32>
        %swap3A_1383 = arith.constant 0 : i32
        %swap3A_1384 = arith.index_cast %swap3A_1383 : i32 to index
        %swap3A_1385 = arith.index_cast %min3A_1372 : i32 to index
        %swap3A_1386 = tpu.vector_load %arg10[%swap3A_1384, %swap3A_1385] {strides = array<i32>} : memref<2x200xi32, #tpu.memory_space<vmem>>, vector<16xi32>,
        tpu.vector_store %arg10[%swap3A_1384, %swap3A_1385], %select_n3A_1382 {strides = array<i32>} : memref<2x200xi32, #tpu.memory_space<vmem>>, vector<16xi32>,
        %scan3A_1387 = arith.constant 0 : i32
        %scan3A_1388 = arith.constant 2 : i32
        %scan3A_1389 = arith.addi %scan3A_1346, %scan3A_1388 : i32
        %mul3A_1390 = arith.constant 16 : i32
        %mul3A_1391 = arith.muli %scan3A_1389, %mul3A_1390 : i32
        %min3A_1392 = arith.constant 184 : i32
        %min3A_1393 = arith.minsi %mul3A_1391, %min3A_1392 : i32
        %get3A_1394 = arith.constant 0 : i32
        %get3A_1395 = arith.index_cast %get3A_1394 : i32 to index
        %get3A_1396 = arith.index_cast %min3A_1393 : i32 to index
        %get3A_1397 = tpu.vector_load %arg8[%get3A_1395, %get3A_1396] {strides = array<i32>} : memref<2x200xi32, #tpu.memory_space<vmem>>, vector<16xi32>,
        %ge3A_1398 = arith.constant 1000000 : i32
        %ge3A_1399 = vector.broadcast %ge3A_1398 : i32 to vector<16xi32>
        %ge3A_1400 = arith.cmpi sge, %get3A_1397, %ge3A_1399 : vector<16xi32>
        %jit3A_1401 = arith.constant 0 : i32
        %broadcast_in_dim3A_1402 = vector.broadcast %jit3A_1401 : i32 to vector<16xi32>
        %select_n3A_1403 = arith.select %ge3A_1400, %broadcast_in_dim3A_1402, %get3A_1397 : vector<16xi1>, vector<16xi32>
        %swap3A_1404 = arith.constant 0 : i32
        %swap3A_1405 = arith.index_cast %swap3A_1404 : i32 to index
        %swap3A_1406 = arith.index_cast %min3A_1393 : i32 to index
        %swap3A_1407 = tpu.vector_load %arg10[%swap3A_1405, %swap3A_1406] {strides = array<i32>} : memref<2x200xi32, #tpu.memory_space<vmem>>, vector<16xi32>,
        tpu.vector_store %arg10[%swap3A_1405, %swap3A_1406], %select_n3A_1403 {strides = array<i32>} : memref<2x200xi32, #tpu.memory_space<vmem>>, vector<16xi32>,
        %scan3A_1408 = arith.constant 0 : i32
        %scan3A_1409 = arith.constant 3 : i32
        %scan3A_1410 = arith.addi %scan3A_1346, %scan3A_1409 : i32
        %mul3A_1411 = arith.constant 16 : i32
        %mul3A_1412 = arith.muli %scan3A_1410, %mul3A_1411 : i32
        %min3A_1413 = arith.constant 184 : i32
        %min3A_1414 = arith.minsi %mul3A_1412, %min3A_1413 : i32
        %get3A_1415 = arith.constant 0 : i32
        %get3A_1416 = arith.index_cast %get3A_1415 : i32 to index
        %get3A_1417 = arith.index_cast %min3A_1414 : i32 to index
        %get3A_1418 = tpu.vector_load %arg8[%get3A_1416, %get3A_1417] {strides = array<i32>} : memref<2x200xi32, #tpu.memory_space<vmem>>, vector<16xi32>,
        %ge3A_1419 = arith.constant 1000000 : i32
        %ge3A_1420 = vector.broadcast %ge3A_1419 : i32 to vector<16xi32>
        %ge3A_1421 = arith.cmpi sge, %get3A_1418, %ge3A_1420 : vector<16xi32>
        %jit3A_1422 = arith.constant 0 : i32
        %broadcast_in_dim3A_1423 = vector.broadcast %jit3A_1422 : i32 to vector<16xi32>
        %select_n3A_1424 = arith.select %ge3A_1421, %broadcast_in_dim3A_1423, %get3A_1418 : vector<16xi1>, vector<16xi32>
        %swap3A_1425 = arith.constant 0 : i32
        %swap3A_1426 = arith.index_cast %swap3A_1425 : i32 to index
        %swap3A_1427 = arith.index_cast %min3A_1414 : i32 to index
        %swap3A_1428 = tpu.vector_load %arg10[%swap3A_1426, %swap3A_1427] {strides = array<i32>} : memref<2x200xi32, #tpu.memory_space<vmem>>, vector<16xi32>,
        tpu.vector_store %arg10[%swap3A_1426, %swap3A_1427], %select_n3A_1424 {strides = array<i32>} : memref<2x200xi32, #tpu.memory_space<vmem>>, vector<16xi32>,
        %scan3A_1429 = arith.constant 0 : i32
        scf.yield %scan3A_1429 : i32
      }
      %scan3A_668 = arith.constant 12 : i32
      %scan3A_669 = arith.addi %scan3A_663, %scan3A_668 : i32
      %mul3A_670 = arith.constant 16 : i32
      %mul3A_671 = arith.muli %scan3A_669, %mul3A_670 : i32
      %min3A_672 = arith.constant 184 : i32
      %min3A_673 = arith.minsi %mul3A_671, %min3A_672 : i32
      %get3A_674 = arith.constant 0 : i32
      %get3A_675 = arith.index_cast %get3A_674 : i32 to index
      %get3A_676 = arith.index_cast %min3A_673 : i32 to index
      %get3A_677 = tpu.vector_load %arg8[%get3A_675, %get3A_676] {strides = array<i32>} : memref<2x200xi32, #tpu.memory_space<vmem>>, vector<16xi32>,
      %ge3A_678 = arith.constant 1000000 : i32
      %ge3A_679 = vector.broadcast %ge3A_678 : i32 to vector<16xi32>
      %ge3A_680 = arith.cmpi sge, %get3A_677, %ge3A_679 : vector<16xi32>
      %jit3A_681 = arith.constant 0 : i32
      %broadcast_in_dim3A_682 = vector.broadcast %jit3A_681 : i32 to vector<16xi32>
      %select_n3A_683 = arith.select %ge3A_680, %broadcast_in_dim3A_682, %get3A_677 : vector<16xi1>, vector<16xi32>
      %swap3A_684 = arith.constant 0 : i32
      %swap3A_685 = arith.index_cast %swap3A_684 : i32 to index
      %swap3A_686 = arith.index_cast %min3A_673 : i32 to index
      %swap3A_687 = tpu.vector_load %arg10[%swap3A_685, %swap3A_686] {strides = array<i32>} : memref<2x200xi32, #tpu.memory_space<vmem>>, vector<16xi32>,
      tpu.vector_store %arg10[%swap3A_685, %swap3A_686], %select_n3A_683 {strides = array<i32>} : memref<2x200xi32, #tpu.memory_space<vmem>>, vector<16xi32>,
      %scan3A_688 = arith.constant 0 : i32
      %scan3A_689 = arith.constant 13 : i32
      %scan3A_690 = arith.constant 0 : i32
      %scan3A_691 = arith.constant 0 : i32
      %scan3A_692 = arith.constant 12 : i32
      %scan3A_693 = arith.addi %scan3A_691, %scan3A_692 : i32
      %scan3A_694 = arith.constant 4 : i32
      %scan3A_695 = scf.for %scan3A_1346 = %scan3A_691 to %scan3A_693 step %scan3A_694 iter_args(%scan3A_1347 = %scan3A_690) -> (i32)  : i32 {
        %mul3A_1348 = arith.constant 16 : i32
        %mul3A_1349 = arith.muli %scan3A_1346, %mul3A_1348 : i32
        %min3A_1350 = arith.constant 184 : i32
        %min3A_1351 = arith.minsi %mul3A_1349, %min3A_1350 : i32
        %get3A_1352 = arith.constant 1 : i32
        %get3A_1353 = arith.index_cast %get3A_1352 : i32 to index
        %get3A_1354 = arith.index_cast %min3A_1351 : i32 to index
        %get3A_1355 = tpu.vector_load %arg8[%get3A_1353, %get3A_1354] {strides = array<i32>} : memref<2x200xi32, #tpu.memory_space<vmem>>, vector<16xi32>,
        %ge3A_1356 = arith.constant 1000000 : i32
        %ge3A_1357 = vector.broadcast %ge3A_1356 : i32 to vector<16xi32>
        %ge3A_1358 = arith.cmpi sge, %get3A_1355, %ge3A_1357 : vector<16xi32>
        %jit3A_1359 = arith.constant 0 : i32
        %broadcast_in_dim3A_1360 = vector.broadcast %jit3A_1359 : i32 to vector<16xi32>
        %select_n3A_1361 = arith.select %ge3A_1358, %broadcast_in_dim3A_1360, %get3A_1355 : vector<16xi1>, vector<16xi32>
        %swap3A_1362 = arith.constant 1 : i32
        %swap3A_1363 = arith.index_cast %swap3A_1362 : i32 to index
        %swap3A_1364 = arith.index_cast %min3A_1351 : i32 to index
        %swap3A_1365 = tpu.vector_load %arg10[%swap3A_1363, %swap3A_1364] {strides = array<i32>} : memref<2x200xi32, #tpu.memory_space<vmem>>, vector<16xi32>,
        tpu.vector_store %arg10[%swap3A_1363, %swap3A_1364], %select_n3A_1361 {strides = array<i32>} : memref<2x200xi32, #tpu.memory_space<vmem>>, vector<16xi32>,
        %scan3A_1366 = arith.constant 0 : i32
        %scan3A_1367 = arith.constant 1 : i32
        %scan3A_1368 = arith.addi %scan3A_1346, %scan3A_1367 : i32
        %mul3A_1369 = arith.constant 16 : i32
        %mul3A_1370 = arith.muli %scan3A_1368, %mul3A_1369 : i32
        %min3A_1371 = arith.constant 184 : i32
        %min3A_1372 = arith.minsi %mul3A_1370, %min3A_1371 : i32
        %get3A_1373 = arith.constant 1 : i32
        %get3A_1374 = arith.index_cast %get3A_1373 : i32 to index
        %get3A_1375 = arith.index_cast %min3A_1372 : i32 to index
        %get3A_1376 = tpu.vector_load %arg8[%get3A_1374, %get3A_1375] {strides = array<i32>} : memref<2x200xi32, #tpu.memory_space<vmem>>, vector<16xi32>,
        %ge3A_1377 = arith.constant 1000000 : i32
        %ge3A_1378 = vector.broadcast %ge3A_1377 : i32 to vector<16xi32>
        %ge3A_1379 = arith.cmpi sge, %get3A_1376, %ge3A_1378 : vector<16xi32>
        %jit3A_1380 = arith.constant 0 : i32
        %broadcast_in_dim3A_1381 = vector.broadcast %jit3A_1380 : i32 to vector<16xi32>
        %select_n3A_1382 = arith.select %ge3A_1379, %broadcast_in_dim3A_1381, %get3A_1376 : vector<16xi1>, vector<16xi32>
        %swap3A_1383 = arith.constant 1 : i32
        %swap3A_1384 = arith.index_cast %swap3A_1383 : i32 to index
        %swap3A_1385 = arith.index_cast %min3A_1372 : i32 to index
        %swap3A_1386 = tpu.vector_load %arg10[%swap3A_1384, %swap3A_1385] {strides = array<i32>} : memref<2x200xi32, #tpu.memory_space<vmem>>, vector<16xi32>,
        tpu.vector_store %arg10[%swap3A_1384, %swap3A_1385], %select_n3A_1382 {strides = array<i32>} : memref<2x200xi32, #tpu.memory_space<vmem>>, vector<16xi32>,
        %scan3A_1387 = arith.constant 0 : i32
        %scan3A_1388 = arith.constant 2 : i32
        %scan3A_1389 = arith.addi %scan3A_1346, %scan3A_1388 : i32
        %mul3A_1390 = arith.constant 16 : i32
        %mul3A_1391 = arith.muli %scan3A_1389, %mul3A_1390 : i32
        %min3A_1392 = arith.constant 184 : i32
        %min3A_1393 = arith.minsi %mul3A_1391, %min3A_1392 : i32
        %get3A_1394 = arith.constant 1 : i32
        %get3A_1395 = arith.index_cast %get3A_1394 : i32 to index
        %get3A_1396 = arith.index_cast %min3A_1393 : i32 to index
        %get3A_1397 = tpu.vector_load %arg8[%get3A_1395, %get3A_1396] {strides = array<i32>} : memref<2x200xi32, #tpu.memory_space<vmem>>, vector<16xi32>,
        %ge3A_1398 = arith.constant 1000000 : i32
        %ge3A_1399 = vector.broadcast %ge3A_1398 : i32 to vector<16xi32>
        %ge3A_1400 = arith.cmpi sge, %get3A_1397, %ge3A_1399 : vector<16xi32>
        %jit3A_1401 = arith.constant 0 : i32
        %broadcast_in_dim3A_1402 = vector.broadcast %jit3A_1401 : i32 to vector<16xi32>
        %select_n3A_1403 = arith.select %ge3A_1400, %broadcast_in_dim3A_1402, %get3A_1397 : vector<16xi1>, vector<16xi32>
        %swap3A_1404 = arith.constant 1 : i32
        %swap3A_1405 = arith.index_cast %swap3A_1404 : i32 to index
        %swap3A_1406 = arith.index_cast %min3A_1393 : i32 to index
        %swap3A_1407 = tpu.vector_load %arg10[%swap3A_1405, %swap3A_1406] {strides = array<i32>} : memref<2x200xi32, #tpu.memory_space<vmem>>, vector<16xi32>,
        tpu.vector_store %arg10[%swap3A_1405, %swap3A_1406], %select_n3A_1403 {strides = array<i32>} : memref<2x200xi32, #tpu.memory_space<vmem>>, vector<16xi32>,
        %scan3A_1408 = arith.constant 0 : i32
        %scan3A_1409 = arith.constant 3 : i32
        %scan3A_1410 = arith.addi %scan3A_1346, %scan3A_1409 : i32
        %mul3A_1411 = arith.constant 16 : i32
        %mul3A_1412 = arith.muli %scan3A_1410, %mul3A_1411 : i32
        %min3A_1413 = arith.constant 184 : i32
        %min3A_1414 = arith.minsi %mul3A_1412, %min3A_1413 : i32
        %get3A_1415 = arith.constant 1 : i32
        %get3A_1416 = arith.index_cast %get3A_1415 : i32 to index
        %get3A_1417 = arith.index_cast %min3A_1414 : i32 to index
        %get3A_1418 = tpu.vector_load %arg8[%get3A_1416, %get3A_1417] {strides = array<i32>} : memref<2x200xi32, #tpu.memory_space<vmem>>, vector<16xi32>,
        %ge3A_1419 = arith.constant 1000000 : i32
        %ge3A_1420 = vector.broadcast %ge3A_1419 : i32 to vector<16xi32>
        %ge3A_1421 = arith.cmpi sge, %get3A_1418, %ge3A_1420 : vector<16xi32>
        %jit3A_1422 = arith.constant 0 : i32
        %broadcast_in_dim3A_1423 = vector.broadcast %jit3A_1422 : i32 to vector<16xi32>
        %select_n3A_1424 = arith.select %ge3A_1421, %broadcast_in_dim3A_1423, %get3A_1418 : vector<16xi1>, vector<16xi32>
        %swap3A_1425 = arith.constant 1 : i32
        %swap3A_1426 = arith.index_cast %swap3A_1425 : i32 to index
        %swap3A_1427 = arith.index_cast %min3A_1414 : i32 to index
        %swap3A_1428 = tpu.vector_load %arg10[%swap3A_1426, %swap3A_1427] {strides = array<i32>} : memref<2x200xi32, #tpu.memory_space<vmem>>, vector<16xi32>,
        tpu.vector_store %arg10[%swap3A_1426, %swap3A_1427], %select_n3A_1424 {strides = array<i32>} : memref<2x200xi32, #tpu.memory_space<vmem>>, vector<16xi32>,
        %scan3A_1429 = arith.constant 0 : i32
        scf.yield %scan3A_1429 : i32
      }
      %scan3A_696 = arith.constant 12 : i32
      %scan3A_697 = arith.addi %scan3A_691, %scan3A_696 : i32
      %mul3A_698 = arith.constant 16 : i32
      %mul3A_699 = arith.muli %scan3A_697, %mul3A_698 : i32
      %min3A_700 = arith.constant 184 : i32
      %min3A_701 = arith.minsi %mul3A_699, %min3A_700 : i32
      %get3A_702 = arith.constant 1 : i32
      %get3A_703 = arith.index_cast %get3A_702 : i32 to index
      %get3A_704 = arith.index_cast %min3A_701 : i32 to index
      %get3A_705 = tpu.vector_load %arg8[%get3A_703, %get3A_704] {strides = array<i32>} : memref<2x200xi32, #tpu.memory_space<vmem>>, vector<16xi32>,
      %ge3A_706 = arith.constant 1000000 : i32
      %ge3A_707 = vector.broadcast %ge3A_706 : i32 to vector<16xi32>
      %ge3A_708 = arith.cmpi sge, %get3A_705, %ge3A_707 : vector<16xi32>
      %jit3A_709 = arith.constant 0 : i32
      %broadcast_in_dim3A_710 = vector.broadcast %jit3A_709 : i32 to vector<16xi32>
      %select_n3A_711 = arith.select %ge3A_708, %broadcast_in_dim3A_710, %get3A_705 : vector<16xi1>, vector<16xi32>
      %swap3A_712 = arith.constant 1 : i32
      %swap3A_713 = arith.index_cast %swap3A_712 : i32 to index
      %swap3A_714 = arith.index_cast %min3A_701 : i32 to index
      %swap3A_715 = tpu.vector_load %arg10[%swap3A_713, %swap3A_714] {strides = array<i32>} : memref<2x200xi32, #tpu.memory_space<vmem>>, vector<16xi32>,
      tpu.vector_store %arg10[%swap3A_713, %swap3A_714], %select_n3A_711 {strides = array<i32>} : memref<2x200xi32, #tpu.memory_space<vmem>>, vector<16xi32>,
      %scan3A_716 = arith.constant 0 : i32
      %scan3A_717 = arith.constant 13 : i32
      %dma_wait3A_718 = arith.constant 0 : i32
      %dma_wait3A_719 = arith.constant 0 : i32
      %dma_wait3A_720 = tpu.memref_slice %arg5[%dma_wait3A_718, %dma_wait3A_719] : memref<819200x128xf32, #tpu.memory_space<hbm>> -> memref<400x128xf32, #tpu.memory_space<hbm>>
      %dma_wait3A_721 = arith.constant 0 : i32
      %dma_wait3A_722 = arith.constant 0 : i32
      %dma_wait3A_723 = tpu.memref_slice %dma_wait3A_720[%dma_wait3A_721, %dma_wait3A_722] : memref<400x128xf32, #tpu.memory_space<hbm>> -> memref<400x64xf32, #tpu.memory_space<hbm>>
      %dma_wait3A_724 = arith.constant 0 : i32
      %dma_wait3A_725 = arith.constant 0 : i32
      %dma_wait3A_726 = tpu.memref_slice %arg5[%dma_wait3A_724, %dma_wait3A_725] : memref<819200x128xf32, #tpu.memory_space<hbm>> -> memref<400x128xf32, #tpu.memory_space<hbm>>
      %dma_wait3A_727 = arith.constant 0 : i32
      %dma_wait3A_728 = arith.constant 0 : i32
      %dma_wait3A_729 = tpu.memref_slice %dma_wait3A_726[%dma_wait3A_727, %dma_wait3A_728] : memref<400x128xf32, #tpu.memory_space<hbm>> -> memref<400x64xf32, #tpu.memory_space<hbm>>
      tpu.wait_dma2 semaphore(%arg21 : memref<!tpu.dma_semaphore, #tpu.memory_space<semaphore_mem>>) src(%arg12 : memref<400x64xf32, #tpu.memory_space<vmem>>) dst(%dma_wait3A_729 : memref<400x64xf32, #tpu.memory_space<hbm>>)
      %dma_start3A_730 = arith.constant 0 : i32
      %dma_start3A_731 = arith.constant 0 : i32
      %dma_start3A_732 = arith.constant 0 : i32
      %dma_start3A_733 = tpu.memref_slice %arg12[%dma_start3A_731, %dma_start3A_732] : memref<400x64xf32, #tpu.memory_space<vmem>> -> memref<128x64xf32, #tpu.memory_space<vmem>>
      %dma_start3A_734 = arith.constant 0 : i32
      %dma_start3A_735 = tpu.memref_slice %arg10[%dma_start3A_730, %dma_start3A_734] : memref<2x200xi32, #tpu.memory_space<vmem>> -> memref<1x200xi32, #tpu.memory_space<vmem>>
      %dma_start3A_736 = tpu.memref_squeeze %dma_start3A_735 : memref<1x200xi32, #tpu.memory_space<vmem>> -> memref<200xi32, #tpu.memory_space<vmem>>
      %dma_start3A_737 = arith.constant 0 : i32
      %dma_start3A_738 = tpu.memref_slice %dma_start3A_736[%dma_start3A_737] : memref<200xi32, #tpu.memory_space<vmem>> -> memref<128xi32, #tpu.memory_space<vmem>>
      %dma_start3A_739 = arith.constant 0 : i32
      %dma_start3A_740 = arith.constant 0 : i32
      %dma_start3A_741 = tpu.memref_slice %arg3[%dma_start3A_739, %dma_start3A_740] : memref<1000000x64xf32, #tpu.memory_space<hbm>> -> memref<1000000x64xf32, #tpu.memory_space<hbm>>
      tpu.enqueue_indirect_dma source(%dma_start3A_741 : memref<1000000x64xf32, #tpu.memory_space<hbm>>) target(%dma_start3A_733 : memref<128x64xf32, #tpu.memory_space<vmem>>) offsets(%dma_start3A_738 : memref<128xi32, #tpu.memory_space<vmem>>) semaphore(%arg19 : memref<!tpu.dma_semaphore, #tpu.memory_space<semaphore_mem>>)
      %dma_start3A_742 = arith.constant 0 : i32
      %dma_start3A_743 = arith.constant 128 : i32
      %dma_start3A_744 = arith.constant 0 : i32
      %dma_start3A_745 = tpu.memref_slice %arg12[%dma_start3A_743, %dma_start3A_744] : memref<400x64xf32, #tpu.memory_space<vmem>> -> memref<72x64xf32, #tpu.memory_space<vmem>>
      %dma_start3A_746 = arith.constant 0 : i32
      %dma_start3A_747 = tpu.memref_slice %arg10[%dma_start3A_742, %dma_start3A_746] : memref<2x200xi32, #tpu.memory_space<vmem>> -> memref<1x200xi32, #tpu.memory_space<vmem>>
      %dma_start3A_748 = tpu.memref_squeeze %dma_start3A_747 : memref<1x200xi32, #tpu.memory_space<vmem>> -> memref<200xi32, #tpu.memory_space<vmem>>
      %dma_start3A_749 = arith.constant 128 : i32
      %dma_start3A_750 = tpu.memref_slice %dma_start3A_748[%dma_start3A_749] : memref<200xi32, #tpu.memory_space<vmem>> -> memref<72xi32, #tpu.memory_space<vmem>>
      %dma_start3A_751 = arith.constant 0 : i32
      %dma_start3A_752 = arith.constant 0 : i32
      %dma_start3A_753 = tpu.memref_slice %arg3[%dma_start3A_751, %dma_start3A_752] : memref<1000000x64xf32, #tpu.memory_space<hbm>> -> memref<1000000x64xf32, #tpu.memory_space<hbm>>
      tpu.enqueue_indirect_dma source(%dma_start3A_753 : memref<1000000x64xf32, #tpu.memory_space<hbm>>) target(%dma_start3A_745 : memref<72x64xf32, #tpu.memory_space<vmem>>) offsets(%dma_start3A_750 : memref<72xi32, #tpu.memory_space<vmem>>) semaphore(%arg19 : memref<!tpu.dma_semaphore, #tpu.memory_space<semaphore_mem>>)
      %dma_start3A_754 = arith.constant 1 : i32
      %dma_start3A_755 = arith.constant 200 : i32
      %dma_start3A_756 = arith.constant 0 : i32
      %dma_start3A_757 = tpu.memref_slice %arg12[%dma_start3A_755, %dma_start3A_756] : memref<400x64xf32, #tpu.memory_space<vmem>> -> memref<128x64xf32, #tpu.memory_space<vmem>>
      %dma_start3A_758 = arith.constant 0 : i32
      %dma_start3A_759 = tpu.memref_slice %arg10[%dma_start3A_754, %dma_start3A_758] : memref<2x200xi32, #tpu.memory_space<vmem>> -> memref<1x200xi32, #tpu.memory_space<vmem>>
      %dma_start3A_760 = tpu.memref_squeeze %dma_start3A_759 : memref<1x200xi32, #tpu.memory_space<vmem>> -> memref<200xi32, #tpu.memory_space<vmem>>
      %dma_start3A_761 = arith.constant 0 : i32
      %dma_start3A_762 = tpu.memref_slice %dma_start3A_760[%dma_start3A_761] : memref<200xi32, #tpu.memory_space<vmem>> -> memref<128xi32, #tpu.memory_space<vmem>>
      %dma_start3A_763 = arith.constant 0 : i32
      %dma_start3A_764 = arith.constant 0 : i32
      %dma_start3A_765 = tpu.memref_slice %arg3[%dma_start3A_763, %dma_start3A_764] : memref<1000000x64xf32, #tpu.memory_space<hbm>> -> memref<1000000x64xf32, #tpu.memory_space<hbm>>
      tpu.enqueue_indirect_dma source(%dma_start3A_765 : memref<1000000x64xf32, #tpu.memory_space<hbm>>) target(%dma_start3A_757 : memref<128x64xf32, #tpu.memory_space<vmem>>) offsets(%dma_start3A_762 : memref<128xi32, #tpu.memory_space<vmem>>) semaphore(%arg19 : memref<!tpu.dma_semaphore, #tpu.memory_space<semaphore_mem>>)
      %dma_start3A_766 = arith.constant 1 : i32
      %dma_start3A_767 = arith.constant 328 : i32
      %dma_start3A_768 = arith.constant 0 : i32
      %dma_start3A_769 = tpu.memref_slice %arg12[%dma_start3A_767, %dma_start3A_768] : memref<400x64xf32, #tpu.memory_space<vmem>> -> memref<72x64xf32, #tpu.memory_space<vmem>>
      %dma_start3A_770 = arith.constant 0 : i32
      %dma_start3A_771 = tpu.memref_slice %arg10[%dma_start3A_766, %dma_start3A_770] : memref<2x200xi32, #tpu.memory_space<vmem>> -> memref<1x200xi32, #tpu.memory_space<vmem>>
      %dma_start3A_772 = tpu.memref_squeeze %dma_start3A_771 : memref<1x200xi32, #tpu.memory_space<vmem>> -> memref<200xi32, #tpu.memory_space<vmem>>
      %dma_start3A_773 = arith.constant 128 : i32
      %dma_start3A_774 = tpu.memref_slice %dma_start3A_772[%dma_start3A_773] : memref<200xi32, #tpu.memory_space<vmem>> -> memref<72xi32, #tpu.memory_space<vmem>>
      %dma_start3A_775 = arith.constant 0 : i32
      %dma_start3A_776 = arith.constant 0 : i32
      %dma_start3A_777 = tpu.memref_slice %arg3[%dma_start3A_775, %dma_start3A_776] : memref<1000000x64xf32, #tpu.memory_space<hbm>> -> memref<1000000x64xf32, #tpu.memory_space<hbm>>
      tpu.enqueue_indirect_dma source(%dma_start3A_777 : memref<1000000x64xf32, #tpu.memory_space<hbm>>) target(%dma_start3A_769 : memref<72x64xf32, #tpu.memory_space<vmem>>) offsets(%dma_start3A_774 : memref<72xi32, #tpu.memory_space<vmem>>) semaphore(%arg19 : memref<!tpu.dma_semaphore, #tpu.memory_space<semaphore_mem>>)
      %dma_wait3A_778 = arith.constant 0 : i32
      %dma_wait3A_779 = arith.constant 0 : i32
      %dma_wait3A_780 = tpu.memref_slice %arg3[%dma_wait3A_778, %dma_wait3A_779] : memref<1000000x64xf32, #tpu.memory_space<hbm>> -> memref<400x64xf32, #tpu.memory_space<hbm>>
      %dma_wait3A_781 = arith.constant 0 : i32
      %dma_wait3A_782 = arith.constant 0 : i32
      %dma_wait3A_783 = tpu.memref_slice %arg3[%dma_wait3A_781, %dma_wait3A_782] : memref<1000000x64xf32, #tpu.memory_space<hbm>> -> memref<400x64xf32, #tpu.memory_space<hbm>>
      tpu.wait_dma2 semaphore(%arg20 : memref<!tpu.dma_semaphore, #tpu.memory_space<semaphore_mem>>) src(%dma_wait3A_783 : memref<400x64xf32, #tpu.memory_space<hbm>>) dst(%arg13 : memref<400x64xf32, #tpu.memory_space<vmem>>)
      %scan3A_784 = arith.constant 0 : i32
      %scan3A_785 = arith.constant 0 : i32
      %scan3A_786 = arith.constant 13 : i32
      %scan3A_787 = arith.addi %scan3A_785, %scan3A_786 : i32
      %scan3A_788 = arith.constant 1 : i32
      %scan3A_789 = scf.for %scan3A_1346 = %scan3A_785 to %scan3A_787 step %scan3A_788 iter_args(%scan3A_1347 = %scan3A_784) -> (i32)  : i32 {
        %mul3A_1348 = arith.constant 16 : i32
        %mul3A_1349 = arith.muli %scan3A_1346, %mul3A_1348 : i32
        %min3A_1350 = arith.constant 184 : i32
        %min3A_1351 = arith.minsi %mul3A_1349, %min3A_1350 : i32
        %get3A_1352 = arith.constant 0 : i32
        %get3A_1353 = arith.index_cast %get3A_1352 : i32 to index
        %get3A_1354 = arith.index_cast %min3A_1351 : i32 to index
        %get3A_1355 = tpu.vector_load %arg7[%get3A_1353, %get3A_1354] {strides = array<i32>} : memref<2x200xi32, #tpu.memory_space<vmem>>, vector<16xi32>,
        %ge3A_1356 = arith.constant 1000000 : i32
        %ge3A_1357 = vector.broadcast %ge3A_1356 : i32 to vector<16xi32>
        %ge3A_1358 = arith.cmpi sge, %get3A_1355, %ge3A_1357 : vector<16xi32>
        %sub3A_1359 = arith.constant 1000000 : i32
        %sub3A_1360 = vector.broadcast %sub3A_1359 : i32 to vector<16xi32>
        %sub3A_1361 = arith.subi %get3A_1355, %sub3A_1360 : vector<16xi32>
        %jit3A_1362 = arith.constant 0 : i32
        %broadcast_in_dim3A_1363 = vector.broadcast %jit3A_1362 : i32 to vector<16xi32>
        %select_n3A_1364 = arith.select %ge3A_1358, %sub3A_1361, %broadcast_in_dim3A_1363 : vector<16xi1>, vector<16xi32>
        %reduce_max3A = arith.constant true
        %reduce_max3A_1365 = vector.broadcast %reduce_max3A : i1 to vector<16xi1>
        %reduce_max3A_1366 = arith.constant -2147483648 : i32
        %reduce_max3A_1367 = vector.broadcast %reduce_max3A_1366 : i32 to vector<16xi32>
        %reduce_max3A_1368 = arith.xori %get3A_1355, %reduce_max3A_1367 : vector<16xi32>
        %reduce_max3A_1369 = tpu.scan <max>, %reduce_max3A_1368 masked %reduce_max3A_1365 : vector<16xi32>, vector<16xi1> -> vector<16xi32>
        %reduce_max3A_1370 = arith.xori %reduce_max3A_1369, %reduce_max3A_1367 : vector<16xi32>
        %reduce_max3A_1371 = vector.extract %reduce_max3A_1370[15] : i32 from vector<16xi32>
        %ge3A_1372 = arith.constant 1000000 : i32
        %ge3A_1373 = arith.cmpi sge, %reduce_max3A_1371, %ge3A_1372 : i32
        %convert_element_type3A = arith.extui %ge3A_1373 : i1 to i32
        %cond3A = arith.constant 0 : i32
        %cond3A_1374 = arith.cmpi ne, %convert_element_type3A, %cond3A : i32
        scf.if %cond3A_1374 {
          %add3A_1376 = arith.constant 0 : i32
          %add3A_1377 = arith.addi %add3A_1376, %min3A_1351 : i32
          %iota3A = tpu.iota {dimensions = array<i32: 0>} : vector<16xi32>
          %add3A_1378 = vector.broadcast %add3A_1377 : i32 to vector<16xi32>
          %add3A_1379 = arith.addi %add3A_1378, %iota3A : vector<16xi32>
          %scan3A_1380 = arith.constant 0 : i32
          %scan3A_1381 = arith.constant 0 : i32
          %scan3A_1382 = arith.constant 64 : i32
          %scan3A_1383 = arith.addi %scan3A_1381, %scan3A_1382 : i32
          %scan3A_1384 = arith.constant 1 : i32
          %scan3A_1385 = scf.for %scan3A_1387 = %scan3A_1381 to %scan3A_1383 step %scan3A_1384 iter_args(%scan3A_1388 = %scan3A_1380) -> (i32)  : i32 {
            %broadcast_in_dim3A_1389 = vector.broadcast %scan3A_1387 : i32 to vector<16xi32>
            %gather3A = tpu.vector_load_idx %arg14[%select_n3A_1364, %broadcast_in_dim3A_1389] masked %ge3A_1358 : memref<20x64xf32, #tpu.memory_space<vmem>>[vector<16xi32>, vector<16xi32>], vector<16xf32>, vector<16xi1>
            tpu.vector_store_idx %arg13[%add3A_1379, %broadcast_in_dim3A_1389], %gather3A masked %ge3A_1358 : memref<400x64xf32, #tpu.memory_space<vmem>>[vector<16xi32>, vector<16xi32>], vector<16xf32>, vector<16xi1>
            %scan3A_1390 = arith.constant 0 : i32
            scf.yield %scan3A_1390 : i32
          }
          %scan3A_1386 = arith.constant 64 : i32
        } else {
        }
        %scan3A_1375 = arith.constant 0 : i32
        scf.yield %scan3A_1375 : i32
      }
      %scan3A_790 = arith.constant 13 : i32
      %scan3A_791 = arith.constant 0 : i32
      %scan3A_792 = arith.constant 0 : i32
      %scan3A_793 = arith.constant 13 : i32
      %scan3A_794 = arith.addi %scan3A_792, %scan3A_793 : i32
      %scan3A_795 = arith.constant 1 : i32
      %scan3A_796 = scf.for %scan3A_1346 = %scan3A_792 to %scan3A_794 step %scan3A_795 iter_args(%scan3A_1347 = %scan3A_791) -> (i32)  : i32 {
        %mul3A_1348 = arith.constant 16 : i32
        %mul3A_1349 = arith.muli %scan3A_1346, %mul3A_1348 : i32
        %min3A_1350 = arith.constant 184 : i32
        %min3A_1351 = arith.minsi %mul3A_1349, %min3A_1350 : i32
        %get3A_1352 = arith.constant 1 : i32
        %get3A_1353 = arith.index_cast %get3A_1352 : i32 to index
        %get3A_1354 = arith.index_cast %min3A_1351 : i32 to index
        %get3A_1355 = tpu.vector_load %arg7[%get3A_1353, %get3A_1354] {strides = array<i32>} : memref<2x200xi32, #tpu.memory_space<vmem>>, vector<16xi32>,
        %ge3A_1356 = arith.constant 1000000 : i32
        %ge3A_1357 = vector.broadcast %ge3A_1356 : i32 to vector<16xi32>
        %ge3A_1358 = arith.cmpi sge, %get3A_1355, %ge3A_1357 : vector<16xi32>
        %sub3A_1359 = arith.constant 1000000 : i32
        %sub3A_1360 = vector.broadcast %sub3A_1359 : i32 to vector<16xi32>
        %sub3A_1361 = arith.subi %get3A_1355, %sub3A_1360 : vector<16xi32>
        %jit3A_1362 = arith.constant 0 : i32
        %broadcast_in_dim3A_1363 = vector.broadcast %jit3A_1362 : i32 to vector<16xi32>
        %select_n3A_1364 = arith.select %ge3A_1358, %sub3A_1361, %broadcast_in_dim3A_1363 : vector<16xi1>, vector<16xi32>
        %reduce_max3A = arith.constant true
        %reduce_max3A_1365 = vector.broadcast %reduce_max3A : i1 to vector<16xi1>
        %reduce_max3A_1366 = arith.constant -2147483648 : i32
        %reduce_max3A_1367 = vector.broadcast %reduce_max3A_1366 : i32 to vector<16xi32>
        %reduce_max3A_1368 = arith.xori %get3A_1355, %reduce_max3A_1367 : vector<16xi32>
        %reduce_max3A_1369 = tpu.scan <max>, %reduce_max3A_1368 masked %reduce_max3A_1365 : vector<16xi32>, vector<16xi1> -> vector<16xi32>
        %reduce_max3A_1370 = arith.xori %reduce_max3A_1369, %reduce_max3A_1367 : vector<16xi32>
        %reduce_max3A_1371 = vector.extract %reduce_max3A_1370[15] : i32 from vector<16xi32>
        %ge3A_1372 = arith.constant 1000000 : i32
        %ge3A_1373 = arith.cmpi sge, %reduce_max3A_1371, %ge3A_1372 : i32
        %convert_element_type3A = arith.extui %ge3A_1373 : i1 to i32
        %cond3A = arith.constant 0 : i32
        %cond3A_1374 = arith.cmpi ne, %convert_element_type3A, %cond3A : i32
        scf.if %cond3A_1374 {
          %add3A_1376 = arith.constant 200 : i32
          %add3A_1377 = arith.addi %add3A_1376, %min3A_1351 : i32
          %iota3A = tpu.iota {dimensions = array<i32: 0>} : vector<16xi32>
          %add3A_1378 = vector.broadcast %add3A_1377 : i32 to vector<16xi32>
          %add3A_1379 = arith.addi %add3A_1378, %iota3A : vector<16xi32>
          %scan3A_1380 = arith.constant 0 : i32
          %scan3A_1381 = arith.constant 0 : i32
          %scan3A_1382 = arith.constant 64 : i32
          %scan3A_1383 = arith.addi %scan3A_1381, %scan3A_1382 : i32
          %scan3A_1384 = arith.constant 1 : i32
          %scan3A_1385 = scf.for %scan3A_1387 = %scan3A_1381 to %scan3A_1383 step %scan3A_1384 iter_args(%scan3A_1388 = %scan3A_1380) -> (i32)  : i32 {
            %broadcast_in_dim3A_1389 = vector.broadcast %scan3A_1387 : i32 to vector<16xi32>
            %gather3A = tpu.vector_load_idx %arg14[%select_n3A_1364, %broadcast_in_dim3A_1389] masked %ge3A_1358 : memref<20x64xf32, #tpu.memory_space<vmem>>[vector<16xi32>, vector<16xi32>], vector<16xf32>, vector<16xi1>
            tpu.vector_store_idx %arg13[%add3A_1379, %broadcast_in_dim3A_1389], %gather3A masked %ge3A_1358 : memref<400x64xf32, #tpu.memory_space<vmem>>[vector<16xi32>, vector<16xi32>], vector<16xf32>, vector<16xi1>
            %scan3A_1390 = arith.constant 0 : i32
            scf.yield %scan3A_1390 : i32
          }
          %scan3A_1386 = arith.constant 64 : i32
        } else {
        }
        %scan3A_1375 = arith.constant 0 : i32
        scf.yield %scan3A_1375 : i32
      }
      %scan3A_797 = arith.constant 13 : i32
      %sub3A = arith.constant 1 : i32
      %sub3A_798 = arith.subi %add3A_655, %sub3A : i32
      %mul3A_799 = arith.constant 2 : i32
      %mul3A_800 = arith.muli %sub3A_798, %mul3A_799 : i32
      %add3A_801 = arith.addi %mul3A_2, %mul3A_800 : i32
      %mul3A_802 = arith.constant 200 : i32
      %mul3A_803 = arith.muli %add3A_801, %mul3A_802 : i32
      %dma_start3A_804 = arith.constant 0 : i32
      %dma_start3A_805 = tpu.memref_slice %arg5[%mul3A_803, %dma_start3A_804] : memref<819200x128xf32, #tpu.memory_space<hbm>> -> memref<400x128xf32, #tpu.memory_space<hbm>>
      %dma_start3A_806 = arith.constant 0 : i32
      %dma_start3A_807 = arith.constant 0 : i32
      %dma_start3A_808 = tpu.memref_slice %dma_start3A_805[%dma_start3A_806, %dma_start3A_807] : memref<400x128xf32, #tpu.memory_space<hbm>> -> memref<400x64xf32, #tpu.memory_space<hbm>>
      %dma_start3A_809 = arith.constant 0 : i32
      %dma_start3A_810 = tpu.memref_slice %arg5[%mul3A_803, %dma_start3A_809] : memref<819200x128xf32, #tpu.memory_space<hbm>> -> memref<400x128xf32, #tpu.memory_space<hbm>>
      %dma_start3A_811 = arith.constant 0 : i32
      %dma_start3A_812 = arith.constant 0 : i32
      %dma_start3A_813 = tpu.memref_slice %dma_start3A_810[%dma_start3A_811, %dma_start3A_812] : memref<400x128xf32, #tpu.memory_space<hbm>> -> memref<400x64xf32, #tpu.memory_space<hbm>>
      tpu.enqueue_dma source(%arg13 : memref<400x64xf32, #tpu.memory_space<vmem>>) target(%dma_start3A_813 : memref<400x64xf32, #tpu.memory_space<hbm>>) target_semaphore(%arg22 : memref<!tpu.dma_semaphore, #tpu.memory_space<semaphore_mem>>)
      %add3A_814 = arith.constant 2 : i32
      %add3A_815 = arith.addi %add3A_655, %add3A_814 : i32
      %mul3A_816 = arith.constant 2 : i32
      %mul3A_817 = arith.muli %add3A_815, %mul3A_816 : i32
      %add3A_818 = arith.addi %mul3A_2, %mul3A_817 : i32
      %dma_start3A_819 = arith.constant 0 : i32
      %dma_start3A_820 = tpu.memref_slice %arg2[%add3A_818, %dma_start3A_819] : memref<4096x200xi32, #tpu.memory_space<hbm>> -> memref<2x200xi32, #tpu.memory_space<hbm>>
      %dma_start3A_821 = arith.constant 0 : i32
      %dma_start3A_822 = tpu.memref_slice %arg2[%add3A_818, %dma_start3A_821] : memref<4096x200xi32, #tpu.memory_space<hbm>> -> memref<2x200xi32, #tpu.memory_space<hbm>>
      tpu.enqueue_dma source(%dma_start3A_822 : memref<2x200xi32, #tpu.memory_space<hbm>>) target(%arg6 : memref<2x200xi32, #tpu.memory_space<vmem>>) target_semaphore(%arg15 : memref<!tpu.dma_semaphore, #tpu.memory_space<semaphore_mem>>)
      %mul3A_823 = arith.constant 4 : i32
      %mul3A_824 = arith.muli %scan3A_648, %mul3A_823 : i32
      %add3A_825 = arith.constant 2 : i32
      %add3A_826 = arith.addi %add3A_825, %mul3A_824 : i32
      %add3A_827 = arith.constant 1 : i32
      %add3A_828 = arith.addi %add3A_826, %add3A_827 : i32
      %dma_wait3A_829 = arith.constant 0 : i32
      %dma_wait3A_830 = arith.constant 0 : i32
      %dma_wait3A_831 = tpu.memref_slice %arg2[%dma_wait3A_829, %dma_wait3A_830] : memref<4096x200xi32, #tpu.memory_space<hbm>> -> memref<2x200xi32, #tpu.memory_space<hbm>>
      %dma_wait3A_832 = arith.constant 0 : i32
      %dma_wait3A_833 = arith.constant 0 : i32
      %dma_wait3A_834 = tpu.memref_slice %arg2[%dma_wait3A_832, %dma_wait3A_833] : memref<4096x200xi32, #tpu.memory_space<hbm>> -> memref<2x200xi32, #tpu.memory_space<hbm>>
      tpu.wait_dma2 semaphore(%arg18 : memref<!tpu.dma_semaphore, #tpu.memory_space<semaphore_mem>>) src(%dma_wait3A_834 : memref<2x200xi32, #tpu.memory_space<hbm>>) dst(%arg9 : memref<2x200xi32, #tpu.memory_space<vmem>>)
      %scan3A_835 = arith.constant 0 : i32
      %scan3A_836 = arith.constant 0 : i32
      %scan3A_837 = arith.constant 12 : i32
      %scan3A_838 = arith.addi %scan3A_836, %scan3A_837 : i32
      %scan3A_839 = arith.constant 4 : i32
      %scan3A_840 = scf.for %scan3A_1346 = %scan3A_836 to %scan3A_838 step %scan3A_839 iter_args(%scan3A_1347 = %scan3A_835) -> (i32)  : i32 {
        %mul3A_1348 = arith.constant 16 : i32
        %mul3A_1349 = arith.muli %scan3A_1346, %mul3A_1348 : i32
        %min3A_1350 = arith.constant 184 : i32
        %min3A_1351 = arith.minsi %mul3A_1349, %min3A_1350 : i32
        %get3A_1352 = arith.constant 0 : i32
        %get3A_1353 = arith.index_cast %get3A_1352 : i32 to index
        %get3A_1354 = arith.index_cast %min3A_1351 : i32 to index
        %get3A_1355 = tpu.vector_load %arg9[%get3A_1353, %get3A_1354] {strides = array<i32>} : memref<2x200xi32, #tpu.memory_space<vmem>>, vector<16xi32>,
        %ge3A_1356 = arith.constant 1000000 : i32
        %ge3A_1357 = vector.broadcast %ge3A_1356 : i32 to vector<16xi32>
        %ge3A_1358 = arith.cmpi sge, %get3A_1355, %ge3A_1357 : vector<16xi32>
        %jit3A_1359 = arith.constant 0 : i32
        %broadcast_in_dim3A_1360 = vector.broadcast %jit3A_1359 : i32 to vector<16xi32>
        %select_n3A_1361 = arith.select %ge3A_1358, %broadcast_in_dim3A_1360, %get3A_1355 : vector<16xi1>, vector<16xi32>
        %swap3A_1362 = arith.constant 0 : i32
        %swap3A_1363 = arith.index_cast %swap3A_1362 : i32 to index
        %swap3A_1364 = arith.index_cast %min3A_1351 : i32 to index
        %swap3A_1365 = tpu.vector_load %arg11[%swap3A_1363, %swap3A_1364] {strides = array<i32>} : memref<2x200xi32, #tpu.memory_space<vmem>>, vector<16xi32>,
        tpu.vector_store %arg11[%swap3A_1363, %swap3A_1364], %select_n3A_1361 {strides = array<i32>} : memref<2x200xi32, #tpu.memory_space<vmem>>, vector<16xi32>,
        %scan3A_1366 = arith.constant 0 : i32
        %scan3A_1367 = arith.constant 1 : i32
        %scan3A_1368 = arith.addi %scan3A_1346, %scan3A_1367 : i32
        %mul3A_1369 = arith.constant 16 : i32
        %mul3A_1370 = arith.muli %scan3A_1368, %mul3A_1369 : i32
        %min3A_1371 = arith.constant 184 : i32
        %min3A_1372 = arith.minsi %mul3A_1370, %min3A_1371 : i32
        %get3A_1373 = arith.constant 0 : i32
        %get3A_1374 = arith.index_cast %get3A_1373 : i32 to index
        %get3A_1375 = arith.index_cast %min3A_1372 : i32 to index
        %get3A_1376 = tpu.vector_load %arg9[%get3A_1374, %get3A_1375] {strides = array<i32>} : memref<2x200xi32, #tpu.memory_space<vmem>>, vector<16xi32>,
        %ge3A_1377 = arith.constant 1000000 : i32
        %ge3A_1378 = vector.broadcast %ge3A_1377 : i32 to vector<16xi32>
        %ge3A_1379 = arith.cmpi sge, %get3A_1376, %ge3A_1378 : vector<16xi32>
        %jit3A_1380 = arith.constant 0 : i32
        %broadcast_in_dim3A_1381 = vector.broadcast %jit3A_1380 : i32 to vector<16xi32>
        %select_n3A_1382 = arith.select %ge3A_1379, %broadcast_in_dim3A_1381, %get3A_1376 : vector<16xi1>, vector<16xi32>
        %swap3A_1383 = arith.constant 0 : i32
        %swap3A_1384 = arith.index_cast %swap3A_1383 : i32 to index
        %swap3A_1385 = arith.index_cast %min3A_1372 : i32 to index
        %swap3A_1386 = tpu.vector_load %arg11[%swap3A_1384, %swap3A_1385] {strides = array<i32>} : memref<2x200xi32, #tpu.memory_space<vmem>>, vector<16xi32>,
        tpu.vector_store %arg11[%swap3A_1384, %swap3A_1385], %select_n3A_1382 {strides = array<i32>} : memref<2x200xi32, #tpu.memory_space<vmem>>, vector<16xi32>,
        %scan3A_1387 = arith.constant 0 : i32
        %scan3A_1388 = arith.constant 2 : i32
        %scan3A_1389 = arith.addi %scan3A_1346, %scan3A_1388 : i32
        %mul3A_1390 = arith.constant 16 : i32
        %mul3A_1391 = arith.muli %scan3A_1389, %mul3A_1390 : i32
        %min3A_1392 = arith.constant 184 : i32
        %min3A_1393 = arith.minsi %mul3A_1391, %min3A_1392 : i32
        %get3A_1394 = arith.constant 0 : i32
        %get3A_1395 = arith.index_cast %get3A_1394 : i32 to index
        %get3A_1396 = arith.index_cast %min3A_1393 : i32 to index
        %get3A_1397 = tpu.vector_load %arg9[%get3A_1395, %get3A_1396] {strides = array<i32>} : memref<2x200xi32, #tpu.memory_space<vmem>>, vector<16xi32>,
        %ge3A_1398 = arith.constant 1000000 : i32
        %ge3A_1399 = vector.broadcast %ge3A_1398 : i32 to vector<16xi32>
        %ge3A_1400 = arith.cmpi sge, %get3A_1397, %ge3A_1399 : vector<16xi32>
        %jit3A_1401 = arith.constant 0 : i32
        %broadcast_in_dim3A_1402 = vector.broadcast %jit3A_1401 : i32 to vector<16xi32>
        %select_n3A_1403 = arith.select %ge3A_1400, %broadcast_in_dim3A_1402, %get3A_1397 : vector<16xi1>, vector<16xi32>
        %swap3A_1404 = arith.constant 0 : i32
        %swap3A_1405 = arith.index_cast %swap3A_1404 : i32 to index
        %swap3A_1406 = arith.index_cast %min3A_1393 : i32 to index
        %swap3A_1407 = tpu.vector_load %arg11[%swap3A_1405, %swap3A_1406] {strides = array<i32>} : memref<2x200xi32, #tpu.memory_space<vmem>>, vector<16xi32>,
        tpu.vector_store %arg11[%swap3A_1405, %swap3A_1406], %select_n3A_1403 {strides = array<i32>} : memref<2x200xi32, #tpu.memory_space<vmem>>, vector<16xi32>,
        %scan3A_1408 = arith.constant 0 : i32
        %scan3A_1409 = arith.constant 3 : i32
        %scan3A_1410 = arith.addi %scan3A_1346, %scan3A_1409 : i32
        %mul3A_1411 = arith.constant 16 : i32
        %mul3A_1412 = arith.muli %scan3A_1410, %mul3A_1411 : i32
        %min3A_1413 = arith.constant 184 : i32
        %min3A_1414 = arith.minsi %mul3A_1412, %min3A_1413 : i32
        %get3A_1415 = arith.constant 0 : i32
        %get3A_1416 = arith.index_cast %get3A_1415 : i32 to index
        %get3A_1417 = arith.index_cast %min3A_1414 : i32 to index
        %get3A_1418 = tpu.vector_load %arg9[%get3A_1416, %get3A_1417] {strides = array<i32>} : memref<2x200xi32, #tpu.memory_space<vmem>>, vector<16xi32>,
        %ge3A_1419 = arith.constant 1000000 : i32
        %ge3A_1420 = vector.broadcast %ge3A_1419 : i32 to vector<16xi32>
        %ge3A_1421 = arith.cmpi sge, %get3A_1418, %ge3A_1420 : vector<16xi32>
        %jit3A_1422 = arith.constant 0 : i32
        %broadcast_in_dim3A_1423 = vector.broadcast %jit3A_1422 : i32 to vector<16xi32>
        %select_n3A_1424 = arith.select %ge3A_1421, %broadcast_in_dim3A_1423, %get3A_1418 : vector<16xi1>, vector<16xi32>
        %swap3A_1425 = arith.constant 0 : i32
        %swap3A_1426 = arith.index_cast %swap3A_1425 : i32 to index
        %swap3A_1427 = arith.index_cast %min3A_1414 : i32 to index
        %swap3A_1428 = tpu.vector_load %arg11[%swap3A_1426, %swap3A_1427] {strides = array<i32>} : memref<2x200xi32, #tpu.memory_space<vmem>>, vector<16xi32>,
        tpu.vector_store %arg11[%swap3A_1426, %swap3A_1427], %select_n3A_1424 {strides = array<i32>} : memref<2x200xi32, #tpu.memory_space<vmem>>, vector<16xi32>,
        %scan3A_1429 = arith.constant 0 : i32
        scf.yield %scan3A_1429 : i32
      }
      %scan3A_841 = arith.constant 12 : i32
      %scan3A_842 = arith.addi %scan3A_836, %scan3A_841 : i32
      %mul3A_843 = arith.constant 16 : i32
      %mul3A_844 = arith.muli %scan3A_842, %mul3A_843 : i32
      %min3A_845 = arith.constant 184 : i32
      %min3A_846 = arith.minsi %mul3A_844, %min3A_845 : i32
      %get3A_847 = arith.constant 0 : i32
      %get3A_848 = arith.index_cast %get3A_847 : i32 to index
      %get3A_849 = arith.index_cast %min3A_846 : i32 to index
      %get3A_850 = tpu.vector_load %arg9[%get3A_848, %get3A_849] {strides = array<i32>} : memref<2x200xi32, #tpu.memory_space<vmem>>, vector<16xi32>,
      %ge3A_851 = arith.constant 1000000 : i32
      %ge3A_852 = vector.broadcast %ge3A_851 : i32 to vector<16xi32>
      %ge3A_853 = arith.cmpi sge, %get3A_850, %ge3A_852 : vector<16xi32>
      %jit3A_854 = arith.constant 0 : i32
      %broadcast_in_dim3A_855 = vector.broadcast %jit3A_854 : i32 to vector<16xi32>
      %select_n3A_856 = arith.select %ge3A_853, %broadcast_in_dim3A_855, %get3A_850 : vector<16xi1>, vector<16xi32>
      %swap3A_857 = arith.constant 0 : i32
      %swap3A_858 = arith.index_cast %swap3A_857 : i32 to index
      %swap3A_859 = arith.index_cast %min3A_846 : i32 to index
      %swap3A_860 = tpu.vector_load %arg11[%swap3A_858, %swap3A_859] {strides = array<i32>} : memref<2x200xi32, #tpu.memory_space<vmem>>, vector<16xi32>,
      tpu.vector_store %arg11[%swap3A_858, %swap3A_859], %select_n3A_856 {strides = array<i32>} : memref<2x200xi32, #tpu.memory_space<vmem>>, vector<16xi32>,
      %scan3A_861 = arith.constant 0 : i32
      %scan3A_862 = arith.constant 13 : i32
      %scan3A_863 = arith.constant 0 : i32
      %scan3A_864 = arith.constant 0 : i32
      %scan3A_865 = arith.constant 12 : i32
      %scan3A_866 = arith.addi %scan3A_864, %scan3A_865 : i32
      %scan3A_867 = arith.constant 4 : i32
      %scan3A_868 = scf.for %scan3A_1346 = %scan3A_864 to %scan3A_866 step %scan3A_867 iter_args(%scan3A_1347 = %scan3A_863) -> (i32)  : i32 {
        %mul3A_1348 = arith.constant 16 : i32
        %mul3A_1349 = arith.muli %scan3A_1346, %mul3A_1348 : i32
        %min3A_1350 = arith.constant 184 : i32
        %min3A_1351 = arith.minsi %mul3A_1349, %min3A_1350 : i32
        %get3A_1352 = arith.constant 1 : i32
        %get3A_1353 = arith.index_cast %get3A_1352 : i32 to index
        %get3A_1354 = arith.index_cast %min3A_1351 : i32 to index
        %get3A_1355 = tpu.vector_load %arg9[%get3A_1353, %get3A_1354] {strides = array<i32>} : memref<2x200xi32, #tpu.memory_space<vmem>>, vector<16xi32>,
        %ge3A_1356 = arith.constant 1000000 : i32
        %ge3A_1357 = vector.broadcast %ge3A_1356 : i32 to vector<16xi32>
        %ge3A_1358 = arith.cmpi sge, %get3A_1355, %ge3A_1357 : vector<16xi32>
        %jit3A_1359 = arith.constant 0 : i32
        %broadcast_in_dim3A_1360 = vector.broadcast %jit3A_1359 : i32 to vector<16xi32>
        %select_n3A_1361 = arith.select %ge3A_1358, %broadcast_in_dim3A_1360, %get3A_1355 : vector<16xi1>, vector<16xi32>
        %swap3A_1362 = arith.constant 1 : i32
        %swap3A_1363 = arith.index_cast %swap3A_1362 : i32 to index
        %swap3A_1364 = arith.index_cast %min3A_1351 : i32 to index
        %swap3A_1365 = tpu.vector_load %arg11[%swap3A_1363, %swap3A_1364] {strides = array<i32>} : memref<2x200xi32, #tpu.memory_space<vmem>>, vector<16xi32>,
        tpu.vector_store %arg11[%swap3A_1363, %swap3A_1364], %select_n3A_1361 {strides = array<i32>} : memref<2x200xi32, #tpu.memory_space<vmem>>, vector<16xi32>,
        %scan3A_1366 = arith.constant 0 : i32
        %scan3A_1367 = arith.constant 1 : i32
        %scan3A_1368 = arith.addi %scan3A_1346, %scan3A_1367 : i32
        %mul3A_1369 = arith.constant 16 : i32
        %mul3A_1370 = arith.muli %scan3A_1368, %mul3A_1369 : i32
        %min3A_1371 = arith.constant 184 : i32
        %min3A_1372 = arith.minsi %mul3A_1370, %min3A_1371 : i32
        %get3A_1373 = arith.constant 1 : i32
        %get3A_1374 = arith.index_cast %get3A_1373 : i32 to index
        %get3A_1375 = arith.index_cast %min3A_1372 : i32 to index
        %get3A_1376 = tpu.vector_load %arg9[%get3A_1374, %get3A_1375] {strides = array<i32>} : memref<2x200xi32, #tpu.memory_space<vmem>>, vector<16xi32>,
        %ge3A_1377 = arith.constant 1000000 : i32
        %ge3A_1378 = vector.broadcast %ge3A_1377 : i32 to vector<16xi32>
        %ge3A_1379 = arith.cmpi sge, %get3A_1376, %ge3A_1378 : vector<16xi32>
        %jit3A_1380 = arith.constant 0 : i32
        %broadcast_in_dim3A_1381 = vector.broadcast %jit3A_1380 : i32 to vector<16xi32>
        %select_n3A_1382 = arith.select %ge3A_1379, %broadcast_in_dim3A_1381, %get3A_1376 : vector<16xi1>, vector<16xi32>
        %swap3A_1383 = arith.constant 1 : i32
        %swap3A_1384 = arith.index_cast %swap3A_1383 : i32 to index
        %swap3A_1385 = arith.index_cast %min3A_1372 : i32 to index
        %swap3A_1386 = tpu.vector_load %arg11[%swap3A_1384, %swap3A_1385] {strides = array<i32>} : memref<2x200xi32, #tpu.memory_space<vmem>>, vector<16xi32>,
        tpu.vector_store %arg11[%swap3A_1384, %swap3A_1385], %select_n3A_1382 {strides = array<i32>} : memref<2x200xi32, #tpu.memory_space<vmem>>, vector<16xi32>,
        %scan3A_1387 = arith.constant 0 : i32
        %scan3A_1388 = arith.constant 2 : i32
        %scan3A_1389 = arith.addi %scan3A_1346, %scan3A_1388 : i32
        %mul3A_1390 = arith.constant 16 : i32
        %mul3A_1391 = arith.muli %scan3A_1389, %mul3A_1390 : i32
        %min3A_1392 = arith.constant 184 : i32
        %min3A_1393 = arith.minsi %mul3A_1391, %min3A_1392 : i32
        %get3A_1394 = arith.constant 1 : i32
        %get3A_1395 = arith.index_cast %get3A_1394 : i32 to index
        %get3A_1396 = arith.index_cast %min3A_1393 : i32 to index
        %get3A_1397 = tpu.vector_load %arg9[%get3A_1395, %get3A_1396] {strides = array<i32>} : memref<2x200xi32, #tpu.memory_space<vmem>>, vector<16xi32>,
        %ge3A_1398 = arith.constant 1000000 : i32
        %ge3A_1399 = vector.broadcast %ge3A_1398 : i32 to vector<16xi32>
        %ge3A_1400 = arith.cmpi sge, %get3A_1397, %ge3A_1399 : vector<16xi32>
        %jit3A_1401 = arith.constant 0 : i32
        %broadcast_in_dim3A_1402 = vector.broadcast %jit3A_1401 : i32 to vector<16xi32>
        %select_n3A_1403 = arith.select %ge3A_1400, %broadcast_in_dim3A_1402, %get3A_1397 : vector<16xi1>, vector<16xi32>
        %swap3A_1404 = arith.constant 1 : i32
        %swap3A_1405 = arith.index_cast %swap3A_1404 : i32 to index
        %swap3A_1406 = arith.index_cast %min3A_1393 : i32 to index
        %swap3A_1407 = tpu.vector_load %arg11[%swap3A_1405, %swap3A_1406] {strides = array<i32>} : memref<2x200xi32, #tpu.memory_space<vmem>>, vector<16xi32>,
        tpu.vector_store %arg11[%swap3A_1405, %swap3A_1406], %select_n3A_1403 {strides = array<i32>} : memref<2x200xi32, #tpu.memory_space<vmem>>, vector<16xi32>,
        %scan3A_1408 = arith.constant 0 : i32
        %scan3A_1409 = arith.constant 3 : i32
        %scan3A_1410 = arith.addi %scan3A_1346, %scan3A_1409 : i32
        %mul3A_1411 = arith.constant 16 : i32
        %mul3A_1412 = arith.muli %scan3A_1410, %mul3A_1411 : i32
        %min3A_1413 = arith.constant 184 : i32
        %min3A_1414 = arith.minsi %mul3A_1412, %min3A_1413 : i32
        %get3A_1415 = arith.constant 1 : i32
        %get3A_1416 = arith.index_cast %get3A_1415 : i32 to index
        %get3A_1417 = arith.index_cast %min3A_1414 : i32 to index
        %get3A_1418 = tpu.vector_load %arg9[%get3A_1416, %get3A_1417] {strides = array<i32>} : memref<2x200xi32, #tpu.memory_space<vmem>>, vector<16xi32>,
        %ge3A_1419 = arith.constant 1000000 : i32
        %ge3A_1420 = vector.broadcast %ge3A_1419 : i32 to vector<16xi32>
        %ge3A_1421 = arith.cmpi sge, %get3A_1418, %ge3A_1420 : vector<16xi32>
        %jit3A_1422 = arith.constant 0 : i32
        %broadcast_in_dim3A_1423 = vector.broadcast %jit3A_1422 : i32 to vector<16xi32>
        %select_n3A_1424 = arith.select %ge3A_1421, %broadcast_in_dim3A_1423, %get3A_1418 : vector<16xi1>, vector<16xi32>
        %swap3A_1425 = arith.constant 1 : i32
        %swap3A_1426 = arith.index_cast %swap3A_1425 : i32 to index
        %swap3A_1427 = arith.index_cast %min3A_1414 : i32 to index
        %swap3A_1428 = tpu.vector_load %arg11[%swap3A_1426, %swap3A_1427] {strides = array<i32>} : memref<2x200xi32, #tpu.memory_space<vmem>>, vector<16xi32>,
        tpu.vector_store %arg11[%swap3A_1426, %swap3A_1427], %select_n3A_1424 {strides = array<i32>} : memref<2x200xi32, #tpu.memory_space<vmem>>, vector<16xi32>,
        %scan3A_1429 = arith.constant 0 : i32
        scf.yield %scan3A_1429 : i32
      }
      %scan3A_869 = arith.constant 12 : i32
      %scan3A_870 = arith.addi %scan3A_864, %scan3A_869 : i32
      %mul3A_871 = arith.constant 16 : i32
      %mul3A_872 = arith.muli %scan3A_870, %mul3A_871 : i32
      %min3A_873 = arith.constant 184 : i32
      %min3A_874 = arith.minsi %mul3A_872, %min3A_873 : i32
      %get3A_875 = arith.constant 1 : i32
      %get3A_876 = arith.index_cast %get3A_875 : i32 to index
      %get3A_877 = arith.index_cast %min3A_874 : i32 to index
      %get3A_878 = tpu.vector_load %arg9[%get3A_876, %get3A_877] {strides = array<i32>} : memref<2x200xi32, #tpu.memory_space<vmem>>, vector<16xi32>,
      %ge3A_879 = arith.constant 1000000 : i32
      %ge3A_880 = vector.broadcast %ge3A_879 : i32 to vector<16xi32>
      %ge3A_881 = arith.cmpi sge, %get3A_878, %ge3A_880 : vector<16xi32>
      %jit3A_882 = arith.constant 0 : i32
      %broadcast_in_dim3A_883 = vector.broadcast %jit3A_882 : i32 to vector<16xi32>
      %select_n3A_884 = arith.select %ge3A_881, %broadcast_in_dim3A_883, %get3A_878 : vector<16xi1>, vector<16xi32>
      %swap3A_885 = arith.constant 1 : i32
      %swap3A_886 = arith.index_cast %swap3A_885 : i32 to index
      %swap3A_887 = arith.index_cast %min3A_874 : i32 to index
      %swap3A_888 = tpu.vector_load %arg11[%swap3A_886, %swap3A_887] {strides = array<i32>} : memref<2x200xi32, #tpu.memory_space<vmem>>, vector<16xi32>,
      tpu.vector_store %arg11[%swap3A_886, %swap3A_887], %select_n3A_884 {strides = array<i32>} : memref<2x200xi32, #tpu.memory_space<vmem>>, vector<16xi32>,
      %scan3A_889 = arith.constant 0 : i32
      %scan3A_890 = arith.constant 13 : i32
      %dma_wait3A_891 = arith.constant 0 : i32
      %dma_wait3A_892 = arith.constant 0 : i32
      %dma_wait3A_893 = tpu.memref_slice %arg5[%dma_wait3A_891, %dma_wait3A_892] : memref<819200x128xf32, #tpu.memory_space<hbm>> -> memref<400x128xf32, #tpu.memory_space<hbm>>
      %dma_wait3A_894 = arith.constant 0 : i32
      %dma_wait3A_895 = arith.constant 0 : i32
      %dma_wait3A_896 = tpu.memref_slice %dma_wait3A_893[%dma_wait3A_894, %dma_wait3A_895] : memref<400x128xf32, #tpu.memory_space<hbm>> -> memref<400x64xf32, #tpu.memory_space<hbm>>
      %dma_wait3A_897 = arith.constant 0 : i32
      %dma_wait3A_898 = arith.constant 0 : i32
      %dma_wait3A_899 = tpu.memref_slice %arg5[%dma_wait3A_897, %dma_wait3A_898] : memref<819200x128xf32, #tpu.memory_space<hbm>> -> memref<400x128xf32, #tpu.memory_space<hbm>>
      %dma_wait3A_900 = arith.constant 0 : i32
      %dma_wait3A_901 = arith.constant 0 : i32
      %dma_wait3A_902 = tpu.memref_slice %dma_wait3A_899[%dma_wait3A_900, %dma_wait3A_901] : memref<400x128xf32, #tpu.memory_space<hbm>> -> memref<400x64xf32, #tpu.memory_space<hbm>>
      tpu.wait_dma2 semaphore(%arg22 : memref<!tpu.dma_semaphore, #tpu.memory_space<semaphore_mem>>) src(%arg13 : memref<400x64xf32, #tpu.memory_space<vmem>>) dst(%dma_wait3A_902 : memref<400x64xf32, #tpu.memory_space<hbm>>)
      %dma_start3A_903 = arith.constant 0 : i32
      %dma_start3A_904 = arith.constant 0 : i32
      %dma_start3A_905 = arith.constant 0 : i32
      %dma_start3A_906 = tpu.memref_slice %arg13[%dma_start3A_904, %dma_start3A_905] : memref<400x64xf32, #tpu.memory_space<vmem>> -> memref<128x64xf32, #tpu.memory_space<vmem>>
      %dma_start3A_907 = arith.constant 0 : i32
      %dma_start3A_908 = tpu.memref_slice %arg11[%dma_start3A_903, %dma_start3A_907] : memref<2x200xi32, #tpu.memory_space<vmem>> -> memref<1x200xi32, #tpu.memory_space<vmem>>
      %dma_start3A_909 = tpu.memref_squeeze %dma_start3A_908 : memref<1x200xi32, #tpu.memory_space<vmem>> -> memref<200xi32, #tpu.memory_space<vmem>>
      %dma_start3A_910 = arith.constant 0 : i32
      %dma_start3A_911 = tpu.memref_slice %dma_start3A_909[%dma_start3A_910] : memref<200xi32, #tpu.memory_space<vmem>> -> memref<128xi32, #tpu.memory_space<vmem>>
      %dma_start3A_912 = arith.constant 0 : i32
      %dma_start3A_913 = arith.constant 0 : i32
      %dma_start3A_914 = tpu.memref_slice %arg3[%dma_start3A_912, %dma_start3A_913] : memref<1000000x64xf32, #tpu.memory_space<hbm>> -> memref<1000000x64xf32, #tpu.memory_space<hbm>>
      tpu.enqueue_indirect_dma source(%dma_start3A_914 : memref<1000000x64xf32, #tpu.memory_space<hbm>>) target(%dma_start3A_906 : memref<128x64xf32, #tpu.memory_space<vmem>>) offsets(%dma_start3A_911 : memref<128xi32, #tpu.memory_space<vmem>>) semaphore(%arg20 : memref<!tpu.dma_semaphore, #tpu.memory_space<semaphore_mem>>)
      %dma_start3A_915 = arith.constant 0 : i32
      %dma_start3A_916 = arith.constant 128 : i32
      %dma_start3A_917 = arith.constant 0 : i32
      %dma_start3A_918 = tpu.memref_slice %arg13[%dma_start3A_916, %dma_start3A_917] : memref<400x64xf32, #tpu.memory_space<vmem>> -> memref<72x64xf32, #tpu.memory_space<vmem>>
      %dma_start3A_919 = arith.constant 0 : i32
      %dma_start3A_920 = tpu.memref_slice %arg11[%dma_start3A_915, %dma_start3A_919] : memref<2x200xi32, #tpu.memory_space<vmem>> -> memref<1x200xi32, #tpu.memory_space<vmem>>
      %dma_start3A_921 = tpu.memref_squeeze %dma_start3A_920 : memref<1x200xi32, #tpu.memory_space<vmem>> -> memref<200xi32, #tpu.memory_space<vmem>>
      %dma_start3A_922 = arith.constant 128 : i32
      %dma_start3A_923 = tpu.memref_slice %dma_start3A_921[%dma_start3A_922] : memref<200xi32, #tpu.memory_space<vmem>> -> memref<72xi32, #tpu.memory_space<vmem>>
      %dma_start3A_924 = arith.constant 0 : i32
      %dma_start3A_925 = arith.constant 0 : i32
      %dma_start3A_926 = tpu.memref_slice %arg3[%dma_start3A_924, %dma_start3A_925] : memref<1000000x64xf32, #tpu.memory_space<hbm>> -> memref<1000000x64xf32, #tpu.memory_space<hbm>>
      tpu.enqueue_indirect_dma source(%dma_start3A_926 : memref<1000000x64xf32, #tpu.memory_space<hbm>>) target(%dma_start3A_918 : memref<72x64xf32, #tpu.memory_space<vmem>>) offsets(%dma_start3A_923 : memref<72xi32, #tpu.memory_space<vmem>>) semaphore(%arg20 : memref<!tpu.dma_semaphore, #tpu.memory_space<semaphore_mem>>)
      %dma_start3A_927 = arith.constant 1 : i32
      %dma_start3A_928 = arith.constant 200 : i32
      %dma_start3A_929 = arith.constant 0 : i32
      %dma_start3A_930 = tpu.memref_slice %arg13[%dma_start3A_928, %dma_start3A_929] : memref<400x64xf32, #tpu.memory_space<vmem>> -> memref<128x64xf32, #tpu.memory_space<vmem>>
      %dma_start3A_931 = arith.constant 0 : i32
      %dma_start3A_932 = tpu.memref_slice %arg11[%dma_start3A_927, %dma_start3A_931] : memref<2x200xi32, #tpu.memory_space<vmem>> -> memref<1x200xi32, #tpu.memory_space<vmem>>
      %dma_start3A_933 = tpu.memref_squeeze %dma_start3A_932 : memref<1x200xi32, #tpu.memory_space<vmem>> -> memref<200xi32, #tpu.memory_space<vmem>>
      %dma_start3A_934 = arith.constant 0 : i32
      %dma_start3A_935 = tpu.memref_slice %dma_start3A_933[%dma_start3A_934] : memref<200xi32, #tpu.memory_space<vmem>> -> memref<128xi32, #tpu.memory_space<vmem>>
      %dma_start3A_936 = arith.constant 0 : i32
      %dma_start3A_937 = arith.constant 0 : i32
      %dma_start3A_938 = tpu.memref_slice %arg3[%dma_start3A_936, %dma_start3A_937] : memref<1000000x64xf32, #tpu.memory_space<hbm>> -> memref<1000000x64xf32, #tpu.memory_space<hbm>>
      tpu.enqueue_indirect_dma source(%dma_start3A_938 : memref<1000000x64xf32, #tpu.memory_space<hbm>>) target(%dma_start3A_930 : memref<128x64xf32, #tpu.memory_space<vmem>>) offsets(%dma_start3A_935 : memref<128xi32, #tpu.memory_space<vmem>>) semaphore(%arg20 : memref<!tpu.dma_semaphore, #tpu.memory_space<semaphore_mem>>)
      %dma_start3A_939 = arith.constant 1 : i32
      %dma_start3A_940 = arith.constant 328 : i32
      %dma_start3A_941 = arith.constant 0 : i32
      %dma_start3A_942 = tpu.memref_slice %arg13[%dma_start3A_940, %dma_start3A_941] : memref<400x64xf32, #tpu.memory_space<vmem>> -> memref<72x64xf32, #tpu.memory_space<vmem>>
      %dma_start3A_943 = arith.constant 0 : i32
      %dma_start3A_944 = tpu.memref_slice %arg11[%dma_start3A_939, %dma_start3A_943] : memref<2x200xi32, #tpu.memory_space<vmem>> -> memref<1x200xi32, #tpu.memory_space<vmem>>
      %dma_start3A_945 = tpu.memref_squeeze %dma_start3A_944 : memref<1x200xi32, #tpu.memory_space<vmem>> -> memref<200xi32, #tpu.memory_space<vmem>>
      %dma_start3A_946 = arith.constant 128 : i32
      %dma_start3A_947 = tpu.memref_slice %dma_start3A_945[%dma_start3A_946] : memref<200xi32, #tpu.memory_space<vmem>> -> memref<72xi32, #tpu.memory_space<vmem>>
      %dma_start3A_948 = arith.constant 0 : i32
      %dma_start3A_949 = arith.constant 0 : i32
      %dma_start3A_950 = tpu.memref_slice %arg3[%dma_start3A_948, %dma_start3A_949] : memref<1000000x64xf32, #tpu.memory_space<hbm>> -> memref<1000000x64xf32, #tpu.memory_space<hbm>>
      tpu.enqueue_indirect_dma source(%dma_start3A_950 : memref<1000000x64xf32, #tpu.memory_space<hbm>>) target(%dma_start3A_942 : memref<72x64xf32, #tpu.memory_space<vmem>>) offsets(%dma_start3A_947 : memref<72xi32, #tpu.memory_space<vmem>>) semaphore(%arg20 : memref<!tpu.dma_semaphore, #tpu.memory_space<semaphore_mem>>)
      %dma_wait3A_951 = arith.constant 0 : i32
      %dma_wait3A_952 = arith.constant 0 : i32
      %dma_wait3A_953 = tpu.memref_slice %arg3[%dma_wait3A_951, %dma_wait3A_952] : memref<1000000x64xf32, #tpu.memory_space<hbm>> -> memref<400x64xf32, #tpu.memory_space<hbm>>
      %dma_wait3A_954 = arith.constant 0 : i32
      %dma_wait3A_955 = arith.constant 0 : i32
      %dma_wait3A_956 = tpu.memref_slice %arg3[%dma_wait3A_954, %dma_wait3A_955] : memref<1000000x64xf32, #tpu.memory_space<hbm>> -> memref<400x64xf32, #tpu.memory_space<hbm>>
      tpu.wait_dma2 semaphore(%arg19 : memref<!tpu.dma_semaphore, #tpu.memory_space<semaphore_mem>>) src(%dma_wait3A_956 : memref<400x64xf32, #tpu.memory_space<hbm>>) dst(%arg12 : memref<400x64xf32, #tpu.memory_space<vmem>>)
      %scan3A_957 = arith.constant 0 : i32
      %scan3A_958 = arith.constant 0 : i32
      %scan3A_959 = arith.constant 13 : i32
      %scan3A_960 = arith.addi %scan3A_958, %scan3A_959 : i32
      %scan3A_961 = arith.constant 1 : i32
      %scan3A_962 = scf.for %scan3A_1346 = %scan3A_958 to %scan3A_960 step %scan3A_961 iter_args(%scan3A_1347 = %scan3A_957) -> (i32)  : i32 {
        %mul3A_1348 = arith.constant 16 : i32
        %mul3A_1349 = arith.muli %scan3A_1346, %mul3A_1348 : i32
        %min3A_1350 = arith.constant 184 : i32
        %min3A_1351 = arith.minsi %mul3A_1349, %min3A_1350 : i32
        %get3A_1352 = arith.constant 0 : i32
        %get3A_1353 = arith.index_cast %get3A_1352 : i32 to index
        %get3A_1354 = arith.index_cast %min3A_1351 : i32 to index
        %get3A_1355 = tpu.vector_load %arg8[%get3A_1353, %get3A_1354] {strides = array<i32>} : memref<2x200xi32, #tpu.memory_space<vmem>>, vector<16xi32>,
        %ge3A_1356 = arith.constant 1000000 : i32
        %ge3A_1357 = vector.broadcast %ge3A_1356 : i32 to vector<16xi32>
        %ge3A_1358 = arith.cmpi sge, %get3A_1355, %ge3A_1357 : vector<16xi32>
        %sub3A_1359 = arith.constant 1000000 : i32
        %sub3A_1360 = vector.broadcast %sub3A_1359 : i32 to vector<16xi32>
        %sub3A_1361 = arith.subi %get3A_1355, %sub3A_1360 : vector<16xi32>
        %jit3A_1362 = arith.constant 0 : i32
        %broadcast_in_dim3A_1363 = vector.broadcast %jit3A_1362 : i32 to vector<16xi32>
        %select_n3A_1364 = arith.select %ge3A_1358, %sub3A_1361, %broadcast_in_dim3A_1363 : vector<16xi1>, vector<16xi32>
        %reduce_max3A = arith.constant true
        %reduce_max3A_1365 = vector.broadcast %reduce_max3A : i1 to vector<16xi1>
        %reduce_max3A_1366 = arith.constant -2147483648 : i32
        %reduce_max3A_1367 = vector.broadcast %reduce_max3A_1366 : i32 to vector<16xi32>
        %reduce_max3A_1368 = arith.xori %get3A_1355, %reduce_max3A_1367 : vector<16xi32>
        %reduce_max3A_1369 = tpu.scan <max>, %reduce_max3A_1368 masked %reduce_max3A_1365 : vector<16xi32>, vector<16xi1> -> vector<16xi32>
        %reduce_max3A_1370 = arith.xori %reduce_max3A_1369, %reduce_max3A_1367 : vector<16xi32>
        %reduce_max3A_1371 = vector.extract %reduce_max3A_1370[15] : i32 from vector<16xi32>
        %ge3A_1372 = arith.constant 1000000 : i32
        %ge3A_1373 = arith.cmpi sge, %reduce_max3A_1371, %ge3A_1372 : i32
        %convert_element_type3A = arith.extui %ge3A_1373 : i1 to i32
        %cond3A = arith.constant 0 : i32
        %cond3A_1374 = arith.cmpi ne, %convert_element_type3A, %cond3A : i32
        scf.if %cond3A_1374 {
          %add3A_1376 = arith.constant 0 : i32
          %add3A_1377 = arith.addi %add3A_1376, %min3A_1351 : i32
          %iota3A = tpu.iota {dimensions = array<i32: 0>} : vector<16xi32>
          %add3A_1378 = vector.broadcast %add3A_1377 : i32 to vector<16xi32>
          %add3A_1379 = arith.addi %add3A_1378, %iota3A : vector<16xi32>
          %scan3A_1380 = arith.constant 0 : i32
          %scan3A_1381 = arith.constant 0 : i32
          %scan3A_1382 = arith.constant 64 : i32
          %scan3A_1383 = arith.addi %scan3A_1381, %scan3A_1382 : i32
          %scan3A_1384 = arith.constant 1 : i32
          %scan3A_1385 = scf.for %scan3A_1387 = %scan3A_1381 to %scan3A_1383 step %scan3A_1384 iter_args(%scan3A_1388 = %scan3A_1380) -> (i32)  : i32 {
            %broadcast_in_dim3A_1389 = vector.broadcast %scan3A_1387 : i32 to vector<16xi32>
            %gather3A = tpu.vector_load_idx %arg14[%select_n3A_1364, %broadcast_in_dim3A_1389] masked %ge3A_1358 : memref<20x64xf32, #tpu.memory_space<vmem>>[vector<16xi32>, vector<16xi32>], vector<16xf32>, vector<16xi1>
            tpu.vector_store_idx %arg12[%add3A_1379, %broadcast_in_dim3A_1389], %gather3A masked %ge3A_1358 : memref<400x64xf32, #tpu.memory_space<vmem>>[vector<16xi32>, vector<16xi32>], vector<16xf32>, vector<16xi1>
            %scan3A_1390 = arith.constant 0 : i32
            scf.yield %scan3A_1390 : i32
          }
          %scan3A_1386 = arith.constant 64 : i32
        } else {
        }
        %scan3A_1375 = arith.constant 0 : i32
        scf.yield %scan3A_1375 : i32
      }
      %scan3A_963 = arith.constant 13 : i32
      %scan3A_964 = arith.constant 0 : i32
      %scan3A_965 = arith.constant 0 : i32
      %scan3A_966 = arith.constant 13 : i32
      %scan3A_967 = arith.addi %scan3A_965, %scan3A_966 : i32
      %scan3A_968 = arith.constant 1 : i32
      %scan3A_969 = scf.for %scan3A_1346 = %scan3A_965 to %scan3A_967 step %scan3A_968 iter_args(%scan3A_1347 = %scan3A_964) -> (i32)  : i32 {
        %mul3A_1348 = arith.constant 16 : i32
        %mul3A_1349 = arith.muli %scan3A_1346, %mul3A_1348 : i32
        %min3A_1350 = arith.constant 184 : i32
        %min3A_1351 = arith.minsi %mul3A_1349, %min3A_1350 : i32
        %get3A_1352 = arith.constant 1 : i32
        %get3A_1353 = arith.index_cast %get3A_1352 : i32 to index
        %get3A_1354 = arith.index_cast %min3A_1351 : i32 to index
        %get3A_1355 = tpu.vector_load %arg8[%get3A_1353, %get3A_1354] {strides = array<i32>} : memref<2x200xi32, #tpu.memory_space<vmem>>, vector<16xi32>,
        %ge3A_1356 = arith.constant 1000000 : i32
        %ge3A_1357 = vector.broadcast %ge3A_1356 : i32 to vector<16xi32>
        %ge3A_1358 = arith.cmpi sge, %get3A_1355, %ge3A_1357 : vector<16xi32>
        %sub3A_1359 = arith.constant 1000000 : i32
        %sub3A_1360 = vector.broadcast %sub3A_1359 : i32 to vector<16xi32>
        %sub3A_1361 = arith.subi %get3A_1355, %sub3A_1360 : vector<16xi32>
        %jit3A_1362 = arith.constant 0 : i32
        %broadcast_in_dim3A_1363 = vector.broadcast %jit3A_1362 : i32 to vector<16xi32>
        %select_n3A_1364 = arith.select %ge3A_1358, %sub3A_1361, %broadcast_in_dim3A_1363 : vector<16xi1>, vector<16xi32>
        %reduce_max3A = arith.constant true
        %reduce_max3A_1365 = vector.broadcast %reduce_max3A : i1 to vector<16xi1>
        %reduce_max3A_1366 = arith.constant -2147483648 : i32
        %reduce_max3A_1367 = vector.broadcast %reduce_max3A_1366 : i32 to vector<16xi32>
        %reduce_max3A_1368 = arith.xori %get3A_1355, %reduce_max3A_1367 : vector<16xi32>
        %reduce_max3A_1369 = tpu.scan <max>, %reduce_max3A_1368 masked %reduce_max3A_1365 : vector<16xi32>, vector<16xi1> -> vector<16xi32>
        %reduce_max3A_1370 = arith.xori %reduce_max3A_1369, %reduce_max3A_1367 : vector<16xi32>
        %reduce_max3A_1371 = vector.extract %reduce_max3A_1370[15] : i32 from vector<16xi32>
        %ge3A_1372 = arith.constant 1000000 : i32
        %ge3A_1373 = arith.cmpi sge, %reduce_max3A_1371, %ge3A_1372 : i32
        %convert_element_type3A = arith.extui %ge3A_1373 : i1 to i32
        %cond3A = arith.constant 0 : i32
        %cond3A_1374 = arith.cmpi ne, %convert_element_type3A, %cond3A : i32
        scf.if %cond3A_1374 {
          %add3A_1376 = arith.constant 200 : i32
          %add3A_1377 = arith.addi %add3A_1376, %min3A_1351 : i32
          %iota3A = tpu.iota {dimensions = array<i32: 0>} : vector<16xi32>
          %add3A_1378 = vector.broadcast %add3A_1377 : i32 to vector<16xi32>
          %add3A_1379 = arith.addi %add3A_1378, %iota3A : vector<16xi32>
          %scan3A_1380 = arith.constant 0 : i32
          %scan3A_1381 = arith.constant 0 : i32
          %scan3A_1382 = arith.constant 64 : i32
          %scan3A_1383 = arith.addi %scan3A_1381, %scan3A_1382 : i32
          %scan3A_1384 = arith.constant 1 : i32
          %scan3A_1385 = scf.for %scan3A_1387 = %scan3A_1381 to %scan3A_1383 step %scan3A_1384 iter_args(%scan3A_1388 = %scan3A_1380) -> (i32)  : i32 {
            %broadcast_in_dim3A_1389 = vector.broadcast %scan3A_1387 : i32 to vector<16xi32>
            %gather3A = tpu.vector_load_idx %arg14[%select_n3A_1364, %broadcast_in_dim3A_1389] masked %ge3A_1358 : memref<20x64xf32, #tpu.memory_space<vmem>>[vector<16xi32>, vector<16xi32>], vector<16xf32>, vector<16xi1>
            tpu.vector_store_idx %arg12[%add3A_1379, %broadcast_in_dim3A_1389], %gather3A masked %ge3A_1358 : memref<400x64xf32, #tpu.memory_space<vmem>>[vector<16xi32>, vector<16xi32>], vector<16xf32>, vector<16xi1>
            %scan3A_1390 = arith.constant 0 : i32
            scf.yield %scan3A_1390 : i32
          }
          %scan3A_1386 = arith.constant 64 : i32
        } else {
        }
        %scan3A_1375 = arith.constant 0 : i32
        scf.yield %scan3A_1375 : i32
      }
      %scan3A_970 = arith.constant 13 : i32
      %sub3A_971 = arith.constant 1 : i32
      %sub3A_972 = arith.subi %add3A_828, %sub3A_971 : i32
      %mul3A_973 = arith.constant 2 : i32
      %mul3A_974 = arith.muli %sub3A_972, %mul3A_973 : i32
      %add3A_975 = arith.addi %mul3A_2, %mul3A_974 : i32
      %mul3A_976 = arith.constant 200 : i32
      %mul3A_977 = arith.muli %add3A_975, %mul3A_976 : i32
      %dma_start3A_978 = arith.constant 0 : i32
      %dma_start3A_979 = tpu.memref_slice %arg5[%mul3A_977, %dma_start3A_978] : memref<819200x128xf32, #tpu.memory_space<hbm>> -> memref<400x128xf32, #tpu.memory_space<hbm>>
      %dma_start3A_980 = arith.constant 0 : i32
      %dma_start3A_981 = arith.constant 0 : i32
      %dma_start3A_982 = tpu.memref_slice %dma_start3A_979[%dma_start3A_980, %dma_start3A_981] : memref<400x128xf32, #tpu.memory_space<hbm>> -> memref<400x64xf32, #tpu.memory_space<hbm>>
      %dma_start3A_983 = arith.constant 0 : i32
      %dma_start3A_984 = tpu.memref_slice %arg5[%mul3A_977, %dma_start3A_983] : memref<819200x128xf32, #tpu.memory_space<hbm>> -> memref<400x128xf32, #tpu.memory_space<hbm>>
      %dma_start3A_985 = arith.constant 0 : i32
      %dma_start3A_986 = arith.constant 0 : i32
      %dma_start3A_987 = tpu.memref_slice %dma_start3A_984[%dma_start3A_985, %dma_start3A_986] : memref<400x128xf32, #tpu.memory_space<hbm>> -> memref<400x64xf32, #tpu.memory_space<hbm>>
      tpu.enqueue_dma source(%arg12 : memref<400x64xf32, #tpu.memory_space<vmem>>) target(%dma_start3A_987 : memref<400x64xf32, #tpu.memory_space<hbm>>) target_semaphore(%arg21 : memref<!tpu.dma_semaphore, #tpu.memory_space<semaphore_mem>>)
      %add3A_988 = arith.constant 2 : i32
      %add3A_989 = arith.addi %add3A_828, %add3A_988 : i32
      %mul3A_990 = arith.constant 2 : i32
      %mul3A_991 = arith.muli %add3A_989, %mul3A_990 : i32
      %add3A_992 = arith.addi %mul3A_2, %mul3A_991 : i32
      %dma_start3A_993 = arith.constant 0 : i32
      %dma_start3A_994 = tpu.memref_slice %arg2[%add3A_992, %dma_start3A_993] : memref<4096x200xi32, #tpu.memory_space<hbm>> -> memref<2x200xi32, #tpu.memory_space<hbm>>
      %dma_start3A_995 = arith.constant 0 : i32
      %dma_start3A_996 = tpu.memref_slice %arg2[%add3A_992, %dma_start3A_995] : memref<4096x200xi32, #tpu.memory_space<hbm>> -> memref<2x200xi32, #tpu.memory_space<hbm>>
      tpu.enqueue_dma source(%dma_start3A_996 : memref<2x200xi32, #tpu.memory_space<hbm>>) target(%arg7 : memref<2x200xi32, #tpu.memory_space<vmem>>) target_semaphore(%arg16 : memref<!tpu.dma_semaphore, #tpu.memory_space<semaphore_mem>>)
      %mul3A_997 = arith.constant 4 : i32
      %mul3A_998 = arith.muli %scan3A_648, %mul3A_997 : i32
      %add3A_999 = arith.constant 2 : i32
      %add3A_1000 = arith.addi %add3A_999, %mul3A_998 : i32
      %add3A_1001 = arith.constant 2 : i32
      %add3A_1002 = arith.addi %add3A_1000, %add3A_1001 : i32
      %dma_wait3A_1003 = arith.constant 0 : i32
      %dma_wait3A_1004 = arith.constant 0 : i32
      %dma_wait3A_1005 = tpu.memref_slice %arg2[%dma_wait3A_1003, %dma_wait3A_1004] : memref<4096x200xi32, #tpu.memory_space<hbm>> -> memref<2x200xi32, #tpu.memory_space<hbm>>
      %dma_wait3A_1006 = arith.constant 0 : i32
      %dma_wait3A_1007 = arith.constant 0 : i32
      %dma_wait3A_1008 = tpu.memref_slice %arg2[%dma_wait3A_1006, %dma_wait3A_1007] : memref<4096x200xi32, #tpu.memory_space<hbm>> -> memref<2x200xi32, #tpu.memory_space<hbm>>
      tpu.wait_dma2 semaphore(%arg15 : memref<!tpu.dma_semaphore, #tpu.memory_space<semaphore_mem>>) src(%dma_wait3A_1008 : memref<2x200xi32, #tpu.memory_space<hbm>>) dst(%arg6 : memref<2x200xi32, #tpu.memory_space<vmem>>)
      %scan3A_1009 = arith.constant 0 : i32
      %scan3A_1010 = arith.constant 0 : i32
      %scan3A_1011 = arith.constant 12 : i32
      %scan3A_1012 = arith.addi %scan3A_1010, %scan3A_1011 : i32
      %scan3A_1013 = arith.constant 4 : i32
      %scan3A_1014 = scf.for %scan3A_1346 = %scan3A_1010 to %scan3A_1012 step %scan3A_1013 iter_args(%scan3A_1347 = %scan3A_1009) -> (i32)  : i32 {
        %mul3A_1348 = arith.constant 16 : i32
        %mul3A_1349 = arith.muli %scan3A_1346, %mul3A_1348 : i32
        %min3A_1350 = arith.constant 184 : i32
        %min3A_1351 = arith.minsi %mul3A_1349, %min3A_1350 : i32
        %get3A_1352 = arith.constant 0 : i32
        %get3A_1353 = arith.index_cast %get3A_1352 : i32 to index
        %get3A_1354 = arith.index_cast %min3A_1351 : i32 to index
        %get3A_1355 = tpu.vector_load %arg6[%get3A_1353, %get3A_1354] {strides = array<i32>} : memref<2x200xi32, #tpu.memory_space<vmem>>, vector<16xi32>,
        %ge3A_1356 = arith.constant 1000000 : i32
        %ge3A_1357 = vector.broadcast %ge3A_1356 : i32 to vector<16xi32>
        %ge3A_1358 = arith.cmpi sge, %get3A_1355, %ge3A_1357 : vector<16xi32>
        %jit3A_1359 = arith.constant 0 : i32
        %broadcast_in_dim3A_1360 = vector.broadcast %jit3A_1359 : i32 to vector<16xi32>
        %select_n3A_1361 = arith.select %ge3A_1358, %broadcast_in_dim3A_1360, %get3A_1355 : vector<16xi1>, vector<16xi32>
        %swap3A_1362 = arith.constant 0 : i32
        %swap3A_1363 = arith.index_cast %swap3A_1362 : i32 to index
        %swap3A_1364 = arith.index_cast %min3A_1351 : i32 to index
        %swap3A_1365 = tpu.vector_load %arg10[%swap3A_1363, %swap3A_1364] {strides = array<i32>} : memref<2x200xi32, #tpu.memory_space<vmem>>, vector<16xi32>,
        tpu.vector_store %arg10[%swap3A_1363, %swap3A_1364], %select_n3A_1361 {strides = array<i32>} : memref<2x200xi32, #tpu.memory_space<vmem>>, vector<16xi32>,
        %scan3A_1366 = arith.constant 0 : i32
        %scan3A_1367 = arith.constant 1 : i32
        %scan3A_1368 = arith.addi %scan3A_1346, %scan3A_1367 : i32
        %mul3A_1369 = arith.constant 16 : i32
        %mul3A_1370 = arith.muli %scan3A_1368, %mul3A_1369 : i32
        %min3A_1371 = arith.constant 184 : i32
        %min3A_1372 = arith.minsi %mul3A_1370, %min3A_1371 : i32
        %get3A_1373 = arith.constant 0 : i32
        %get3A_1374 = arith.index_cast %get3A_1373 : i32 to index
        %get3A_1375 = arith.index_cast %min3A_1372 : i32 to index
        %get3A_1376 = tpu.vector_load %arg6[%get3A_1374, %get3A_1375] {strides = array<i32>} : memref<2x200xi32, #tpu.memory_space<vmem>>, vector<16xi32>,
        %ge3A_1377 = arith.constant 1000000 : i32
        %ge3A_1378 = vector.broadcast %ge3A_1377 : i32 to vector<16xi32>
        %ge3A_1379 = arith.cmpi sge, %get3A_1376, %ge3A_1378 : vector<16xi32>
        %jit3A_1380 = arith.constant 0 : i32
        %broadcast_in_dim3A_1381 = vector.broadcast %jit3A_1380 : i32 to vector<16xi32>
        %select_n3A_1382 = arith.select %ge3A_1379, %broadcast_in_dim3A_1381, %get3A_1376 : vector<16xi1>, vector<16xi32>
        %swap3A_1383 = arith.constant 0 : i32
        %swap3A_1384 = arith.index_cast %swap3A_1383 : i32 to index
        %swap3A_1385 = arith.index_cast %min3A_1372 : i32 to index
        %swap3A_1386 = tpu.vector_load %arg10[%swap3A_1384, %swap3A_1385] {strides = array<i32>} : memref<2x200xi32, #tpu.memory_space<vmem>>, vector<16xi32>,
        tpu.vector_store %arg10[%swap3A_1384, %swap3A_1385], %select_n3A_1382 {strides = array<i32>} : memref<2x200xi32, #tpu.memory_space<vmem>>, vector<16xi32>,
        %scan3A_1387 = arith.constant 0 : i32
        %scan3A_1388 = arith.constant 2 : i32
        %scan3A_1389 = arith.addi %scan3A_1346, %scan3A_1388 : i32
        %mul3A_1390 = arith.constant 16 : i32
        %mul3A_1391 = arith.muli %scan3A_1389, %mul3A_1390 : i32
        %min3A_1392 = arith.constant 184 : i32
        %min3A_1393 = arith.minsi %mul3A_1391, %min3A_1392 : i32
        %get3A_1394 = arith.constant 0 : i32
        %get3A_1395 = arith.index_cast %get3A_1394 : i32 to index
        %get3A_1396 = arith.index_cast %min3A_1393 : i32 to index
        %get3A_1397 = tpu.vector_load %arg6[%get3A_1395, %get3A_1396] {strides = array<i32>} : memref<2x200xi32, #tpu.memory_space<vmem>>, vector<16xi32>,
        %ge3A_1398 = arith.constant 1000000 : i32
        %ge3A_1399 = vector.broadcast %ge3A_1398 : i32 to vector<16xi32>
        %ge3A_1400 = arith.cmpi sge, %get3A_1397, %ge3A_1399 : vector<16xi32>
        %jit3A_1401 = arith.constant 0 : i32
        %broadcast_in_dim3A_1402 = vector.broadcast %jit3A_1401 : i32 to vector<16xi32>
        %select_n3A_1403 = arith.select %ge3A_1400, %broadcast_in_dim3A_1402, %get3A_1397 : vector<16xi1>, vector<16xi32>
        %swap3A_1404 = arith.constant 0 : i32
        %swap3A_1405 = arith.index_cast %swap3A_1404 : i32 to index
        %swap3A_1406 = arith.index_cast %min3A_1393 : i32 to index
        %swap3A_1407 = tpu.vector_load %arg10[%swap3A_1405, %swap3A_1406] {strides = array<i32>} : memref<2x200xi32, #tpu.memory_space<vmem>>, vector<16xi32>,
        tpu.vector_store %arg10[%swap3A_1405, %swap3A_1406], %select_n3A_1403 {strides = array<i32>} : memref<2x200xi32, #tpu.memory_space<vmem>>, vector<16xi32>,
        %scan3A_1408 = arith.constant 0 : i32
        %scan3A_1409 = arith.constant 3 : i32
        %scan3A_1410 = arith.addi %scan3A_1346, %scan3A_1409 : i32
        %mul3A_1411 = arith.constant 16 : i32
        %mul3A_1412 = arith.muli %scan3A_1410, %mul3A_1411 : i32
        %min3A_1413 = arith.constant 184 : i32
        %min3A_1414 = arith.minsi %mul3A_1412, %min3A_1413 : i32
        %get3A_1415 = arith.constant 0 : i32
        %get3A_1416 = arith.index_cast %get3A_1415 : i32 to index
        %get3A_1417 = arith.index_cast %min3A_1414 : i32 to index
        %get3A_1418 = tpu.vector_load %arg6[%get3A_1416, %get3A_1417] {strides = array<i32>} : memref<2x200xi32, #tpu.memory_space<vmem>>, vector<16xi32>,
        %ge3A_1419 = arith.constant 1000000 : i32
        %ge3A_1420 = vector.broadcast %ge3A_1419 : i32 to vector<16xi32>
        %ge3A_1421 = arith.cmpi sge, %get3A_1418, %ge3A_1420 : vector<16xi32>
        %jit3A_1422 = arith.constant 0 : i32
        %broadcast_in_dim3A_1423 = vector.broadcast %jit3A_1422 : i32 to vector<16xi32>
        %select_n3A_1424 = arith.select %ge3A_1421, %broadcast_in_dim3A_1423, %get3A_1418 : vector<16xi1>, vector<16xi32>
        %swap3A_1425 = arith.constant 0 : i32
        %swap3A_1426 = arith.index_cast %swap3A_1425 : i32 to index
        %swap3A_1427 = arith.index_cast %min3A_1414 : i32 to index
        %swap3A_1428 = tpu.vector_load %arg10[%swap3A_1426, %swap3A_1427] {strides = array<i32>} : memref<2x200xi32, #tpu.memory_space<vmem>>, vector<16xi32>,
        tpu.vector_store %arg10[%swap3A_1426, %swap3A_1427], %select_n3A_1424 {strides = array<i32>} : memref<2x200xi32, #tpu.memory_space<vmem>>, vector<16xi32>,
        %scan3A_1429 = arith.constant 0 : i32
        scf.yield %scan3A_1429 : i32
      }
      %scan3A_1015 = arith.constant 12 : i32
      %scan3A_1016 = arith.addi %scan3A_1010, %scan3A_1015 : i32
      %mul3A_1017 = arith.constant 16 : i32
      %mul3A_1018 = arith.muli %scan3A_1016, %mul3A_1017 : i32
      %min3A_1019 = arith.constant 184 : i32
      %min3A_1020 = arith.minsi %mul3A_1018, %min3A_1019 : i32
      %get3A_1021 = arith.constant 0 : i32
      %get3A_1022 = arith.index_cast %get3A_1021 : i32 to index
      %get3A_1023 = arith.index_cast %min3A_1020 : i32 to index
      %get3A_1024 = tpu.vector_load %arg6[%get3A_1022, %get3A_1023] {strides = array<i32>} : memref<2x200xi32, #tpu.memory_space<vmem>>, vector<16xi32>,
      %ge3A_1025 = arith.constant 1000000 : i32
      %ge3A_1026 = vector.broadcast %ge3A_1025 : i32 to vector<16xi32>
      %ge3A_1027 = arith.cmpi sge, %get3A_1024, %ge3A_1026 : vector<16xi32>
      %jit3A_1028 = arith.constant 0 : i32
      %broadcast_in_dim3A_1029 = vector.broadcast %jit3A_1028 : i32 to vector<16xi32>
      %select_n3A_1030 = arith.select %ge3A_1027, %broadcast_in_dim3A_1029, %get3A_1024 : vector<16xi1>, vector<16xi32>
      %swap3A_1031 = arith.constant 0 : i32
      %swap3A_1032 = arith.index_cast %swap3A_1031 : i32 to index
      %swap3A_1033 = arith.index_cast %min3A_1020 : i32 to index
      %swap3A_1034 = tpu.vector_load %arg10[%swap3A_1032, %swap3A_1033] {strides = array<i32>} : memref<2x200xi32, #tpu.memory_space<vmem>>, vector<16xi32>,
      tpu.vector_store %arg10[%swap3A_1032, %swap3A_1033], %select_n3A_1030 {strides = array<i32>} : memref<2x200xi32, #tpu.memory_space<vmem>>, vector<16xi32>,
      %scan3A_1035 = arith.constant 0 : i32
      %scan3A_1036 = arith.constant 13 : i32
      %scan3A_1037 = arith.constant 0 : i32
      %scan3A_1038 = arith.constant 0 : i32
      %scan3A_1039 = arith.constant 12 : i32
      %scan3A_1040 = arith.addi %scan3A_1038, %scan3A_1039 : i32
      %scan3A_1041 = arith.constant 4 : i32
      %scan3A_1042 = scf.for %scan3A_1346 = %scan3A_1038 to %scan3A_1040 step %scan3A_1041 iter_args(%scan3A_1347 = %scan3A_1037) -> (i32)  : i32 {
        %mul3A_1348 = arith.constant 16 : i32
        %mul3A_1349 = arith.muli %scan3A_1346, %mul3A_1348 : i32
        %min3A_1350 = arith.constant 184 : i32
        %min3A_1351 = arith.minsi %mul3A_1349, %min3A_1350 : i32
        %get3A_1352 = arith.constant 1 : i32
        %get3A_1353 = arith.index_cast %get3A_1352 : i32 to index
        %get3A_1354 = arith.index_cast %min3A_1351 : i32 to index
        %get3A_1355 = tpu.vector_load %arg6[%get3A_1353, %get3A_1354] {strides = array<i32>} : memref<2x200xi32, #tpu.memory_space<vmem>>, vector<16xi32>,
        %ge3A_1356 = arith.constant 1000000 : i32
        %ge3A_1357 = vector.broadcast %ge3A_1356 : i32 to vector<16xi32>
        %ge3A_1358 = arith.cmpi sge, %get3A_1355, %ge3A_1357 : vector<16xi32>
        %jit3A_1359 = arith.constant 0 : i32
        %broadcast_in_dim3A_1360 = vector.broadcast %jit3A_1359 : i32 to vector<16xi32>
        %select_n3A_1361 = arith.select %ge3A_1358, %broadcast_in_dim3A_1360, %get3A_1355 : vector<16xi1>, vector<16xi32>
        %swap3A_1362 = arith.constant 1 : i32
        %swap3A_1363 = arith.index_cast %swap3A_1362 : i32 to index
        %swap3A_1364 = arith.index_cast %min3A_1351 : i32 to index
        %swap3A_1365 = tpu.vector_load %arg10[%swap3A_1363, %swap3A_1364] {strides = array<i32>} : memref<2x200xi32, #tpu.memory_space<vmem>>, vector<16xi32>,
        tpu.vector_store %arg10[%swap3A_1363, %swap3A_1364], %select_n3A_1361 {strides = array<i32>} : memref<2x200xi32, #tpu.memory_space<vmem>>, vector<16xi32>,
        %scan3A_1366 = arith.constant 0 : i32
        %scan3A_1367 = arith.constant 1 : i32
        %scan3A_1368 = arith.addi %scan3A_1346, %scan3A_1367 : i32
        %mul3A_1369 = arith.constant 16 : i32
        %mul3A_1370 = arith.muli %scan3A_1368, %mul3A_1369 : i32
        %min3A_1371 = arith.constant 184 : i32
        %min3A_1372 = arith.minsi %mul3A_1370, %min3A_1371 : i32
        %get3A_1373 = arith.constant 1 : i32
        %get3A_1374 = arith.index_cast %get3A_1373 : i32 to index
        %get3A_1375 = arith.index_cast %min3A_1372 : i32 to index
        %get3A_1376 = tpu.vector_load %arg6[%get3A_1374, %get3A_1375] {strides = array<i32>} : memref<2x200xi32, #tpu.memory_space<vmem>>, vector<16xi32>,
        %ge3A_1377 = arith.constant 1000000 : i32
        %ge3A_1378 = vector.broadcast %ge3A_1377 : i32 to vector<16xi32>
        %ge3A_1379 = arith.cmpi sge, %get3A_1376, %ge3A_1378 : vector<16xi32>
        %jit3A_1380 = arith.constant 0 : i32
        %broadcast_in_dim3A_1381 = vector.broadcast %jit3A_1380 : i32 to vector<16xi32>
        %select_n3A_1382 = arith.select %ge3A_1379, %broadcast_in_dim3A_1381, %get3A_1376 : vector<16xi1>, vector<16xi32>
        %swap3A_1383 = arith.constant 1 : i32
        %swap3A_1384 = arith.index_cast %swap3A_1383 : i32 to index
        %swap3A_1385 = arith.index_cast %min3A_1372 : i32 to index
        %swap3A_1386 = tpu.vector_load %arg10[%swap3A_1384, %swap3A_1385] {strides = array<i32>} : memref<2x200xi32, #tpu.memory_space<vmem>>, vector<16xi32>,
        tpu.vector_store %arg10[%swap3A_1384, %swap3A_1385], %select_n3A_1382 {strides = array<i32>} : memref<2x200xi32, #tpu.memory_space<vmem>>, vector<16xi32>,
        %scan3A_1387 = arith.constant 0 : i32
        %scan3A_1388 = arith.constant 2 : i32
        %scan3A_1389 = arith.addi %scan3A_1346, %scan3A_1388 : i32
        %mul3A_1390 = arith.constant 16 : i32
        %mul3A_1391 = arith.muli %scan3A_1389, %mul3A_1390 : i32
        %min3A_1392 = arith.constant 184 : i32
        %min3A_1393 = arith.minsi %mul3A_1391, %min3A_1392 : i32
        %get3A_1394 = arith.constant 1 : i32
        %get3A_1395 = arith.index_cast %get3A_1394 : i32 to index
        %get3A_1396 = arith.index_cast %min3A_1393 : i32 to index
        %get3A_1397 = tpu.vector_load %arg6[%get3A_1395, %get3A_1396] {strides = array<i32>} : memref<2x200xi32, #tpu.memory_space<vmem>>, vector<16xi32>,
        %ge3A_1398 = arith.constant 1000000 : i32
        %ge3A_1399 = vector.broadcast %ge3A_1398 : i32 to vector<16xi32>
        %ge3A_1400 = arith.cmpi sge, %get3A_1397, %ge3A_1399 : vector<16xi32>
        %jit3A_1401 = arith.constant 0 : i32
        %broadcast_in_dim3A_1402 = vector.broadcast %jit3A_1401 : i32 to vector<16xi32>
        %select_n3A_1403 = arith.select %ge3A_1400, %broadcast_in_dim3A_1402, %get3A_1397 : vector<16xi1>, vector<16xi32>
        %swap3A_1404 = arith.constant 1 : i32
        %swap3A_1405 = arith.index_cast %swap3A_1404 : i32 to index
        %swap3A_1406 = arith.index_cast %min3A_1393 : i32 to index
        %swap3A_1407 = tpu.vector_load %arg10[%swap3A_1405, %swap3A_1406] {strides = array<i32>} : memref<2x200xi32, #tpu.memory_space<vmem>>, vector<16xi32>,
        tpu.vector_store %arg10[%swap3A_1405, %swap3A_1406], %select_n3A_1403 {strides = array<i32>} : memref<2x200xi32, #tpu.memory_space<vmem>>, vector<16xi32>,
        %scan3A_1408 = arith.constant 0 : i32
        %scan3A_1409 = arith.constant 3 : i32
        %scan3A_1410 = arith.addi %scan3A_1346, %scan3A_1409 : i32
        %mul3A_1411 = arith.constant 16 : i32
        %mul3A_1412 = arith.muli %scan3A_1410, %mul3A_1411 : i32
        %min3A_1413 = arith.constant 184 : i32
        %min3A_1414 = arith.minsi %mul3A_1412, %min3A_1413 : i32
        %get3A_1415 = arith.constant 1 : i32
        %get3A_1416 = arith.index_cast %get3A_1415 : i32 to index
        %get3A_1417 = arith.index_cast %min3A_1414 : i32 to index
        %get3A_1418 = tpu.vector_load %arg6[%get3A_1416, %get3A_1417] {strides = array<i32>} : memref<2x200xi32, #tpu.memory_space<vmem>>, vector<16xi32>,
        %ge3A_1419 = arith.constant 1000000 : i32
        %ge3A_1420 = vector.broadcast %ge3A_1419 : i32 to vector<16xi32>
        %ge3A_1421 = arith.cmpi sge, %get3A_1418, %ge3A_1420 : vector<16xi32>
        %jit3A_1422 = arith.constant 0 : i32
        %broadcast_in_dim3A_1423 = vector.broadcast %jit3A_1422 : i32 to vector<16xi32>
        %select_n3A_1424 = arith.select %ge3A_1421, %broadcast_in_dim3A_1423, %get3A_1418 : vector<16xi1>, vector<16xi32>
        %swap3A_1425 = arith.constant 1 : i32
        %swap3A_1426 = arith.index_cast %swap3A_1425 : i32 to index
        %swap3A_1427 = arith.index_cast %min3A_1414 : i32 to index
        %swap3A_1428 = tpu.vector_load %arg10[%swap3A_1426, %swap3A_1427] {strides = array<i32>} : memref<2x200xi32, #tpu.memory_space<vmem>>, vector<16xi32>,
        tpu.vector_store %arg10[%swap3A_1426, %swap3A_1427], %select_n3A_1424 {strides = array<i32>} : memref<2x200xi32, #tpu.memory_space<vmem>>, vector<16xi32>,
        %scan3A_1429 = arith.constant 0 : i32
        scf.yield %scan3A_1429 : i32
      }
      %scan3A_1043 = arith.constant 12 : i32
      %scan3A_1044 = arith.addi %scan3A_1038, %scan3A_1043 : i32
      %mul3A_1045 = arith.constant 16 : i32
      %mul3A_1046 = arith.muli %scan3A_1044, %mul3A_1045 : i32
      %min3A_1047 = arith.constant 184 : i32
      %min3A_1048 = arith.minsi %mul3A_1046, %min3A_1047 : i32
      %get3A_1049 = arith.constant 1 : i32
      %get3A_1050 = arith.index_cast %get3A_1049 : i32 to index
      %get3A_1051 = arith.index_cast %min3A_1048 : i32 to index
      %get3A_1052 = tpu.vector_load %arg6[%get3A_1050, %get3A_1051] {strides = array<i32>} : memref<2x200xi32, #tpu.memory_space<vmem>>, vector<16xi32>,
      %ge3A_1053 = arith.constant 1000000 : i32
      %ge3A_1054 = vector.broadcast %ge3A_1053 : i32 to vector<16xi32>
      %ge3A_1055 = arith.cmpi sge, %get3A_1052, %ge3A_1054 : vector<16xi32>
      %jit3A_1056 = arith.constant 0 : i32
      %broadcast_in_dim3A_1057 = vector.broadcast %jit3A_1056 : i32 to vector<16xi32>
      %select_n3A_1058 = arith.select %ge3A_1055, %broadcast_in_dim3A_1057, %get3A_1052 : vector<16xi1>, vector<16xi32>
      %swap3A_1059 = arith.constant 1 : i32
      %swap3A_1060 = arith.index_cast %swap3A_1059 : i32 to index
      %swap3A_1061 = arith.index_cast %min3A_1048 : i32 to index
      %swap3A_1062 = tpu.vector_load %arg10[%swap3A_1060, %swap3A_1061] {strides = array<i32>} : memref<2x200xi32, #tpu.memory_space<vmem>>, vector<16xi32>,
      tpu.vector_store %arg10[%swap3A_1060, %swap3A_1061], %select_n3A_1058 {strides = array<i32>} : memref<2x200xi32, #tpu.memory_space<vmem>>, vector<16xi32>,
      %scan3A_1063 = arith.constant 0 : i32
      %scan3A_1064 = arith.constant 13 : i32
      %dma_wait3A_1065 = arith.constant 0 : i32
      %dma_wait3A_1066 = arith.constant 0 : i32
      %dma_wait3A_1067 = tpu.memref_slice %arg5[%dma_wait3A_1065, %dma_wait3A_1066] : memref<819200x128xf32, #tpu.memory_space<hbm>> -> memref<400x128xf32, #tpu.memory_space<hbm>>
      %dma_wait3A_1068 = arith.constant 0 : i32
      %dma_wait3A_1069 = arith.constant 0 : i32
      %dma_wait3A_1070 = tpu.memref_slice %dma_wait3A_1067[%dma_wait3A_1068, %dma_wait3A_1069] : memref<400x128xf32, #tpu.memory_space<hbm>> -> memref<400x64xf32, #tpu.memory_space<hbm>>
      %dma_wait3A_1071 = arith.constant 0 : i32
      %dma_wait3A_1072 = arith.constant 0 : i32
      %dma_wait3A_1073 = tpu.memref_slice %arg5[%dma_wait3A_1071, %dma_wait3A_1072] : memref<819200x128xf32, #tpu.memory_space<hbm>> -> memref<400x128xf32, #tpu.memory_space<hbm>>
      %dma_wait3A_1074 = arith.constant 0 : i32
      %dma_wait3A_1075 = arith.constant 0 : i32
      %dma_wait3A_1076 = tpu.memref_slice %dma_wait3A_1073[%dma_wait3A_1074, %dma_wait3A_1075] : memref<400x128xf32, #tpu.memory_space<hbm>> -> memref<400x64xf32, #tpu.memory_space<hbm>>
      tpu.wait_dma2 semaphore(%arg21 : memref<!tpu.dma_semaphore, #tpu.memory_space<semaphore_mem>>) src(%arg12 : memref<400x64xf32, #tpu.memory_space<vmem>>) dst(%dma_wait3A_1076 : memref<400x64xf32, #tpu.memory_space<hbm>>)
      %dma_start3A_1077 = arith.constant 0 : i32
      %dma_start3A_1078 = arith.constant 0 : i32
      %dma_start3A_1079 = arith.constant 0 : i32
      %dma_start3A_1080 = tpu.memref_slice %arg12[%dma_start3A_1078, %dma_start3A_1079] : memref<400x64xf32, #tpu.memory_space<vmem>> -> memref<128x64xf32, #tpu.memory_space<vmem>>
      %dma_start3A_1081 = arith.constant 0 : i32
      %dma_start3A_1082 = tpu.memref_slice %arg10[%dma_start3A_1077, %dma_start3A_1081] : memref<2x200xi32, #tpu.memory_space<vmem>> -> memref<1x200xi32, #tpu.memory_space<vmem>>
      %dma_start3A_1083 = tpu.memref_squeeze %dma_start3A_1082 : memref<1x200xi32, #tpu.memory_space<vmem>> -> memref<200xi32, #tpu.memory_space<vmem>>
      %dma_start3A_1084 = arith.constant 0 : i32
      %dma_start3A_1085 = tpu.memref_slice %dma_start3A_1083[%dma_start3A_1084] : memref<200xi32, #tpu.memory_space<vmem>> -> memref<128xi32, #tpu.memory_space<vmem>>
      %dma_start3A_1086 = arith.constant 0 : i32
      %dma_start3A_1087 = arith.constant 0 : i32
      %dma_start3A_1088 = tpu.memref_slice %arg3[%dma_start3A_1086, %dma_start3A_1087] : memref<1000000x64xf32, #tpu.memory_space<hbm>> -> memref<1000000x64xf32, #tpu.memory_space<hbm>>
      tpu.enqueue_indirect_dma source(%dma_start3A_1088 : memref<1000000x64xf32, #tpu.memory_space<hbm>>) target(%dma_start3A_1080 : memref<128x64xf32, #tpu.memory_space<vmem>>) offsets(%dma_start3A_1085 : memref<128xi32, #tpu.memory_space<vmem>>) semaphore(%arg19 : memref<!tpu.dma_semaphore, #tpu.memory_space<semaphore_mem>>)
      %dma_start3A_1089 = arith.constant 0 : i32
      %dma_start3A_1090 = arith.constant 128 : i32
      %dma_start3A_1091 = arith.constant 0 : i32
      %dma_start3A_1092 = tpu.memref_slice %arg12[%dma_start3A_1090, %dma_start3A_1091] : memref<400x64xf32, #tpu.memory_space<vmem>> -> memref<72x64xf32, #tpu.memory_space<vmem>>
      %dma_start3A_1093 = arith.constant 0 : i32
      %dma_start3A_1094 = tpu.memref_slice %arg10[%dma_start3A_1089, %dma_start3A_1093] : memref<2x200xi32, #tpu.memory_space<vmem>> -> memref<1x200xi32, #tpu.memory_space<vmem>>
      %dma_start3A_1095 = tpu.memref_squeeze %dma_start3A_1094 : memref<1x200xi32, #tpu.memory_space<vmem>> -> memref<200xi32, #tpu.memory_space<vmem>>
      %dma_start3A_1096 = arith.constant 128 : i32
      %dma_start3A_1097 = tpu.memref_slice %dma_start3A_1095[%dma_start3A_1096] : memref<200xi32, #tpu.memory_space<vmem>> -> memref<72xi32, #tpu.memory_space<vmem>>
      %dma_start3A_1098 = arith.constant 0 : i32
      %dma_start3A_1099 = arith.constant 0 : i32
      %dma_start3A_1100 = tpu.memref_slice %arg3[%dma_start3A_1098, %dma_start3A_1099] : memref<1000000x64xf32, #tpu.memory_space<hbm>> -> memref<1000000x64xf32, #tpu.memory_space<hbm>>
      tpu.enqueue_indirect_dma source(%dma_start3A_1100 : memref<1000000x64xf32, #tpu.memory_space<hbm>>) target(%dma_start3A_1092 : memref<72x64xf32, #tpu.memory_space<vmem>>) offsets(%dma_start3A_1097 : memref<72xi32, #tpu.memory_space<vmem>>) semaphore(%arg19 : memref<!tpu.dma_semaphore, #tpu.memory_space<semaphore_mem>>)
      %dma_start3A_1101 = arith.constant 1 : i32
      %dma_start3A_1102 = arith.constant 200 : i32
      %dma_start3A_1103 = arith.constant 0 : i32
      %dma_start3A_1104 = tpu.memref_slice %arg12[%dma_start3A_1102, %dma_start3A_1103] : memref<400x64xf32, #tpu.memory_space<vmem>> -> memref<128x64xf32, #tpu.memory_space<vmem>>
      %dma_start3A_1105 = arith.constant 0 : i32
      %dma_start3A_1106 = tpu.memref_slice %arg10[%dma_start3A_1101, %dma_start3A_1105] : memref<2x200xi32, #tpu.memory_space<vmem>> -> memref<1x200xi32, #tpu.memory_space<vmem>>
      %dma_start3A_1107 = tpu.memref_squeeze %dma_start3A_1106 : memref<1x200xi32, #tpu.memory_space<vmem>> -> memref<200xi32, #tpu.memory_space<vmem>>
      %dma_start3A_1108 = arith.constant 0 : i32
      %dma_start3A_1109 = tpu.memref_slice %dma_start3A_1107[%dma_start3A_1108] : memref<200xi32, #tpu.memory_space<vmem>> -> memref<128xi32, #tpu.memory_space<vmem>>
      %dma_start3A_1110 = arith.constant 0 : i32
      %dma_start3A_1111 = arith.constant 0 : i32
      %dma_start3A_1112 = tpu.memref_slice %arg3[%dma_start3A_1110, %dma_start3A_1111] : memref<1000000x64xf32, #tpu.memory_space<hbm>> -> memref<1000000x64xf32, #tpu.memory_space<hbm>>
      tpu.enqueue_indirect_dma source(%dma_start3A_1112 : memref<1000000x64xf32, #tpu.memory_space<hbm>>) target(%dma_start3A_1104 : memref<128x64xf32, #tpu.memory_space<vmem>>) offsets(%dma_start3A_1109 : memref<128xi32, #tpu.memory_space<vmem>>) semaphore(%arg19 : memref<!tpu.dma_semaphore, #tpu.memory_space<semaphore_mem>>)
      %dma_start3A_1113 = arith.constant 1 : i32
      %dma_start3A_1114 = arith.constant 328 : i32
      %dma_start3A_1115 = arith.constant 0 : i32
      %dma_start3A_1116 = tpu.memref_slice %arg12[%dma_start3A_1114, %dma_start3A_1115] : memref<400x64xf32, #tpu.memory_space<vmem>> -> memref<72x64xf32, #tpu.memory_space<vmem>>
      %dma_start3A_1117 = arith.constant 0 : i32
      %dma_start3A_1118 = tpu.memref_slice %arg10[%dma_start3A_1113, %dma_start3A_1117] : memref<2x200xi32, #tpu.memory_space<vmem>> -> memref<1x200xi32, #tpu.memory_space<vmem>>
      %dma_start3A_1119 = tpu.memref_squeeze %dma_start3A_1118 : memref<1x200xi32, #tpu.memory_space<vmem>> -> memref<200xi32, #tpu.memory_space<vmem>>
      %dma_start3A_1120 = arith.constant 128 : i32
      %dma_start3A_1121 = tpu.memref_slice %dma_start3A_1119[%dma_start3A_1120] : memref<200xi32, #tpu.memory_space<vmem>> -> memref<72xi32, #tpu.memory_space<vmem>>
      %dma_start3A_1122 = arith.constant 0 : i32
      %dma_start3A_1123 = arith.constant 0 : i32
      %dma_start3A_1124 = tpu.memref_slice %arg3[%dma_start3A_1122, %dma_start3A_1123] : memref<1000000x64xf32, #tpu.memory_space<hbm>> -> memref<1000000x64xf32, #tpu.memory_space<hbm>>
      tpu.enqueue_indirect_dma source(%dma_start3A_1124 : memref<1000000x64xf32, #tpu.memory_space<hbm>>) target(%dma_start3A_1116 : memref<72x64xf32, #tpu.memory_space<vmem>>) offsets(%dma_start3A_1121 : memref<72xi32, #tpu.memory_space<vmem>>) semaphore(%arg19 : memref<!tpu.dma_semaphore, #tpu.memory_space<semaphore_mem>>)
      %dma_wait3A_1125 = arith.constant 0 : i32
      %dma_wait3A_1126 = arith.constant 0 : i32
      %dma_wait3A_1127 = tpu.memref_slice %arg3[%dma_wait3A_1125, %dma_wait3A_1126] : memref<1000000x64xf32, #tpu.memory_space<hbm>> -> memref<400x64xf32, #tpu.memory_space<hbm>>
      %dma_wait3A_1128 = arith.constant 0 : i32
      %dma_wait3A_1129 = arith.constant 0 : i32
      %dma_wait3A_1130 = tpu.memref_slice %arg3[%dma_wait3A_1128, %dma_wait3A_1129] : memref<1000000x64xf32, #tpu.memory_space<hbm>> -> memref<400x64xf32, #tpu.memory_space<hbm>>
      tpu.wait_dma2 semaphore(%arg20 : memref<!tpu.dma_semaphore, #tpu.memory_space<semaphore_mem>>) src(%dma_wait3A_1130 : memref<400x64xf32, #tpu.memory_space<hbm>>) dst(%arg13 : memref<400x64xf32, #tpu.memory_space<vmem>>)
      %scan3A_1131 = arith.constant 0 : i32
      %scan3A_1132 = arith.constant 0 : i32
      %scan3A_1133 = arith.constant 13 : i32
      %scan3A_1134 = arith.addi %scan3A_1132, %scan3A_1133 : i32
      %scan3A_1135 = arith.constant 1 : i32
      %scan3A_1136 = scf.for %scan3A_1346 = %scan3A_1132 to %scan3A_1134 step %scan3A_1135 iter_args(%scan3A_1347 = %scan3A_1131) -> (i32)  : i32 {
        %mul3A_1348 = arith.constant 16 : i32
        %mul3A_1349 = arith.muli %scan3A_1346, %mul3A_1348 : i32
        %min3A_1350 = arith.constant 184 : i32
        %min3A_1351 = arith.minsi %mul3A_1349, %min3A_1350 : i32
        %get3A_1352 = arith.constant 0 : i32
        %get3A_1353 = arith.index_cast %get3A_1352 : i32 to index
        %get3A_1354 = arith.index_cast %min3A_1351 : i32 to index
        %get3A_1355 = tpu.vector_load %arg9[%get3A_1353, %get3A_1354] {strides = array<i32>} : memref<2x200xi32, #tpu.memory_space<vmem>>, vector<16xi32>,
        %ge3A_1356 = arith.constant 1000000 : i32
        %ge3A_1357 = vector.broadcast %ge3A_1356 : i32 to vector<16xi32>
        %ge3A_1358 = arith.cmpi sge, %get3A_1355, %ge3A_1357 : vector<16xi32>
        %sub3A_1359 = arith.constant 1000000 : i32
        %sub3A_1360 = vector.broadcast %sub3A_1359 : i32 to vector<16xi32>
        %sub3A_1361 = arith.subi %get3A_1355, %sub3A_1360 : vector<16xi32>
        %jit3A_1362 = arith.constant 0 : i32
        %broadcast_in_dim3A_1363 = vector.broadcast %jit3A_1362 : i32 to vector<16xi32>
        %select_n3A_1364 = arith.select %ge3A_1358, %sub3A_1361, %broadcast_in_dim3A_1363 : vector<16xi1>, vector<16xi32>
        %reduce_max3A = arith.constant true
        %reduce_max3A_1365 = vector.broadcast %reduce_max3A : i1 to vector<16xi1>
        %reduce_max3A_1366 = arith.constant -2147483648 : i32
        %reduce_max3A_1367 = vector.broadcast %reduce_max3A_1366 : i32 to vector<16xi32>
        %reduce_max3A_1368 = arith.xori %get3A_1355, %reduce_max3A_1367 : vector<16xi32>
        %reduce_max3A_1369 = tpu.scan <max>, %reduce_max3A_1368 masked %reduce_max3A_1365 : vector<16xi32>, vector<16xi1> -> vector<16xi32>
        %reduce_max3A_1370 = arith.xori %reduce_max3A_1369, %reduce_max3A_1367 : vector<16xi32>
        %reduce_max3A_1371 = vector.extract %reduce_max3A_1370[15] : i32 from vector<16xi32>
        %ge3A_1372 = arith.constant 1000000 : i32
        %ge3A_1373 = arith.cmpi sge, %reduce_max3A_1371, %ge3A_1372 : i32
        %convert_element_type3A = arith.extui %ge3A_1373 : i1 to i32
        %cond3A = arith.constant 0 : i32
        %cond3A_1374 = arith.cmpi ne, %convert_element_type3A, %cond3A : i32
        scf.if %cond3A_1374 {
          %add3A_1376 = arith.constant 0 : i32
          %add3A_1377 = arith.addi %add3A_1376, %min3A_1351 : i32
          %iota3A = tpu.iota {dimensions = array<i32: 0>} : vector<16xi32>
          %add3A_1378 = vector.broadcast %add3A_1377 : i32 to vector<16xi32>
          %add3A_1379 = arith.addi %add3A_1378, %iota3A : vector<16xi32>
          %scan3A_1380 = arith.constant 0 : i32
          %scan3A_1381 = arith.constant 0 : i32
          %scan3A_1382 = arith.constant 64 : i32
          %scan3A_1383 = arith.addi %scan3A_1381, %scan3A_1382 : i32
          %scan3A_1384 = arith.constant 1 : i32
          %scan3A_1385 = scf.for %scan3A_1387 = %scan3A_1381 to %scan3A_1383 step %scan3A_1384 iter_args(%scan3A_1388 = %scan3A_1380) -> (i32)  : i32 {
            %broadcast_in_dim3A_1389 = vector.broadcast %scan3A_1387 : i32 to vector<16xi32>
            %gather3A = tpu.vector_load_idx %arg14[%select_n3A_1364, %broadcast_in_dim3A_1389] masked %ge3A_1358 : memref<20x64xf32, #tpu.memory_space<vmem>>[vector<16xi32>, vector<16xi32>], vector<16xf32>, vector<16xi1>
            tpu.vector_store_idx %arg13[%add3A_1379, %broadcast_in_dim3A_1389], %gather3A masked %ge3A_1358 : memref<400x64xf32, #tpu.memory_space<vmem>>[vector<16xi32>, vector<16xi32>], vector<16xf32>, vector<16xi1>
            %scan3A_1390 = arith.constant 0 : i32
            scf.yield %scan3A_1390 : i32
          }
          %scan3A_1386 = arith.constant 64 : i32
        } else {
        }
        %scan3A_1375 = arith.constant 0 : i32
        scf.yield %scan3A_1375 : i32
      }
      %scan3A_1137 = arith.constant 13 : i32
      %scan3A_1138 = arith.constant 0 : i32
      %scan3A_1139 = arith.constant 0 : i32
      %scan3A_1140 = arith.constant 13 : i32
      %scan3A_1141 = arith.addi %scan3A_1139, %scan3A_1140 : i32
      %scan3A_1142 = arith.constant 1 : i32
      %scan3A_1143 = scf.for %scan3A_1346 = %scan3A_1139 to %scan3A_1141 step %scan3A_1142 iter_args(%scan3A_1347 = %scan3A_1138) -> (i32)  : i32 {
        %mul3A_1348 = arith.constant 16 : i32
        %mul3A_1349 = arith.muli %scan3A_1346, %mul3A_1348 : i32
        %min3A_1350 = arith.constant 184 : i32
        %min3A_1351 = arith.minsi %mul3A_1349, %min3A_1350 : i32
        %get3A_1352 = arith.constant 1 : i32
        %get3A_1353 = arith.index_cast %get3A_1352 : i32 to index
        %get3A_1354 = arith.index_cast %min3A_1351 : i32 to index
        %get3A_1355 = tpu.vector_load %arg9[%get3A_1353, %get3A_1354] {strides = array<i32>} : memref<2x200xi32, #tpu.memory_space<vmem>>, vector<16xi32>,
        %ge3A_1356 = arith.constant 1000000 : i32
        %ge3A_1357 = vector.broadcast %ge3A_1356 : i32 to vector<16xi32>
        %ge3A_1358 = arith.cmpi sge, %get3A_1355, %ge3A_1357 : vector<16xi32>
        %sub3A_1359 = arith.constant 1000000 : i32
        %sub3A_1360 = vector.broadcast %sub3A_1359 : i32 to vector<16xi32>
        %sub3A_1361 = arith.subi %get3A_1355, %sub3A_1360 : vector<16xi32>
        %jit3A_1362 = arith.constant 0 : i32
        %broadcast_in_dim3A_1363 = vector.broadcast %jit3A_1362 : i32 to vector<16xi32>
        %select_n3A_1364 = arith.select %ge3A_1358, %sub3A_1361, %broadcast_in_dim3A_1363 : vector<16xi1>, vector<16xi32>
        %reduce_max3A = arith.constant true
        %reduce_max3A_1365 = vector.broadcast %reduce_max3A : i1 to vector<16xi1>
        %reduce_max3A_1366 = arith.constant -2147483648 : i32
        %reduce_max3A_1367 = vector.broadcast %reduce_max3A_1366 : i32 to vector<16xi32>
        %reduce_max3A_1368 = arith.xori %get3A_1355, %reduce_max3A_1367 : vector<16xi32>
        %reduce_max3A_1369 = tpu.scan <max>, %reduce_max3A_1368 masked %reduce_max3A_1365 : vector<16xi32>, vector<16xi1> -> vector<16xi32>
        %reduce_max3A_1370 = arith.xori %reduce_max3A_1369, %reduce_max3A_1367 : vector<16xi32>
        %reduce_max3A_1371 = vector.extract %reduce_max3A_1370[15] : i32 from vector<16xi32>
        %ge3A_1372 = arith.constant 1000000 : i32
        %ge3A_1373 = arith.cmpi sge, %reduce_max3A_1371, %ge3A_1372 : i32
        %convert_element_type3A = arith.extui %ge3A_1373 : i1 to i32
        %cond3A = arith.constant 0 : i32
        %cond3A_1374 = arith.cmpi ne, %convert_element_type3A, %cond3A : i32
        scf.if %cond3A_1374 {
          %add3A_1376 = arith.constant 200 : i32
          %add3A_1377 = arith.addi %add3A_1376, %min3A_1351 : i32
          %iota3A = tpu.iota {dimensions = array<i32: 0>} : vector<16xi32>
          %add3A_1378 = vector.broadcast %add3A_1377 : i32 to vector<16xi32>
          %add3A_1379 = arith.addi %add3A_1378, %iota3A : vector<16xi32>
          %scan3A_1380 = arith.constant 0 : i32
          %scan3A_1381 = arith.constant 0 : i32
          %scan3A_1382 = arith.constant 64 : i32
          %scan3A_1383 = arith.addi %scan3A_1381, %scan3A_1382 : i32
          %scan3A_1384 = arith.constant 1 : i32
          %scan3A_1385 = scf.for %scan3A_1387 = %scan3A_1381 to %scan3A_1383 step %scan3A_1384 iter_args(%scan3A_1388 = %scan3A_1380) -> (i32)  : i32 {
            %broadcast_in_dim3A_1389 = vector.broadcast %scan3A_1387 : i32 to vector<16xi32>
            %gather3A = tpu.vector_load_idx %arg14[%select_n3A_1364, %broadcast_in_dim3A_1389] masked %ge3A_1358 : memref<20x64xf32, #tpu.memory_space<vmem>>[vector<16xi32>, vector<16xi32>], vector<16xf32>, vector<16xi1>
            tpu.vector_store_idx %arg13[%add3A_1379, %broadcast_in_dim3A_1389], %gather3A masked %ge3A_1358 : memref<400x64xf32, #tpu.memory_space<vmem>>[vector<16xi32>, vector<16xi32>], vector<16xf32>, vector<16xi1>
            %scan3A_1390 = arith.constant 0 : i32
            scf.yield %scan3A_1390 : i32
          }
          %scan3A_1386 = arith.constant 64 : i32
        } else {
        }
        %scan3A_1375 = arith.constant 0 : i32
        scf.yield %scan3A_1375 : i32
      }
      %scan3A_1144 = arith.constant 13 : i32
      %sub3A_1145 = arith.constant 1 : i32
      %sub3A_1146 = arith.subi %add3A_1002, %sub3A_1145 : i32
      %mul3A_1147 = arith.constant 2 : i32
      %mul3A_1148 = arith.muli %sub3A_1146, %mul3A_1147 : i32
      %add3A_1149 = arith.addi %mul3A_2, %mul3A_1148 : i32
      %mul3A_1150 = arith.constant 200 : i32
      %mul3A_1151 = arith.muli %add3A_1149, %mul3A_1150 : i32
      %dma_start3A_1152 = arith.constant 0 : i32
      %dma_start3A_1153 = tpu.memref_slice %arg5[%mul3A_1151, %dma_start3A_1152] : memref<819200x128xf32, #tpu.memory_space<hbm>> -> memref<400x128xf32, #tpu.memory_space<hbm>>
      %dma_start3A_1154 = arith.constant 0 : i32
      %dma_start3A_1155 = arith.constant 0 : i32
      %dma_start3A_1156 = tpu.memref_slice %dma_start3A_1153[%dma_start3A_1154, %dma_start3A_1155] : memref<400x128xf32, #tpu.memory_space<hbm>> -> memref<400x64xf32, #tpu.memory_space<hbm>>
      %dma_start3A_1157 = arith.constant 0 : i32
      %dma_start3A_1158 = tpu.memref_slice %arg5[%mul3A_1151, %dma_start3A_1157] : memref<819200x128xf32, #tpu.memory_space<hbm>> -> memref<400x128xf32, #tpu.memory_space<hbm>>
      %dma_start3A_1159 = arith.constant 0 : i32
      %dma_start3A_1160 = arith.constant 0 : i32
      %dma_start3A_1161 = tpu.memref_slice %dma_start3A_1158[%dma_start3A_1159, %dma_start3A_1160] : memref<400x128xf32, #tpu.memory_space<hbm>> -> memref<400x64xf32, #tpu.memory_space<hbm>>
      tpu.enqueue_dma source(%arg13 : memref<400x64xf32, #tpu.memory_space<vmem>>) target(%dma_start3A_1161 : memref<400x64xf32, #tpu.memory_space<hbm>>) target_semaphore(%arg22 : memref<!tpu.dma_semaphore, #tpu.memory_space<semaphore_mem>>)
      %add3A_1162 = arith.constant 2 : i32
      %add3A_1163 = arith.addi %add3A_1002, %add3A_1162 : i32
      %mul3A_1164 = arith.constant 2 : i32
      %mul3A_1165 = arith.muli %add3A_1163, %mul3A_1164 : i32
      %add3A_1166 = arith.addi %mul3A_2, %mul3A_1165 : i32
      %dma_start3A_1167 = arith.constant 0 : i32
      %dma_start3A_1168 = tpu.memref_slice %arg2[%add3A_1166, %dma_start3A_1167] : memref<4096x200xi32, #tpu.memory_space<hbm>> -> memref<2x200xi32, #tpu.memory_space<hbm>>
      %dma_start3A_1169 = arith.constant 0 : i32
      %dma_start3A_1170 = tpu.memref_slice %arg2[%add3A_1166, %dma_start3A_1169] : memref<4096x200xi32, #tpu.memory_space<hbm>> -> memref<2x200xi32, #tpu.memory_space<hbm>>
      tpu.enqueue_dma source(%dma_start3A_1170 : memref<2x200xi32, #tpu.memory_space<hbm>>) target(%arg8 : memref<2x200xi32, #tpu.memory_space<vmem>>) target_semaphore(%arg17 : memref<!tpu.dma_semaphore, #tpu.memory_space<semaphore_mem>>)
      %mul3A_1171 = arith.constant 4 : i32
      %mul3A_1172 = arith.muli %scan3A_648, %mul3A_1171 : i32
      %add3A_1173 = arith.constant 2 : i32
      %add3A_1174 = arith.addi %add3A_1173, %mul3A_1172 : i32
      %add3A_1175 = arith.constant 3 : i32
      %add3A_1176 = arith.addi %add3A_1174, %add3A_1175 : i32
      %dma_wait3A_1177 = arith.constant 0 : i32
      %dma_wait3A_1178 = arith.constant 0 : i32
      %dma_wait3A_1179 = tpu.memref_slice %arg2[%dma_wait3A_1177, %dma_wait3A_1178] : memref<4096x200xi32, #tpu.memory_space<hbm>> -> memref<2x200xi32, #tpu.memory_space<hbm>>
      %dma_wait3A_1180 = arith.constant 0 : i32
      %dma_wait3A_1181 = arith.constant 0 : i32
      %dma_wait3A_1182 = tpu.memref_slice %arg2[%dma_wait3A_1180, %dma_wait3A_1181] : memref<4096x200xi32, #tpu.memory_space<hbm>> -> memref<2x200xi32, #tpu.memory_space<hbm>>
      tpu.wait_dma2 semaphore(%arg16 : memref<!tpu.dma_semaphore, #tpu.memory_space<semaphore_mem>>) src(%dma_wait3A_1182 : memref<2x200xi32, #tpu.memory_space<hbm>>) dst(%arg7 : memref<2x200xi32, #tpu.memory_space<vmem>>)
      %scan3A_1183 = arith.constant 0 : i32
      %scan3A_1184 = arith.constant 0 : i32
      %scan3A_1185 = arith.constant 12 : i32
      %scan3A_1186 = arith.addi %scan3A_1184, %scan3A_1185 : i32
      %scan3A_1187 = arith.constant 4 : i32
      %scan3A_1188 = scf.for %scan3A_1346 = %scan3A_1184 to %scan3A_1186 step %scan3A_1187 iter_args(%scan3A_1347 = %scan3A_1183) -> (i32)  : i32 {
        %mul3A_1348 = arith.constant 16 : i32
        %mul3A_1349 = arith.muli %scan3A_1346, %mul3A_1348 : i32
        %min3A_1350 = arith.constant 184 : i32
        %min3A_1351 = arith.minsi %mul3A_1349, %min3A_1350 : i32
        %get3A_1352 = arith.constant 0 : i32
        %get3A_1353 = arith.index_cast %get3A_1352 : i32 to index
        %get3A_1354 = arith.index_cast %min3A_1351 : i32 to index
        %get3A_1355 = tpu.vector_load %arg7[%get3A_1353, %get3A_1354] {strides = array<i32>} : memref<2x200xi32, #tpu.memory_space<vmem>>, vector<16xi32>,
        %ge3A_1356 = arith.constant 1000000 : i32
        %ge3A_1357 = vector.broadcast %ge3A_1356 : i32 to vector<16xi32>
        %ge3A_1358 = arith.cmpi sge, %get3A_1355, %ge3A_1357 : vector<16xi32>
        %jit3A_1359 = arith.constant 0 : i32
        %broadcast_in_dim3A_1360 = vector.broadcast %jit3A_1359 : i32 to vector<16xi32>
        %select_n3A_1361 = arith.select %ge3A_1358, %broadcast_in_dim3A_1360, %get3A_1355 : vector<16xi1>, vector<16xi32>
        %swap3A_1362 = arith.constant 0 : i32
        %swap3A_1363 = arith.index_cast %swap3A_1362 : i32 to index
        %swap3A_1364 = arith.index_cast %min3A_1351 : i32 to index
        %swap3A_1365 = tpu.vector_load %arg11[%swap3A_1363, %swap3A_1364] {strides = array<i32>} : memref<2x200xi32, #tpu.memory_space<vmem>>, vector<16xi32>,
        tpu.vector_store %arg11[%swap3A_1363, %swap3A_1364], %select_n3A_1361 {strides = array<i32>} : memref<2x200xi32, #tpu.memory_space<vmem>>, vector<16xi32>,
        %scan3A_1366 = arith.constant 0 : i32
        %scan3A_1367 = arith.constant 1 : i32
        %scan3A_1368 = arith.addi %scan3A_1346, %scan3A_1367 : i32
        %mul3A_1369 = arith.constant 16 : i32
        %mul3A_1370 = arith.muli %scan3A_1368, %mul3A_1369 : i32
        %min3A_1371 = arith.constant 184 : i32
        %min3A_1372 = arith.minsi %mul3A_1370, %min3A_1371 : i32
        %get3A_1373 = arith.constant 0 : i32
        %get3A_1374 = arith.index_cast %get3A_1373 : i32 to index
        %get3A_1375 = arith.index_cast %min3A_1372 : i32 to index
        %get3A_1376 = tpu.vector_load %arg7[%get3A_1374, %get3A_1375] {strides = array<i32>} : memref<2x200xi32, #tpu.memory_space<vmem>>, vector<16xi32>,
        %ge3A_1377 = arith.constant 1000000 : i32
        %ge3A_1378 = vector.broadcast %ge3A_1377 : i32 to vector<16xi32>
        %ge3A_1379 = arith.cmpi sge, %get3A_1376, %ge3A_1378 : vector<16xi32>
        %jit3A_1380 = arith.constant 0 : i32
        %broadcast_in_dim3A_1381 = vector.broadcast %jit3A_1380 : i32 to vector<16xi32>
        %select_n3A_1382 = arith.select %ge3A_1379, %broadcast_in_dim3A_1381, %get3A_1376 : vector<16xi1>, vector<16xi32>
        %swap3A_1383 = arith.constant 0 : i32
        %swap3A_1384 = arith.index_cast %swap3A_1383 : i32 to index
        %swap3A_1385 = arith.index_cast %min3A_1372 : i32 to index
        %swap3A_1386 = tpu.vector_load %arg11[%swap3A_1384, %swap3A_1385] {strides = array<i32>} : memref<2x200xi32, #tpu.memory_space<vmem>>, vector<16xi32>,
        tpu.vector_store %arg11[%swap3A_1384, %swap3A_1385], %select_n3A_1382 {strides = array<i32>} : memref<2x200xi32, #tpu.memory_space<vmem>>, vector<16xi32>,
        %scan3A_1387 = arith.constant 0 : i32
        %scan3A_1388 = arith.constant 2 : i32
        %scan3A_1389 = arith.addi %scan3A_1346, %scan3A_1388 : i32
        %mul3A_1390 = arith.constant 16 : i32
        %mul3A_1391 = arith.muli %scan3A_1389, %mul3A_1390 : i32
        %min3A_1392 = arith.constant 184 : i32
        %min3A_1393 = arith.minsi %mul3A_1391, %min3A_1392 : i32
        %get3A_1394 = arith.constant 0 : i32
        %get3A_1395 = arith.index_cast %get3A_1394 : i32 to index
        %get3A_1396 = arith.index_cast %min3A_1393 : i32 to index
        %get3A_1397 = tpu.vector_load %arg7[%get3A_1395, %get3A_1396] {strides = array<i32>} : memref<2x200xi32, #tpu.memory_space<vmem>>, vector<16xi32>,
        %ge3A_1398 = arith.constant 1000000 : i32
        %ge3A_1399 = vector.broadcast %ge3A_1398 : i32 to vector<16xi32>
        %ge3A_1400 = arith.cmpi sge, %get3A_1397, %ge3A_1399 : vector<16xi32>
        %jit3A_1401 = arith.constant 0 : i32
        %broadcast_in_dim3A_1402 = vector.broadcast %jit3A_1401 : i32 to vector<16xi32>
        %select_n3A_1403 = arith.select %ge3A_1400, %broadcast_in_dim3A_1402, %get3A_1397 : vector<16xi1>, vector<16xi32>
        %swap3A_1404 = arith.constant 0 : i32
        %swap3A_1405 = arith.index_cast %swap3A_1404 : i32 to index
        %swap3A_1406 = arith.index_cast %min3A_1393 : i32 to index
        %swap3A_1407 = tpu.vector_load %arg11[%swap3A_1405, %swap3A_1406] {strides = array<i32>} : memref<2x200xi32, #tpu.memory_space<vmem>>, vector<16xi32>,
        tpu.vector_store %arg11[%swap3A_1405, %swap3A_1406], %select_n3A_1403 {strides = array<i32>} : memref<2x200xi32, #tpu.memory_space<vmem>>, vector<16xi32>,
        %scan3A_1408 = arith.constant 0 : i32
        %scan3A_1409 = arith.constant 3 : i32
        %scan3A_1410 = arith.addi %scan3A_1346, %scan3A_1409 : i32
        %mul3A_1411 = arith.constant 16 : i32
        %mul3A_1412 = arith.muli %scan3A_1410, %mul3A_1411 : i32
        %min3A_1413 = arith.constant 184 : i32
        %min3A_1414 = arith.minsi %mul3A_1412, %min3A_1413 : i32
        %get3A_1415 = arith.constant 0 : i32
        %get3A_1416 = arith.index_cast %get3A_1415 : i32 to index
        %get3A_1417 = arith.index_cast %min3A_1414 : i32 to index
        %get3A_1418 = tpu.vector_load %arg7[%get3A_1416, %get3A_1417] {strides = array<i32>} : memref<2x200xi32, #tpu.memory_space<vmem>>, vector<16xi32>,
        %ge3A_1419 = arith.constant 1000000 : i32
        %ge3A_1420 = vector.broadcast %ge3A_1419 : i32 to vector<16xi32>
        %ge3A_1421 = arith.cmpi sge, %get3A_1418, %ge3A_1420 : vector<16xi32>
        %jit3A_1422 = arith.constant 0 : i32
        %broadcast_in_dim3A_1423 = vector.broadcast %jit3A_1422 : i32 to vector<16xi32>
        %select_n3A_1424 = arith.select %ge3A_1421, %broadcast_in_dim3A_1423, %get3A_1418 : vector<16xi1>, vector<16xi32>
        %swap3A_1425 = arith.constant 0 : i32
        %swap3A_1426 = arith.index_cast %swap3A_1425 : i32 to index
        %swap3A_1427 = arith.index_cast %min3A_1414 : i32 to index
        %swap3A_1428 = tpu.vector_load %arg11[%swap3A_1426, %swap3A_1427] {strides = array<i32>} : memref<2x200xi32, #tpu.memory_space<vmem>>, vector<16xi32>,
        tpu.vector_store %arg11[%swap3A_1426, %swap3A_1427], %select_n3A_1424 {strides = array<i32>} : memref<2x200xi32, #tpu.memory_space<vmem>>, vector<16xi32>,
        %scan3A_1429 = arith.constant 0 : i32
        scf.yield %scan3A_1429 : i32
      }
      %scan3A_1189 = arith.constant 12 : i32
      %scan3A_1190 = arith.addi %scan3A_1184, %scan3A_1189 : i32
      %mul3A_1191 = arith.constant 16 : i32
      %mul3A_1192 = arith.muli %scan3A_1190, %mul3A_1191 : i32
      %min3A_1193 = arith.constant 184 : i32
      %min3A_1194 = arith.minsi %mul3A_1192, %min3A_1193 : i32
      %get3A_1195 = arith.constant 0 : i32
      %get3A_1196 = arith.index_cast %get3A_1195 : i32 to index
      %get3A_1197 = arith.index_cast %min3A_1194 : i32 to index
      %get3A_1198 = tpu.vector_load %arg7[%get3A_1196, %get3A_1197] {strides = array<i32>} : memref<2x200xi32, #tpu.memory_space<vmem>>, vector<16xi32>,
      %ge3A_1199 = arith.constant 1000000 : i32
      %ge3A_1200 = vector.broadcast %ge3A_1199 : i32 to vector<16xi32>
      %ge3A_1201 = arith.cmpi sge, %get3A_1198, %ge3A_1200 : vector<16xi32>
      %jit3A_1202 = arith.constant 0 : i32
      %broadcast_in_dim3A_1203 = vector.broadcast %jit3A_1202 : i32 to vector<16xi32>
      %select_n3A_1204 = arith.select %ge3A_1201, %broadcast_in_dim3A_1203, %get3A_1198 : vector<16xi1>, vector<16xi32>
      %swap3A_1205 = arith.constant 0 : i32
      %swap3A_1206 = arith.index_cast %swap3A_1205 : i32 to index
      %swap3A_1207 = arith.index_cast %min3A_1194 : i32 to index
      %swap3A_1208 = tpu.vector_load %arg11[%swap3A_1206, %swap3A_1207] {strides = array<i32>} : memref<2x200xi32, #tpu.memory_space<vmem>>, vector<16xi32>,
      tpu.vector_store %arg11[%swap3A_1206, %swap3A_1207], %select_n3A_1204 {strides = array<i32>} : memref<2x200xi32, #tpu.memory_space<vmem>>, vector<16xi32>,
      %scan3A_1209 = arith.constant 0 : i32
      %scan3A_1210 = arith.constant 13 : i32
      %scan3A_1211 = arith.constant 0 : i32
      %scan3A_1212 = arith.constant 0 : i32
      %scan3A_1213 = arith.constant 12 : i32
      %scan3A_1214 = arith.addi %scan3A_1212, %scan3A_1213 : i32
      %scan3A_1215 = arith.constant 4 : i32
      %scan3A_1216 = scf.for %scan3A_1346 = %scan3A_1212 to %scan3A_1214 step %scan3A_1215 iter_args(%scan3A_1347 = %scan3A_1211) -> (i32)  : i32 {
        %mul3A_1348 = arith.constant 16 : i32
        %mul3A_1349 = arith.muli %scan3A_1346, %mul3A_1348 : i32
        %min3A_1350 = arith.constant 184 : i32
        %min3A_1351 = arith.minsi %mul3A_1349, %min3A_1350 : i32
        %get3A_1352 = arith.constant 1 : i32
        %get3A_1353 = arith.index_cast %get3A_1352 : i32 to index
        %get3A_1354 = arith.index_cast %min3A_1351 : i32 to index
        %get3A_1355 = tpu.vector_load %arg7[%get3A_1353, %get3A_1354] {strides = array<i32>} : memref<2x200xi32, #tpu.memory_space<vmem>>, vector<16xi32>,
        %ge3A_1356 = arith.constant 1000000 : i32
        %ge3A_1357 = vector.broadcast %ge3A_1356 : i32 to vector<16xi32>
        %ge3A_1358 = arith.cmpi sge, %get3A_1355, %ge3A_1357 : vector<16xi32>
        %jit3A_1359 = arith.constant 0 : i32
        %broadcast_in_dim3A_1360 = vector.broadcast %jit3A_1359 : i32 to vector<16xi32>
        %select_n3A_1361 = arith.select %ge3A_1358, %broadcast_in_dim3A_1360, %get3A_1355 : vector<16xi1>, vector<16xi32>
        %swap3A_1362 = arith.constant 1 : i32
        %swap3A_1363 = arith.index_cast %swap3A_1362 : i32 to index
        %swap3A_1364 = arith.index_cast %min3A_1351 : i32 to index
        %swap3A_1365 = tpu.vector_load %arg11[%swap3A_1363, %swap3A_1364] {strides = array<i32>} : memref<2x200xi32, #tpu.memory_space<vmem>>, vector<16xi32>,
        tpu.vector_store %arg11[%swap3A_1363, %swap3A_1364], %select_n3A_1361 {strides = array<i32>} : memref<2x200xi32, #tpu.memory_space<vmem>>, vector<16xi32>,
        %scan3A_1366 = arith.constant 0 : i32
        %scan3A_1367 = arith.constant 1 : i32
        %scan3A_1368 = arith.addi %scan3A_1346, %scan3A_1367 : i32
        %mul3A_1369 = arith.constant 16 : i32
        %mul3A_1370 = arith.muli %scan3A_1368, %mul3A_1369 : i32
        %min3A_1371 = arith.constant 184 : i32
        %min3A_1372 = arith.minsi %mul3A_1370, %min3A_1371 : i32
        %get3A_1373 = arith.constant 1 : i32
        %get3A_1374 = arith.index_cast %get3A_1373 : i32 to index
        %get3A_1375 = arith.index_cast %min3A_1372 : i32 to index
        %get3A_1376 = tpu.vector_load %arg7[%get3A_1374, %get3A_1375] {strides = array<i32>} : memref<2x200xi32, #tpu.memory_space<vmem>>, vector<16xi32>,
        %ge3A_1377 = arith.constant 1000000 : i32
        %ge3A_1378 = vector.broadcast %ge3A_1377 : i32 to vector<16xi32>
        %ge3A_1379 = arith.cmpi sge, %get3A_1376, %ge3A_1378 : vector<16xi32>
        %jit3A_1380 = arith.constant 0 : i32
        %broadcast_in_dim3A_1381 = vector.broadcast %jit3A_1380 : i32 to vector<16xi32>
        %select_n3A_1382 = arith.select %ge3A_1379, %broadcast_in_dim3A_1381, %get3A_1376 : vector<16xi1>, vector<16xi32>
        %swap3A_1383 = arith.constant 1 : i32
        %swap3A_1384 = arith.index_cast %swap3A_1383 : i32 to index
        %swap3A_1385 = arith.index_cast %min3A_1372 : i32 to index
        %swap3A_1386 = tpu.vector_load %arg11[%swap3A_1384, %swap3A_1385] {strides = array<i32>} : memref<2x200xi32, #tpu.memory_space<vmem>>, vector<16xi32>,
        tpu.vector_store %arg11[%swap3A_1384, %swap3A_1385], %select_n3A_1382 {strides = array<i32>} : memref<2x200xi32, #tpu.memory_space<vmem>>, vector<16xi32>,
        %scan3A_1387 = arith.constant 0 : i32
        %scan3A_1388 = arith.constant 2 : i32
        %scan3A_1389 = arith.addi %scan3A_1346, %scan3A_1388 : i32
        %mul3A_1390 = arith.constant 16 : i32
        %mul3A_1391 = arith.muli %scan3A_1389, %mul3A_1390 : i32
        %min3A_1392 = arith.constant 184 : i32
        %min3A_1393 = arith.minsi %mul3A_1391, %min3A_1392 : i32
        %get3A_1394 = arith.constant 1 : i32
        %get3A_1395 = arith.index_cast %get3A_1394 : i32 to index
        %get3A_1396 = arith.index_cast %min3A_1393 : i32 to index
        %get3A_1397 = tpu.vector_load %arg7[%get3A_1395, %get3A_1396] {strides = array<i32>} : memref<2x200xi32, #tpu.memory_space<vmem>>, vector<16xi32>,
        %ge3A_1398 = arith.constant 1000000 : i32
        %ge3A_1399 = vector.broadcast %ge3A_1398 : i32 to vector<16xi32>
        %ge3A_1400 = arith.cmpi sge, %get3A_1397, %ge3A_1399 : vector<16xi32>
        %jit3A_1401 = arith.constant 0 : i32
        %broadcast_in_dim3A_1402 = vector.broadcast %jit3A_1401 : i32 to vector<16xi32>
        %select_n3A_1403 = arith.select %ge3A_1400, %broadcast_in_dim3A_1402, %get3A_1397 : vector<16xi1>, vector<16xi32>
        %swap3A_1404 = arith.constant 1 : i32
        %swap3A_1405 = arith.index_cast %swap3A_1404 : i32 to index
        %swap3A_1406 = arith.index_cast %min3A_1393 : i32 to index
        %swap3A_1407 = tpu.vector_load %arg11[%swap3A_1405, %swap3A_1406] {strides = array<i32>} : memref<2x200xi32, #tpu.memory_space<vmem>>, vector<16xi32>,
        tpu.vector_store %arg11[%swap3A_1405, %swap3A_1406], %select_n3A_1403 {strides = array<i32>} : memref<2x200xi32, #tpu.memory_space<vmem>>, vector<16xi32>,
        %scan3A_1408 = arith.constant 0 : i32
        %scan3A_1409 = arith.constant 3 : i32
        %scan3A_1410 = arith.addi %scan3A_1346, %scan3A_1409 : i32
        %mul3A_1411 = arith.constant 16 : i32
        %mul3A_1412 = arith.muli %scan3A_1410, %mul3A_1411 : i32
        %min3A_1413 = arith.constant 184 : i32
        %min3A_1414 = arith.minsi %mul3A_1412, %min3A_1413 : i32
        %get3A_1415 = arith.constant 1 : i32
        %get3A_1416 = arith.index_cast %get3A_1415 : i32 to index
        %get3A_1417 = arith.index_cast %min3A_1414 : i32 to index
        %get3A_1418 = tpu.vector_load %arg7[%get3A_1416, %get3A_1417] {strides = array<i32>} : memref<2x200xi32, #tpu.memory_space<vmem>>, vector<16xi32>,
        %ge3A_1419 = arith.constant 1000000 : i32
        %ge3A_1420 = vector.broadcast %ge3A_1419 : i32 to vector<16xi32>
        %ge3A_1421 = arith.cmpi sge, %get3A_1418, %ge3A_1420 : vector<16xi32>
        %jit3A_1422 = arith.constant 0 : i32
        %broadcast_in_dim3A_1423 = vector.broadcast %jit3A_1422 : i32 to vector<16xi32>
        %select_n3A_1424 = arith.select %ge3A_1421, %broadcast_in_dim3A_1423, %get3A_1418 : vector<16xi1>, vector<16xi32>
        %swap3A_1425 = arith.constant 1 : i32
        %swap3A_1426 = arith.index_cast %swap3A_1425 : i32 to index
        %swap3A_1427 = arith.index_cast %min3A_1414 : i32 to index
        %swap3A_1428 = tpu.vector_load %arg11[%swap3A_1426, %swap3A_1427] {strides = array<i32>} : memref<2x200xi32, #tpu.memory_space<vmem>>, vector<16xi32>,
        tpu.vector_store %arg11[%swap3A_1426, %swap3A_1427], %select_n3A_1424 {strides = array<i32>} : memref<2x200xi32, #tpu.memory_space<vmem>>, vector<16xi32>,
        %scan3A_1429 = arith.constant 0 : i32
        scf.yield %scan3A_1429 : i32
      }
      %scan3A_1217 = arith.constant 12 : i32
      %scan3A_1218 = arith.addi %scan3A_1212, %scan3A_1217 : i32
      %mul3A_1219 = arith.constant 16 : i32
      %mul3A_1220 = arith.muli %scan3A_1218, %mul3A_1219 : i32
      %min3A_1221 = arith.constant 184 : i32
      %min3A_1222 = arith.minsi %mul3A_1220, %min3A_1221 : i32
      %get3A_1223 = arith.constant 1 : i32
      %get3A_1224 = arith.index_cast %get3A_1223 : i32 to index
      %get3A_1225 = arith.index_cast %min3A_1222 : i32 to index
      %get3A_1226 = tpu.vector_load %arg7[%get3A_1224, %get3A_1225] {strides = array<i32>} : memref<2x200xi32, #tpu.memory_space<vmem>>, vector<16xi32>,
      %ge3A_1227 = arith.constant 1000000 : i32
      %ge3A_1228 = vector.broadcast %ge3A_1227 : i32 to vector<16xi32>
      %ge3A_1229 = arith.cmpi sge, %get3A_1226, %ge3A_1228 : vector<16xi32>
      %jit3A_1230 = arith.constant 0 : i32
      %broadcast_in_dim3A_1231 = vector.broadcast %jit3A_1230 : i32 to vector<16xi32>
      %select_n3A_1232 = arith.select %ge3A_1229, %broadcast_in_dim3A_1231, %get3A_1226 : vector<16xi1>, vector<16xi32>
      %swap3A_1233 = arith.constant 1 : i32
      %swap3A_1234 = arith.index_cast %swap3A_1233 : i32 to index
      %swap3A_1235 = arith.index_cast %min3A_1222 : i32 to index
      %swap3A_1236 = tpu.vector_load %arg11[%swap3A_1234, %swap3A_1235] {strides = array<i32>} : memref<2x200xi32, #tpu.memory_space<vmem>>, vector<16xi32>,
      tpu.vector_store %arg11[%swap3A_1234, %swap3A_1235], %select_n3A_1232 {strides = array<i32>} : memref<2x200xi32, #tpu.memory_space<vmem>>, vector<16xi32>,
      %scan3A_1237 = arith.constant 0 : i32
      %scan3A_1238 = arith.constant 13 : i32
      %dma_wait3A_1239 = arith.constant 0 : i32
      %dma_wait3A_1240 = arith.constant 0 : i32
      %dma_wait3A_1241 = tpu.memref_slice %arg5[%dma_wait3A_1239, %dma_wait3A_1240] : memref<819200x128xf32, #tpu.memory_space<hbm>> -> memref<400x128xf32, #tpu.memory_space<hbm>>
      %dma_wait3A_1242 = arith.constant 0 : i32
      %dma_wait3A_1243 = arith.constant 0 : i32
      %dma_wait3A_1244 = tpu.memref_slice %dma_wait3A_1241[%dma_wait3A_1242, %dma_wait3A_1243] : memref<400x128xf32, #tpu.memory_space<hbm>> -> memref<400x64xf32, #tpu.memory_space<hbm>>
      %dma_wait3A_1245 = arith.constant 0 : i32
      %dma_wait3A_1246 = arith.constant 0 : i32
      %dma_wait3A_1247 = tpu.memref_slice %arg5[%dma_wait3A_1245, %dma_wait3A_1246] : memref<819200x128xf32, #tpu.memory_space<hbm>> -> memref<400x128xf32, #tpu.memory_space<hbm>>
      %dma_wait3A_1248 = arith.constant 0 : i32
      %dma_wait3A_1249 = arith.constant 0 : i32
      %dma_wait3A_1250 = tpu.memref_slice %dma_wait3A_1247[%dma_wait3A_1248, %dma_wait3A_1249] : memref<400x128xf32, #tpu.memory_space<hbm>> -> memref<400x64xf32, #tpu.memory_space<hbm>>
      tpu.wait_dma2 semaphore(%arg22 : memref<!tpu.dma_semaphore, #tpu.memory_space<semaphore_mem>>) src(%arg13 : memref<400x64xf32, #tpu.memory_space<vmem>>) dst(%dma_wait3A_1250 : memref<400x64xf32, #tpu.memory_space<hbm>>)
      %dma_start3A_1251 = arith.constant 0 : i32
      %dma_start3A_1252 = arith.constant 0 : i32
      %dma_start3A_1253 = arith.constant 0 : i32
      %dma_start3A_1254 = tpu.memref_slice %arg13[%dma_start3A_1252, %dma_start3A_1253] : memref<400x64xf32, #tpu.memory_space<vmem>> -> memref<128x64xf32, #tpu.memory_space<vmem>>
      %dma_start3A_1255 = arith.constant 0 : i32
      %dma_start3A_1256 = tpu.memref_slice %arg11[%dma_start3A_1251, %dma_start3A_1255] : memref<2x200xi32, #tpu.memory_space<vmem>> -> memref<1x200xi32, #tpu.memory_space<vmem>>
      %dma_start3A_1257 = tpu.memref_squeeze %dma_start3A_1256 : memref<1x200xi32, #tpu.memory_space<vmem>> -> memref<200xi32, #tpu.memory_space<vmem>>
      %dma_start3A_1258 = arith.constant 0 : i32
      %dma_start3A_1259 = tpu.memref_slice %dma_start3A_1257[%dma_start3A_1258] : memref<200xi32, #tpu.memory_space<vmem>> -> memref<128xi32, #tpu.memory_space<vmem>>
      %dma_start3A_1260 = arith.constant 0 : i32
      %dma_start3A_1261 = arith.constant 0 : i32
      %dma_start3A_1262 = tpu.memref_slice %arg3[%dma_start3A_1260, %dma_start3A_1261] : memref<1000000x64xf32, #tpu.memory_space<hbm>> -> memref<1000000x64xf32, #tpu.memory_space<hbm>>
      tpu.enqueue_indirect_dma source(%dma_start3A_1262 : memref<1000000x64xf32, #tpu.memory_space<hbm>>) target(%dma_start3A_1254 : memref<128x64xf32, #tpu.memory_space<vmem>>) offsets(%dma_start3A_1259 : memref<128xi32, #tpu.memory_space<vmem>>) semaphore(%arg20 : memref<!tpu.dma_semaphore, #tpu.memory_space<semaphore_mem>>)
      %dma_start3A_1263 = arith.constant 0 : i32
      %dma_start3A_1264 = arith.constant 128 : i32
      %dma_start3A_1265 = arith.constant 0 : i32
      %dma_start3A_1266 = tpu.memref_slice %arg13[%dma_start3A_1264, %dma_start3A_1265] : memref<400x64xf32, #tpu.memory_space<vmem>> -> memref<72x64xf32, #tpu.memory_space<vmem>>
      %dma_start3A_1267 = arith.constant 0 : i32
      %dma_start3A_1268 = tpu.memref_slice %arg11[%dma_start3A_1263, %dma_start3A_1267] : memref<2x200xi32, #tpu.memory_space<vmem>> -> memref<1x200xi32, #tpu.memory_space<vmem>>
      %dma_start3A_1269 = tpu.memref_squeeze %dma_start3A_1268 : memref<1x200xi32, #tpu.memory_space<vmem>> -> memref<200xi32, #tpu.memory_space<vmem>>
      %dma_start3A_1270 = arith.constant 128 : i32
      %dma_start3A_1271 = tpu.memref_slice %dma_start3A_1269[%dma_start3A_1270] : memref<200xi32, #tpu.memory_space<vmem>> -> memref<72xi32, #tpu.memory_space<vmem>>
      %dma_start3A_1272 = arith.constant 0 : i32
      %dma_start3A_1273 = arith.constant 0 : i32
      %dma_start3A_1274 = tpu.memref_slice %arg3[%dma_start3A_1272, %dma_start3A_1273] : memref<1000000x64xf32, #tpu.memory_space<hbm>> -> memref<1000000x64xf32, #tpu.memory_space<hbm>>
      tpu.enqueue_indirect_dma source(%dma_start3A_1274 : memref<1000000x64xf32, #tpu.memory_space<hbm>>) target(%dma_start3A_1266 : memref<72x64xf32, #tpu.memory_space<vmem>>) offsets(%dma_start3A_1271 : memref<72xi32, #tpu.memory_space<vmem>>) semaphore(%arg20 : memref<!tpu.dma_semaphore, #tpu.memory_space<semaphore_mem>>)
      %dma_start3A_1275 = arith.constant 1 : i32
      %dma_start3A_1276 = arith.constant 200 : i32
      %dma_start3A_1277 = arith.constant 0 : i32
      %dma_start3A_1278 = tpu.memref_slice %arg13[%dma_start3A_1276, %dma_start3A_1277] : memref<400x64xf32, #tpu.memory_space<vmem>> -> memref<128x64xf32, #tpu.memory_space<vmem>>
      %dma_start3A_1279 = arith.constant 0 : i32
      %dma_start3A_1280 = tpu.memref_slice %arg11[%dma_start3A_1275, %dma_start3A_1279] : memref<2x200xi32, #tpu.memory_space<vmem>> -> memref<1x200xi32, #tpu.memory_space<vmem>>
      %dma_start3A_1281 = tpu.memref_squeeze %dma_start3A_1280 : memref<1x200xi32, #tpu.memory_space<vmem>> -> memref<200xi32, #tpu.memory_space<vmem>>
      %dma_start3A_1282 = arith.constant 0 : i32
      %dma_start3A_1283 = tpu.memref_slice %dma_start3A_1281[%dma_start3A_1282] : memref<200xi32, #tpu.memory_space<vmem>> -> memref<128xi32, #tpu.memory_space<vmem>>
      %dma_start3A_1284 = arith.constant 0 : i32
      %dma_start3A_1285 = arith.constant 0 : i32
      %dma_start3A_1286 = tpu.memref_slice %arg3[%dma_start3A_1284, %dma_start3A_1285] : memref<1000000x64xf32, #tpu.memory_space<hbm>> -> memref<1000000x64xf32, #tpu.memory_space<hbm>>
      tpu.enqueue_indirect_dma source(%dma_start3A_1286 : memref<1000000x64xf32, #tpu.memory_space<hbm>>) target(%dma_start3A_1278 : memref<128x64xf32, #tpu.memory_space<vmem>>) offsets(%dma_start3A_1283 : memref<128xi32, #tpu.memory_space<vmem>>) semaphore(%arg20 : memref<!tpu.dma_semaphore, #tpu.memory_space<semaphore_mem>>)
      %dma_start3A_1287 = arith.constant 1 : i32
      %dma_start3A_1288 = arith.constant 328 : i32
      %dma_start3A_1289 = arith.constant 0 : i32
      %dma_start3A_1290 = tpu.memref_slice %arg13[%dma_start3A_1288, %dma_start3A_1289] : memref<400x64xf32, #tpu.memory_space<vmem>> -> memref<72x64xf32, #tpu.memory_space<vmem>>
      %dma_start3A_1291 = arith.constant 0 : i32
      %dma_start3A_1292 = tpu.memref_slice %arg11[%dma_start3A_1287, %dma_start3A_1291] : memref<2x200xi32, #tpu.memory_space<vmem>> -> memref<1x200xi32, #tpu.memory_space<vmem>>
      %dma_start3A_1293 = tpu.memref_squeeze %dma_start3A_1292 : memref<1x200xi32, #tpu.memory_space<vmem>> -> memref<200xi32, #tpu.memory_space<vmem>>
      %dma_start3A_1294 = arith.constant 128 : i32
      %dma_start3A_1295 = tpu.memref_slice %dma_start3A_1293[%dma_start3A_1294] : memref<200xi32, #tpu.memory_space<vmem>> -> memref<72xi32, #tpu.memory_space<vmem>>
      %dma_start3A_1296 = arith.constant 0 : i32
      %dma_start3A_1297 = arith.constant 0 : i32
      %dma_start3A_1298 = tpu.memref_slice %arg3[%dma_start3A_1296, %dma_start3A_1297] : memref<1000000x64xf32, #tpu.memory_space<hbm>> -> memref<1000000x64xf32, #tpu.memory_space<hbm>>
      tpu.enqueue_indirect_dma source(%dma_start3A_1298 : memref<1000000x64xf32, #tpu.memory_space<hbm>>) target(%dma_start3A_1290 : memref<72x64xf32, #tpu.memory_space<vmem>>) offsets(%dma_start3A_1295 : memref<72xi32, #tpu.memory_space<vmem>>) semaphore(%arg20 : memref<!tpu.dma_semaphore, #tpu.memory_space<semaphore_mem>>)
      %dma_wait3A_1299 = arith.constant 0 : i32
      %dma_wait3A_1300 = arith.constant 0 : i32
      %dma_wait3A_1301 = tpu.memref_slice %arg3[%dma_wait3A_1299, %dma_wait3A_1300] : memref<1000000x64xf32, #tpu.memory_space<hbm>> -> memref<400x64xf32, #tpu.memory_space<hbm>>
      %dma_wait3A_1302 = arith.constant 0 : i32
      %dma_wait3A_1303 = arith.constant 0 : i32
      %dma_wait3A_1304 = tpu.memref_slice %arg3[%dma_wait3A_1302, %dma_wait3A_1303] : memref<1000000x64xf32, #tpu.memory_space<hbm>> -> memref<400x64xf32, #tpu.memory_space<hbm>>
      tpu.wait_dma2 semaphore(%arg19 : memref<!tpu.dma_semaphore, #tpu.memory_space<semaphore_mem>>) src(%dma_wait3A_1304 : memref<400x64xf32, #tpu.memory_space<hbm>>) dst(%arg12 : memref<400x64xf32, #tpu.memory_space<vmem>>)
      %scan3A_1305 = arith.constant 0 : i32
      %scan3A_1306 = arith.constant 0 : i32
      %scan3A_1307 = arith.constant 13 : i32
      %scan3A_1308 = arith.addi %scan3A_1306, %scan3A_1307 : i32
      %scan3A_1309 = arith.constant 1 : i32
      %scan3A_1310 = scf.for %scan3A_1346 = %scan3A_1306 to %scan3A_1308 step %scan3A_1309 iter_args(%scan3A_1347 = %scan3A_1305) -> (i32)  : i32 {
        %mul3A_1348 = arith.constant 16 : i32
        %mul3A_1349 = arith.muli %scan3A_1346, %mul3A_1348 : i32
        %min3A_1350 = arith.constant 184 : i32
        %min3A_1351 = arith.minsi %mul3A_1349, %min3A_1350 : i32
        %get3A_1352 = arith.constant 0 : i32
        %get3A_1353 = arith.index_cast %get3A_1352 : i32 to index
        %get3A_1354 = arith.index_cast %min3A_1351 : i32 to index
        %get3A_1355 = tpu.vector_load %arg6[%get3A_1353, %get3A_1354] {strides = array<i32>} : memref<2x200xi32, #tpu.memory_space<vmem>>, vector<16xi32>,
        %ge3A_1356 = arith.constant 1000000 : i32
        %ge3A_1357 = vector.broadcast %ge3A_1356 : i32 to vector<16xi32>
        %ge3A_1358 = arith.cmpi sge, %get3A_1355, %ge3A_1357 : vector<16xi32>
        %sub3A_1359 = arith.constant 1000000 : i32
        %sub3A_1360 = vector.broadcast %sub3A_1359 : i32 to vector<16xi32>
        %sub3A_1361 = arith.subi %get3A_1355, %sub3A_1360 : vector<16xi32>
        %jit3A_1362 = arith.constant 0 : i32
        %broadcast_in_dim3A_1363 = vector.broadcast %jit3A_1362 : i32 to vector<16xi32>
        %select_n3A_1364 = arith.select %ge3A_1358, %sub3A_1361, %broadcast_in_dim3A_1363 : vector<16xi1>, vector<16xi32>
        %reduce_max3A = arith.constant true
        %reduce_max3A_1365 = vector.broadcast %reduce_max3A : i1 to vector<16xi1>
        %reduce_max3A_1366 = arith.constant -2147483648 : i32
        %reduce_max3A_1367 = vector.broadcast %reduce_max3A_1366 : i32 to vector<16xi32>
        %reduce_max3A_1368 = arith.xori %get3A_1355, %reduce_max3A_1367 : vector<16xi32>
        %reduce_max3A_1369 = tpu.scan <max>, %reduce_max3A_1368 masked %reduce_max3A_1365 : vector<16xi32>, vector<16xi1> -> vector<16xi32>
        %reduce_max3A_1370 = arith.xori %reduce_max3A_1369, %reduce_max3A_1367 : vector<16xi32>
        %reduce_max3A_1371 = vector.extract %reduce_max3A_1370[15] : i32 from vector<16xi32>
        %ge3A_1372 = arith.constant 1000000 : i32
        %ge3A_1373 = arith.cmpi sge, %reduce_max3A_1371, %ge3A_1372 : i32
        %convert_element_type3A = arith.extui %ge3A_1373 : i1 to i32
        %cond3A = arith.constant 0 : i32
        %cond3A_1374 = arith.cmpi ne, %convert_element_type3A, %cond3A : i32
        scf.if %cond3A_1374 {
          %add3A_1376 = arith.constant 0 : i32
          %add3A_1377 = arith.addi %add3A_1376, %min3A_1351 : i32
          %iota3A = tpu.iota {dimensions = array<i32: 0>} : vector<16xi32>
          %add3A_1378 = vector.broadcast %add3A_1377 : i32 to vector<16xi32>
          %add3A_1379 = arith.addi %add3A_1378, %iota3A : vector<16xi32>
          %scan3A_1380 = arith.constant 0 : i32
          %scan3A_1381 = arith.constant 0 : i32
          %scan3A_1382 = arith.constant 64 : i32
          %scan3A_1383 = arith.addi %scan3A_1381, %scan3A_1382 : i32
          %scan3A_1384 = arith.constant 1 : i32
          %scan3A_1385 = scf.for %scan3A_1387 = %scan3A_1381 to %scan3A_1383 step %scan3A_1384 iter_args(%scan3A_1388 = %scan3A_1380) -> (i32)  : i32 {
            %broadcast_in_dim3A_1389 = vector.broadcast %scan3A_1387 : i32 to vector<16xi32>
            %gather3A = tpu.vector_load_idx %arg14[%select_n3A_1364, %broadcast_in_dim3A_1389] masked %ge3A_1358 : memref<20x64xf32, #tpu.memory_space<vmem>>[vector<16xi32>, vector<16xi32>], vector<16xf32>, vector<16xi1>
            tpu.vector_store_idx %arg12[%add3A_1379, %broadcast_in_dim3A_1389], %gather3A masked %ge3A_1358 : memref<400x64xf32, #tpu.memory_space<vmem>>[vector<16xi32>, vector<16xi32>], vector<16xf32>, vector<16xi1>
            %scan3A_1390 = arith.constant 0 : i32
            scf.yield %scan3A_1390 : i32
          }
          %scan3A_1386 = arith.constant 64 : i32
        } else {
        }
        %scan3A_1375 = arith.constant 0 : i32
        scf.yield %scan3A_1375 : i32
      }
      %scan3A_1311 = arith.constant 13 : i32
      %scan3A_1312 = arith.constant 0 : i32
      %scan3A_1313 = arith.constant 0 : i32
      %scan3A_1314 = arith.constant 13 : i32
      %scan3A_1315 = arith.addi %scan3A_1313, %scan3A_1314 : i32
      %scan3A_1316 = arith.constant 1 : i32
      %scan3A_1317 = scf.for %scan3A_1346 = %scan3A_1313 to %scan3A_1315 step %scan3A_1316 iter_args(%scan3A_1347 = %scan3A_1312) -> (i32)  : i32 {
        %mul3A_1348 = arith.constant 16 : i32
        %mul3A_1349 = arith.muli %scan3A_1346, %mul3A_1348 : i32
        %min3A_1350 = arith.constant 184 : i32
        %min3A_1351 = arith.minsi %mul3A_1349, %min3A_1350 : i32
        %get3A_1352 = arith.constant 1 : i32
        %get3A_1353 = arith.index_cast %get3A_1352 : i32 to index
        %get3A_1354 = arith.index_cast %min3A_1351 : i32 to index
        %get3A_1355 = tpu.vector_load %arg6[%get3A_1353, %get3A_1354] {strides = array<i32>} : memref<2x200xi32, #tpu.memory_space<vmem>>, vector<16xi32>,
        %ge3A_1356 = arith.constant 1000000 : i32
        %ge3A_1357 = vector.broadcast %ge3A_1356 : i32 to vector<16xi32>
        %ge3A_1358 = arith.cmpi sge, %get3A_1355, %ge3A_1357 : vector<16xi32>
        %sub3A_1359 = arith.constant 1000000 : i32
        %sub3A_1360 = vector.broadcast %sub3A_1359 : i32 to vector<16xi32>
        %sub3A_1361 = arith.subi %get3A_1355, %sub3A_1360 : vector<16xi32>
        %jit3A_1362 = arith.constant 0 : i32
        %broadcast_in_dim3A_1363 = vector.broadcast %jit3A_1362 : i32 to vector<16xi32>
        %select_n3A_1364 = arith.select %ge3A_1358, %sub3A_1361, %broadcast_in_dim3A_1363 : vector<16xi1>, vector<16xi32>
        %reduce_max3A = arith.constant true
        %reduce_max3A_1365 = vector.broadcast %reduce_max3A : i1 to vector<16xi1>
        %reduce_max3A_1366 = arith.constant -2147483648 : i32
        %reduce_max3A_1367 = vector.broadcast %reduce_max3A_1366 : i32 to vector<16xi32>
        %reduce_max3A_1368 = arith.xori %get3A_1355, %reduce_max3A_1367 : vector<16xi32>
        %reduce_max3A_1369 = tpu.scan <max>, %reduce_max3A_1368 masked %reduce_max3A_1365 : vector<16xi32>, vector<16xi1> -> vector<16xi32>
        %reduce_max3A_1370 = arith.xori %reduce_max3A_1369, %reduce_max3A_1367 : vector<16xi32>
        %reduce_max3A_1371 = vector.extract %reduce_max3A_1370[15] : i32 from vector<16xi32>
        %ge3A_1372 = arith.constant 1000000 : i32
        %ge3A_1373 = arith.cmpi sge, %reduce_max3A_1371, %ge3A_1372 : i32
        %convert_element_type3A = arith.extui %ge3A_1373 : i1 to i32
        %cond3A = arith.constant 0 : i32
        %cond3A_1374 = arith.cmpi ne, %convert_element_type3A, %cond3A : i32
        scf.if %cond3A_1374 {
          %add3A_1376 = arith.constant 200 : i32
          %add3A_1377 = arith.addi %add3A_1376, %min3A_1351 : i32
          %iota3A = tpu.iota {dimensions = array<i32: 0>} : vector<16xi32>
          %add3A_1378 = vector.broadcast %add3A_1377 : i32 to vector<16xi32>
          %add3A_1379 = arith.addi %add3A_1378, %iota3A : vector<16xi32>
          %scan3A_1380 = arith.constant 0 : i32
          %scan3A_1381 = arith.constant 0 : i32
          %scan3A_1382 = arith.constant 64 : i32
          %scan3A_1383 = arith.addi %scan3A_1381, %scan3A_1382 : i32
          %scan3A_1384 = arith.constant 1 : i32
          %scan3A_1385 = scf.for %scan3A_1387 = %scan3A_1381 to %scan3A_1383 step %scan3A_1384 iter_args(%scan3A_1388 = %scan3A_1380) -> (i32)  : i32 {
            %broadcast_in_dim3A_1389 = vector.broadcast %scan3A_1387 : i32 to vector<16xi32>
            %gather3A = tpu.vector_load_idx %arg14[%select_n3A_1364, %broadcast_in_dim3A_1389] masked %ge3A_1358 : memref<20x64xf32, #tpu.memory_space<vmem>>[vector<16xi32>, vector<16xi32>], vector<16xf32>, vector<16xi1>
            tpu.vector_store_idx %arg12[%add3A_1379, %broadcast_in_dim3A_1389], %gather3A masked %ge3A_1358 : memref<400x64xf32, #tpu.memory_space<vmem>>[vector<16xi32>, vector<16xi32>], vector<16xf32>, vector<16xi1>
            %scan3A_1390 = arith.constant 0 : i32
            scf.yield %scan3A_1390 : i32
          }
          %scan3A_1386 = arith.constant 64 : i32
        } else {
        }
        %scan3A_1375 = arith.constant 0 : i32
        scf.yield %scan3A_1375 : i32
      }
      %scan3A_1318 = arith.constant 13 : i32
      %sub3A_1319 = arith.constant 1 : i32
      %sub3A_1320 = arith.subi %add3A_1176, %sub3A_1319 : i32
      %mul3A_1321 = arith.constant 2 : i32
      %mul3A_1322 = arith.muli %sub3A_1320, %mul3A_1321 : i32
      %add3A_1323 = arith.addi %mul3A_2, %mul3A_1322 : i32
      %mul3A_1324 = arith.constant 200 : i32
      %mul3A_1325 = arith.muli %add3A_1323, %mul3A_1324 : i32
      %dma_start3A_1326 = arith.constant 0 : i32
      %dma_start3A_1327 = tpu.memref_slice %arg5[%mul3A_1325, %dma_start3A_1326] : memref<819200x128xf32, #tpu.memory_space<hbm>> -> memref<400x128xf32, #tpu.memory_space<hbm>>
      %dma_start3A_1328 = arith.constant 0 : i32
      %dma_start3A_1329 = arith.constant 0 : i32
      %dma_start3A_1330 = tpu.memref_slice %dma_start3A_1327[%dma_start3A_1328, %dma_start3A_1329] : memref<400x128xf32, #tpu.memory_space<hbm>> -> memref<400x64xf32, #tpu.memory_space<hbm>>
      %dma_start3A_1331 = arith.constant 0 : i32
      %dma_start3A_1332 = tpu.memref_slice %arg5[%mul3A_1325, %dma_start3A_1331] : memref<819200x128xf32, #tpu.memory_space<hbm>> -> memref<400x128xf32, #tpu.memory_space<hbm>>
      %dma_start3A_1333 = arith.constant 0 : i32
      %dma_start3A_1334 = arith.constant 0 : i32
      %dma_start3A_1335 = tpu.memref_slice %dma_start3A_1332[%dma_start3A_1333, %dma_start3A_1334] : memref<400x128xf32, #tpu.memory_space<hbm>> -> memref<400x64xf32, #tpu.memory_space<hbm>>
      tpu.enqueue_dma source(%arg12 : memref<400x64xf32, #tpu.memory_space<vmem>>) target(%dma_start3A_1335 : memref<400x64xf32, #tpu.memory_space<hbm>>) target_semaphore(%arg21 : memref<!tpu.dma_semaphore, #tpu.memory_space<semaphore_mem>>)
      %add3A_1336 = arith.constant 2 : i32
      %add3A_1337 = arith.addi %add3A_1176, %add3A_1336 : i32
      %mul3A_1338 = arith.constant 2 : i32
      %mul3A_1339 = arith.muli %add3A_1337, %mul3A_1338 : i32
      %add3A_1340 = arith.addi %mul3A_2, %mul3A_1339 : i32
      %dma_start3A_1341 = arith.constant 0 : i32
      %dma_start3A_1342 = tpu.memref_slice %arg2[%add3A_1340, %dma_start3A_1341] : memref<4096x200xi32, #tpu.memory_space<hbm>> -> memref<2x200xi32, #tpu.memory_space<hbm>>
      %dma_start3A_1343 = arith.constant 0 : i32
      %dma_start3A_1344 = tpu.memref_slice %arg2[%add3A_1340, %dma_start3A_1343] : memref<4096x200xi32, #tpu.memory_space<hbm>> -> memref<2x200xi32, #tpu.memory_space<hbm>>
      tpu.enqueue_dma source(%dma_start3A_1344 : memref<2x200xi32, #tpu.memory_space<hbm>>) target(%arg9 : memref<2x200xi32, #tpu.memory_space<vmem>>) target_semaphore(%arg18 : memref<!tpu.dma_semaphore, #tpu.memory_space<semaphore_mem>>)
      %scan3A_1345 = arith.constant 0 : i32
      scf.yield %scan3A_1345 : i32
    }
    %scan3A_277 = arith.constant 15 : i32
    %dma_wait3A_278 = arith.constant 0 : i32
    %dma_wait3A_279 = arith.constant 0 : i32
    %dma_wait3A_280 = tpu.memref_slice %arg2[%dma_wait3A_278, %dma_wait3A_279] : memref<4096x200xi32, #tpu.memory_space<hbm>> -> memref<2x200xi32, #tpu.memory_space<hbm>>
    %dma_wait3A_281 = arith.constant 0 : i32
    %dma_wait3A_282 = arith.constant 0 : i32
    %dma_wait3A_283 = tpu.memref_slice %arg2[%dma_wait3A_281, %dma_wait3A_282] : memref<4096x200xi32, #tpu.memory_space<hbm>> -> memref<2x200xi32, #tpu.memory_space<hbm>>
    tpu.wait_dma2 semaphore(%arg17 : memref<!tpu.dma_semaphore, #tpu.memory_space<semaphore_mem>>) src(%dma_wait3A_283 : memref<2x200xi32, #tpu.memory_space<hbm>>) dst(%arg8 : memref<2x200xi32, #tpu.memory_space<vmem>>)
    %scan3A_284 = arith.constant 0 : i32
    %scan3A_285 = arith.constant 0 : i32
    %scan3A_286 = arith.constant 12 : i32
    %scan3A_287 = arith.addi %scan3A_285, %scan3A_286 : i32
    %scan3A_288 = arith.constant 4 : i32
    %scan3A_289 = scf.for %scan3A_648 = %scan3A_285 to %scan3A_287 step %scan3A_288 iter_args(%scan3A_649 = %scan3A_284) -> (i32)  : i32 {
      %mul3A_650 = arith.constant 16 : i32
      %mul3A_651 = arith.muli %scan3A_648, %mul3A_650 : i32
      %min3A_652 = arith.constant 184 : i32
      %min3A_653 = arith.minsi %mul3A_651, %min3A_652 : i32
      %get3A_654 = arith.constant 0 : i32
      %get3A_655 = arith.index_cast %get3A_654 : i32 to index
      %get3A_656 = arith.index_cast %min3A_653 : i32 to index
      %get3A_657 = tpu.vector_load %arg8[%get3A_655, %get3A_656] {strides = array<i32>} : memref<2x200xi32, #tpu.memory_space<vmem>>, vector<16xi32>,
      %ge3A_658 = arith.constant 1000000 : i32
      %ge3A_659 = vector.broadcast %ge3A_658 : i32 to vector<16xi32>
      %ge3A_660 = arith.cmpi sge, %get3A_657, %ge3A_659 : vector<16xi32>
      %jit3A_661 = arith.constant 0 : i32
      %broadcast_in_dim3A_662 = vector.broadcast %jit3A_661 : i32 to vector<16xi32>
      %select_n3A_663 = arith.select %ge3A_660, %broadcast_in_dim3A_662, %get3A_657 : vector<16xi1>, vector<16xi32>
      %swap3A_664 = arith.constant 0 : i32
      %swap3A_665 = arith.index_cast %swap3A_664 : i32 to index
      %swap3A_666 = arith.index_cast %min3A_653 : i32 to index
      %swap3A_667 = tpu.vector_load %arg10[%swap3A_665, %swap3A_666] {strides = array<i32>} : memref<2x200xi32, #tpu.memory_space<vmem>>, vector<16xi32>,
      tpu.vector_store %arg10[%swap3A_665, %swap3A_666], %select_n3A_663 {strides = array<i32>} : memref<2x200xi32, #tpu.memory_space<vmem>>, vector<16xi32>,
      %scan3A_668 = arith.constant 0 : i32
      %scan3A_669 = arith.constant 1 : i32
      %scan3A_670 = arith.addi %scan3A_648, %scan3A_669 : i32
      %mul3A_671 = arith.constant 16 : i32
      %mul3A_672 = arith.muli %scan3A_670, %mul3A_671 : i32
      %min3A_673 = arith.constant 184 : i32
      %min3A_674 = arith.minsi %mul3A_672, %min3A_673 : i32
      %get3A_675 = arith.constant 0 : i32
      %get3A_676 = arith.index_cast %get3A_675 : i32 to index
      %get3A_677 = arith.index_cast %min3A_674 : i32 to index
      %get3A_678 = tpu.vector_load %arg8[%get3A_676, %get3A_677] {strides = array<i32>} : memref<2x200xi32, #tpu.memory_space<vmem>>, vector<16xi32>,
      %ge3A_679 = arith.constant 1000000 : i32
      %ge3A_680 = vector.broadcast %ge3A_679 : i32 to vector<16xi32>
      %ge3A_681 = arith.cmpi sge, %get3A_678, %ge3A_680 : vector<16xi32>
      %jit3A_682 = arith.constant 0 : i32
      %broadcast_in_dim3A_683 = vector.broadcast %jit3A_682 : i32 to vector<16xi32>
      %select_n3A_684 = arith.select %ge3A_681, %broadcast_in_dim3A_683, %get3A_678 : vector<16xi1>, vector<16xi32>
      %swap3A_685 = arith.constant 0 : i32
      %swap3A_686 = arith.index_cast %swap3A_685 : i32 to index
      %swap3A_687 = arith.index_cast %min3A_674 : i32 to index
      %swap3A_688 = tpu.vector_load %arg10[%swap3A_686, %swap3A_687] {strides = array<i32>} : memref<2x200xi32, #tpu.memory_space<vmem>>, vector<16xi32>,
      tpu.vector_store %arg10[%swap3A_686, %swap3A_687], %select_n3A_684 {strides = array<i32>} : memref<2x200xi32, #tpu.memory_space<vmem>>, vector<16xi32>,
      %scan3A_689 = arith.constant 0 : i32
      %scan3A_690 = arith.constant 2 : i32
      %scan3A_691 = arith.addi %scan3A_648, %scan3A_690 : i32
      %mul3A_692 = arith.constant 16 : i32
      %mul3A_693 = arith.muli %scan3A_691, %mul3A_692 : i32
      %min3A_694 = arith.constant 184 : i32
      %min3A_695 = arith.minsi %mul3A_693, %min3A_694 : i32
      %get3A_696 = arith.constant 0 : i32
      %get3A_697 = arith.index_cast %get3A_696 : i32 to index
      %get3A_698 = arith.index_cast %min3A_695 : i32 to index
      %get3A_699 = tpu.vector_load %arg8[%get3A_697, %get3A_698] {strides = array<i32>} : memref<2x200xi32, #tpu.memory_space<vmem>>, vector<16xi32>,
      %ge3A_700 = arith.constant 1000000 : i32
      %ge3A_701 = vector.broadcast %ge3A_700 : i32 to vector<16xi32>
      %ge3A_702 = arith.cmpi sge, %get3A_699, %ge3A_701 : vector<16xi32>
      %jit3A_703 = arith.constant 0 : i32
      %broadcast_in_dim3A_704 = vector.broadcast %jit3A_703 : i32 to vector<16xi32>
      %select_n3A_705 = arith.select %ge3A_702, %broadcast_in_dim3A_704, %get3A_699 : vector<16xi1>, vector<16xi32>
      %swap3A_706 = arith.constant 0 : i32
      %swap3A_707 = arith.index_cast %swap3A_706 : i32 to index
      %swap3A_708 = arith.index_cast %min3A_695 : i32 to index
      %swap3A_709 = tpu.vector_load %arg10[%swap3A_707, %swap3A_708] {strides = array<i32>} : memref<2x200xi32, #tpu.memory_space<vmem>>, vector<16xi32>,
      tpu.vector_store %arg10[%swap3A_707, %swap3A_708], %select_n3A_705 {strides = array<i32>} : memref<2x200xi32, #tpu.memory_space<vmem>>, vector<16xi32>,
      %scan3A_710 = arith.constant 0 : i32
      %scan3A_711 = arith.constant 3 : i32
      %scan3A_712 = arith.addi %scan3A_648, %scan3A_711 : i32
      %mul3A_713 = arith.constant 16 : i32
      %mul3A_714 = arith.muli %scan3A_712, %mul3A_713 : i32
      %min3A_715 = arith.constant 184 : i32
      %min3A_716 = arith.minsi %mul3A_714, %min3A_715 : i32
      %get3A_717 = arith.constant 0 : i32
      %get3A_718 = arith.index_cast %get3A_717 : i32 to index
      %get3A_719 = arith.index_cast %min3A_716 : i32 to index
      %get3A_720 = tpu.vector_load %arg8[%get3A_718, %get3A_719] {strides = array<i32>} : memref<2x200xi32, #tpu.memory_space<vmem>>, vector<16xi32>,
      %ge3A_721 = arith.constant 1000000 : i32
      %ge3A_722 = vector.broadcast %ge3A_721 : i32 to vector<16xi32>
      %ge3A_723 = arith.cmpi sge, %get3A_720, %ge3A_722 : vector<16xi32>
      %jit3A_724 = arith.constant 0 : i32
      %broadcast_in_dim3A_725 = vector.broadcast %jit3A_724 : i32 to vector<16xi32>
      %select_n3A_726 = arith.select %ge3A_723, %broadcast_in_dim3A_725, %get3A_720 : vector<16xi1>, vector<16xi32>
      %swap3A_727 = arith.constant 0 : i32
      %swap3A_728 = arith.index_cast %swap3A_727 : i32 to index
      %swap3A_729 = arith.index_cast %min3A_716 : i32 to index
      %swap3A_730 = tpu.vector_load %arg10[%swap3A_728, %swap3A_729] {strides = array<i32>} : memref<2x200xi32, #tpu.memory_space<vmem>>, vector<16xi32>,
      tpu.vector_store %arg10[%swap3A_728, %swap3A_729], %select_n3A_726 {strides = array<i32>} : memref<2x200xi32, #tpu.memory_space<vmem>>, vector<16xi32>,
      %scan3A_731 = arith.constant 0 : i32
      scf.yield %scan3A_731 : i32
    }
    %scan3A_290 = arith.constant 12 : i32
    %scan3A_291 = arith.addi %scan3A_285, %scan3A_290 : i32
    %mul3A_292 = arith.constant 16 : i32
    %mul3A_293 = arith.muli %scan3A_291, %mul3A_292 : i32
    %min3A_294 = arith.constant 184 : i32
    %min3A_295 = arith.minsi %mul3A_293, %min3A_294 : i32
    %get3A_296 = arith.constant 0 : i32
    %get3A_297 = arith.index_cast %get3A_296 : i32 to index
    %get3A_298 = arith.index_cast %min3A_295 : i32 to index
    %get3A_299 = tpu.vector_load %arg8[%get3A_297, %get3A_298] {strides = array<i32>} : memref<2x200xi32, #tpu.memory_space<vmem>>, vector<16xi32>,
    %ge3A_300 = arith.constant 1000000 : i32
    %ge3A_301 = vector.broadcast %ge3A_300 : i32 to vector<16xi32>
    %ge3A_302 = arith.cmpi sge, %get3A_299, %ge3A_301 : vector<16xi32>
    %jit3A_303 = arith.constant 0 : i32
    %broadcast_in_dim3A_304 = vector.broadcast %jit3A_303 : i32 to vector<16xi32>
    %select_n3A_305 = arith.select %ge3A_302, %broadcast_in_dim3A_304, %get3A_299 : vector<16xi1>, vector<16xi32>
    %swap3A_306 = arith.constant 0 : i32
    %swap3A_307 = arith.index_cast %swap3A_306 : i32 to index
    %swap3A_308 = arith.index_cast %min3A_295 : i32 to index
    %swap3A_309 = tpu.vector_load %arg10[%swap3A_307, %swap3A_308] {strides = array<i32>} : memref<2x200xi32, #tpu.memory_space<vmem>>, vector<16xi32>,
    tpu.vector_store %arg10[%swap3A_307, %swap3A_308], %select_n3A_305 {strides = array<i32>} : memref<2x200xi32, #tpu.memory_space<vmem>>, vector<16xi32>,
    %scan3A_310 = arith.constant 0 : i32
    %scan3A_311 = arith.constant 13 : i32
    %scan3A_312 = arith.constant 0 : i32
    %scan3A_313 = arith.constant 0 : i32
    %scan3A_314 = arith.constant 12 : i32
    %scan3A_315 = arith.addi %scan3A_313, %scan3A_314 : i32
    %scan3A_316 = arith.constant 4 : i32
    %scan3A_317 = scf.for %scan3A_648 = %scan3A_313 to %scan3A_315 step %scan3A_316 iter_args(%scan3A_649 = %scan3A_312) -> (i32)  : i32 {
      %mul3A_650 = arith.constant 16 : i32
      %mul3A_651 = arith.muli %scan3A_648, %mul3A_650 : i32
      %min3A_652 = arith.constant 184 : i32
      %min3A_653 = arith.minsi %mul3A_651, %min3A_652 : i32
      %get3A_654 = arith.constant 1 : i32
      %get3A_655 = arith.index_cast %get3A_654 : i32 to index
      %get3A_656 = arith.index_cast %min3A_653 : i32 to index
      %get3A_657 = tpu.vector_load %arg8[%get3A_655, %get3A_656] {strides = array<i32>} : memref<2x200xi32, #tpu.memory_space<vmem>>, vector<16xi32>,
      %ge3A_658 = arith.constant 1000000 : i32
      %ge3A_659 = vector.broadcast %ge3A_658 : i32 to vector<16xi32>
      %ge3A_660 = arith.cmpi sge, %get3A_657, %ge3A_659 : vector<16xi32>
      %jit3A_661 = arith.constant 0 : i32
      %broadcast_in_dim3A_662 = vector.broadcast %jit3A_661 : i32 to vector<16xi32>
      %select_n3A_663 = arith.select %ge3A_660, %broadcast_in_dim3A_662, %get3A_657 : vector<16xi1>, vector<16xi32>
      %swap3A_664 = arith.constant 1 : i32
      %swap3A_665 = arith.index_cast %swap3A_664 : i32 to index
      %swap3A_666 = arith.index_cast %min3A_653 : i32 to index
      %swap3A_667 = tpu.vector_load %arg10[%swap3A_665, %swap3A_666] {strides = array<i32>} : memref<2x200xi32, #tpu.memory_space<vmem>>, vector<16xi32>,
      tpu.vector_store %arg10[%swap3A_665, %swap3A_666], %select_n3A_663 {strides = array<i32>} : memref<2x200xi32, #tpu.memory_space<vmem>>, vector<16xi32>,
      %scan3A_668 = arith.constant 0 : i32
      %scan3A_669 = arith.constant 1 : i32
      %scan3A_670 = arith.addi %scan3A_648, %scan3A_669 : i32
      %mul3A_671 = arith.constant 16 : i32
      %mul3A_672 = arith.muli %scan3A_670, %mul3A_671 : i32
      %min3A_673 = arith.constant 184 : i32
      %min3A_674 = arith.minsi %mul3A_672, %min3A_673 : i32
      %get3A_675 = arith.constant 1 : i32
      %get3A_676 = arith.index_cast %get3A_675 : i32 to index
      %get3A_677 = arith.index_cast %min3A_674 : i32 to index
      %get3A_678 = tpu.vector_load %arg8[%get3A_676, %get3A_677] {strides = array<i32>} : memref<2x200xi32, #tpu.memory_space<vmem>>, vector<16xi32>,
      %ge3A_679 = arith.constant 1000000 : i32
      %ge3A_680 = vector.broadcast %ge3A_679 : i32 to vector<16xi32>
      %ge3A_681 = arith.cmpi sge, %get3A_678, %ge3A_680 : vector<16xi32>
      %jit3A_682 = arith.constant 0 : i32
      %broadcast_in_dim3A_683 = vector.broadcast %jit3A_682 : i32 to vector<16xi32>
      %select_n3A_684 = arith.select %ge3A_681, %broadcast_in_dim3A_683, %get3A_678 : vector<16xi1>, vector<16xi32>
      %swap3A_685 = arith.constant 1 : i32
      %swap3A_686 = arith.index_cast %swap3A_685 : i32 to index
      %swap3A_687 = arith.index_cast %min3A_674 : i32 to index
      %swap3A_688 = tpu.vector_load %arg10[%swap3A_686, %swap3A_687] {strides = array<i32>} : memref<2x200xi32, #tpu.memory_space<vmem>>, vector<16xi32>,
      tpu.vector_store %arg10[%swap3A_686, %swap3A_687], %select_n3A_684 {strides = array<i32>} : memref<2x200xi32, #tpu.memory_space<vmem>>, vector<16xi32>,
      %scan3A_689 = arith.constant 0 : i32
      %scan3A_690 = arith.constant 2 : i32
      %scan3A_691 = arith.addi %scan3A_648, %scan3A_690 : i32
      %mul3A_692 = arith.constant 16 : i32
      %mul3A_693 = arith.muli %scan3A_691, %mul3A_692 : i32
      %min3A_694 = arith.constant 184 : i32
      %min3A_695 = arith.minsi %mul3A_693, %min3A_694 : i32
      %get3A_696 = arith.constant 1 : i32
      %get3A_697 = arith.index_cast %get3A_696 : i32 to index
      %get3A_698 = arith.index_cast %min3A_695 : i32 to index
      %get3A_699 = tpu.vector_load %arg8[%get3A_697, %get3A_698] {strides = array<i32>} : memref<2x200xi32, #tpu.memory_space<vmem>>, vector<16xi32>,
      %ge3A_700 = arith.constant 1000000 : i32
      %ge3A_701 = vector.broadcast %ge3A_700 : i32 to vector<16xi32>
      %ge3A_702 = arith.cmpi sge, %get3A_699, %ge3A_701 : vector<16xi32>
      %jit3A_703 = arith.constant 0 : i32
      %broadcast_in_dim3A_704 = vector.broadcast %jit3A_703 : i32 to vector<16xi32>
      %select_n3A_705 = arith.select %ge3A_702, %broadcast_in_dim3A_704, %get3A_699 : vector<16xi1>, vector<16xi32>
      %swap3A_706 = arith.constant 1 : i32
      %swap3A_707 = arith.index_cast %swap3A_706 : i32 to index
      %swap3A_708 = arith.index_cast %min3A_695 : i32 to index
      %swap3A_709 = tpu.vector_load %arg10[%swap3A_707, %swap3A_708] {strides = array<i32>} : memref<2x200xi32, #tpu.memory_space<vmem>>, vector<16xi32>,
      tpu.vector_store %arg10[%swap3A_707, %swap3A_708], %select_n3A_705 {strides = array<i32>} : memref<2x200xi32, #tpu.memory_space<vmem>>, vector<16xi32>,
      %scan3A_710 = arith.constant 0 : i32
      %scan3A_711 = arith.constant 3 : i32
      %scan3A_712 = arith.addi %scan3A_648, %scan3A_711 : i32
      %mul3A_713 = arith.constant 16 : i32
      %mul3A_714 = arith.muli %scan3A_712, %mul3A_713 : i32
      %min3A_715 = arith.constant 184 : i32
      %min3A_716 = arith.minsi %mul3A_714, %min3A_715 : i32
      %get3A_717 = arith.constant 1 : i32
      %get3A_718 = arith.index_cast %get3A_717 : i32 to index
      %get3A_719 = arith.index_cast %min3A_716 : i32 to index
      %get3A_720 = tpu.vector_load %arg8[%get3A_718, %get3A_719] {strides = array<i32>} : memref<2x200xi32, #tpu.memory_space<vmem>>, vector<16xi32>,
      %ge3A_721 = arith.constant 1000000 : i32
      %ge3A_722 = vector.broadcast %ge3A_721 : i32 to vector<16xi32>
      %ge3A_723 = arith.cmpi sge, %get3A_720, %ge3A_722 : vector<16xi32>
      %jit3A_724 = arith.constant 0 : i32
      %broadcast_in_dim3A_725 = vector.broadcast %jit3A_724 : i32 to vector<16xi32>
      %select_n3A_726 = arith.select %ge3A_723, %broadcast_in_dim3A_725, %get3A_720 : vector<16xi1>, vector<16xi32>
      %swap3A_727 = arith.constant 1 : i32
      %swap3A_728 = arith.index_cast %swap3A_727 : i32 to index
      %swap3A_729 = arith.index_cast %min3A_716 : i32 to index
      %swap3A_730 = tpu.vector_load %arg10[%swap3A_728, %swap3A_729] {strides = array<i32>} : memref<2x200xi32, #tpu.memory_space<vmem>>, vector<16xi32>,
      tpu.vector_store %arg10[%swap3A_728, %swap3A_729], %select_n3A_726 {strides = array<i32>} : memref<2x200xi32, #tpu.memory_space<vmem>>, vector<16xi32>,
      %scan3A_731 = arith.constant 0 : i32
      scf.yield %scan3A_731 : i32
    }
    %scan3A_318 = arith.constant 12 : i32
    %scan3A_319 = arith.addi %scan3A_313, %scan3A_318 : i32
    %mul3A_320 = arith.constant 16 : i32
    %mul3A_321 = arith.muli %scan3A_319, %mul3A_320 : i32
    %min3A_322 = arith.constant 184 : i32
    %min3A_323 = arith.minsi %mul3A_321, %min3A_322 : i32
    %get3A_324 = arith.constant 1 : i32
    %get3A_325 = arith.index_cast %get3A_324 : i32 to index
    %get3A_326 = arith.index_cast %min3A_323 : i32 to index
    %get3A_327 = tpu.vector_load %arg8[%get3A_325, %get3A_326] {strides = array<i32>} : memref<2x200xi32, #tpu.memory_space<vmem>>, vector<16xi32>,
    %ge3A_328 = arith.constant 1000000 : i32
    %ge3A_329 = vector.broadcast %ge3A_328 : i32 to vector<16xi32>
    %ge3A_330 = arith.cmpi sge, %get3A_327, %ge3A_329 : vector<16xi32>
    %jit3A_331 = arith.constant 0 : i32
    %broadcast_in_dim3A_332 = vector.broadcast %jit3A_331 : i32 to vector<16xi32>
    %select_n3A_333 = arith.select %ge3A_330, %broadcast_in_dim3A_332, %get3A_327 : vector<16xi1>, vector<16xi32>
    %swap3A_334 = arith.constant 1 : i32
    %swap3A_335 = arith.index_cast %swap3A_334 : i32 to index
    %swap3A_336 = arith.index_cast %min3A_323 : i32 to index
    %swap3A_337 = tpu.vector_load %arg10[%swap3A_335, %swap3A_336] {strides = array<i32>} : memref<2x200xi32, #tpu.memory_space<vmem>>, vector<16xi32>,
    tpu.vector_store %arg10[%swap3A_335, %swap3A_336], %select_n3A_333 {strides = array<i32>} : memref<2x200xi32, #tpu.memory_space<vmem>>, vector<16xi32>,
    %scan3A_338 = arith.constant 0 : i32
    %scan3A_339 = arith.constant 13 : i32
    %dma_wait3A_340 = arith.constant 0 : i32
    %dma_wait3A_341 = arith.constant 0 : i32
    %dma_wait3A_342 = tpu.memref_slice %arg5[%dma_wait3A_340, %dma_wait3A_341] : memref<819200x128xf32, #tpu.memory_space<hbm>> -> memref<400x128xf32, #tpu.memory_space<hbm>>
    %dma_wait3A_343 = arith.constant 0 : i32
    %dma_wait3A_344 = arith.constant 0 : i32
    %dma_wait3A_345 = tpu.memref_slice %dma_wait3A_342[%dma_wait3A_343, %dma_wait3A_344] : memref<400x128xf32, #tpu.memory_space<hbm>> -> memref<400x64xf32, #tpu.memory_space<hbm>>
    %dma_wait3A_346 = arith.constant 0 : i32
    %dma_wait3A_347 = arith.constant 0 : i32
    %dma_wait3A_348 = tpu.memref_slice %arg5[%dma_wait3A_346, %dma_wait3A_347] : memref<819200x128xf32, #tpu.memory_space<hbm>> -> memref<400x128xf32, #tpu.memory_space<hbm>>
    %dma_wait3A_349 = arith.constant 0 : i32
    %dma_wait3A_350 = arith.constant 0 : i32
    %dma_wait3A_351 = tpu.memref_slice %dma_wait3A_348[%dma_wait3A_349, %dma_wait3A_350] : memref<400x128xf32, #tpu.memory_space<hbm>> -> memref<400x64xf32, #tpu.memory_space<hbm>>
    tpu.wait_dma2 semaphore(%arg21 : memref<!tpu.dma_semaphore, #tpu.memory_space<semaphore_mem>>) src(%arg12 : memref<400x64xf32, #tpu.memory_space<vmem>>) dst(%dma_wait3A_351 : memref<400x64xf32, #tpu.memory_space<hbm>>)
    %dma_start3A_352 = arith.constant 0 : i32
    %dma_start3A_353 = arith.constant 0 : i32
    %dma_start3A_354 = arith.constant 0 : i32
    %dma_start3A_355 = tpu.memref_slice %arg12[%dma_start3A_353, %dma_start3A_354] : memref<400x64xf32, #tpu.memory_space<vmem>> -> memref<128x64xf32, #tpu.memory_space<vmem>>
    %dma_start3A_356 = arith.constant 0 : i32
    %dma_start3A_357 = tpu.memref_slice %arg10[%dma_start3A_352, %dma_start3A_356] : memref<2x200xi32, #tpu.memory_space<vmem>> -> memref<1x200xi32, #tpu.memory_space<vmem>>
    %dma_start3A_358 = tpu.memref_squeeze %dma_start3A_357 : memref<1x200xi32, #tpu.memory_space<vmem>> -> memref<200xi32, #tpu.memory_space<vmem>>
    %dma_start3A_359 = arith.constant 0 : i32
    %dma_start3A_360 = tpu.memref_slice %dma_start3A_358[%dma_start3A_359] : memref<200xi32, #tpu.memory_space<vmem>> -> memref<128xi32, #tpu.memory_space<vmem>>
    %dma_start3A_361 = arith.constant 0 : i32
    %dma_start3A_362 = arith.constant 0 : i32
    %dma_start3A_363 = tpu.memref_slice %arg3[%dma_start3A_361, %dma_start3A_362] : memref<1000000x64xf32, #tpu.memory_space<hbm>> -> memref<1000000x64xf32, #tpu.memory_space<hbm>>
    tpu.enqueue_indirect_dma source(%dma_start3A_363 : memref<1000000x64xf32, #tpu.memory_space<hbm>>) target(%dma_start3A_355 : memref<128x64xf32, #tpu.memory_space<vmem>>) offsets(%dma_start3A_360 : memref<128xi32, #tpu.memory_space<vmem>>) semaphore(%arg19 : memref<!tpu.dma_semaphore, #tpu.memory_space<semaphore_mem>>)
    %dma_start3A_364 = arith.constant 0 : i32
    %dma_start3A_365 = arith.constant 128 : i32
    %dma_start3A_366 = arith.constant 0 : i32
    %dma_start3A_367 = tpu.memref_slice %arg12[%dma_start3A_365, %dma_start3A_366] : memref<400x64xf32, #tpu.memory_space<vmem>> -> memref<72x64xf32, #tpu.memory_space<vmem>>
    %dma_start3A_368 = arith.constant 0 : i32
    %dma_start3A_369 = tpu.memref_slice %arg10[%dma_start3A_364, %dma_start3A_368] : memref<2x200xi32, #tpu.memory_space<vmem>> -> memref<1x200xi32, #tpu.memory_space<vmem>>
    %dma_start3A_370 = tpu.memref_squeeze %dma_start3A_369 : memref<1x200xi32, #tpu.memory_space<vmem>> -> memref<200xi32, #tpu.memory_space<vmem>>
    %dma_start3A_371 = arith.constant 128 : i32
    %dma_start3A_372 = tpu.memref_slice %dma_start3A_370[%dma_start3A_371] : memref<200xi32, #tpu.memory_space<vmem>> -> memref<72xi32, #tpu.memory_space<vmem>>
    %dma_start3A_373 = arith.constant 0 : i32
    %dma_start3A_374 = arith.constant 0 : i32
    %dma_start3A_375 = tpu.memref_slice %arg3[%dma_start3A_373, %dma_start3A_374] : memref<1000000x64xf32, #tpu.memory_space<hbm>> -> memref<1000000x64xf32, #tpu.memory_space<hbm>>
    tpu.enqueue_indirect_dma source(%dma_start3A_375 : memref<1000000x64xf32, #tpu.memory_space<hbm>>) target(%dma_start3A_367 : memref<72x64xf32, #tpu.memory_space<vmem>>) offsets(%dma_start3A_372 : memref<72xi32, #tpu.memory_space<vmem>>) semaphore(%arg19 : memref<!tpu.dma_semaphore, #tpu.memory_space<semaphore_mem>>)
    %dma_start3A_376 = arith.constant 1 : i32
    %dma_start3A_377 = arith.constant 200 : i32
    %dma_start3A_378 = arith.constant 0 : i32
    %dma_start3A_379 = tpu.memref_slice %arg12[%dma_start3A_377, %dma_start3A_378] : memref<400x64xf32, #tpu.memory_space<vmem>> -> memref<128x64xf32, #tpu.memory_space<vmem>>
    %dma_start3A_380 = arith.constant 0 : i32
    %dma_start3A_381 = tpu.memref_slice %arg10[%dma_start3A_376, %dma_start3A_380] : memref<2x200xi32, #tpu.memory_space<vmem>> -> memref<1x200xi32, #tpu.memory_space<vmem>>
    %dma_start3A_382 = tpu.memref_squeeze %dma_start3A_381 : memref<1x200xi32, #tpu.memory_space<vmem>> -> memref<200xi32, #tpu.memory_space<vmem>>
    %dma_start3A_383 = arith.constant 0 : i32
    %dma_start3A_384 = tpu.memref_slice %dma_start3A_382[%dma_start3A_383] : memref<200xi32, #tpu.memory_space<vmem>> -> memref<128xi32, #tpu.memory_space<vmem>>
    %dma_start3A_385 = arith.constant 0 : i32
    %dma_start3A_386 = arith.constant 0 : i32
    %dma_start3A_387 = tpu.memref_slice %arg3[%dma_start3A_385, %dma_start3A_386] : memref<1000000x64xf32, #tpu.memory_space<hbm>> -> memref<1000000x64xf32, #tpu.memory_space<hbm>>
    tpu.enqueue_indirect_dma source(%dma_start3A_387 : memref<1000000x64xf32, #tpu.memory_space<hbm>>) target(%dma_start3A_379 : memref<128x64xf32, #tpu.memory_space<vmem>>) offsets(%dma_start3A_384 : memref<128xi32, #tpu.memory_space<vmem>>) semaphore(%arg19 : memref<!tpu.dma_semaphore, #tpu.memory_space<semaphore_mem>>)
    %dma_start3A_388 = arith.constant 1 : i32
    %dma_start3A_389 = arith.constant 328 : i32
    %dma_start3A_390 = arith.constant 0 : i32
    %dma_start3A_391 = tpu.memref_slice %arg12[%dma_start3A_389, %dma_start3A_390] : memref<400x64xf32, #tpu.memory_space<vmem>> -> memref<72x64xf32, #tpu.memory_space<vmem>>
    %dma_start3A_392 = arith.constant 0 : i32
    %dma_start3A_393 = tpu.memref_slice %arg10[%dma_start3A_388, %dma_start3A_392] : memref<2x200xi32, #tpu.memory_space<vmem>> -> memref<1x200xi32, #tpu.memory_space<vmem>>
    %dma_start3A_394 = tpu.memref_squeeze %dma_start3A_393 : memref<1x200xi32, #tpu.memory_space<vmem>> -> memref<200xi32, #tpu.memory_space<vmem>>
    %dma_start3A_395 = arith.constant 128 : i32
    %dma_start3A_396 = tpu.memref_slice %dma_start3A_394[%dma_start3A_395] : memref<200xi32, #tpu.memory_space<vmem>> -> memref<72xi32, #tpu.memory_space<vmem>>
    %dma_start3A_397 = arith.constant 0 : i32
    %dma_start3A_398 = arith.constant 0 : i32
    %dma_start3A_399 = tpu.memref_slice %arg3[%dma_start3A_397, %dma_start3A_398] : memref<1000000x64xf32, #tpu.memory_space<hbm>> -> memref<1000000x64xf32, #tpu.memory_space<hbm>>
    tpu.enqueue_indirect_dma source(%dma_start3A_399 : memref<1000000x64xf32, #tpu.memory_space<hbm>>) target(%dma_start3A_391 : memref<72x64xf32, #tpu.memory_space<vmem>>) offsets(%dma_start3A_396 : memref<72xi32, #tpu.memory_space<vmem>>) semaphore(%arg19 : memref<!tpu.dma_semaphore, #tpu.memory_space<semaphore_mem>>)
    %dma_wait3A_400 = arith.constant 0 : i32
    %dma_wait3A_401 = arith.constant 0 : i32
    %dma_wait3A_402 = tpu.memref_slice %arg3[%dma_wait3A_400, %dma_wait3A_401] : memref<1000000x64xf32, #tpu.memory_space<hbm>> -> memref<400x64xf32, #tpu.memory_space<hbm>>
    %dma_wait3A_403 = arith.constant 0 : i32
    %dma_wait3A_404 = arith.constant 0 : i32
    %dma_wait3A_405 = tpu.memref_slice %arg3[%dma_wait3A_403, %dma_wait3A_404] : memref<1000000x64xf32, #tpu.memory_space<hbm>> -> memref<400x64xf32, #tpu.memory_space<hbm>>
    tpu.wait_dma2 semaphore(%arg20 : memref<!tpu.dma_semaphore, #tpu.memory_space<semaphore_mem>>) src(%dma_wait3A_405 : memref<400x64xf32, #tpu.memory_space<hbm>>) dst(%arg13 : memref<400x64xf32, #tpu.memory_space<vmem>>)
    %scan3A_406 = arith.constant 0 : i32
    %scan3A_407 = arith.constant 0 : i32
    %scan3A_408 = arith.constant 13 : i32
    %scan3A_409 = arith.addi %scan3A_407, %scan3A_408 : i32
    %scan3A_410 = arith.constant 1 : i32
    %scan3A_411 = scf.for %scan3A_648 = %scan3A_407 to %scan3A_409 step %scan3A_410 iter_args(%scan3A_649 = %scan3A_406) -> (i32)  : i32 {
      %mul3A_650 = arith.constant 16 : i32
      %mul3A_651 = arith.muli %scan3A_648, %mul3A_650 : i32
      %min3A_652 = arith.constant 184 : i32
      %min3A_653 = arith.minsi %mul3A_651, %min3A_652 : i32
      %get3A_654 = arith.constant 0 : i32
      %get3A_655 = arith.index_cast %get3A_654 : i32 to index
      %get3A_656 = arith.index_cast %min3A_653 : i32 to index
      %get3A_657 = tpu.vector_load %arg7[%get3A_655, %get3A_656] {strides = array<i32>} : memref<2x200xi32, #tpu.memory_space<vmem>>, vector<16xi32>,
      %ge3A_658 = arith.constant 1000000 : i32
      %ge3A_659 = vector.broadcast %ge3A_658 : i32 to vector<16xi32>
      %ge3A_660 = arith.cmpi sge, %get3A_657, %ge3A_659 : vector<16xi32>
      %sub3A = arith.constant 1000000 : i32
      %sub3A_661 = vector.broadcast %sub3A : i32 to vector<16xi32>
      %sub3A_662 = arith.subi %get3A_657, %sub3A_661 : vector<16xi32>
      %jit3A_663 = arith.constant 0 : i32
      %broadcast_in_dim3A_664 = vector.broadcast %jit3A_663 : i32 to vector<16xi32>
      %select_n3A_665 = arith.select %ge3A_660, %sub3A_662, %broadcast_in_dim3A_664 : vector<16xi1>, vector<16xi32>
      %reduce_max3A = arith.constant true
      %reduce_max3A_666 = vector.broadcast %reduce_max3A : i1 to vector<16xi1>
      %reduce_max3A_667 = arith.constant -2147483648 : i32
      %reduce_max3A_668 = vector.broadcast %reduce_max3A_667 : i32 to vector<16xi32>
      %reduce_max3A_669 = arith.xori %get3A_657, %reduce_max3A_668 : vector<16xi32>
      %reduce_max3A_670 = tpu.scan <max>, %reduce_max3A_669 masked %reduce_max3A_666 : vector<16xi32>, vector<16xi1> -> vector<16xi32>
      %reduce_max3A_671 = arith.xori %reduce_max3A_670, %reduce_max3A_668 : vector<16xi32>
      %reduce_max3A_672 = vector.extract %reduce_max3A_671[15] : i32 from vector<16xi32>
      %ge3A_673 = arith.constant 1000000 : i32
      %ge3A_674 = arith.cmpi sge, %reduce_max3A_672, %ge3A_673 : i32
      %convert_element_type3A = arith.extui %ge3A_674 : i1 to i32
      %cond3A = arith.constant 0 : i32
      %cond3A_675 = arith.cmpi ne, %convert_element_type3A, %cond3A : i32
      scf.if %cond3A_675 {
        %add3A_677 = arith.constant 0 : i32
        %add3A_678 = arith.addi %add3A_677, %min3A_653 : i32
        %iota3A = tpu.iota {dimensions = array<i32: 0>} : vector<16xi32>
        %add3A_679 = vector.broadcast %add3A_678 : i32 to vector<16xi32>
        %add3A_680 = arith.addi %add3A_679, %iota3A : vector<16xi32>
        %scan3A_681 = arith.constant 0 : i32
        %scan3A_682 = arith.constant 0 : i32
        %scan3A_683 = arith.constant 64 : i32
        %scan3A_684 = arith.addi %scan3A_682, %scan3A_683 : i32
        %scan3A_685 = arith.constant 1 : i32
        %scan3A_686 = scf.for %scan3A_688 = %scan3A_682 to %scan3A_684 step %scan3A_685 iter_args(%scan3A_689 = %scan3A_681) -> (i32)  : i32 {
          %broadcast_in_dim3A_690 = vector.broadcast %scan3A_688 : i32 to vector<16xi32>
          %gather3A = tpu.vector_load_idx %arg14[%select_n3A_665, %broadcast_in_dim3A_690] masked %ge3A_660 : memref<20x64xf32, #tpu.memory_space<vmem>>[vector<16xi32>, vector<16xi32>], vector<16xf32>, vector<16xi1>
          tpu.vector_store_idx %arg13[%add3A_680, %broadcast_in_dim3A_690], %gather3A masked %ge3A_660 : memref<400x64xf32, #tpu.memory_space<vmem>>[vector<16xi32>, vector<16xi32>], vector<16xf32>, vector<16xi1>
          %scan3A_691 = arith.constant 0 : i32
          scf.yield %scan3A_691 : i32
        }
        %scan3A_687 = arith.constant 64 : i32
      } else {
      }
      %scan3A_676 = arith.constant 0 : i32
      scf.yield %scan3A_676 : i32
    }
    %scan3A_412 = arith.constant 13 : i32
    %scan3A_413 = arith.constant 0 : i32
    %scan3A_414 = arith.constant 0 : i32
    %scan3A_415 = arith.constant 13 : i32
    %scan3A_416 = arith.addi %scan3A_414, %scan3A_415 : i32
    %scan3A_417 = arith.constant 1 : i32
    %scan3A_418 = scf.for %scan3A_648 = %scan3A_414 to %scan3A_416 step %scan3A_417 iter_args(%scan3A_649 = %scan3A_413) -> (i32)  : i32 {
      %mul3A_650 = arith.constant 16 : i32
      %mul3A_651 = arith.muli %scan3A_648, %mul3A_650 : i32
      %min3A_652 = arith.constant 184 : i32
      %min3A_653 = arith.minsi %mul3A_651, %min3A_652 : i32
      %get3A_654 = arith.constant 1 : i32
      %get3A_655 = arith.index_cast %get3A_654 : i32 to index
      %get3A_656 = arith.index_cast %min3A_653 : i32 to index
      %get3A_657 = tpu.vector_load %arg7[%get3A_655, %get3A_656] {strides = array<i32>} : memref<2x200xi32, #tpu.memory_space<vmem>>, vector<16xi32>,
      %ge3A_658 = arith.constant 1000000 : i32
      %ge3A_659 = vector.broadcast %ge3A_658 : i32 to vector<16xi32>
      %ge3A_660 = arith.cmpi sge, %get3A_657, %ge3A_659 : vector<16xi32>
      %sub3A = arith.constant 1000000 : i32
      %sub3A_661 = vector.broadcast %sub3A : i32 to vector<16xi32>
      %sub3A_662 = arith.subi %get3A_657, %sub3A_661 : vector<16xi32>
      %jit3A_663 = arith.constant 0 : i32
      %broadcast_in_dim3A_664 = vector.broadcast %jit3A_663 : i32 to vector<16xi32>
      %select_n3A_665 = arith.select %ge3A_660, %sub3A_662, %broadcast_in_dim3A_664 : vector<16xi1>, vector<16xi32>
      %reduce_max3A = arith.constant true
      %reduce_max3A_666 = vector.broadcast %reduce_max3A : i1 to vector<16xi1>
      %reduce_max3A_667 = arith.constant -2147483648 : i32
      %reduce_max3A_668 = vector.broadcast %reduce_max3A_667 : i32 to vector<16xi32>
      %reduce_max3A_669 = arith.xori %get3A_657, %reduce_max3A_668 : vector<16xi32>
      %reduce_max3A_670 = tpu.scan <max>, %reduce_max3A_669 masked %reduce_max3A_666 : vector<16xi32>, vector<16xi1> -> vector<16xi32>
      %reduce_max3A_671 = arith.xori %reduce_max3A_670, %reduce_max3A_668 : vector<16xi32>
      %reduce_max3A_672 = vector.extract %reduce_max3A_671[15] : i32 from vector<16xi32>
      %ge3A_673 = arith.constant 1000000 : i32
      %ge3A_674 = arith.cmpi sge, %reduce_max3A_672, %ge3A_673 : i32
      %convert_element_type3A = arith.extui %ge3A_674 : i1 to i32
      %cond3A = arith.constant 0 : i32
      %cond3A_675 = arith.cmpi ne, %convert_element_type3A, %cond3A : i32
      scf.if %cond3A_675 {
        %add3A_677 = arith.constant 200 : i32
        %add3A_678 = arith.addi %add3A_677, %min3A_653 : i32
        %iota3A = tpu.iota {dimensions = array<i32: 0>} : vector<16xi32>
        %add3A_679 = vector.broadcast %add3A_678 : i32 to vector<16xi32>
        %add3A_680 = arith.addi %add3A_679, %iota3A : vector<16xi32>
        %scan3A_681 = arith.constant 0 : i32
        %scan3A_682 = arith.constant 0 : i32
        %scan3A_683 = arith.constant 64 : i32
        %scan3A_684 = arith.addi %scan3A_682, %scan3A_683 : i32
        %scan3A_685 = arith.constant 1 : i32
        %scan3A_686 = scf.for %scan3A_688 = %scan3A_682 to %scan3A_684 step %scan3A_685 iter_args(%scan3A_689 = %scan3A_681) -> (i32)  : i32 {
          %broadcast_in_dim3A_690 = vector.broadcast %scan3A_688 : i32 to vector<16xi32>
          %gather3A = tpu.vector_load_idx %arg14[%select_n3A_665, %broadcast_in_dim3A_690] masked %ge3A_660 : memref<20x64xf32, #tpu.memory_space<vmem>>[vector<16xi32>, vector<16xi32>], vector<16xf32>, vector<16xi1>
          tpu.vector_store_idx %arg13[%add3A_680, %broadcast_in_dim3A_690], %gather3A masked %ge3A_660 : memref<400x64xf32, #tpu.memory_space<vmem>>[vector<16xi32>, vector<16xi32>], vector<16xf32>, vector<16xi1>
          %scan3A_691 = arith.constant 0 : i32
          scf.yield %scan3A_691 : i32
        }
        %scan3A_687 = arith.constant 64 : i32
      } else {
      }
      %scan3A_676 = arith.constant 0 : i32
      scf.yield %scan3A_676 : i32
    }
    %scan3A_419 = arith.constant 13 : i32
    %add3A_420 = arith.constant 122 : i32
    %add3A_421 = arith.addi %mul3A_2, %add3A_420 : i32
    %mul3A_422 = arith.constant 200 : i32
    %mul3A_423 = arith.muli %add3A_421, %mul3A_422 : i32
    %dma_start3A_424 = arith.constant 0 : i32
    %dma_start3A_425 = tpu.memref_slice %arg5[%mul3A_423, %dma_start3A_424] : memref<819200x128xf32, #tpu.memory_space<hbm>> -> memref<400x128xf32, #tpu.memory_space<hbm>>
    %dma_start3A_426 = arith.constant 0 : i32
    %dma_start3A_427 = arith.constant 0 : i32
    %dma_start3A_428 = tpu.memref_slice %dma_start3A_425[%dma_start3A_426, %dma_start3A_427] : memref<400x128xf32, #tpu.memory_space<hbm>> -> memref<400x64xf32, #tpu.memory_space<hbm>>
    %dma_start3A_429 = arith.constant 0 : i32
    %dma_start3A_430 = tpu.memref_slice %arg5[%mul3A_423, %dma_start3A_429] : memref<819200x128xf32, #tpu.memory_space<hbm>> -> memref<400x128xf32, #tpu.memory_space<hbm>>
    %dma_start3A_431 = arith.constant 0 : i32
    %dma_start3A_432 = arith.constant 0 : i32
    %dma_start3A_433 = tpu.memref_slice %dma_start3A_430[%dma_start3A_431, %dma_start3A_432] : memref<400x128xf32, #tpu.memory_space<hbm>> -> memref<400x64xf32, #tpu.memory_space<hbm>>
    tpu.enqueue_dma source(%arg13 : memref<400x64xf32, #tpu.memory_space<vmem>>) target(%dma_start3A_433 : memref<400x64xf32, #tpu.memory_space<hbm>>) target_semaphore(%arg22 : memref<!tpu.dma_semaphore, #tpu.memory_space<semaphore_mem>>)
    %dma_wait3A_434 = arith.constant 0 : i32
    %dma_wait3A_435 = arith.constant 0 : i32
    %dma_wait3A_436 = tpu.memref_slice %arg2[%dma_wait3A_434, %dma_wait3A_435] : memref<4096x200xi32, #tpu.memory_space<hbm>> -> memref<2x200xi32, #tpu.memory_space<hbm>>
    %dma_wait3A_437 = arith.constant 0 : i32
    %dma_wait3A_438 = arith.constant 0 : i32
    %dma_wait3A_439 = tpu.memref_slice %arg2[%dma_wait3A_437, %dma_wait3A_438] : memref<4096x200xi32, #tpu.memory_space<hbm>> -> memref<2x200xi32, #tpu.memory_space<hbm>>
    tpu.wait_dma2 semaphore(%arg18 : memref<!tpu.dma_semaphore, #tpu.memory_space<semaphore_mem>>) src(%dma_wait3A_439 : memref<2x200xi32, #tpu.memory_space<hbm>>) dst(%arg9 : memref<2x200xi32, #tpu.memory_space<vmem>>)
    %scan3A_440 = arith.constant 0 : i32
    %scan3A_441 = arith.constant 0 : i32
    %scan3A_442 = arith.constant 12 : i32
    %scan3A_443 = arith.addi %scan3A_441, %scan3A_442 : i32
    %scan3A_444 = arith.constant 4 : i32
    %scan3A_445 = scf.for %scan3A_648 = %scan3A_441 to %scan3A_443 step %scan3A_444 iter_args(%scan3A_649 = %scan3A_440) -> (i32)  : i32 {
      %mul3A_650 = arith.constant 16 : i32
      %mul3A_651 = arith.muli %scan3A_648, %mul3A_650 : i32
      %min3A_652 = arith.constant 184 : i32
      %min3A_653 = arith.minsi %mul3A_651, %min3A_652 : i32
      %get3A_654 = arith.constant 0 : i32
      %get3A_655 = arith.index_cast %get3A_654 : i32 to index
      %get3A_656 = arith.index_cast %min3A_653 : i32 to index
      %get3A_657 = tpu.vector_load %arg9[%get3A_655, %get3A_656] {strides = array<i32>} : memref<2x200xi32, #tpu.memory_space<vmem>>, vector<16xi32>,
      %ge3A_658 = arith.constant 1000000 : i32
      %ge3A_659 = vector.broadcast %ge3A_658 : i32 to vector<16xi32>
      %ge3A_660 = arith.cmpi sge, %get3A_657, %ge3A_659 : vector<16xi32>
      %jit3A_661 = arith.constant 0 : i32
      %broadcast_in_dim3A_662 = vector.broadcast %jit3A_661 : i32 to vector<16xi32>
      %select_n3A_663 = arith.select %ge3A_660, %broadcast_in_dim3A_662, %get3A_657 : vector<16xi1>, vector<16xi32>
      %swap3A_664 = arith.constant 0 : i32
      %swap3A_665 = arith.index_cast %swap3A_664 : i32 to index
      %swap3A_666 = arith.index_cast %min3A_653 : i32 to index
      %swap3A_667 = tpu.vector_load %arg11[%swap3A_665, %swap3A_666] {strides = array<i32>} : memref<2x200xi32, #tpu.memory_space<vmem>>, vector<16xi32>,
      tpu.vector_store %arg11[%swap3A_665, %swap3A_666], %select_n3A_663 {strides = array<i32>} : memref<2x200xi32, #tpu.memory_space<vmem>>, vector<16xi32>,
      %scan3A_668 = arith.constant 0 : i32
      %scan3A_669 = arith.constant 1 : i32
      %scan3A_670 = arith.addi %scan3A_648, %scan3A_669 : i32
      %mul3A_671 = arith.constant 16 : i32
      %mul3A_672 = arith.muli %scan3A_670, %mul3A_671 : i32
      %min3A_673 = arith.constant 184 : i32
      %min3A_674 = arith.minsi %mul3A_672, %min3A_673 : i32
      %get3A_675 = arith.constant 0 : i32
      %get3A_676 = arith.index_cast %get3A_675 : i32 to index
      %get3A_677 = arith.index_cast %min3A_674 : i32 to index
      %get3A_678 = tpu.vector_load %arg9[%get3A_676, %get3A_677] {strides = array<i32>} : memref<2x200xi32, #tpu.memory_space<vmem>>, vector<16xi32>,
      %ge3A_679 = arith.constant 1000000 : i32
      %ge3A_680 = vector.broadcast %ge3A_679 : i32 to vector<16xi32>
      %ge3A_681 = arith.cmpi sge, %get3A_678, %ge3A_680 : vector<16xi32>
      %jit3A_682 = arith.constant 0 : i32
      %broadcast_in_dim3A_683 = vector.broadcast %jit3A_682 : i32 to vector<16xi32>
      %select_n3A_684 = arith.select %ge3A_681, %broadcast_in_dim3A_683, %get3A_678 : vector<16xi1>, vector<16xi32>
      %swap3A_685 = arith.constant 0 : i32
      %swap3A_686 = arith.index_cast %swap3A_685 : i32 to index
      %swap3A_687 = arith.index_cast %min3A_674 : i32 to index
      %swap3A_688 = tpu.vector_load %arg11[%swap3A_686, %swap3A_687] {strides = array<i32>} : memref<2x200xi32, #tpu.memory_space<vmem>>, vector<16xi32>,
      tpu.vector_store %arg11[%swap3A_686, %swap3A_687], %select_n3A_684 {strides = array<i32>} : memref<2x200xi32, #tpu.memory_space<vmem>>, vector<16xi32>,
      %scan3A_689 = arith.constant 0 : i32
      %scan3A_690 = arith.constant 2 : i32
      %scan3A_691 = arith.addi %scan3A_648, %scan3A_690 : i32
      %mul3A_692 = arith.constant 16 : i32
      %mul3A_693 = arith.muli %scan3A_691, %mul3A_692 : i32
      %min3A_694 = arith.constant 184 : i32
      %min3A_695 = arith.minsi %mul3A_693, %min3A_694 : i32
      %get3A_696 = arith.constant 0 : i32
      %get3A_697 = arith.index_cast %get3A_696 : i32 to index
      %get3A_698 = arith.index_cast %min3A_695 : i32 to index
      %get3A_699 = tpu.vector_load %arg9[%get3A_697, %get3A_698] {strides = array<i32>} : memref<2x200xi32, #tpu.memory_space<vmem>>, vector<16xi32>,
      %ge3A_700 = arith.constant 1000000 : i32
      %ge3A_701 = vector.broadcast %ge3A_700 : i32 to vector<16xi32>
      %ge3A_702 = arith.cmpi sge, %get3A_699, %ge3A_701 : vector<16xi32>
      %jit3A_703 = arith.constant 0 : i32
      %broadcast_in_dim3A_704 = vector.broadcast %jit3A_703 : i32 to vector<16xi32>
      %select_n3A_705 = arith.select %ge3A_702, %broadcast_in_dim3A_704, %get3A_699 : vector<16xi1>, vector<16xi32>
      %swap3A_706 = arith.constant 0 : i32
      %swap3A_707 = arith.index_cast %swap3A_706 : i32 to index
      %swap3A_708 = arith.index_cast %min3A_695 : i32 to index
      %swap3A_709 = tpu.vector_load %arg11[%swap3A_707, %swap3A_708] {strides = array<i32>} : memref<2x200xi32, #tpu.memory_space<vmem>>, vector<16xi32>,
      tpu.vector_store %arg11[%swap3A_707, %swap3A_708], %select_n3A_705 {strides = array<i32>} : memref<2x200xi32, #tpu.memory_space<vmem>>, vector<16xi32>,
      %scan3A_710 = arith.constant 0 : i32
      %scan3A_711 = arith.constant 3 : i32
      %scan3A_712 = arith.addi %scan3A_648, %scan3A_711 : i32
      %mul3A_713 = arith.constant 16 : i32
      %mul3A_714 = arith.muli %scan3A_712, %mul3A_713 : i32
      %min3A_715 = arith.constant 184 : i32
      %min3A_716 = arith.minsi %mul3A_714, %min3A_715 : i32
      %get3A_717 = arith.constant 0 : i32
      %get3A_718 = arith.index_cast %get3A_717 : i32 to index
      %get3A_719 = arith.index_cast %min3A_716 : i32 to index
      %get3A_720 = tpu.vector_load %arg9[%get3A_718, %get3A_719] {strides = array<i32>} : memref<2x200xi32, #tpu.memory_space<vmem>>, vector<16xi32>,
      %ge3A_721 = arith.constant 1000000 : i32
      %ge3A_722 = vector.broadcast %ge3A_721 : i32 to vector<16xi32>
      %ge3A_723 = arith.cmpi sge, %get3A_720, %ge3A_722 : vector<16xi32>
      %jit3A_724 = arith.constant 0 : i32
      %broadcast_in_dim3A_725 = vector.broadcast %jit3A_724 : i32 to vector<16xi32>
      %select_n3A_726 = arith.select %ge3A_723, %broadcast_in_dim3A_725, %get3A_720 : vector<16xi1>, vector<16xi32>
      %swap3A_727 = arith.constant 0 : i32
      %swap3A_728 = arith.index_cast %swap3A_727 : i32 to index
      %swap3A_729 = arith.index_cast %min3A_716 : i32 to index
      %swap3A_730 = tpu.vector_load %arg11[%swap3A_728, %swap3A_729] {strides = array<i32>} : memref<2x200xi32, #tpu.memory_space<vmem>>, vector<16xi32>,
      tpu.vector_store %arg11[%swap3A_728, %swap3A_729], %select_n3A_726 {strides = array<i32>} : memref<2x200xi32, #tpu.memory_space<vmem>>, vector<16xi32>,
      %scan3A_731 = arith.constant 0 : i32
      scf.yield %scan3A_731 : i32
    }
    %scan3A_446 = arith.constant 12 : i32
    %scan3A_447 = arith.addi %scan3A_441, %scan3A_446 : i32
    %mul3A_448 = arith.constant 16 : i32
    %mul3A_449 = arith.muli %scan3A_447, %mul3A_448 : i32
    %min3A_450 = arith.constant 184 : i32
    %min3A_451 = arith.minsi %mul3A_449, %min3A_450 : i32
    %get3A_452 = arith.constant 0 : i32
    %get3A_453 = arith.index_cast %get3A_452 : i32 to index
    %get3A_454 = arith.index_cast %min3A_451 : i32 to index
    %get3A_455 = tpu.vector_load %arg9[%get3A_453, %get3A_454] {strides = array<i32>} : memref<2x200xi32, #tpu.memory_space<vmem>>, vector<16xi32>,
    %ge3A_456 = arith.constant 1000000 : i32
    %ge3A_457 = vector.broadcast %ge3A_456 : i32 to vector<16xi32>
    %ge3A_458 = arith.cmpi sge, %get3A_455, %ge3A_457 : vector<16xi32>
    %jit3A_459 = arith.constant 0 : i32
    %broadcast_in_dim3A_460 = vector.broadcast %jit3A_459 : i32 to vector<16xi32>
    %select_n3A_461 = arith.select %ge3A_458, %broadcast_in_dim3A_460, %get3A_455 : vector<16xi1>, vector<16xi32>
    %swap3A_462 = arith.constant 0 : i32
    %swap3A_463 = arith.index_cast %swap3A_462 : i32 to index
    %swap3A_464 = arith.index_cast %min3A_451 : i32 to index
    %swap3A_465 = tpu.vector_load %arg11[%swap3A_463, %swap3A_464] {strides = array<i32>} : memref<2x200xi32, #tpu.memory_space<vmem>>, vector<16xi32>,
    tpu.vector_store %arg11[%swap3A_463, %swap3A_464], %select_n3A_461 {strides = array<i32>} : memref<2x200xi32, #tpu.memory_space<vmem>>, vector<16xi32>,
    %scan3A_466 = arith.constant 0 : i32
    %scan3A_467 = arith.constant 13 : i32
    %scan3A_468 = arith.constant 0 : i32
    %scan3A_469 = arith.constant 0 : i32
    %scan3A_470 = arith.constant 12 : i32
    %scan3A_471 = arith.addi %scan3A_469, %scan3A_470 : i32
    %scan3A_472 = arith.constant 4 : i32
    %scan3A_473 = scf.for %scan3A_648 = %scan3A_469 to %scan3A_471 step %scan3A_472 iter_args(%scan3A_649 = %scan3A_468) -> (i32)  : i32 {
      %mul3A_650 = arith.constant 16 : i32
      %mul3A_651 = arith.muli %scan3A_648, %mul3A_650 : i32
      %min3A_652 = arith.constant 184 : i32
      %min3A_653 = arith.minsi %mul3A_651, %min3A_652 : i32
      %get3A_654 = arith.constant 1 : i32
      %get3A_655 = arith.index_cast %get3A_654 : i32 to index
      %get3A_656 = arith.index_cast %min3A_653 : i32 to index
      %get3A_657 = tpu.vector_load %arg9[%get3A_655, %get3A_656] {strides = array<i32>} : memref<2x200xi32, #tpu.memory_space<vmem>>, vector<16xi32>,
      %ge3A_658 = arith.constant 1000000 : i32
      %ge3A_659 = vector.broadcast %ge3A_658 : i32 to vector<16xi32>
      %ge3A_660 = arith.cmpi sge, %get3A_657, %ge3A_659 : vector<16xi32>
      %jit3A_661 = arith.constant 0 : i32
      %broadcast_in_dim3A_662 = vector.broadcast %jit3A_661 : i32 to vector<16xi32>
      %select_n3A_663 = arith.select %ge3A_660, %broadcast_in_dim3A_662, %get3A_657 : vector<16xi1>, vector<16xi32>
      %swap3A_664 = arith.constant 1 : i32
      %swap3A_665 = arith.index_cast %swap3A_664 : i32 to index
      %swap3A_666 = arith.index_cast %min3A_653 : i32 to index
      %swap3A_667 = tpu.vector_load %arg11[%swap3A_665, %swap3A_666] {strides = array<i32>} : memref<2x200xi32, #tpu.memory_space<vmem>>, vector<16xi32>,
      tpu.vector_store %arg11[%swap3A_665, %swap3A_666], %select_n3A_663 {strides = array<i32>} : memref<2x200xi32, #tpu.memory_space<vmem>>, vector<16xi32>,
      %scan3A_668 = arith.constant 0 : i32
      %scan3A_669 = arith.constant 1 : i32
      %scan3A_670 = arith.addi %scan3A_648, %scan3A_669 : i32
      %mul3A_671 = arith.constant 16 : i32
      %mul3A_672 = arith.muli %scan3A_670, %mul3A_671 : i32
      %min3A_673 = arith.constant 184 : i32
      %min3A_674 = arith.minsi %mul3A_672, %min3A_673 : i32
      %get3A_675 = arith.constant 1 : i32
      %get3A_676 = arith.index_cast %get3A_675 : i32 to index
      %get3A_677 = arith.index_cast %min3A_674 : i32 to index
      %get3A_678 = tpu.vector_load %arg9[%get3A_676, %get3A_677] {strides = array<i32>} : memref<2x200xi32, #tpu.memory_space<vmem>>, vector<16xi32>,
      %ge3A_679 = arith.constant 1000000 : i32
      %ge3A_680 = vector.broadcast %ge3A_679 : i32 to vector<16xi32>
      %ge3A_681 = arith.cmpi sge, %get3A_678, %ge3A_680 : vector<16xi32>
      %jit3A_682 = arith.constant 0 : i32
      %broadcast_in_dim3A_683 = vector.broadcast %jit3A_682 : i32 to vector<16xi32>
      %select_n3A_684 = arith.select %ge3A_681, %broadcast_in_dim3A_683, %get3A_678 : vector<16xi1>, vector<16xi32>
      %swap3A_685 = arith.constant 1 : i32
      %swap3A_686 = arith.index_cast %swap3A_685 : i32 to index
      %swap3A_687 = arith.index_cast %min3A_674 : i32 to index
      %swap3A_688 = tpu.vector_load %arg11[%swap3A_686, %swap3A_687] {strides = array<i32>} : memref<2x200xi32, #tpu.memory_space<vmem>>, vector<16xi32>,
      tpu.vector_store %arg11[%swap3A_686, %swap3A_687], %select_n3A_684 {strides = array<i32>} : memref<2x200xi32, #tpu.memory_space<vmem>>, vector<16xi32>,
      %scan3A_689 = arith.constant 0 : i32
      %scan3A_690 = arith.constant 2 : i32
      %scan3A_691 = arith.addi %scan3A_648, %scan3A_690 : i32
      %mul3A_692 = arith.constant 16 : i32
      %mul3A_693 = arith.muli %scan3A_691, %mul3A_692 : i32
      %min3A_694 = arith.constant 184 : i32
      %min3A_695 = arith.minsi %mul3A_693, %min3A_694 : i32
      %get3A_696 = arith.constant 1 : i32
      %get3A_697 = arith.index_cast %get3A_696 : i32 to index
      %get3A_698 = arith.index_cast %min3A_695 : i32 to index
      %get3A_699 = tpu.vector_load %arg9[%get3A_697, %get3A_698] {strides = array<i32>} : memref<2x200xi32, #tpu.memory_space<vmem>>, vector<16xi32>,
      %ge3A_700 = arith.constant 1000000 : i32
      %ge3A_701 = vector.broadcast %ge3A_700 : i32 to vector<16xi32>
      %ge3A_702 = arith.cmpi sge, %get3A_699, %ge3A_701 : vector<16xi32>
      %jit3A_703 = arith.constant 0 : i32
      %broadcast_in_dim3A_704 = vector.broadcast %jit3A_703 : i32 to vector<16xi32>
      %select_n3A_705 = arith.select %ge3A_702, %broadcast_in_dim3A_704, %get3A_699 : vector<16xi1>, vector<16xi32>
      %swap3A_706 = arith.constant 1 : i32
      %swap3A_707 = arith.index_cast %swap3A_706 : i32 to index
      %swap3A_708 = arith.index_cast %min3A_695 : i32 to index
      %swap3A_709 = tpu.vector_load %arg11[%swap3A_707, %swap3A_708] {strides = array<i32>} : memref<2x200xi32, #tpu.memory_space<vmem>>, vector<16xi32>,
      tpu.vector_store %arg11[%swap3A_707, %swap3A_708], %select_n3A_705 {strides = array<i32>} : memref<2x200xi32, #tpu.memory_space<vmem>>, vector<16xi32>,
      %scan3A_710 = arith.constant 0 : i32
      %scan3A_711 = arith.constant 3 : i32
      %scan3A_712 = arith.addi %scan3A_648, %scan3A_711 : i32
      %mul3A_713 = arith.constant 16 : i32
      %mul3A_714 = arith.muli %scan3A_712, %mul3A_713 : i32
      %min3A_715 = arith.constant 184 : i32
      %min3A_716 = arith.minsi %mul3A_714, %min3A_715 : i32
      %get3A_717 = arith.constant 1 : i32
      %get3A_718 = arith.index_cast %get3A_717 : i32 to index
      %get3A_719 = arith.index_cast %min3A_716 : i32 to index
      %get3A_720 = tpu.vector_load %arg9[%get3A_718, %get3A_719] {strides = array<i32>} : memref<2x200xi32, #tpu.memory_space<vmem>>, vector<16xi32>,
      %ge3A_721 = arith.constant 1000000 : i32
      %ge3A_722 = vector.broadcast %ge3A_721 : i32 to vector<16xi32>
      %ge3A_723 = arith.cmpi sge, %get3A_720, %ge3A_722 : vector<16xi32>
      %jit3A_724 = arith.constant 0 : i32
      %broadcast_in_dim3A_725 = vector.broadcast %jit3A_724 : i32 to vector<16xi32>
      %select_n3A_726 = arith.select %ge3A_723, %broadcast_in_dim3A_725, %get3A_720 : vector<16xi1>, vector<16xi32>
      %swap3A_727 = arith.constant 1 : i32
      %swap3A_728 = arith.index_cast %swap3A_727 : i32 to index
      %swap3A_729 = arith.index_cast %min3A_716 : i32 to index
      %swap3A_730 = tpu.vector_load %arg11[%swap3A_728, %swap3A_729] {strides = array<i32>} : memref<2x200xi32, #tpu.memory_space<vmem>>, vector<16xi32>,
      tpu.vector_store %arg11[%swap3A_728, %swap3A_729], %select_n3A_726 {strides = array<i32>} : memref<2x200xi32, #tpu.memory_space<vmem>>, vector<16xi32>,
      %scan3A_731 = arith.constant 0 : i32
      scf.yield %scan3A_731 : i32
    }
    %scan3A_474 = arith.constant 12 : i32
    %scan3A_475 = arith.addi %scan3A_469, %scan3A_474 : i32
    %mul3A_476 = arith.constant 16 : i32
    %mul3A_477 = arith.muli %scan3A_475, %mul3A_476 : i32
    %min3A_478 = arith.constant 184 : i32
    %min3A_479 = arith.minsi %mul3A_477, %min3A_478 : i32
    %get3A_480 = arith.constant 1 : i32
    %get3A_481 = arith.index_cast %get3A_480 : i32 to index
    %get3A_482 = arith.index_cast %min3A_479 : i32 to index
    %get3A_483 = tpu.vector_load %arg9[%get3A_481, %get3A_482] {strides = array<i32>} : memref<2x200xi32, #tpu.memory_space<vmem>>, vector<16xi32>,
    %ge3A_484 = arith.constant 1000000 : i32
    %ge3A_485 = vector.broadcast %ge3A_484 : i32 to vector<16xi32>
    %ge3A_486 = arith.cmpi sge, %get3A_483, %ge3A_485 : vector<16xi32>
    %jit3A_487 = arith.constant 0 : i32
    %broadcast_in_dim3A_488 = vector.broadcast %jit3A_487 : i32 to vector<16xi32>
    %select_n3A_489 = arith.select %ge3A_486, %broadcast_in_dim3A_488, %get3A_483 : vector<16xi1>, vector<16xi32>
    %swap3A_490 = arith.constant 1 : i32
    %swap3A_491 = arith.index_cast %swap3A_490 : i32 to index
    %swap3A_492 = arith.index_cast %min3A_479 : i32 to index
    %swap3A_493 = tpu.vector_load %arg11[%swap3A_491, %swap3A_492] {strides = array<i32>} : memref<2x200xi32, #tpu.memory_space<vmem>>, vector<16xi32>,
    tpu.vector_store %arg11[%swap3A_491, %swap3A_492], %select_n3A_489 {strides = array<i32>} : memref<2x200xi32, #tpu.memory_space<vmem>>, vector<16xi32>,
    %scan3A_494 = arith.constant 0 : i32
    %scan3A_495 = arith.constant 13 : i32
    %dma_wait3A_496 = arith.constant 0 : i32
    %dma_wait3A_497 = arith.constant 0 : i32
    %dma_wait3A_498 = tpu.memref_slice %arg5[%dma_wait3A_496, %dma_wait3A_497] : memref<819200x128xf32, #tpu.memory_space<hbm>> -> memref<400x128xf32, #tpu.memory_space<hbm>>
    %dma_wait3A_499 = arith.constant 0 : i32
    %dma_wait3A_500 = arith.constant 0 : i32
    %dma_wait3A_501 = tpu.memref_slice %dma_wait3A_498[%dma_wait3A_499, %dma_wait3A_500] : memref<400x128xf32, #tpu.memory_space<hbm>> -> memref<400x64xf32, #tpu.memory_space<hbm>>
    %dma_wait3A_502 = arith.constant 0 : i32
    %dma_wait3A_503 = arith.constant 0 : i32
    %dma_wait3A_504 = tpu.memref_slice %arg5[%dma_wait3A_502, %dma_wait3A_503] : memref<819200x128xf32, #tpu.memory_space<hbm>> -> memref<400x128xf32, #tpu.memory_space<hbm>>
    %dma_wait3A_505 = arith.constant 0 : i32
    %dma_wait3A_506 = arith.constant 0 : i32
    %dma_wait3A_507 = tpu.memref_slice %dma_wait3A_504[%dma_wait3A_505, %dma_wait3A_506] : memref<400x128xf32, #tpu.memory_space<hbm>> -> memref<400x64xf32, #tpu.memory_space<hbm>>
    tpu.wait_dma2 semaphore(%arg22 : memref<!tpu.dma_semaphore, #tpu.memory_space<semaphore_mem>>) src(%arg13 : memref<400x64xf32, #tpu.memory_space<vmem>>) dst(%dma_wait3A_507 : memref<400x64xf32, #tpu.memory_space<hbm>>)
    %dma_start3A_508 = arith.constant 0 : i32
    %dma_start3A_509 = arith.constant 0 : i32
    %dma_start3A_510 = arith.constant 0 : i32
    %dma_start3A_511 = tpu.memref_slice %arg13[%dma_start3A_509, %dma_start3A_510] : memref<400x64xf32, #tpu.memory_space<vmem>> -> memref<128x64xf32, #tpu.memory_space<vmem>>
    %dma_start3A_512 = arith.constant 0 : i32
    %dma_start3A_513 = tpu.memref_slice %arg11[%dma_start3A_508, %dma_start3A_512] : memref<2x200xi32, #tpu.memory_space<vmem>> -> memref<1x200xi32, #tpu.memory_space<vmem>>
    %dma_start3A_514 = tpu.memref_squeeze %dma_start3A_513 : memref<1x200xi32, #tpu.memory_space<vmem>> -> memref<200xi32, #tpu.memory_space<vmem>>
    %dma_start3A_515 = arith.constant 0 : i32
    %dma_start3A_516 = tpu.memref_slice %dma_start3A_514[%dma_start3A_515] : memref<200xi32, #tpu.memory_space<vmem>> -> memref<128xi32, #tpu.memory_space<vmem>>
    %dma_start3A_517 = arith.constant 0 : i32
    %dma_start3A_518 = arith.constant 0 : i32
    %dma_start3A_519 = tpu.memref_slice %arg3[%dma_start3A_517, %dma_start3A_518] : memref<1000000x64xf32, #tpu.memory_space<hbm>> -> memref<1000000x64xf32, #tpu.memory_space<hbm>>
    tpu.enqueue_indirect_dma source(%dma_start3A_519 : memref<1000000x64xf32, #tpu.memory_space<hbm>>) target(%dma_start3A_511 : memref<128x64xf32, #tpu.memory_space<vmem>>) offsets(%dma_start3A_516 : memref<128xi32, #tpu.memory_space<vmem>>) semaphore(%arg20 : memref<!tpu.dma_semaphore, #tpu.memory_space<semaphore_mem>>)
    %dma_start3A_520 = arith.constant 0 : i32
    %dma_start3A_521 = arith.constant 128 : i32
    %dma_start3A_522 = arith.constant 0 : i32
    %dma_start3A_523 = tpu.memref_slice %arg13[%dma_start3A_521, %dma_start3A_522] : memref<400x64xf32, #tpu.memory_space<vmem>> -> memref<72x64xf32, #tpu.memory_space<vmem>>
    %dma_start3A_524 = arith.constant 0 : i32
    %dma_start3A_525 = tpu.memref_slice %arg11[%dma_start3A_520, %dma_start3A_524] : memref<2x200xi32, #tpu.memory_space<vmem>> -> memref<1x200xi32, #tpu.memory_space<vmem>>
    %dma_start3A_526 = tpu.memref_squeeze %dma_start3A_525 : memref<1x200xi32, #tpu.memory_space<vmem>> -> memref<200xi32, #tpu.memory_space<vmem>>
    %dma_start3A_527 = arith.constant 128 : i32
    %dma_start3A_528 = tpu.memref_slice %dma_start3A_526[%dma_start3A_527] : memref<200xi32, #tpu.memory_space<vmem>> -> memref<72xi32, #tpu.memory_space<vmem>>
    %dma_start3A_529 = arith.constant 0 : i32
    %dma_start3A_530 = arith.constant 0 : i32
    %dma_start3A_531 = tpu.memref_slice %arg3[%dma_start3A_529, %dma_start3A_530] : memref<1000000x64xf32, #tpu.memory_space<hbm>> -> memref<1000000x64xf32, #tpu.memory_space<hbm>>
    tpu.enqueue_indirect_dma source(%dma_start3A_531 : memref<1000000x64xf32, #tpu.memory_space<hbm>>) target(%dma_start3A_523 : memref<72x64xf32, #tpu.memory_space<vmem>>) offsets(%dma_start3A_528 : memref<72xi32, #tpu.memory_space<vmem>>) semaphore(%arg20 : memref<!tpu.dma_semaphore, #tpu.memory_space<semaphore_mem>>)
    %dma_start3A_532 = arith.constant 1 : i32
    %dma_start3A_533 = arith.constant 200 : i32
    %dma_start3A_534 = arith.constant 0 : i32
    %dma_start3A_535 = tpu.memref_slice %arg13[%dma_start3A_533, %dma_start3A_534] : memref<400x64xf32, #tpu.memory_space<vmem>> -> memref<128x64xf32, #tpu.memory_space<vmem>>
    %dma_start3A_536 = arith.constant 0 : i32
    %dma_start3A_537 = tpu.memref_slice %arg11[%dma_start3A_532, %dma_start3A_536] : memref<2x200xi32, #tpu.memory_space<vmem>> -> memref<1x200xi32, #tpu.memory_space<vmem>>
    %dma_start3A_538 = tpu.memref_squeeze %dma_start3A_537 : memref<1x200xi32, #tpu.memory_space<vmem>> -> memref<200xi32, #tpu.memory_space<vmem>>
    %dma_start3A_539 = arith.constant 0 : i32
    %dma_start3A_540 = tpu.memref_slice %dma_start3A_538[%dma_start3A_539] : memref<200xi32, #tpu.memory_space<vmem>> -> memref<128xi32, #tpu.memory_space<vmem>>
    %dma_start3A_541 = arith.constant 0 : i32
    %dma_start3A_542 = arith.constant 0 : i32
    %dma_start3A_543 = tpu.memref_slice %arg3[%dma_start3A_541, %dma_start3A_542] : memref<1000000x64xf32, #tpu.memory_space<hbm>> -> memref<1000000x64xf32, #tpu.memory_space<hbm>>
    tpu.enqueue_indirect_dma source(%dma_start3A_543 : memref<1000000x64xf32, #tpu.memory_space<hbm>>) target(%dma_start3A_535 : memref<128x64xf32, #tpu.memory_space<vmem>>) offsets(%dma_start3A_540 : memref<128xi32, #tpu.memory_space<vmem>>) semaphore(%arg20 : memref<!tpu.dma_semaphore, #tpu.memory_space<semaphore_mem>>)
    %dma_start3A_544 = arith.constant 1 : i32
    %dma_start3A_545 = arith.constant 328 : i32
    %dma_start3A_546 = arith.constant 0 : i32
    %dma_start3A_547 = tpu.memref_slice %arg13[%dma_start3A_545, %dma_start3A_546] : memref<400x64xf32, #tpu.memory_space<vmem>> -> memref<72x64xf32, #tpu.memory_space<vmem>>
    %dma_start3A_548 = arith.constant 0 : i32
    %dma_start3A_549 = tpu.memref_slice %arg11[%dma_start3A_544, %dma_start3A_548] : memref<2x200xi32, #tpu.memory_space<vmem>> -> memref<1x200xi32, #tpu.memory_space<vmem>>
    %dma_start3A_550 = tpu.memref_squeeze %dma_start3A_549 : memref<1x200xi32, #tpu.memory_space<vmem>> -> memref<200xi32, #tpu.memory_space<vmem>>
    %dma_start3A_551 = arith.constant 128 : i32
    %dma_start3A_552 = tpu.memref_slice %dma_start3A_550[%dma_start3A_551] : memref<200xi32, #tpu.memory_space<vmem>> -> memref<72xi32, #tpu.memory_space<vmem>>
    %dma_start3A_553 = arith.constant 0 : i32
    %dma_start3A_554 = arith.constant 0 : i32
    %dma_start3A_555 = tpu.memref_slice %arg3[%dma_start3A_553, %dma_start3A_554] : memref<1000000x64xf32, #tpu.memory_space<hbm>> -> memref<1000000x64xf32, #tpu.memory_space<hbm>>
    tpu.enqueue_indirect_dma source(%dma_start3A_555 : memref<1000000x64xf32, #tpu.memory_space<hbm>>) target(%dma_start3A_547 : memref<72x64xf32, #tpu.memory_space<vmem>>) offsets(%dma_start3A_552 : memref<72xi32, #tpu.memory_space<vmem>>) semaphore(%arg20 : memref<!tpu.dma_semaphore, #tpu.memory_space<semaphore_mem>>)
    %dma_wait3A_556 = arith.constant 0 : i32
    %dma_wait3A_557 = arith.constant 0 : i32
    %dma_wait3A_558 = tpu.memref_slice %arg3[%dma_wait3A_556, %dma_wait3A_557] : memref<1000000x64xf32, #tpu.memory_space<hbm>> -> memref<400x64xf32, #tpu.memory_space<hbm>>
    %dma_wait3A_559 = arith.constant 0 : i32
    %dma_wait3A_560 = arith.constant 0 : i32
    %dma_wait3A_561 = tpu.memref_slice %arg3[%dma_wait3A_559, %dma_wait3A_560] : memref<1000000x64xf32, #tpu.memory_space<hbm>> -> memref<400x64xf32, #tpu.memory_space<hbm>>
    tpu.wait_dma2 semaphore(%arg19 : memref<!tpu.dma_semaphore, #tpu.memory_space<semaphore_mem>>) src(%dma_wait3A_561 : memref<400x64xf32, #tpu.memory_space<hbm>>) dst(%arg12 : memref<400x64xf32, #tpu.memory_space<vmem>>)
    %scan3A_562 = arith.constant 0 : i32
    %scan3A_563 = arith.constant 0 : i32
    %scan3A_564 = arith.constant 13 : i32
    %scan3A_565 = arith.addi %scan3A_563, %scan3A_564 : i32
    %scan3A_566 = arith.constant 1 : i32
    %scan3A_567 = scf.for %scan3A_648 = %scan3A_563 to %scan3A_565 step %scan3A_566 iter_args(%scan3A_649 = %scan3A_562) -> (i32)  : i32 {
      %mul3A_650 = arith.constant 16 : i32
      %mul3A_651 = arith.muli %scan3A_648, %mul3A_650 : i32
      %min3A_652 = arith.constant 184 : i32
      %min3A_653 = arith.minsi %mul3A_651, %min3A_652 : i32
      %get3A_654 = arith.constant 0 : i32
      %get3A_655 = arith.index_cast %get3A_654 : i32 to index
      %get3A_656 = arith.index_cast %min3A_653 : i32 to index
      %get3A_657 = tpu.vector_load %arg8[%get3A_655, %get3A_656] {strides = array<i32>} : memref<2x200xi32, #tpu.memory_space<vmem>>, vector<16xi32>,
      %ge3A_658 = arith.constant 1000000 : i32
      %ge3A_659 = vector.broadcast %ge3A_658 : i32 to vector<16xi32>
      %ge3A_660 = arith.cmpi sge, %get3A_657, %ge3A_659 : vector<16xi32>
      %sub3A = arith.constant 1000000 : i32
      %sub3A_661 = vector.broadcast %sub3A : i32 to vector<16xi32>
      %sub3A_662 = arith.subi %get3A_657, %sub3A_661 : vector<16xi32>
      %jit3A_663 = arith.constant 0 : i32
      %broadcast_in_dim3A_664 = vector.broadcast %jit3A_663 : i32 to vector<16xi32>
      %select_n3A_665 = arith.select %ge3A_660, %sub3A_662, %broadcast_in_dim3A_664 : vector<16xi1>, vector<16xi32>
      %reduce_max3A = arith.constant true
      %reduce_max3A_666 = vector.broadcast %reduce_max3A : i1 to vector<16xi1>
      %reduce_max3A_667 = arith.constant -2147483648 : i32
      %reduce_max3A_668 = vector.broadcast %reduce_max3A_667 : i32 to vector<16xi32>
      %reduce_max3A_669 = arith.xori %get3A_657, %reduce_max3A_668 : vector<16xi32>
      %reduce_max3A_670 = tpu.scan <max>, %reduce_max3A_669 masked %reduce_max3A_666 : vector<16xi32>, vector<16xi1> -> vector<16xi32>
      %reduce_max3A_671 = arith.xori %reduce_max3A_670, %reduce_max3A_668 : vector<16xi32>
      %reduce_max3A_672 = vector.extract %reduce_max3A_671[15] : i32 from vector<16xi32>
      %ge3A_673 = arith.constant 1000000 : i32
      %ge3A_674 = arith.cmpi sge, %reduce_max3A_672, %ge3A_673 : i32
      %convert_element_type3A = arith.extui %ge3A_674 : i1 to i32
      %cond3A = arith.constant 0 : i32
      %cond3A_675 = arith.cmpi ne, %convert_element_type3A, %cond3A : i32
      scf.if %cond3A_675 {
        %add3A_677 = arith.constant 0 : i32
        %add3A_678 = arith.addi %add3A_677, %min3A_653 : i32
        %iota3A = tpu.iota {dimensions = array<i32: 0>} : vector<16xi32>
        %add3A_679 = vector.broadcast %add3A_678 : i32 to vector<16xi32>
        %add3A_680 = arith.addi %add3A_679, %iota3A : vector<16xi32>
        %scan3A_681 = arith.constant 0 : i32
        %scan3A_682 = arith.constant 0 : i32
        %scan3A_683 = arith.constant 64 : i32
        %scan3A_684 = arith.addi %scan3A_682, %scan3A_683 : i32
        %scan3A_685 = arith.constant 1 : i32
        %scan3A_686 = scf.for %scan3A_688 = %scan3A_682 to %scan3A_684 step %scan3A_685 iter_args(%scan3A_689 = %scan3A_681) -> (i32)  : i32 {
          %broadcast_in_dim3A_690 = vector.broadcast %scan3A_688 : i32 to vector<16xi32>
          %gather3A = tpu.vector_load_idx %arg14[%select_n3A_665, %broadcast_in_dim3A_690] masked %ge3A_660 : memref<20x64xf32, #tpu.memory_space<vmem>>[vector<16xi32>, vector<16xi32>], vector<16xf32>, vector<16xi1>
          tpu.vector_store_idx %arg12[%add3A_680, %broadcast_in_dim3A_690], %gather3A masked %ge3A_660 : memref<400x64xf32, #tpu.memory_space<vmem>>[vector<16xi32>, vector<16xi32>], vector<16xf32>, vector<16xi1>
          %scan3A_691 = arith.constant 0 : i32
          scf.yield %scan3A_691 : i32
        }
        %scan3A_687 = arith.constant 64 : i32
      } else {
      }
      %scan3A_676 = arith.constant 0 : i32
      scf.yield %scan3A_676 : i32
    }
    %scan3A_568 = arith.constant 13 : i32
    %scan3A_569 = arith.constant 0 : i32
    %scan3A_570 = arith.constant 0 : i32
    %scan3A_571 = arith.constant 13 : i32
    %scan3A_572 = arith.addi %scan3A_570, %scan3A_571 : i32
    %scan3A_573 = arith.constant 1 : i32
    %scan3A_574 = scf.for %scan3A_648 = %scan3A_570 to %scan3A_572 step %scan3A_573 iter_args(%scan3A_649 = %scan3A_569) -> (i32)  : i32 {
      %mul3A_650 = arith.constant 16 : i32
      %mul3A_651 = arith.muli %scan3A_648, %mul3A_650 : i32
      %min3A_652 = arith.constant 184 : i32
      %min3A_653 = arith.minsi %mul3A_651, %min3A_652 : i32
      %get3A_654 = arith.constant 1 : i32
      %get3A_655 = arith.index_cast %get3A_654 : i32 to index
      %get3A_656 = arith.index_cast %min3A_653 : i32 to index
      %get3A_657 = tpu.vector_load %arg8[%get3A_655, %get3A_656] {strides = array<i32>} : memref<2x200xi32, #tpu.memory_space<vmem>>, vector<16xi32>,
      %ge3A_658 = arith.constant 1000000 : i32
      %ge3A_659 = vector.broadcast %ge3A_658 : i32 to vector<16xi32>
      %ge3A_660 = arith.cmpi sge, %get3A_657, %ge3A_659 : vector<16xi32>
      %sub3A = arith.constant 1000000 : i32
      %sub3A_661 = vector.broadcast %sub3A : i32 to vector<16xi32>
      %sub3A_662 = arith.subi %get3A_657, %sub3A_661 : vector<16xi32>
      %jit3A_663 = arith.constant 0 : i32
      %broadcast_in_dim3A_664 = vector.broadcast %jit3A_663 : i32 to vector<16xi32>
      %select_n3A_665 = arith.select %ge3A_660, %sub3A_662, %broadcast_in_dim3A_664 : vector<16xi1>, vector<16xi32>
      %reduce_max3A = arith.constant true
      %reduce_max3A_666 = vector.broadcast %reduce_max3A : i1 to vector<16xi1>
      %reduce_max3A_667 = arith.constant -2147483648 : i32
      %reduce_max3A_668 = vector.broadcast %reduce_max3A_667 : i32 to vector<16xi32>
      %reduce_max3A_669 = arith.xori %get3A_657, %reduce_max3A_668 : vector<16xi32>
      %reduce_max3A_670 = tpu.scan <max>, %reduce_max3A_669 masked %reduce_max3A_666 : vector<16xi32>, vector<16xi1> -> vector<16xi32>
      %reduce_max3A_671 = arith.xori %reduce_max3A_670, %reduce_max3A_668 : vector<16xi32>
      %reduce_max3A_672 = vector.extract %reduce_max3A_671[15] : i32 from vector<16xi32>
      %ge3A_673 = arith.constant 1000000 : i32
      %ge3A_674 = arith.cmpi sge, %reduce_max3A_672, %ge3A_673 : i32
      %convert_element_type3A = arith.extui %ge3A_674 : i1 to i32
      %cond3A = arith.constant 0 : i32
      %cond3A_675 = arith.cmpi ne, %convert_element_type3A, %cond3A : i32
      scf.if %cond3A_675 {
        %add3A_677 = arith.constant 200 : i32
        %add3A_678 = arith.addi %add3A_677, %min3A_653 : i32
        %iota3A = tpu.iota {dimensions = array<i32: 0>} : vector<16xi32>
        %add3A_679 = vector.broadcast %add3A_678 : i32 to vector<16xi32>
        %add3A_680 = arith.addi %add3A_679, %iota3A : vector<16xi32>
        %scan3A_681 = arith.constant 0 : i32
        %scan3A_682 = arith.constant 0 : i32
        %scan3A_683 = arith.constant 64 : i32
        %scan3A_684 = arith.addi %scan3A_682, %scan3A_683 : i32
        %scan3A_685 = arith.constant 1 : i32
        %scan3A_686 = scf.for %scan3A_688 = %scan3A_682 to %scan3A_684 step %scan3A_685 iter_args(%scan3A_689 = %scan3A_681) -> (i32)  : i32 {
          %broadcast_in_dim3A_690 = vector.broadcast %scan3A_688 : i32 to vector<16xi32>
          %gather3A = tpu.vector_load_idx %arg14[%select_n3A_665, %broadcast_in_dim3A_690] masked %ge3A_660 : memref<20x64xf32, #tpu.memory_space<vmem>>[vector<16xi32>, vector<16xi32>], vector<16xf32>, vector<16xi1>
          tpu.vector_store_idx %arg12[%add3A_680, %broadcast_in_dim3A_690], %gather3A masked %ge3A_660 : memref<400x64xf32, #tpu.memory_space<vmem>>[vector<16xi32>, vector<16xi32>], vector<16xf32>, vector<16xi1>
          %scan3A_691 = arith.constant 0 : i32
          scf.yield %scan3A_691 : i32
        }
        %scan3A_687 = arith.constant 64 : i32
      } else {
      }
      %scan3A_676 = arith.constant 0 : i32
      scf.yield %scan3A_676 : i32
    }
    %scan3A_575 = arith.constant 13 : i32
    %add3A_576 = arith.constant 124 : i32
    %add3A_577 = arith.addi %mul3A_2, %add3A_576 : i32
    %mul3A_578 = arith.constant 200 : i32
    %mul3A_579 = arith.muli %add3A_577, %mul3A_578 : i32
    %dma_start3A_580 = arith.constant 0 : i32
    %dma_start3A_581 = tpu.memref_slice %arg5[%mul3A_579, %dma_start3A_580] : memref<819200x128xf32, #tpu.memory_space<hbm>> -> memref<400x128xf32, #tpu.memory_space<hbm>>
    %dma_start3A_582 = arith.constant 0 : i32
    %dma_start3A_583 = arith.constant 0 : i32
    %dma_start3A_584 = tpu.memref_slice %dma_start3A_581[%dma_start3A_582, %dma_start3A_583] : memref<400x128xf32, #tpu.memory_space<hbm>> -> memref<400x64xf32, #tpu.memory_space<hbm>>
    %dma_start3A_585 = arith.constant 0 : i32
    %dma_start3A_586 = tpu.memref_slice %arg5[%mul3A_579, %dma_start3A_585] : memref<819200x128xf32, #tpu.memory_space<hbm>> -> memref<400x128xf32, #tpu.memory_space<hbm>>
    %dma_start3A_587 = arith.constant 0 : i32
    %dma_start3A_588 = arith.constant 0 : i32
    %dma_start3A_589 = tpu.memref_slice %dma_start3A_586[%dma_start3A_587, %dma_start3A_588] : memref<400x128xf32, #tpu.memory_space<hbm>> -> memref<400x64xf32, #tpu.memory_space<hbm>>
    tpu.enqueue_dma source(%arg12 : memref<400x64xf32, #tpu.memory_space<vmem>>) target(%dma_start3A_589 : memref<400x64xf32, #tpu.memory_space<hbm>>) target_semaphore(%arg21 : memref<!tpu.dma_semaphore, #tpu.memory_space<semaphore_mem>>)
    %dma_wait3A_590 = arith.constant 0 : i32
    %dma_wait3A_591 = arith.constant 0 : i32
    %dma_wait3A_592 = tpu.memref_slice %arg3[%dma_wait3A_590, %dma_wait3A_591] : memref<1000000x64xf32, #tpu.memory_space<hbm>> -> memref<400x64xf32, #tpu.memory_space<hbm>>
    %dma_wait3A_593 = arith.constant 0 : i32
    %dma_wait3A_594 = arith.constant 0 : i32
    %dma_wait3A_595 = tpu.memref_slice %arg3[%dma_wait3A_593, %dma_wait3A_594] : memref<1000000x64xf32, #tpu.memory_space<hbm>> -> memref<400x64xf32, #tpu.memory_space<hbm>>
    tpu.wait_dma2 semaphore(%arg20 : memref<!tpu.dma_semaphore, #tpu.memory_space<semaphore_mem>>) src(%dma_wait3A_595 : memref<400x64xf32, #tpu.memory_space<hbm>>) dst(%arg13 : memref<400x64xf32, #tpu.memory_space<vmem>>)
    %scan3A_596 = arith.constant 0 : i32
    %scan3A_597 = arith.constant 0 : i32
    %scan3A_598 = arith.constant 13 : i32
    %scan3A_599 = arith.addi %scan3A_597, %scan3A_598 : i32
    %scan3A_600 = arith.constant 1 : i32
    %scan3A_601 = scf.for %scan3A_648 = %scan3A_597 to %scan3A_599 step %scan3A_600 iter_args(%scan3A_649 = %scan3A_596) -> (i32)  : i32 {
      %mul3A_650 = arith.constant 16 : i32
      %mul3A_651 = arith.muli %scan3A_648, %mul3A_650 : i32
      %min3A_652 = arith.constant 184 : i32
      %min3A_653 = arith.minsi %mul3A_651, %min3A_652 : i32
      %get3A_654 = arith.constant 0 : i32
      %get3A_655 = arith.index_cast %get3A_654 : i32 to index
      %get3A_656 = arith.index_cast %min3A_653 : i32 to index
      %get3A_657 = tpu.vector_load %arg9[%get3A_655, %get3A_656] {strides = array<i32>} : memref<2x200xi32, #tpu.memory_space<vmem>>, vector<16xi32>,
      %ge3A_658 = arith.constant 1000000 : i32
      %ge3A_659 = vector.broadcast %ge3A_658 : i32 to vector<16xi32>
      %ge3A_660 = arith.cmpi sge, %get3A_657, %ge3A_659 : vector<16xi32>
      %sub3A = arith.constant 1000000 : i32
      %sub3A_661 = vector.broadcast %sub3A : i32 to vector<16xi32>
      %sub3A_662 = arith.subi %get3A_657, %sub3A_661 : vector<16xi32>
      %jit3A_663 = arith.constant 0 : i32
      %broadcast_in_dim3A_664 = vector.broadcast %jit3A_663 : i32 to vector<16xi32>
      %select_n3A_665 = arith.select %ge3A_660, %sub3A_662, %broadcast_in_dim3A_664 : vector<16xi1>, vector<16xi32>
      %reduce_max3A = arith.constant true
      %reduce_max3A_666 = vector.broadcast %reduce_max3A : i1 to vector<16xi1>
      %reduce_max3A_667 = arith.constant -2147483648 : i32
      %reduce_max3A_668 = vector.broadcast %reduce_max3A_667 : i32 to vector<16xi32>
      %reduce_max3A_669 = arith.xori %get3A_657, %reduce_max3A_668 : vector<16xi32>
      %reduce_max3A_670 = tpu.scan <max>, %reduce_max3A_669 masked %reduce_max3A_666 : vector<16xi32>, vector<16xi1> -> vector<16xi32>
      %reduce_max3A_671 = arith.xori %reduce_max3A_670, %reduce_max3A_668 : vector<16xi32>
      %reduce_max3A_672 = vector.extract %reduce_max3A_671[15] : i32 from vector<16xi32>
      %ge3A_673 = arith.constant 1000000 : i32
      %ge3A_674 = arith.cmpi sge, %reduce_max3A_672, %ge3A_673 : i32
      %convert_element_type3A = arith.extui %ge3A_674 : i1 to i32
      %cond3A = arith.constant 0 : i32
      %cond3A_675 = arith.cmpi ne, %convert_element_type3A, %cond3A : i32
      scf.if %cond3A_675 {
        %add3A_677 = arith.constant 0 : i32
        %add3A_678 = arith.addi %add3A_677, %min3A_653 : i32
        %iota3A = tpu.iota {dimensions = array<i32: 0>} : vector<16xi32>
        %add3A_679 = vector.broadcast %add3A_678 : i32 to vector<16xi32>
        %add3A_680 = arith.addi %add3A_679, %iota3A : vector<16xi32>
        %scan3A_681 = arith.constant 0 : i32
        %scan3A_682 = arith.constant 0 : i32
        %scan3A_683 = arith.constant 64 : i32
        %scan3A_684 = arith.addi %scan3A_682, %scan3A_683 : i32
        %scan3A_685 = arith.constant 1 : i32
        %scan3A_686 = scf.for %scan3A_688 = %scan3A_682 to %scan3A_684 step %scan3A_685 iter_args(%scan3A_689 = %scan3A_681) -> (i32)  : i32 {
          %broadcast_in_dim3A_690 = vector.broadcast %scan3A_688 : i32 to vector<16xi32>
          %gather3A = tpu.vector_load_idx %arg14[%select_n3A_665, %broadcast_in_dim3A_690] masked %ge3A_660 : memref<20x64xf32, #tpu.memory_space<vmem>>[vector<16xi32>, vector<16xi32>], vector<16xf32>, vector<16xi1>
          tpu.vector_store_idx %arg13[%add3A_680, %broadcast_in_dim3A_690], %gather3A masked %ge3A_660 : memref<400x64xf32, #tpu.memory_space<vmem>>[vector<16xi32>, vector<16xi32>], vector<16xf32>, vector<16xi1>
          %scan3A_691 = arith.constant 0 : i32
          scf.yield %scan3A_691 : i32
        }
        %scan3A_687 = arith.constant 64 : i32
      } else {
      }
      %scan3A_676 = arith.constant 0 : i32
      scf.yield %scan3A_676 : i32
    }
    %scan3A_602 = arith.constant 13 : i32
    %scan3A_603 = arith.constant 0 : i32
    %scan3A_604 = arith.constant 0 : i32
    %scan3A_605 = arith.constant 13 : i32
    %scan3A_606 = arith.addi %scan3A_604, %scan3A_605 : i32
    %scan3A_607 = arith.constant 1 : i32
    %scan3A_608 = scf.for %scan3A_648 = %scan3A_604 to %scan3A_606 step %scan3A_607 iter_args(%scan3A_649 = %scan3A_603) -> (i32)  : i32 {
      %mul3A_650 = arith.constant 16 : i32
      %mul3A_651 = arith.muli %scan3A_648, %mul3A_650 : i32
      %min3A_652 = arith.constant 184 : i32
      %min3A_653 = arith.minsi %mul3A_651, %min3A_652 : i32
      %get3A_654 = arith.constant 1 : i32
      %get3A_655 = arith.index_cast %get3A_654 : i32 to index
      %get3A_656 = arith.index_cast %min3A_653 : i32 to index
      %get3A_657 = tpu.vector_load %arg9[%get3A_655, %get3A_656] {strides = array<i32>} : memref<2x200xi32, #tpu.memory_space<vmem>>, vector<16xi32>,
      %ge3A_658 = arith.constant 1000000 : i32
      %ge3A_659 = vector.broadcast %ge3A_658 : i32 to vector<16xi32>
      %ge3A_660 = arith.cmpi sge, %get3A_657, %ge3A_659 : vector<16xi32>
      %sub3A = arith.constant 1000000 : i32
      %sub3A_661 = vector.broadcast %sub3A : i32 to vector<16xi32>
      %sub3A_662 = arith.subi %get3A_657, %sub3A_661 : vector<16xi32>
      %jit3A_663 = arith.constant 0 : i32
      %broadcast_in_dim3A_664 = vector.broadcast %jit3A_663 : i32 to vector<16xi32>
      %select_n3A_665 = arith.select %ge3A_660, %sub3A_662, %broadcast_in_dim3A_664 : vector<16xi1>, vector<16xi32>
      %reduce_max3A = arith.constant true
      %reduce_max3A_666 = vector.broadcast %reduce_max3A : i1 to vector<16xi1>
      %reduce_max3A_667 = arith.constant -2147483648 : i32
      %reduce_max3A_668 = vector.broadcast %reduce_max3A_667 : i32 to vector<16xi32>
      %reduce_max3A_669 = arith.xori %get3A_657, %reduce_max3A_668 : vector<16xi32>
      %reduce_max3A_670 = tpu.scan <max>, %reduce_max3A_669 masked %reduce_max3A_666 : vector<16xi32>, vector<16xi1> -> vector<16xi32>
      %reduce_max3A_671 = arith.xori %reduce_max3A_670, %reduce_max3A_668 : vector<16xi32>
      %reduce_max3A_672 = vector.extract %reduce_max3A_671[15] : i32 from vector<16xi32>
      %ge3A_673 = arith.constant 1000000 : i32
      %ge3A_674 = arith.cmpi sge, %reduce_max3A_672, %ge3A_673 : i32
      %convert_element_type3A = arith.extui %ge3A_674 : i1 to i32
      %cond3A = arith.constant 0 : i32
      %cond3A_675 = arith.cmpi ne, %convert_element_type3A, %cond3A : i32
      scf.if %cond3A_675 {
        %add3A_677 = arith.constant 200 : i32
        %add3A_678 = arith.addi %add3A_677, %min3A_653 : i32
        %iota3A = tpu.iota {dimensions = array<i32: 0>} : vector<16xi32>
        %add3A_679 = vector.broadcast %add3A_678 : i32 to vector<16xi32>
        %add3A_680 = arith.addi %add3A_679, %iota3A : vector<16xi32>
        %scan3A_681 = arith.constant 0 : i32
        %scan3A_682 = arith.constant 0 : i32
        %scan3A_683 = arith.constant 64 : i32
        %scan3A_684 = arith.addi %scan3A_682, %scan3A_683 : i32
        %scan3A_685 = arith.constant 1 : i32
        %scan3A_686 = scf.for %scan3A_688 = %scan3A_682 to %scan3A_684 step %scan3A_685 iter_args(%scan3A_689 = %scan3A_681) -> (i32)  : i32 {
          %broadcast_in_dim3A_690 = vector.broadcast %scan3A_688 : i32 to vector<16xi32>
          %gather3A = tpu.vector_load_idx %arg14[%select_n3A_665, %broadcast_in_dim3A_690] masked %ge3A_660 : memref<20x64xf32, #tpu.memory_space<vmem>>[vector<16xi32>, vector<16xi32>], vector<16xf32>, vector<16xi1>
          tpu.vector_store_idx %arg13[%add3A_680, %broadcast_in_dim3A_690], %gather3A masked %ge3A_660 : memref<400x64xf32, #tpu.memory_space<vmem>>[vector<16xi32>, vector<16xi32>], vector<16xf32>, vector<16xi1>
          %scan3A_691 = arith.constant 0 : i32
          scf.yield %scan3A_691 : i32
        }
        %scan3A_687 = arith.constant 64 : i32
      } else {
      }
      %scan3A_676 = arith.constant 0 : i32
      scf.yield %scan3A_676 : i32
    }
    %scan3A_609 = arith.constant 13 : i32
    %add3A_610 = arith.constant 126 : i32
    %add3A_611 = arith.addi %mul3A_2, %add3A_610 : i32
    %mul3A_612 = arith.constant 200 : i32
    %mul3A_613 = arith.muli %add3A_611, %mul3A_612 : i32
    %dma_start3A_614 = arith.constant 0 : i32
    %dma_start3A_615 = tpu.memref_slice %arg5[%mul3A_613, %dma_start3A_614] : memref<819200x128xf32, #tpu.memory_space<hbm>> -> memref<400x128xf32, #tpu.memory_space<hbm>>
    %dma_start3A_616 = arith.constant 0 : i32
    %dma_start3A_617 = arith.constant 0 : i32
    %dma_start3A_618 = tpu.memref_slice %dma_start3A_615[%dma_start3A_616, %dma_start3A_617] : memref<400x128xf32, #tpu.memory_space<hbm>> -> memref<400x64xf32, #tpu.memory_space<hbm>>
    %dma_start3A_619 = arith.constant 0 : i32
    %dma_start3A_620 = tpu.memref_slice %arg5[%mul3A_613, %dma_start3A_619] : memref<819200x128xf32, #tpu.memory_space<hbm>> -> memref<400x128xf32, #tpu.memory_space<hbm>>
    %dma_start3A_621 = arith.constant 0 : i32
    %dma_start3A_622 = arith.constant 0 : i32
    %dma_start3A_623 = tpu.memref_slice %dma_start3A_620[%dma_start3A_621, %dma_start3A_622] : memref<400x128xf32, #tpu.memory_space<hbm>> -> memref<400x64xf32, #tpu.memory_space<hbm>>
    tpu.enqueue_dma source(%arg13 : memref<400x64xf32, #tpu.memory_space<vmem>>) target(%dma_start3A_623 : memref<400x64xf32, #tpu.memory_space<hbm>>) target_semaphore(%arg22 : memref<!tpu.dma_semaphore, #tpu.memory_space<semaphore_mem>>)
    %dma_wait3A_624 = arith.constant 0 : i32
    %dma_wait3A_625 = arith.constant 0 : i32
    %dma_wait3A_626 = tpu.memref_slice %arg5[%dma_wait3A_624, %dma_wait3A_625] : memref<819200x128xf32, #tpu.memory_space<hbm>> -> memref<400x128xf32, #tpu.memory_space<hbm>>
    %dma_wait3A_627 = arith.constant 0 : i32
    %dma_wait3A_628 = arith.constant 0 : i32
    %dma_wait3A_629 = tpu.memref_slice %dma_wait3A_626[%dma_wait3A_627, %dma_wait3A_628] : memref<400x128xf32, #tpu.memory_space<hbm>> -> memref<400x64xf32, #tpu.memory_space<hbm>>
    %dma_wait3A_630 = arith.constant 0 : i32
    %dma_wait3A_631 = arith.constant 0 : i32
    %dma_wait3A_632 = tpu.memref_slice %arg5[%dma_wait3A_630, %dma_wait3A_631] : memref<819200x128xf32, #tpu.memory_space<hbm>> -> memref<400x128xf32, #tpu.memory_space<hbm>>
    %dma_wait3A_633 = arith.constant 0 : i32
    %dma_wait3A_634 = arith.constant 0 : i32
    %dma_wait3A_635 = tpu.memref_slice %dma_wait3A_632[%dma_wait3A_633, %dma_wait3A_634] : memref<400x128xf32, #tpu.memory_space<hbm>> -> memref<400x64xf32, #tpu.memory_space<hbm>>
    tpu.wait_dma2 semaphore(%arg21 : memref<!tpu.dma_semaphore, #tpu.memory_space<semaphore_mem>>) src(%arg12 : memref<400x64xf32, #tpu.memory_space<vmem>>) dst(%dma_wait3A_635 : memref<400x64xf32, #tpu.memory_space<hbm>>)
    %dma_wait3A_636 = arith.constant 0 : i32
    %dma_wait3A_637 = arith.constant 0 : i32
    %dma_wait3A_638 = tpu.memref_slice %arg5[%dma_wait3A_636, %dma_wait3A_637] : memref<819200x128xf32, #tpu.memory_space<hbm>> -> memref<400x128xf32, #tpu.memory_space<hbm>>
    %dma_wait3A_639 = arith.constant 0 : i32
    %dma_wait3A_640 = arith.constant 0 : i32
    %dma_wait3A_641 = tpu.memref_slice %dma_wait3A_638[%dma_wait3A_639, %dma_wait3A_640] : memref<400x128xf32, #tpu.memory_space<hbm>> -> memref<400x64xf32, #tpu.memory_space<hbm>>
    %dma_wait3A_642 = arith.constant 0 : i32
    %dma_wait3A_643 = arith.constant 0 : i32
    %dma_wait3A_644 = tpu.memref_slice %arg5[%dma_wait3A_642, %dma_wait3A_643] : memref<819200x128xf32, #tpu.memory_space<hbm>> -> memref<400x128xf32, #tpu.memory_space<hbm>>
    %dma_wait3A_645 = arith.constant 0 : i32
    %dma_wait3A_646 = arith.constant 0 : i32
    %dma_wait3A_647 = tpu.memref_slice %dma_wait3A_644[%dma_wait3A_645, %dma_wait3A_646] : memref<400x128xf32, #tpu.memory_space<hbm>> -> memref<400x64xf32, #tpu.memory_space<hbm>>
    tpu.wait_dma2 semaphore(%arg22 : memref<!tpu.dma_semaphore, #tpu.memory_space<semaphore_mem>>) src(%arg13 : memref<400x64xf32, #tpu.memory_space<vmem>>) dst(%dma_wait3A_647 : memref<400x64xf32, #tpu.memory_space<hbm>>)
    return
  }
}

</mosaic_0001>

<sc_bundles>
// kernel: kernel.3.cloned.1.call-start
scs
__scs_entry_jumppad:
0x0: {  	(pc) =	sbr.rel $0x88, $3  }
0x1: {  	(tag) =	ssettag $0x0;
	lr =	simm.s32 $0x1  }
0x2: {  	[smem:$0x3F9E] =	sst lr;
	_ =	strace $0xD0000000  }
0x3: {  	_ = 	snop  }
0x4: {  	_ = 	snop  }
0x5: {  	_ = 	snop  }
0x6: {  	_ = 	snop  }
0x7: {  	_ = 	snop  }
__scs_overlays_trampoline_lowered:
0x8: {  	[smem:$0x3FAD] =	sst s0  }
0x9: {  	[smem:$0x3FAE] =	sst s1  }
0xa: {  	[smem:$0x3FAF] =	sst s2  }
0xb: {  	[smem:$0x3FB0] =	sst s3  }
0xc: {  	[smem:$0x3FB1] =	sst s4  }
0xd: {  	[smem:$0x3FB2] =	sst s5  }
0xe: {  	[smem:$0x3FB3] =	sst s6  }
0xf: {  	[smem:$0x3FB4] =	sst s7  }
0x10: {  	[smem:$0x3FB5] =	sst s8  }
0x11: {  	[smem:$0x3FB6] =	sst s9;
	s0 =	simm.s32 @!p0 $0x0  }
0x12: {  	s1 =	sld [smem:$0x3F9C];
	s0 =	simm.s32 @p0 $0x1  }
0x13: {  	[smem:$0x3FB7] =	sst s0;
	s0 =	simm.s32 @!p1 $0x0  }
0x14: {  	s2 =	sld [smem:$0x3F9B];
	s0 =	simm.s32 @p1 $0x1  }
0x15: {  	[smem:$0x3FB8] =	sst s0;
	s0 =	simm.s32 @!p2 $0x0  }
0x16: {  	s3 =	sld [smem:$0x3FDB];
	s0 =	simm.s32 @p2 $0x1  }
0x17: {  	s4 =	simm.s32 $0x1BF5;
	[smem:$0x3FBA] =	sst s0  }
0x18: {  	s0 =	sld [smem:$0x3F9D];
	_ =	swait.ge [sflag:s4], $0x0  }
0x19: {  	s7 =	sld [smem:$0x3F9E]  }
0x1a: {  	s8 =	sadd.s32 $0xFFFFE003, lr  }
0x1b: {  	s9 =	sadd.s32 $0xFFFFFEF7, lr;
	s5 =	simm.s32 $0xFFFFFFFF;
	p2 =	slt.u32 s8, $0xFFFFF086  }
0x1c: {  	p1 =	slt.u32 s9, $0xF7A;
	s5 =	simm.s32 @!p2 $0x0  }
0x1d: {  	s5 =	simm.s32 @p1 $0x1;
	p0 =	seq.s32 s7, s2  }
0x1e: {  	s7 =	smul.u32 @!p0 $0xF7A, s2;
	p2 =	seq.s32 @!p0 s5, $0x0  }
0x1f: {  	s9 =	smul.u32 $0xF7A, s1;
	s8 =	simm.s32 @!p0 $0x1BF5;
	p2 =	por !p2, p0  }
0x20: {  	[sflag:s8] =	ssyncset.s32 @!p0 $0xFFFFF086;
	s6 =	sadd.s32 @!p0 s3, s7;
	s7 =	simm.s32 @!p0 $0x108  }
0x21: {  	s3 =	sadd.s32 s3, s9;
	s6 =	sadd.s32 @!p0 $0x88, s6;
	s7 =	simm.s32 @p2 $0x1082  }
0x22: {  	[simem:s7], [sflag:s8] =	dma.local @!p0 [hbm:s6], $0xF7A  }
0x23: {  	s9 =	sor.u32 $0xD0000000, s2;
	s6 =	simm.s32 $0x108;
	_ =	swait.ge @!p0 [sflag:s8], $0x0  }
0x24: {  	s3 =	sadd.s32 $0x88, s3;
	s6 =	simm.s32 @!p1 $0x1082;
	[sflag:s4] =	ssyncset.s32 $0xFFFFF086  }
0x25: {  	[simem:s6], [sflag:s4] =	dma.local [hbm:s3], $0xF7A  }
0x26: {  	[smem:$0x3F9E] =	sst s1;
	(tag) =	ssettag s2;
	_ =	strace s9  }
0x27: {  	s1 =	sld [smem:$0x3FAE]  }
0x28: {  	s2 =	sld [smem:$0x3FAF]  }
0x29: {  	s4 =	sld [smem:$0x3FB1]  }
0x2a: {  	p0 =	seq.s32 s5, $0x0;
	s5 =	sld [smem:$0x3FB2]  }
0x2b: {  	s6 =	sld [smem:$0x3FB3]  }
0x2c: {  	s7 =	sld [smem:$0x3FB4]  }
0x2d: {  	s3 =	simm.s32 $0x108;
	s8 =	sld [smem:$0x3FB5]  }
0x2e: {  	s3 =	simm.s32 @!p0 $0x1082;
	s9 =	sld [smem:$0x3FB6]  }
0x2f: {  	lr =	sadd.s32 s0, s3;
	s0 =	sld [smem:$0x3FAD]  }
0x30: {  	s3 =	sld [smem:$0x3FB0]  }
0x31: {  	[smem:$0x3FB9] =	sst s10  }
0x32: {  	s10 =	sld [smem:$0x3FB7];
	_ =	sdelay $0x3  }
0x33: {  	p0 =	seq.s32 s10, $0x1;
	s10 =	sld [smem:$0x3FB9];
	_ =	sdelay $0x3  }
0x34: {  	[smem:$0x3FB9] =	sst s10  }
0x35: {  	s10 =	sld [smem:$0x3FB8];
	_ =	sdelay $0x3  }
0x36: {  	p1 =	seq.s32 s10, $0x1;
	s10 =	sld [smem:$0x3FB9];
	_ =	sdelay $0x3  }
0x37: {  	[smem:$0x3FB9] =	sst s10  }
0x38: {  	s10 =	sld [smem:$0x3FBA]  }
0x39: {  	_ = 	snop;
	(pc) =	sbr.ind lr, $3  }
0x3a: {  	_ = 	snop  }
0x3b: {  	_ = 	snop  }
0x3c: {  	p2 =	seq.s32 s10, $0x1;
	s10 =	sld [smem:$0x3FB9]  }
0x3d: {  	_ =	shalt  }
0x3e: {  	_ =	shalt  }
0x3f: {  	_ =	shalt  }
0x40: {  	_ =	shalt  }
0x41: {  	_ =	shalt  }
0x42: {  	_ =	shalt  }
0x43: {  	_ =	shalt  }
0x44: {  	_ =	shalt  }
0x45: {  	_ =	shalt  }
0x46: {  	_ =	shalt  }
0x47: {  	_ =	shalt  }
0x48: {  	_ =	shalt  }
0x49: {  	_ =	shalt  }
0x4a: {  	_ =	shalt  }
0x4b: {  	_ =	shalt  }
0x4c: {  	_ =	shalt  }
0x4d: {  	_ =	shalt  }
0x4e: {  	_ =	shalt  }
0x4f: {  	_ =	shalt  }
0x50: {  	_ =	shalt  }
0x51: {  	_ =	shalt  }
0x52: {  	_ =	shalt  }
0x53: {  	_ =	shalt  }
0x54: {  	_ =	shalt  }
0x55: {  	_ =	shalt  }
0x56: {  	_ =	shalt  }
0x57: {  	_ =	shalt  }
0x58: {  	_ =	shalt  }
0x59: {  	_ =	shalt  }
0x5a: {  	_ =	shalt  }
0x5b: {  	_ =	shalt  }
0x5c: {  	_ =	shalt  }
0x5d: {  	_ =	shalt  }
0x5e: {  	_ =	shalt  }
0x5f: {  	_ =	shalt  }
0x60: {  	_ =	shalt  }
0x61: {  	_ =	shalt  }
0x62: {  	_ =	shalt  }
0x63: {  	_ =	shalt  }
0x64: {  	_ =	shalt  }
0x65: {  	_ =	shalt  }
0x66: {  	_ =	shalt  }
0x67: {  	_ =	shalt  }
0x68: {  	_ =	shalt  }
0x69: {  	_ =	shalt  }
0x6a: {  	_ =	shalt  }
0x6b: {  	_ =	shalt  }
0x6c: {  	_ =	shalt  }
0x6d: {  	_ =	shalt  }
0x6e: {  	_ =	shalt  }
0x6f: {  	_ =	shalt  }
0x70: {  	_ =	shalt  }
0x71: {  	_ =	shalt  }
0x72: {  	_ =	shalt  }
0x73: {  	_ =	shalt  }
0x74: {  	_ =	shalt  }
0x75: {  	_ =	shalt  }
0x76: {  	_ =	shalt  }
0x77: {  	_ =	shalt  }
0x78: {  	_ =	shalt  }
0x79: {  	_ =	shalt  }
0x7a: {  	_ =	shalt  }
0x7b: {  	_ =	shalt  }
0x7c: {  	_ =	shalt  }
0x7d: {  	_ =	shalt  }
0x7e: {  	_ =	shalt  }
0x7f: {  	_ =	shalt  }
0x80: {  	_ =	shalt  }
0x81: {  	_ =	shalt  }
0x82: {  	_ =	shalt  }
0x83: {  	_ =	shalt  }
0x84: {  	_ =	shalt  }
0x85: {  	_ =	shalt  }
0x86: {  	_ =	shalt  }
0x87: {  	_ =	shalt  }
.Lfunc_end0:
.L_simem_size_0:
called_computation.1_lowered:
.L_overlay_start_0:
0x88: {  	s2 =	sld [smem:$0x3FD9]  }
0x89: {  	s3 =	sld [smem:$0x3FFE];
	_ =	sdelay $0x1  }
0x8a: {  	s1 =	srdreg.scid  }
0x8b: {  	s0 =	sand.u32 $0x1, s1  }
0x8c: {  	s17 =	sshll.u32 s0, $0xA;
	s2 =	sadd.s32 s3, s2  }
0x8d: {  	s2 =	sadd.s32 s2, s17  }
0x8e: {  	[smem:$0x3FC5] =	sst s2  }
0x8f: {  	_ = 	snop  }
0x90: {  	s2 =	sld [smem:$0x3FD0];
	(tm) =	ssettm $0x1  }
0x91: {  	s18 =	sld [smem:$0x3FFB];
	_ =	sdelay $0x3  }
0x92: {  	_ =	strace s18  }
0x93: {  	s3 =	sld [smem:$0x3FFC];
	_ =	sdelay $0x3  }
0x94: {  	_ =	strace s3  }
0x95: {  	s3 =	sld [smem:$0x3FFD];
	_ =	sdelay $0x3  }
0x96: {  	_ =	strace s3  }
0x97: {  	_ =	strace $0x8FFFFFFF  }
0x98: {  	s19 =	sld [smem:$0x3FDB];
	_ =	sdelay $0x1  }
0x99: {  	s4 =	simm.s32 $_scs_section_size  }
0x9a: {  	s5 =	simm.s32 $_size__tile_overlayer_lowered;
	s6 =	simm.s32 $_tile_overlayer_lowered  }
0x9b: {  	s22 =	simm.s32 $0x1BFF;
	s21 =	sshll.u32 s6, $0x1;
	s3 =	sadd.s32 s4, s19  }
0x9c: {  	s7 =	simm.s32 $0x0;
	s20 =	sshll.u32 s5, $0x1;
	s5 =	sadd.s32 s21, s3  }
0x9d: {  	[timem:s7], [sflag:s22] =	dma.local [hbm:s5], s20  }
0x9e: {  	_ =	swait.ge [sflag:s22], s20  }
0x9f: {  	s4 =	ssub.s32 $0x0, s20;
	[sflag:s22] =	ssyncset.done $0x0  }
0xa0: {  	[sflag:s22] =	ssyncadd.s32 s4;
	_ =	sdelay $0x1  }
0xa1: {  	s23 =	simm.s32 $0x1B8B  }
0xa2: {  	_ =	swait.ge [sflag:s23], $0x1  }
0xa3: {  	[sflag:s23] =	ssyncset.done $0x0  }
0xa4: {  	s25 =	simm.s32 $0x1B8E;
	s24 =	sld [smem:$0x3FFE];
	[sflag:s23] =	ssyncadd.s32 $0xFFFFFFFF  }
0xa5: {  	s26 =	simm.s32 $execute0_lowered;
	[smem:$0x3FD2] =	sst s25  }
0xa6: {  	s5 =	sshll.u32 s26, $0x1;
	_ =	strace $0x80000046;
	[dreg:$0x1] =	wrdreg $0xFFFFFFFF  }
0xa7: {  	s28 =	simm.s32 $_size_execute0_lowered;
	s3 =	sadd.s32 s3, s5;
	[dreg:$0x0] =	wrdreg $0x0  }
0xa8: {  	s5 =	sshll.u32 s28, $0x1;
	[dreg:$0x2] =	wrdreg s3  }
0xa9: {  	[dreg:$0x3] =	wrdreg s5  }
0xaa: {  	[dreg:$0x4] =	wrdreg $0xC0  }
0xab: {  	_ =	task [dreg:s7], $0x5FFFF  }
0xac: {  	[dreg:$0x1] =	wrdreg $0xFFFFFFFF  }
0xad: {  	[dreg:$0x0] =	wrdreg $0x60  }
0xae: {  	[dreg:$0x2] =	wrdreg s2  }
0xaf: {  	[dreg:$0x3] =	wrdreg s24  }
0xb0: {  	[dreg:$0x4] =	wrdreg $0x9  }
0xb1: {  	_ =	task.clear_ibuf [dreg:s7], $0x5FFFF;
	_ =	strace $0x90000046  }
0xb2: {  	s29 =	simm.s32 $0x9;
	_ =	strace $0x80000048  }
0xb3: {  	_ =	swait.ge [sflag:s29], $0x1  }
0xb4: {  	[sflag:s29] =	ssyncadd.s32 $0xFFFFFFFF  }
0xb5: {  	_ =	strace $0x90000048  }
0xb6: {  	_ =	sfence  }
0xb7: {  	s30 =	sld [smem:$0x0];
	_ =	sdelay $0x2  }
0xb8: {  	s31 =	sshll.u32 s1, $0xD;
	s1 =	sshrl.u32 s1, $0x2  }
0xb9: {  	s3 =	sand.u32 $0x4000, s31;
	s1 =	sadd.s32 s1, s30  }
0xba: {  	s0 =	sor.u32 s3, s0;
	s1 =	sshll.u32 s1, $0x11  }
0xbb: {  	s0 =	sor.u32 s1, s0  }
0xbc: {  	s0 =	sadd.s32 $0x8F2B, s0  }
0xbd: {  	[sflag:s0] =	ssyncadd.remote.s32 $0x1  }
0xbe: {  	_ =	sfence.sel $0xFFFF  }
0xbf: {  	[dreg:$0x0] =	wrdreg $0xFFFFFFFF;
	(pc) =	sbr.abs _section_cstart, $3  }
0xc0: {  	[dreg:$0x1] =	wrdreg $0xFFFFFFFF  }
0xc1: {  	_ =	task.clear_ibuf [dreg:s7], $0x2FFFF;
	_ =	strace $0x9FFFFFFF  }
0xc2: {  	(tm) =	ssettm $0x7FFFFFFF  }
0xc3: {  	_ =	shalt  }
tec
execute0_lowered:
.L_overlay_start_1:
0x0: {  	(tag) =	ssettag $0x1  }
0x1: {  	s1 =	rddreg [dreg:$0x0]  }
0x2: {  	s0 =	rddreg [dreg:$0x1];
	s4 =	simm.s32 $0x0;
	s2 =	srdreg.scid  }
0x3: {  	s3 =	stileid.u32;
	s28 =	simm.s32 $0x960;
	s29 =	simm.s32 $0x48  }
0x4: {  	s11 =	simm.s32 $0x2;
	s12 =	simm.s32 $0x7D0;
	s10 =	simm.s32 $0x5  }
0x5: {  	s13 =	simm.s32 $0x7;
	s2 =	sand.u32 $0x1, s2;
	s3 =	sshll.u32 s3, $0x1  }
0x6: {  	s14 =	simm.s32 $0x6;
	[smem:$0x7FF] =	sst s4;
	s3 =	sor.u32 s2, s3  }
0x7: {  	s4 =	sadd.s32 $0xF43000, s0;
	s5 =	sadd.s32 $0xC00, s0;
	s15 =	smul.u32 $0xC80, s3  }
0x8: {  	s6 =	sadd.s32 $0xE00, s0;
	_ =	strace $0x80000047;
	s7 =	smul.u32 $0x6400, s3  }
0x9: {  	[dreg:$0x3] =	wrdreg s5;
	s2 =	ssub.s32 $0x2, s2;
	s17 =	smul.u32 $0x64000, s3  }
0xa: {  	s16 =	sshrl.u32 s2, $0x1;
	s8 =	sshll.u32 s3, $0x7;
	s3 =	smul.u32 $0x320000, s3  }
0xb: {  	s0 =	ssub.s32 s2, s16;
	s23 =	sor.u32 $0x8, s8;
	s24 =	sor.u32 $0xA, s8  }
0xc: {  	s25 =	sor.u32 $0xC, s8;
	[dreg:$0x4] =	wrdreg s8;
	s26 =	sor.u32 $0xE, s8  }
0xd: {  	s8 =	simm.s32 $0x9F60;
	s16 =	simm.s32 $0x8;
	[dreg:$0xa] =	wrdreg s23  }
0xe: {  	s9 =	sadd.s32 s1, s15;
	s18 =	sshrl.u32 s7, $0x3;
	[dreg:$0xb] =	wrdreg s24  }
0xf: {  	s2 =	sadd.s32 s6, s17;
	s22 =	sshrl.u32 s3, $0x3;
	[dreg:$0xc] =	wrdreg s25  }
0x10: {  	[dreg:$0xd] =	wrdreg s26;
	s0 =	smax.u32 s0, $0x1;
	s24 =	simm.s32 $0x1  }
0x11: {  	s25 =	simm.s32 $0x80;
	s17 =	simm.s32 $0x6D60;
	s23 =	simm.s32 $0xBF60  }
0x12: {  	s3 =	simm.s32 $0x40;
	s7 =	simm.s32 $0x3;
	[dreg:$0x5] =	wrdreg s9  }
0x13: {  	s15 =	simm.s32 $0x4;
	s19 =	sadd.s32 $0x32, s9;
	[dreg:$0x8] =	wrdreg s2  }
0x14: {  	s20 =	sadd.s32 $0x64, s9;
	s5 =	sadd.s32 s1, s18;
	[dreg:$0x11] =	wrdreg s0  }
0x15: {  	s2 =	sadd.s32 s6, s22;
	s18 =	simm.s32 $0x850;
	[dreg:$0x6] =	wrdreg s19  }
.Ltmp0:
0x16: {  	[dreg:$0x7] =	wrdreg s20;
	s21 =	sadd.s32 $0x96, s5;
	(pc) =	sbr.rel .LBB2_1-.Ltmp0, $4  }
0x17: {  	s22 =	simm.s32 $0x918;
	s30 =	sadd.s32 $0x5F500, s2;
	[dreg:$0x9] =	wrdreg s21  }
0x18: {  	s31 =	sadd.s32 $0x60E00, s2;
	s2 =	sadd.s32 $0x62700, s2;
	[dreg:$0xe] =	wrdreg s30  }
0x19: {  	v0 =	vlaneseq.u32;
	s19 =	simm.s32 $0x8D60;
	s20 =	simm.s32 $0x898;
	[dreg:$0xf] =	wrdreg s31  }
0x1a: {  	v0 =	vmul.u32 $0x40, v0;
	[dreg:$0x10] =	wrdreg s2;
	s21 =	simm.s32 $0xD160;
	s2 =	simm.s32 $0x0  }
.LBB2_99:
0x1b: {  	s0 =	rddreg [dreg:$0x10]  }
0x1c: {  	[hbm4b:s0+s3] =	stream.strided.scatter [tilespmem:s17], [sflag:$0x8], $0x6400, s25, s3, $0x38;
	[tilespmem:$0xD660] =	vst v63  }
0x1d: {  	_ =	swait.ge [sflag:s13], $0x6400  }
0x1e: {  	[sflag:s13] =	ssyncset.done $0x0  }
0x1f: {  	[sflag:s13] =	ssyncadd.s32 $0xFFFF9C00  }
0x20: {  	_ =	swait.ge [sflag:s16], $0x6400  }
0x21: {  	s2 =	rddreg [dreg:$0x12]  }
0x22: {  	s31 =	rddreg [dreg:$0x11];
	s2 =	sadd.s32 $0x1, s2  }
0x23: {  	p0 =	sne.s32 s2, s31  }
.Ltmp1:
0x24: {  	_ = 	snop;
	(pc) =	sbr.rel @!p0 .LBB2_100-.Ltmp1, $3  }
0x25: {  	_ =	sdelay $0x1  }
0x26: {  	[sflag:s16] =	ssyncset.done $0x0  }
0x27: {  	[sflag:s16] =	ssyncadd.s32 $0xFFFF9C00  }
.LBB2_1:
0x28: {  	[dreg:$0x12] =	wrdreg s2  }
0x29: {  	s0 =	simm.s32 $0x0;
	s9 =	rddreg [dreg:$0x3];
	s26 =	simm.s32 $0x9  }
0x2a: {  	[tilespmem:s21], [sflag:$0x9] =	stream.linear.gather [hbm4b:s9+s0], $0x500, $0x38;
	[tilespmem:$0xD660] =	vst v63  }
0x2b: {  	_ =	swait.ge [sflag:s26], $0x500  }
0x2c: {  	[sflag:s26] =	ssyncset.done $0x0  }
0x2d: {  	s30 =	rddreg [dreg:$0x5];
	[sflag:s26] =	ssyncadd.s32 $0xFFFFFB00  }
0x2e: {  	[tilespmem:s0], [sflag:$0x1] =	stream.linear.gather [hbm4b:s30+s0], $0x190, $0x38;
	[tilespmem:$0xD660] =	vst v63  }
0x2f: {  	s5 =	simm.s32 $0x190;
	s31 =	rddreg [dreg:$0x6]  }
0x30: {  	[tilespmem:s5], [sflag:$0x2] =	stream.linear.gather [hbm4b:s31+s0], $0x190, $0x38;
	[tilespmem:$0xD660] =	vst v63  }
0x31: {  	_ =	swait.ge [sflag:s24], $0x190  }
0x32: {  	[sflag:s24] =	ssyncset.done $0x0  }
0x33: {  	[sflag:s24] =	ssyncadd.s32 $0xFFFFFE70  }
0x34: {  	v1 =	vld [tilespmem:$0x0]  }
0x35: {  	v2 =	vld [tilespmem:$0x10]  }
0x36: {  	v3 =	vld [tilespmem:$0x20]  }
0x37: {  	v4 =	vld [tilespmem:$0x30]  }
0x38: {  	v5 =	vld [tilespmem:$0x40]  }
0x39: {  	v6 =	vld [tilespmem:$0x50];
	vm0 =	vgt.s32 v1, $0xF423F  }
0x3a: {  	v7 =	vld [tilespmem:$0x60];
	vm13 =	vgt.s32 v2, $0xF423F;
	v1 =	vsel vm0, $0x0, v1  }
0x3b: {  	vm14 =	vgt.s32 v3, $0xF423F;
	[tilespmem:$0x640] =	vst v1;
	v1 =	vsel vm13, $0x0, v2;
	v2 =	vld [tilespmem:$0x70]  }
0x3c: {  	vm15 =	vgt.s32 v4, $0xF423F;
	[tilespmem:$0x650] =	vst v1;
	v1 =	vsel vm14, $0x0, v3;
	v3 =	vld [tilespmem:$0x80]  }
0x3d: {  	v36 =	vld [tilespmem:$0x90];
	vm4 =	vgt.s32 v5, $0xF423F;
	[tilespmem:$0x660] =	vst v1;
	v1 =	vsel vm15, $0x0, v4  }
0x3e: {  	v37 =	vld [tilespmem:$0xA0];
	vm5 =	vgt.s32 v6, $0xF423F;
	[tilespmem:$0x670] =	vst v1;
	v1 =	vsel vm4, $0x0, v5  }
0x3f: {  	v38 =	vld [tilespmem:$0xB0];
	vm6 =	vgt.s32 v7, $0xF423F;
	[tilespmem:$0x680] =	vst v1;
	v1 =	vsel vm5, $0x0, v6  }
0x40: {  	v39 =	vld [tilespmem:$0xB8];
	[tilespmem:$0x690] =	vst v1;
	v1 =	vsel vm6, $0x0, v7;
	vm7 =	vgt.s32 v2, $0xF423F  }
0x41: {  	[tilespmem:$0x6A0] =	vst v1;
	v1 =	vsel vm7, $0x0, v2;
	vm8 =	vgt.s32 v3, $0xF423F;
	v2 =	vld [tilespmem:$0xC8]  }
0x42: {  	vm9 =	vgt.s32 v36, $0xF423F;
	[tilespmem:$0x6B0] =	vst v1;
	v1 =	vsel vm8, $0x0, v3;
	v3 =	vld [tilespmem:$0xD8]  }
0x43: {  	v40 =	vld [tilespmem:$0xE8];
	vm10 =	vgt.s32 v37, $0xF423F;
	[tilespmem:$0x6C0] =	vst v1;
	v1 =	vsel vm9, $0x0, v36  }
0x44: {  	v41 =	vld [tilespmem:$0xF8];
	vm11 =	vgt.s32 v38, $0xF423F;
	[tilespmem:$0x6D0] =	vst v1;
	v1 =	vsel vm10, $0x0, v37  }
0x45: {  	v42 =	vld [tilespmem:$0x108];
	vm12 =	vgt.s32 v39, $0xF423F;
	[tilespmem:$0x6E0] =	vst v1;
	v1 =	vsel vm11, $0x0, v38  }
0x46: {  	v43 =	vld [tilespmem:$0x118];
	[tilespmem:$0x6F0] =	vst v1;
	v1 =	vsel vm12, $0x0, v39;
	vm13 =	vgt.s32 v2, $0xF423F  }
0x47: {  	[tilespmem:$0x6F8] =	vst v1;
	v1 =	vsel vm13, $0x0, v2;
	vm14 =	vgt.s32 v3, $0xF423F;
	v2 =	vld [tilespmem:$0x128]  }
0x48: {  	vm15 =	vgt.s32 v40, $0xF423F;
	[tilespmem:$0x708] =	vst v1;
	v1 =	vsel vm14, $0x0, v3;
	v3 =	vld [tilespmem:$0x138]  }
0x49: {  	v44 =	vld [tilespmem:$0x148];
	vm4 =	vgt.s32 v41, $0xF423F;
	[tilespmem:$0x718] =	vst v1;
	v1 =	vsel vm15, $0x0, v40  }
0x4a: {  	v45 =	vld [tilespmem:$0x158];
	vm5 =	vgt.s32 v42, $0xF423F;
	[tilespmem:$0x728] =	vst v1;
	v1 =	vsel vm4, $0x0, v41  }
0x4b: {  	v46 =	vld [tilespmem:$0x168];
	vm6 =	vgt.s32 v43, $0xF423F;
	[tilespmem:$0x738] =	vst v1;
	v1 =	vsel vm5, $0x0, v42  }
0x4c: {  	v47 =	vld [tilespmem:$0x178];
	[tilespmem:$0x748] =	vst v1;
	v1 =	vsel vm6, $0x0, v43;
	vm7 =	vgt.s32 v2, $0xF423F  }
0x4d: {  	[tilespmem:$0x758] =	vst v1;
	v1 =	vsel vm7, $0x0, v2;
	vm8 =	vgt.s32 v3, $0xF423F;
	v2 =	vld [tilespmem:$0x180]  }
0x4e: {  	vm9 =	vgt.s32 v44, $0xF423F;
	[tilespmem:$0x768] =	vst v1;
	v1 =	vsel vm8, $0x0, v3  }
0x4f: {  	vm10 =	vgt.s32 v45, $0xF423F;
	[tilespmem:$0x778] =	vst v1;
	v1 =	vsel vm9, $0x0, v44  }
0x50: {  	vm11 =	vgt.s32 v46, $0xF423F;
	[tilespmem:$0x788] =	vst v1;
	v1 =	vsel vm10, $0x0, v45  }
0x51: {  	vm12 =	vgt.s32 v47, $0xF423F;
	[tilespmem:$0x798] =	vst v1;
	v1 =	vsel vm11, $0x0, v46  }
0x52: {  	[tilespmem:$0x7A8] =	vst v1;
	v1 =	vsel vm12, $0x0, v47;
	vm13 =	vgt.s32 v2, $0xF423F  }
0x53: {  	[tilespmem:$0x7B8] =	vst v1;
	v1 =	vsel vm13, $0x0, v2  }
0x54: {  	s5 =	simm.s32 $0x640;
	[tilespmem:$0x7C0] =	vst v1  }
0x55: {  	[tilespmem:s28], [sflag:$0x5] =	stream.indirect.gather [hbm4b:s4+s25], $0x40, s5, s25, $0xb8;
	[tilespmem:$0xD660] =	vst v63  }
0x56: {  	s9 =	simm.s32 $0x6C0;
	s26 =	simm.s32 $0x2960  }
0x57: {  	[tilespmem:s26], [sflag:$0x5] =	stream.indirect.gather [hbm4b:s4+s29], $0x40, s9, s29, $0xb8;
	[tilespmem:$0xD660] =	vst v63  }
0x58: {  	s30 =	simm.s32 $0x708;
	s31 =	simm.s32 $0x3B60  }
0x59: {  	[tilespmem:s31], [sflag:$0x5] =	stream.indirect.gather [hbm4b:s4+s25], $0x40, s30, s25, $0xb8;
	[tilespmem:$0xD660] =	vst v63  }
0x5a: {  	s9 =	simm.s32 $0x788;
	s26 =	simm.s32 $0x5B60  }
0x5b: {  	[tilespmem:s26], [sflag:$0x5] =	stream.indirect.gather [hbm4b:s4+s29], $0x40, s9, s29, $0xb8;
	[tilespmem:$0xD660] =	vst v63  }
0x5c: {  	s30 =	rddreg [dreg:$0x7];
	s31 =	simm.s32 $0x320  }
0x5d: {  	[tilespmem:s31], [sflag:$0x3] =	stream.linear.gather [hbm4b:s30+s0], $0x190, $0x38;
	[tilespmem:$0xD660] =	vst v63  }
0x5e: {  	_ =	swait.ge [sflag:s11], $0x190  }
0x5f: {  	[sflag:s11] =	ssyncset.done $0x0  }
0x60: {  	[sflag:s11] =	ssyncadd.s32 $0xFFFFFE70  }
0x61: {  	v1 =	vld [tilespmem:$0x190]  }
0x62: {  	v2 =	vld [tilespmem:$0x1A0]  }
0x63: {  	v3 =	vld [tilespmem:$0x1B0]  }
0x64: {  	v48 =	vld [tilespmem:$0x1C0]  }
0x65: {  	v49 =	vld [tilespmem:$0x1D0]  }
0x66: {  	v50 =	vld [tilespmem:$0x1E0];
	vm14 =	vgt.s32 v1, $0xF423F  }
0x67: {  	v51 =	vld [tilespmem:$0x1F0];
	vm15 =	vgt.s32 v2, $0xF423F;
	v1 =	vsel vm14, $0x0, v1  }
0x68: {  	vm4 =	vgt.s32 v3, $0xF423F;
	[tilespmem:$0x7D0] =	vst v1;
	v1 =	vsel vm15, $0x0, v2;
	v2 =	vld [tilespmem:$0x200]  }
0x69: {  	vm5 =	vgt.s32 v48, $0xF423F;
	[tilespmem:$0x7E0] =	vst v1;
	v1 =	vsel vm4, $0x0, v3;
	v3 =	vld [tilespmem:$0x210]  }
0x6a: {  	v52 =	vld [tilespmem:$0x220];
	vm6 =	vgt.s32 v49, $0xF423F;
	[tilespmem:$0x7F0] =	vst v1;
	v1 =	vsel vm5, $0x0, v48  }
0x6b: {  	v53 =	vld [tilespmem:$0x230];
	vm7 =	vgt.s32 v50, $0xF423F;
	[tilespmem:$0x800] =	vst v1;
	v1 =	vsel vm6, $0x0, v49  }
0x6c: {  	v54 =	vld [tilespmem:$0x240];
	vm8 =	vgt.s32 v51, $0xF423F;
	[tilespmem:$0x810] =	vst v1;
	v1 =	vsel vm7, $0x0, v50  }
0x6d: {  	v55 =	vld [tilespmem:$0x248];
	[tilespmem:$0x820] =	vst v1;
	v1 =	vsel vm8, $0x0, v51;
	vm9 =	vgt.s32 v2, $0xF423F  }
0x6e: {  	[tilespmem:$0x830] =	vst v1;
	v1 =	vsel vm9, $0x0, v2;
	vm10 =	vgt.s32 v3, $0xF423F;
	v2 =	vld [tilespmem:$0x258]  }
0x6f: {  	vm11 =	vgt.s32 v52, $0xF423F;
	[tilespmem:$0x840] =	vst v1;
	v1 =	vsel vm10, $0x0, v3;
	v3 =	vld [tilespmem:$0x268]  }
0x70: {  	v56 =	vld [tilespmem:$0x278];
	vm12 =	vgt.s32 v53, $0xF423F;
	[tilespmem:$0x850] =	vst v1;
	v1 =	vsel vm11, $0x0, v52  }
0x71: {  	v57 =	vld [tilespmem:$0x288];
	vm13 =	vgt.s32 v54, $0xF423F;
	[tilespmem:$0x860] =	vst v1;
	v1 =	vsel vm12, $0x0, v53  }
0x72: {  	v58 =	vld [tilespmem:$0x298];
	vm14 =	vgt.s32 v55, $0xF423F;
	[tilespmem:$0x870] =	vst v1;
	v1 =	vsel vm13, $0x0, v54  }
0x73: {  	v59 =	vld [tilespmem:$0x2A8];
	[tilespmem:$0x880] =	vst v1;
	v1 =	vsel vm14, $0x0, v55;
	vm15 =	vgt.s32 v2, $0xF423F  }
0x74: {  	[tilespmem:$0x888] =	vst v1;
	v1 =	vsel vm15, $0x0, v2;
	vm4 =	vgt.s32 v3, $0xF423F;
	v2 =	vld [tilespmem:$0x2B8]  }
0x75: {  	vm5 =	vgt.s32 v56, $0xF423F;
	[tilespmem:$0x898] =	vst v1;
	v1 =	vsel vm4, $0x0, v3;
	v3 =	vld [tilespmem:$0x2C8]  }
0x76: {  	v60 =	vld [tilespmem:$0x2D8];
	vm6 =	vgt.s32 v57, $0xF423F;
	[tilespmem:$0x8A8] =	vst v1;
	v1 =	vsel vm5, $0x0, v56  }
0x77: {  	v61 =	vld [tilespmem:$0x2E8];
	vm7 =	vgt.s32 v58, $0xF423F;
	[tilespmem:$0x8B8] =	vst v1;
	v1 =	vsel vm6, $0x0, v57  }
0x78: {  	v62 =	vld [tilespmem:$0x2F8];
	vm8 =	vgt.s32 v59, $0xF423F;
	[tilespmem:$0x8C8] =	vst v1;
	v1 =	vsel vm7, $0x0, v58  }
0x79: {  	v63 =	vld [tilespmem:$0x308];
	[tilespmem:$0x8D8] =	vst v1;
	v1 =	vsel vm8, $0x0, v59;
	vm9 =	vgt.s32 v2, $0xF423F  }
0x7a: {  	[tilespmem:$0x8E8] =	vst v1;
	v1 =	vsel vm9, $0x0, v2;
	vm10 =	vgt.s32 v3, $0xF423F;
	v2 =	vld [tilespmem:$0x310]  }
0x7b: {  	vm11 =	vgt.s32 v60, $0xF423F;
	[tilespmem:$0x8F8] =	vst v1;
	v1 =	vsel vm10, $0x0, v3  }
0x7c: {  	vm12 =	vgt.s32 v61, $0xF423F;
	[tilespmem:$0x908] =	vst v1;
	v1 =	vsel vm11, $0x0, v60  }
0x7d: {  	vm13 =	vgt.s32 v62, $0xF423F;
	[tilespmem:$0x918] =	vst v1;
	v1 =	vsel vm12, $0x0, v61  }
0x7e: {  	vm14 =	vgt.s32 v63, $0xF423F;
	[tilespmem:$0x928] =	vst v1;
	v1 =	vsel vm13, $0x0, v62  }
0x7f: {  	[tilespmem:$0x938] =	vst v1;
	v1 =	vsel vm14, $0x0, v63;
	vm15 =	vgt.s32 v2, $0xF423F  }
0x80: {  	[tilespmem:$0x948] =	vst v1;
	v1 =	vsel vm15, $0x0, v2  }
0x81: {  	[tilespmem:$0x950] =	vst v1  }
0x82: {  	[tilespmem:s17], [sflag:$0x6] =	stream.indirect.gather [hbm4b:s4+s25], $0x40, s12, s25, $0xb8;
	[tilespmem:$0xD660] =	vst v63  }
0x83: {  	_ = 	snop  }
0x84: {  	[tilespmem:s19], [sflag:$0x6] =	stream.indirect.gather [hbm4b:s4+s29], $0x40, s18, s29, $0xb8;
	[tilespmem:$0xD660] =	vst v63  }
0x85: {  	_ = 	snop  }
0x86: {  	[tilespmem:s8], [sflag:$0x6] =	stream.indirect.gather [hbm4b:s4+s25], $0x40, s20, s25, $0xb8;
	[tilespmem:$0xD660] =	vst v63  }
.Ltmp2:
0x87: {  	_ = 	snop;
	(pc) =	sbr.rel .LBB2_2-.Ltmp2, $4  }
0x88: {  	[tilespmem:s23], [sflag:$0x6] =	stream.indirect.gather [hbm4b:s4+s29], $0x40, s22, s29, $0xb8;
	[tilespmem:$0xD660] =	vst v63  }
0x89: {  	_ =	swait.ge [sflag:s10], $0x6400  }
0x8a: {  	[sflag:s10] =	ssyncset.done $0x0  }
0x8b: {  	s0 =	simm.s32 $0x0;
	[sflag:s10] =	ssyncadd.s32 $0xFFFF9C00  }
.LBB2_6:
0x8c: {  	s0 =	sadd.s32 $0x1, s0  }
0x8d: {  	p0 =	sne.s32 s0, $0xD  }
.Ltmp3:
0x8e: {  	_ = 	snop;
	(pc) =	sbr.rel @!p0 .LBB2_7-.Ltmp3, $1  }
0x8f: {  	_ =	sdelay $0x3  }
.LBB2_2:
0x90: {  	s2 =	sshll.u32 s0, $0x4  }
0x91: {  	s2 =	smin.u32 s2, $0xB8  }
0x92: {  	v5 =	vld [tilespmem:s2+$0x0];
	_ =	sdelay $0x4  }
0x93: {  	v1 =	vxor.u32 $0x80000000, v5  }
0x94: {  	(xrf0) =	vmax.scan.msk.u32 $0xffff, v1;
	_ =	sdelay $0x5  }
0x95: {  	v1, _, _ =	vpop (xrf0)  }
0x96: {  	(v2sf) =	vpush v1, $0xF;
	_ =	sdelay $0xe  }
0x97: {  	s5 =	spop (v2sf)  }
0x98: {  	p0 =	slt.u32 s5, $0x800F4240  }
.Ltmp4:
0x99: {  	_ = 	snop;
	(pc) =	sbr.rel @p0 .LBB2_6-.Ltmp4, $1  }
0x9a: {  	_ =	sdelay $0x3  }
0x9b: {  	vm0 =	vgt.s32 v5, $0xF4240  }
0x9c: {  	s5 =	simm.s32 $0x0;
	v2 =	vmov s2;
	v1 =	vnsel vm0, $0xF4240, v5  }
0x9d: {  	v3 =	vmov s5;
	v6 =	vshll.u32 v2, $0x6;
	v1 =	vshll.u32 v1, $0x6  }
0x9e: {  	vm0 =	vgt.s32 v5, $0xF423F;
	v4 =	vand.u32 $0x38, v3;
	v2 =	vadd.s32 $0xFC2F7000, v1  }
0x9f: {  	v3 =	vand.u32 $0x7, v3;
	v1 =	vadd.s32 v0, v6;
	v6 =	vor.u32 v2, v4  }
0xa0: {  	v6 =	vor.u32 v3, v6;
	_ =	sdelay $0x2  }
0xa1: {  	s31 =	simm.s32 $0x1  }
0xa2: {  	s2 =	simm.s32 $0x2;
	v5 =	vmov s31  }
.LBB2_4:
0xa3: {  	p0 =	sne.s32 s2, $0x3F;
	v7 =	vld.idx.msk [tilespmem:v6+s21+$0x0], vm0;
	v6 =	vor.u32 v1, v4;
	v4 =	vand.u32 $0x38, v5  }
0xa4: {  	v8 =	vor.u32 v2, v4;
	v9 =	vor.u32 v3, v6;
	v3 =	vand.u32 $0x7, v5  }
.Ltmp5:
0xa5: {  	v6 =	vor.u32 v3, v8;
	(pc) =	sbr.rel @p0 .LBB2_4-.Ltmp5, $2  }
0xa6: {  	_ =	sdelay $0x2  }
0xa7: {  	v5 =	vmov s2;
	s2 =	sadd.s32 $0x1, s2;
	[tilespmem:v9+s28+$0x0] =	vst.idx.msk vm0, v7  }
0xa8: {  	_ =	sdelay $0x3  }
0xa9: {  	v7 =	vand.u32 $0x38, v5;
	v4 =	vor.u32 v1, v4  }
0xaa: {  	v6 =	vld.idx.msk [tilespmem:v6+s21+$0x0], vm0;
	v63 =	vand.u32 $0x7, v5;
	v2 =	vor.u32 v2, v7;
	v3 =	vor.u32 v3, v4  }
0xab: {  	v2 =	vor.u32 v63, v2;
	_ =	sdelay $0x3  }
0xac: {  	v1 =	vor.u32 v1, v7;
	[tilespmem:v3+s28+$0x0] =	vst.idx.msk vm0, v6  }
0xad: {  	v1 =	vor.u32 v63, v1;
	v2 =	vld.idx.msk [tilespmem:v2+s21+$0x0], vm0  }
.Ltmp6:
0xae: {  	_ = 	snop;
	(pc) =	sbr.rel .LBB2_6-.Ltmp6, $2  }
0xaf: {  	_ =	sdelay $0x2  }
0xb0: {  	[tilespmem:v1+s28+$0x0] =	vst.idx.msk vm0, v2  }
.LBB2_7:
.Ltmp7:
0xb1: {  	(pc) =	sbr.rel .LBB2_8-.Ltmp7, $2  }
0xb2: {  	_ =	sdelay $0x2  }
0xb3: {  	s0 =	simm.s32 $0x0  }
.LBB2_12:
0xb4: {  	s0 =	sadd.s32 $0x1, s0  }
0xb5: {  	p0 =	sne.s32 s0, $0xD  }
.Ltmp8:
0xb6: {  	_ = 	snop;
	(pc) =	sbr.rel @!p0 .LBB2_13-.Ltmp8, $1  }
0xb7: {  	_ =	sdelay $0x3  }
.LBB2_8:
0xb8: {  	s2 =	sshll.u32 s0, $0x4  }
0xb9: {  	s2 =	smin.u32 s2, $0xB8  }
0xba: {  	v5 =	vld [tilespmem:s2+$0xC8];
	_ =	sdelay $0x4  }
0xbb: {  	v1 =	vxor.u32 $0x80000000, v5  }
0xbc: {  	(xrf0) =	vmax.scan.msk.u32 $0xffff, v1;
	_ =	sdelay $0x5  }
0xbd: {  	v1, _, _ =	vpop (xrf0)  }
0xbe: {  	(v2sf) =	vpush v1, $0xF;
	_ =	sdelay $0xe  }
0xbf: {  	s5 =	spop (v2sf)  }
0xc0: {  	p0 =	slt.u32 s5, $0x800F4240  }
.Ltmp9:
0xc1: {  	_ = 	snop;
	(pc) =	sbr.rel @p0 .LBB2_12-.Ltmp9, $1  }
0xc2: {  	_ =	sdelay $0x3  }
0xc3: {  	vm0 =	vgt.s32 v5, $0xF4240;
	s2 =	sadd.s32 $0xC8, s2  }
0xc4: {  	s5 =	simm.s32 $0x0;
	v1 =	vnsel vm0, $0xF4240, v5;
	v2 =	vmov s2  }
0xc5: {  	v3 =	vmov s5;
	vm0 =	vgt.s32 v5, $0xF423F;
	v1 =	vshll.u32 v1, $0x6  }
0xc6: {  	v6 =	vshll.u32 v2, $0x6;
	v4 =	vand.u32 $0x38, v3;
	v2 =	vadd.s32 $0xFC2F7000, v1  }
0xc7: {  	v3 =	vand.u32 $0x7, v3;
	v1 =	vadd.s32 v0, v6;
	v6 =	vor.u32 v2, v4  }
0xc8: {  	v6 =	vor.u32 v3, v6;
	_ =	sdelay $0x2  }
0xc9: {  	s31 =	simm.s32 $0x1  }
0xca: {  	v5 =	vmov s31;
	s2 =	simm.s32 $0x2  }
.LBB2_10:
0xcb: {  	p0 =	sne.s32 s2, $0x3F;
	v7 =	vld.idx.msk [tilespmem:v6+s21+$0x0], vm0;
	v6 =	vor.u32 v1, v4;
	v4 =	vand.u32 $0x38, v5  }
0xcc: {  	v8 =	vor.u32 v2, v4;
	v9 =	vor.u32 v3, v6;
	v3 =	vand.u32 $0x7, v5  }
.Ltmp10:
0xcd: {  	v6 =	vor.u32 v3, v8;
	(pc) =	sbr.rel @p0 .LBB2_10-.Ltmp10, $2  }
0xce: {  	_ =	sdelay $0x2  }
0xcf: {  	v5 =	vmov s2;
	s2 =	sadd.s32 $0x1, s2;
	[tilespmem:v9+s28+$0x0] =	vst.idx.msk vm0, v7  }
0xd0: {  	_ =	sdelay $0x3  }
0xd1: {  	v7 =	vand.u32 $0x38, v5;
	v4 =	vor.u32 v1, v4  }
0xd2: {  	v6 =	vld.idx.msk [tilespmem:v6+s21+$0x0], vm0;
	v63 =	vand.u32 $0x7, v5;
	v2 =	vor.u32 v2, v7;
	v3 =	vor.u32 v3, v4  }
0xd3: {  	v2 =	vor.u32 v63, v2;
	_ =	sdelay $0x3  }
0xd4: {  	v1 =	vor.u32 v1, v7;
	[tilespmem:v3+s28+$0x0] =	vst.idx.msk vm0, v6  }
0xd5: {  	v1 =	vor.u32 v63, v1;
	v2 =	vld.idx.msk [tilespmem:v2+s21+$0x0], vm0  }
.Ltmp11:
0xd6: {  	_ = 	snop;
	(pc) =	sbr.rel .LBB2_12-.Ltmp11, $2  }
0xd7: {  	_ =	sdelay $0x2  }
0xd8: {  	[tilespmem:v1+s28+$0x0] =	vst.idx.msk vm0, v2  }
.LBB2_13:
.Ltmp12:
0xd9: {  	(pc) =	sbr.rel .LBB2_14-.Ltmp12, $4  }
0xda: {  	s0 =	rddreg [dreg:$0x8]  }
0xdb: {  	[hbm4b:s0+s3] =	stream.strided.scatter [tilespmem:s28], [sflag:$0x7], $0x6400, s25, s3, $0x38;
	[tilespmem:$0xD660] =	vst v63  }
0xdc: {  	s26 =	simm.s32 $0x0;
	s31 =	rddreg [dreg:$0x9];
	s2 =	simm.s32 $0x4B0  }
0xdd: {  	[tilespmem:s2], [sflag:$0x4] =	stream.linear.gather [hbm4b:s31+s26], $0x190, $0x38;
	[tilespmem:$0xD660] =	vst v63  }
.LBB2_62:
0xde: {  	s26 =	sadd.s32 $0x1, s26  }
0xdf: {  	s0 =	smul.u32 $0xC80, s31;
	s2 =	rddreg [dreg:$0xd];
	p0 =	sne.s32 s26, $0xF  }
.Ltmp13:
0xe0: {  	s2 =	sadd.s32 s30, s2;
	(pc) =	sbr.rel @!p0 .LBB2_63-.Ltmp13, $4  }
0xe1: {  	s0 =	sadd.s32 s6, s0;
	s2 =	smul.u32 $0x19, s2  }
0xe2: {  	[hbm4b:s0+s3] =	stream.strided.scatter [tilespmem:s28], [sflag:$0x7], $0x6400, s25, s3, $0x38;
	[tilespmem:$0xD660] =	vst v63  }
0xe3: {  	s31 =	simm.s32 $0x0;
	s5 =	simm.s32 $0x4B0;
	s30 =	sadd.s32 s1, s2  }
0xe4: {  	[tilespmem:s5], [sflag:$0x4] =	stream.linear.gather [hbm4b:s30+s31], $0x190, $0x38;
	[tilespmem:$0xD660] =	vst v63  }
.LBB2_14:
0xe5: {  	_ =	swait.ge [sflag:s7], $0x190  }
0xe6: {  	[sflag:s7] =	ssyncset.done $0x0  }
0xe7: {  	[sflag:s7] =	ssyncadd.s32 $0xFFFFFE70  }
0xe8: {  	v1 =	vld [tilespmem:$0x320]  }
0xe9: {  	v2 =	vld [tilespmem:$0x330]  }
0xea: {  	v3 =	vld [tilespmem:$0x340]  }
0xeb: {  	v4 =	vld [tilespmem:$0x350]  }
0xec: {  	v5 =	vld [tilespmem:$0x360]  }
0xed: {  	v6 =	vld [tilespmem:$0x370];
	vm0 =	vgt.s32 v1, $0xF423F  }
0xee: {  	v7 =	vld [tilespmem:$0x380];
	vm15 =	vgt.s32 v2, $0xF423F;
	v1 =	vsel vm0, $0x0, v1  }
0xef: {  	vm4 =	vgt.s32 v3, $0xF423F;
	[tilespmem:$0x640] =	vst v1;
	v1 =	vsel vm15, $0x0, v2;
	v2 =	vld [tilespmem:$0x390]  }
0xf0: {  	vm5 =	vgt.s32 v4, $0xF423F;
	[tilespmem:$0x650] =	vst v1;
	v1 =	vsel vm4, $0x0, v3;
	v3 =	vld [tilespmem:$0x3A0]  }
0xf1: {  	v52 =	vld [tilespmem:$0x3B0];
	vm6 =	vgt.s32 v5, $0xF423F;
	[tilespmem:$0x660] =	vst v1;
	v1 =	vsel vm5, $0x0, v4  }
0xf2: {  	v53 =	vld [tilespmem:$0x3C0];
	vm7 =	vgt.s32 v6, $0xF423F;
	[tilespmem:$0x670] =	vst v1;
	v1 =	vsel vm6, $0x0, v5  }
0xf3: {  	v54 =	vld [tilespmem:$0x3D0];
	vm8 =	vgt.s32 v7, $0xF423F;
	[tilespmem:$0x680] =	vst v1;
	v1 =	vsel vm7, $0x0, v6  }
0xf4: {  	v55 =	vld [tilespmem:$0x3D8];
	[tilespmem:$0x690] =	vst v1;
	v1 =	vsel vm8, $0x0, v7;
	vm9 =	vgt.s32 v2, $0xF423F  }
0xf5: {  	[tilespmem:$0x6A0] =	vst v1;
	v1 =	vsel vm9, $0x0, v2;
	vm10 =	vgt.s32 v3, $0xF423F;
	v2 =	vld [tilespmem:$0x3E8]  }
0xf6: {  	vm11 =	vgt.s32 v52, $0xF423F;
	[tilespmem:$0x6B0] =	vst v1;
	v1 =	vsel vm10, $0x0, v3;
	v3 =	vld [tilespmem:$0x3F8]  }
0xf7: {  	v56 =	vld [tilespmem:$0x408];
	vm12 =	vgt.s32 v53, $0xF423F;
	[tilespmem:$0x6C0] =	vst v1;
	v1 =	vsel vm11, $0x0, v52  }
0xf8: {  	v57 =	vld [tilespmem:$0x418];
	vm13 =	vgt.s32 v54, $0xF423F;
	[tilespmem:$0x6D0] =	vst v1;
	v1 =	vsel vm12, $0x0, v53  }
0xf9: {  	v58 =	vld [tilespmem:$0x428];
	vm14 =	vgt.s32 v55, $0xF423F;
	[tilespmem:$0x6E0] =	vst v1;
	v1 =	vsel vm13, $0x0, v54  }
0xfa: {  	v59 =	vld [tilespmem:$0x438];
	[tilespmem:$0x6F0] =	vst v1;
	v1 =	vsel vm14, $0x0, v55;
	vm15 =	vgt.s32 v2, $0xF423F  }
0xfb: {  	[tilespmem:$0x6F8] =	vst v1;
	v1 =	vsel vm15, $0x0, v2;
	vm4 =	vgt.s32 v3, $0xF423F;
	v2 =	vld [tilespmem:$0x448]  }
0xfc: {  	vm5 =	vgt.s32 v56, $0xF423F;
	[tilespmem:$0x708] =	vst v1;
	v1 =	vsel vm4, $0x0, v3;
	v3 =	vld [tilespmem:$0x458]  }
0xfd: {  	v60 =	vld [tilespmem:$0x468];
	vm6 =	vgt.s32 v57, $0xF423F;
	[tilespmem:$0x718] =	vst v1;
	v1 =	vsel vm5, $0x0, v56  }
0xfe: {  	v61 =	vld [tilespmem:$0x478];
	vm7 =	vgt.s32 v58, $0xF423F;
	[tilespmem:$0x728] =	vst v1;
	v1 =	vsel vm6, $0x0, v57  }
0xff: {  	v62 =	vld [tilespmem:$0x488];
	vm8 =	vgt.s32 v59, $0xF423F;
	[tilespmem:$0x738] =	vst v1;
	v1 =	vsel vm7, $0x0, v58  }
0x100: {  	v63 =	vld [tilespmem:$0x498];
	[tilespmem:$0x748] =	vst v1;
	v1 =	vsel vm8, $0x0, v59;
	vm9 =	vgt.s32 v2, $0xF423F  }
0x101: {  	[tilespmem:$0x758] =	vst v1;
	v1 =	vsel vm9, $0x0, v2;
	vm10 =	vgt.s32 v3, $0xF423F;
	v2 =	vld [tilespmem:$0x4A0]  }
0x102: {  	vm11 =	vgt.s32 v60, $0xF423F;
	[tilespmem:$0x768] =	vst v1;
	v1 =	vsel vm10, $0x0, v3  }
0x103: {  	vm12 =	vgt.s32 v61, $0xF423F;
	[tilespmem:$0x778] =	vst v1;
	v1 =	vsel vm11, $0x0, v60  }
0x104: {  	vm13 =	vgt.s32 v62, $0xF423F;
	[tilespmem:$0x788] =	vst v1;
	v1 =	vsel vm12, $0x0, v61  }
0x105: {  	vm14 =	vgt.s32 v63, $0xF423F;
	[tilespmem:$0x798] =	vst v1;
	v1 =	vsel vm13, $0x0, v62  }
0x106: {  	[tilespmem:$0x7A8] =	vst v1;
	v1 =	vsel vm14, $0x0, v63;
	vm15 =	vgt.s32 v2, $0xF423F  }
0x107: {  	[tilespmem:$0x7B8] =	vst v1;
	v1 =	vsel vm15, $0x0, v2  }
0x108: {  	[tilespmem:$0x7C0] =	vst v1  }
0x109: {  	_ =	swait.ge [sflag:s13], $0x6400  }
0x10a: {  	[sflag:s13] =	ssyncset.done $0x0  }
0x10b: {  	s0 =	simm.s32 $0x640;
	[sflag:s13] =	ssyncadd.s32 $0xFFFF9C00  }
0x10c: {  	[tilespmem:s28], [sflag:$0x5] =	stream.indirect.gather [hbm4b:s4+s25], $0x40, s0, s25, $0xb8;
	[tilespmem:$0xD660] =	vst v63  }
0x10d: {  	s31 =	simm.s32 $0x6C0;
	s2 =	simm.s32 $0x2960  }
0x10e: {  	[tilespmem:s2], [sflag:$0x5] =	stream.indirect.gather [hbm4b:s4+s29], $0x40, s31, s29, $0xb8;
	[tilespmem:$0xD660] =	vst v63  }
0x10f: {  	s5 =	simm.s32 $0x708;
	s9 =	simm.s32 $0x3B60  }
0x110: {  	[tilespmem:s9], [sflag:$0x5] =	stream.indirect.gather [hbm4b:s4+s25], $0x40, s5, s25, $0xb8;
	[tilespmem:$0xD660] =	vst v63  }
.Ltmp14:
0x111: {  	s30 =	simm.s32 $0x788;
	s31 =	simm.s32 $0x5B60;
	(pc) =	sbr.rel .LBB2_15-.Ltmp14, $4  }
0x112: {  	[tilespmem:s31], [sflag:$0x5] =	stream.indirect.gather [hbm4b:s4+s29], $0x40, s30, s29, $0xb8;
	[tilespmem:$0xD660] =	vst v63  }
0x113: {  	_ =	swait.ge [sflag:s14], $0x6400  }
0x114: {  	[sflag:s14] =	ssyncset.done $0x0  }
0x115: {  	s0 =	simm.s32 $0x0;
	[sflag:s14] =	ssyncadd.s32 $0xFFFF9C00  }
.LBB2_18:
0x116: {  	_ =	sdelay $0x3  }
0x117: {  	v7 =	vand.u32 $0x38, v5;
	v4 =	vor.u32 v1, v4  }
0x118: {  	v6 =	vld.idx.msk [tilespmem:v6+s21+$0x0], vm0;
	v63 =	vand.u32 $0x7, v5;
	v2 =	vor.u32 v2, v7;
	v3 =	vor.u32 v3, v4  }
0x119: {  	v2 =	vor.u32 v63, v2;
	_ =	sdelay $0x3  }
0x11a: {  	v1 =	vor.u32 v1, v7;
	[tilespmem:v3+s17+$0x0] =	vst.idx.msk vm1, v6  }
0x11b: {  	v1 =	vor.u32 v63, v1;
	v2 =	vld.idx.msk [tilespmem:v2+s21+$0x0], vm0;
	_ =	sdelay $0x4  }
0x11c: {  	vm15 =	vmmov vm0;
	[tilespmem:v1+s17+$0x0] =	vst.idx.msk vm0, v2  }
.LBB2_19:
0x11d: {  	s0 =	sadd.s32 $0x1, s0  }
0x11e: {  	p0 =	sne.s32 s0, $0xD  }
.Ltmp15:
0x11f: {  	_ = 	snop;
	(pc) =	sbr.rel @!p0 .LBB2_20-.Ltmp15, $1  }
0x120: {  	_ =	sdelay $0x3  }
.LBB2_15:
0x121: {  	s2 =	sshll.u32 s0, $0x4  }
0x122: {  	s2 =	smin.u32 s2, $0xB8  }
0x123: {  	v3 =	vld [tilespmem:s2+$0x190];
	_ =	sdelay $0x4  }
0x124: {  	v1 =	vxor.u32 $0x80000000, v3  }
0x125: {  	(xrf0) =	vmax.scan.msk.u32 $0xffff, v1;
	_ =	sdelay $0x5  }
0x126: {  	v1, _, _ =	vpop (xrf0)  }
0x127: {  	(v2sf) =	vpush v1, $0xF;
	_ =	sdelay $0xe  }
0x128: {  	s5 =	spop (v2sf)  }
0x129: {  	p0 =	slt.u32 s5, $0x800F4240  }
.Ltmp16:
0x12a: {  	_ = 	snop;
	(pc) =	sbr.rel @p0 .LBB2_19-.Ltmp16, $1  }
0x12b: {  	_ =	sdelay $0x3  }
0x12c: {  	vm0 =	vgt.s32 v3, $0xF4240  }
0x12d: {  	v2 =	vmov s2;
	s30 =	simm.s32 $0x0;
	v1 =	vnsel vm0, $0xF4240, v3  }
0x12e: {  	v4 =	vshll.u32 v2, $0x6;
	v5 =	vmov s30;
	v1 =	vshll.u32 v1, $0x6  }
0x12f: {  	v2 =	vadd.s32 $0xFC2F7000, v1;
	v1 =	vadd.s32 v0, v4;
	v4 =	vand.u32 $0x38, v5  }
0x130: {  	vm0 =	vgt.s32 v3, $0xF423F;
	v3 =	vand.u32 $0x7, v5;
	v5 =	vor.u32 v2, v4  }
0x131: {  	v6 =	vor.u32 v3, v5;
	_ =	sdelay $0x2  }
0x132: {  	s31 =	simm.s32 $0x1  }
0x133: {  	s2 =	simm.s32 $0x2;
	vm1 =	vmmov vm0;
	v5 =	vmov s31  }
.LBB2_17:
0x134: {  	p0 =	sne.s32 s2, $0x3F;
	v7 =	vld.idx.msk [tilespmem:v6+s21+$0x0], vm0;
	v6 =	vor.u32 v1, v4;
	v4 =	vand.u32 $0x38, v5  }
0x135: {  	v8 =	vor.u32 v2, v4;
	v9 =	vor.u32 v3, v6;
	v3 =	vand.u32 $0x7, v5  }
.Ltmp17:
0x136: {  	v6 =	vor.u32 v3, v8;
	(pc) =	sbr.rel @p0 .LBB2_17-.Ltmp17, $2  }
0x137: {  	_ =	sdelay $0x2  }
0x138: {  	v5 =	vmov s2;
	s2 =	sadd.s32 $0x1, s2;
	[tilespmem:v9+s17+$0x0] =	vst.idx.msk vm1, v7;
	vm1 =	vmmov vm0  }
.Ltmp18:
0x139: {  	_ = 	snop;
	(pc) =	sbr.rel .LBB2_18-.Ltmp18, $1  }
0x13a: {  	_ =	sdelay $0x3  }
.LBB2_20:
.Ltmp19:
0x13b: {  	(pc) =	sbr.rel .LBB2_21-.Ltmp19, $2  }
0x13c: {  	_ =	sdelay $0x2  }
0x13d: {  	s0 =	simm.s32 $0x0  }
.LBB2_24:
0x13e: {  	_ =	sdelay $0x3  }
0x13f: {  	v7 =	vand.u32 $0x38, v5;
	v4 =	vor.u32 v1, v4  }
0x140: {  	v6 =	vld.idx.msk [tilespmem:v6+s21+$0x0], vm0;
	v63 =	vand.u32 $0x7, v5;
	v2 =	vor.u32 v2, v7;
	v3 =	vor.u32 v3, v4  }
0x141: {  	v2 =	vor.u32 v63, v2;
	_ =	sdelay $0x3  }
0x142: {  	v1 =	vor.u32 v1, v7;
	[tilespmem:v3+s17+$0x0] =	vst.idx.msk vm1, v6  }
0x143: {  	v1 =	vor.u32 v63, v1;
	v2 =	vld.idx.msk [tilespmem:v2+s21+$0x0], vm0;
	_ =	sdelay $0x4  }
0x144: {  	vm15 =	vmmov vm0;
	[tilespmem:v1+s17+$0x0] =	vst.idx.msk vm0, v2  }
.LBB2_25:
0x145: {  	s0 =	sadd.s32 $0x1, s0  }
0x146: {  	p0 =	sne.s32 s0, $0xD  }
.Ltmp20:
0x147: {  	_ = 	snop;
	(pc) =	sbr.rel @!p0 .LBB2_26-.Ltmp20, $1  }
0x148: {  	_ =	sdelay $0x3  }
.LBB2_21:
0x149: {  	s2 =	sshll.u32 s0, $0x4  }
0x14a: {  	s2 =	smin.u32 s2, $0xB8  }
0x14b: {  	v3 =	vld [tilespmem:s2+$0x258];
	_ =	sdelay $0x4  }
0x14c: {  	v1 =	vxor.u32 $0x80000000, v3  }
0x14d: {  	(xrf0) =	vmax.scan.msk.u32 $0xffff, v1;
	_ =	sdelay $0x5  }
0x14e: {  	v1, _, _ =	vpop (xrf0)  }
0x14f: {  	(v2sf) =	vpush v1, $0xF;
	_ =	sdelay $0xe  }
0x150: {  	s5 =	spop (v2sf)  }
0x151: {  	p0 =	slt.u32 s5, $0x800F4240  }
.Ltmp21:
0x152: {  	_ = 	snop;
	(pc) =	sbr.rel @p0 .LBB2_25-.Ltmp21, $1  }
0x153: {  	_ =	sdelay $0x3  }
0x154: {  	vm0 =	vgt.s32 v3, $0xF4240;
	s2 =	sadd.s32 $0xC8, s2  }
0x155: {  	s30 =	simm.s32 $0x0;
	v1 =	vnsel vm0, $0xF4240, v3;
	v2 =	vmov s2  }
0x156: {  	v5 =	vmov s30;
	v4 =	vshll.u32 v2, $0x6;
	v1 =	vshll.u32 v1, $0x6  }
0x157: {  	v2 =	vadd.s32 $0xFC2F7000, v1;
	v1 =	vadd.s32 v0, v4;
	v4 =	vand.u32 $0x38, v5  }
0x158: {  	vm0 =	vgt.s32 v3, $0xF423F;
	v3 =	vand.u32 $0x7, v5;
	v5 =	vor.u32 v2, v4  }
0x159: {  	v6 =	vor.u32 v3, v5;
	_ =	sdelay $0x2  }
0x15a: {  	s31 =	simm.s32 $0x1  }
0x15b: {  	s2 =	simm.s32 $0x2;
	vm1 =	vmmov vm0;
	v5 =	vmov s31  }
.LBB2_23:
0x15c: {  	p0 =	sne.s32 s2, $0x3F;
	v7 =	vld.idx.msk [tilespmem:v6+s21+$0x0], vm0;
	v6 =	vor.u32 v1, v4;
	v4 =	vand.u32 $0x38, v5  }
0x15d: {  	v8 =	vor.u32 v2, v4;
	v9 =	vor.u32 v3, v6;
	v3 =	vand.u32 $0x7, v5  }
.Ltmp22:
0x15e: {  	v6 =	vor.u32 v3, v8;
	(pc) =	sbr.rel @p0 .LBB2_23-.Ltmp22, $2  }
0x15f: {  	_ =	sdelay $0x2  }
0x160: {  	v5 =	vmov s2;
	s2 =	sadd.s32 $0x1, s2;
	[tilespmem:v9+s17+$0x0] =	vst.idx.msk vm1, v7;
	vm1 =	vmmov vm0  }
.Ltmp23:
0x161: {  	_ = 	snop;
	(pc) =	sbr.rel .LBB2_24-.Ltmp23, $1  }
0x162: {  	_ =	sdelay $0x3  }
.LBB2_26:
0x163: {  	s30 =	sshll.u32 s26, $0x3;
	s0 =	rddreg [dreg:$0x4]  }
0x164: {  	s0 =	sadd.s32 s30, s0  }
0x165: {  	s0 =	smul.u32 $0xC80, s0  }
0x166: {  	s2 =	rddreg [dreg:$0xa]  }
0x167: {  	s31 =	sadd.s32 s30, s2;
	s0 =	sadd.s32 s6, s0  }
0x168: {  	s5 =	smul.u32 $0x19, s31;
	s9 =	sadd.s32 $0x1900, s0  }
0x169: {  	[hbm4b:s9+s3] =	stream.strided.scatter [tilespmem:s17], [sflag:$0x8], $0x6400, s25, s3, $0x38;
	[tilespmem:$0xD660] =	vst v63  }
0x16a: {  	s2 =	simm.s32 $0x0;
	s5 =	sadd.s32 s1, s5  }
0x16b: {  	[tilespmem:s2], [sflag:$0x1] =	stream.linear.gather [hbm4b:s5+s2], $0x190, $0x38;
	[tilespmem:$0xD660] =	vst v63  }
0x16c: {  	_ =	swait.ge [sflag:s15], $0x190  }
0x16d: {  	[sflag:s15] =	ssyncset.done $0x0  }
0x16e: {  	[sflag:s15] =	ssyncadd.s32 $0xFFFFFE70  }
0x16f: {  	v1 =	vld [tilespmem:$0x4B0]  }
0x170: {  	v2 =	vld [tilespmem:$0x4C0]  }
0x171: {  	v3 =	vld [tilespmem:$0x4D0]  }
0x172: {  	v4 =	vld [tilespmem:$0x4E0]  }
0x173: {  	v5 =	vld [tilespmem:$0x4F0]  }
0x174: {  	v6 =	vld [tilespmem:$0x500];
	vm0 =	vgt.s32 v1, $0xF423F  }
0x175: {  	v7 =	vld [tilespmem:$0x510];
	vm15 =	vgt.s32 v2, $0xF423F;
	v1 =	vsel vm0, $0x0, v1  }
0x176: {  	vm4 =	vgt.s32 v3, $0xF423F;
	[tilespmem:$0x7D0] =	vst v1;
	v1 =	vsel vm15, $0x0, v2;
	v2 =	vld [tilespmem:$0x520]  }
0x177: {  	vm5 =	vgt.s32 v4, $0xF423F;
	[tilespmem:$0x7E0] =	vst v1;
	v1 =	vsel vm4, $0x0, v3;
	v3 =	vld [tilespmem:$0x530]  }
0x178: {  	v52 =	vld [tilespmem:$0x540];
	vm6 =	vgt.s32 v5, $0xF423F;
	[tilespmem:$0x7F0] =	vst v1;
	v1 =	vsel vm5, $0x0, v4  }
0x179: {  	v53 =	vld [tilespmem:$0x550];
	vm7 =	vgt.s32 v6, $0xF423F;
	[tilespmem:$0x800] =	vst v1;
	v1 =	vsel vm6, $0x0, v5  }
0x17a: {  	v54 =	vld [tilespmem:$0x560];
	vm8 =	vgt.s32 v7, $0xF423F;
	[tilespmem:$0x810] =	vst v1;
	v1 =	vsel vm7, $0x0, v6  }
0x17b: {  	v55 =	vld [tilespmem:$0x568];
	[tilespmem:$0x820] =	vst v1;
	v1 =	vsel vm8, $0x0, v7;
	vm9 =	vgt.s32 v2, $0xF423F  }
0x17c: {  	[tilespmem:$0x830] =	vst v1;
	v1 =	vsel vm9, $0x0, v2;
	vm10 =	vgt.s32 v3, $0xF423F;
	v2 =	vld [tilespmem:$0x578]  }
0x17d: {  	vm11 =	vgt.s32 v52, $0xF423F;
	[tilespmem:$0x840] =	vst v1;
	v1 =	vsel vm10, $0x0, v3;
	v3 =	vld [tilespmem:$0x588]  }
0x17e: {  	v56 =	vld [tilespmem:$0x598];
	vm12 =	vgt.s32 v53, $0xF423F;
	[tilespmem:$0x850] =	vst v1;
	v1 =	vsel vm11, $0x0, v52  }
0x17f: {  	v57 =	vld [tilespmem:$0x5A8];
	vm13 =	vgt.s32 v54, $0xF423F;
	[tilespmem:$0x860] =	vst v1;
	v1 =	vsel vm12, $0x0, v53  }
0x180: {  	v58 =	vld [tilespmem:$0x5B8];
	vm14 =	vgt.s32 v55, $0xF423F;
	[tilespmem:$0x870] =	vst v1;
	v1 =	vsel vm13, $0x0, v54  }
0x181: {  	v59 =	vld [tilespmem:$0x5C8];
	[tilespmem:$0x880] =	vst v1;
	v1 =	vsel vm14, $0x0, v55;
	vm15 =	vgt.s32 v2, $0xF423F  }
0x182: {  	[tilespmem:$0x888] =	vst v1;
	v1 =	vsel vm15, $0x0, v2;
	vm4 =	vgt.s32 v3, $0xF423F;
	v2 =	vld [tilespmem:$0x5D8]  }
0x183: {  	vm5 =	vgt.s32 v56, $0xF423F;
	[tilespmem:$0x898] =	vst v1;
	v1 =	vsel vm4, $0x0, v3;
	v3 =	vld [tilespmem:$0x5E8]  }
0x184: {  	v60 =	vld [tilespmem:$0x5F8];
	vm6 =	vgt.s32 v57, $0xF423F;
	[tilespmem:$0x8A8] =	vst v1;
	v1 =	vsel vm5, $0x0, v56  }
0x185: {  	v61 =	vld [tilespmem:$0x608];
	vm7 =	vgt.s32 v58, $0xF423F;
	[tilespmem:$0x8B8] =	vst v1;
	v1 =	vsel vm6, $0x0, v57  }
0x186: {  	v62 =	vld [tilespmem:$0x618];
	vm8 =	vgt.s32 v59, $0xF423F;
	[tilespmem:$0x8C8] =	vst v1;
	v1 =	vsel vm7, $0x0, v58  }
0x187: {  	v63 =	vld [tilespmem:$0x628];
	[tilespmem:$0x8D8] =	vst v1;
	v1 =	vsel vm8, $0x0, v59;
	vm9 =	vgt.s32 v2, $0xF423F  }
0x188: {  	[tilespmem:$0x8E8] =	vst v1;
	v1 =	vsel vm9, $0x0, v2;
	vm10 =	vgt.s32 v3, $0xF423F;
	v2 =	vld [tilespmem:$0x630]  }
0x189: {  	vm11 =	vgt.s32 v60, $0xF423F;
	[tilespmem:$0x8F8] =	vst v1;
	v1 =	vsel vm10, $0x0, v3  }
0x18a: {  	vm12 =	vgt.s32 v61, $0xF423F;
	[tilespmem:$0x908] =	vst v1;
	v1 =	vsel vm11, $0x0, v60  }
0x18b: {  	vm13 =	vgt.s32 v62, $0xF423F;
	[tilespmem:$0x918] =	vst v1;
	v1 =	vsel vm12, $0x0, v61  }
0x18c: {  	vm14 =	vgt.s32 v63, $0xF423F;
	[tilespmem:$0x928] =	vst v1;
	v1 =	vsel vm13, $0x0, v62  }
0x18d: {  	[tilespmem:$0x938] =	vst v1;
	v1 =	vsel vm14, $0x0, v63;
	vm15 =	vgt.s32 v2, $0xF423F  }
0x18e: {  	[tilespmem:$0x948] =	vst v1;
	v1 =	vsel vm15, $0x0, v2  }
0x18f: {  	[tilespmem:$0x950] =	vst v1  }
0x190: {  	_ =	swait.ge [sflag:s16], $0x6400  }
0x191: {  	[sflag:s16] =	ssyncset.done $0x0  }
0x192: {  	[sflag:s16] =	ssyncadd.s32 $0xFFFF9C00  }
0x193: {  	[tilespmem:s17], [sflag:$0x6] =	stream.indirect.gather [hbm4b:s4+s25], $0x40, s12, s25, $0xb8;
	[tilespmem:$0xD660] =	vst v63  }
0x194: {  	_ = 	snop  }
0x195: {  	[tilespmem:s19], [sflag:$0x6] =	stream.indirect.gather [hbm4b:s4+s29], $0x40, s18, s29, $0xb8;
	[tilespmem:$0xD660] =	vst v63  }
0x196: {  	_ = 	snop  }
0x197: {  	[tilespmem:s8], [sflag:$0x6] =	stream.indirect.gather [hbm4b:s4+s25], $0x40, s20, s25, $0xb8;
	[tilespmem:$0xD660] =	vst v63  }
.Ltmp24:
0x198: {  	_ = 	snop;
	(pc) =	sbr.rel .LBB2_27-.Ltmp24, $4  }
0x199: {  	[tilespmem:s23], [sflag:$0x6] =	stream.indirect.gather [hbm4b:s4+s29], $0x40, s22, s29, $0xb8;
	[tilespmem:$0xD660] =	vst v63  }
0x19a: {  	_ =	swait.ge [sflag:s10], $0x6400  }
0x19b: {  	[sflag:s10] =	ssyncset.done $0x0  }
0x19c: {  	[sflag:s10] =	ssyncadd.s32 $0xFFFF9C00  }
.LBB2_30:
0x19d: {  	_ =	sdelay $0x3  }
0x19e: {  	v7 =	vand.u32 $0x38, v5;
	v4 =	vor.u32 v1, v4  }
0x19f: {  	v6 =	vld.idx.msk [tilespmem:v6+s21+$0x0], vm0;
	v63 =	vand.u32 $0x7, v5;
	v2 =	vor.u32 v2, v7;
	v3 =	vor.u32 v3, v4  }
0x1a0: {  	v2 =	vor.u32 v63, v2;
	_ =	sdelay $0x3  }
0x1a1: {  	v1 =	vor.u32 v1, v7;
	[tilespmem:v3+s28+$0x0] =	vst.idx.msk vm1, v6  }
0x1a2: {  	v1 =	vor.u32 v63, v1;
	v2 =	vld.idx.msk [tilespmem:v2+s21+$0x0], vm0;
	_ =	sdelay $0x4  }
0x1a3: {  	vm15 =	vmmov vm0;
	[tilespmem:v1+s28+$0x0] =	vst.idx.msk vm0, v2  }
.LBB2_31:
0x1a4: {  	s2 =	sadd.s32 $0x1, s2  }
0x1a5: {  	p0 =	sne.s32 s2, $0xD  }
.Ltmp25:
0x1a6: {  	_ = 	snop;
	(pc) =	sbr.rel @!p0 .LBB2_32-.Ltmp25, $1  }
0x1a7: {  	_ =	sdelay $0x3  }
.LBB2_27:
0x1a8: {  	s5 =	sshll.u32 s2, $0x4  }
0x1a9: {  	s5 =	smin.u32 s5, $0xB8  }
0x1aa: {  	v3 =	vld [tilespmem:s5+$0x320];
	_ =	sdelay $0x4  }
0x1ab: {  	v1 =	vxor.u32 $0x80000000, v3  }
0x1ac: {  	(xrf0) =	vmax.scan.msk.u32 $0xffff, v1;
	_ =	sdelay $0x5  }
0x1ad: {  	v1, _, _ =	vpop (xrf0)  }
0x1ae: {  	(v2sf) =	vpush v1, $0xF;
	_ =	sdelay $0xe  }
0x1af: {  	s9 =	spop (v2sf)  }
0x1b0: {  	p0 =	slt.u32 s9, $0x800F4240  }
.Ltmp26:
0x1b1: {  	_ = 	snop;
	(pc) =	sbr.rel @p0 .LBB2_31-.Ltmp26, $1  }
0x1b2: {  	_ =	sdelay $0x3  }
0x1b3: {  	vm0 =	vgt.s32 v3, $0xF4240  }
0x1b4: {  	v2 =	vmov s5;
	s9 =	simm.s32 $0x0;
	v1 =	vnsel vm0, $0xF4240, v3  }
0x1b5: {  	v4 =	vshll.u32 v2, $0x6;
	v5 =	vmov s9;
	v1 =	vshll.u32 v1, $0x6  }
0x1b6: {  	v2 =	vadd.s32 $0xFC2F7000, v1;
	v1 =	vadd.s32 v0, v4;
	v4 =	vand.u32 $0x38, v5  }
0x1b7: {  	vm0 =	vgt.s32 v3, $0xF423F;
	v3 =	vand.u32 $0x7, v5;
	v5 =	vor.u32 v2, v4  }
0x1b8: {  	v6 =	vor.u32 v3, v5;
	_ =	sdelay $0x2  }
0x1b9: {  	s9 =	simm.s32 $0x1  }
0x1ba: {  	s5 =	simm.s32 $0x2;
	vm1 =	vmmov vm0;
	v5 =	vmov s9  }
.LBB2_29:
0x1bb: {  	p0 =	sne.s32 s5, $0x3F;
	v7 =	vld.idx.msk [tilespmem:v6+s21+$0x0], vm0;
	v6 =	vor.u32 v1, v4;
	v4 =	vand.u32 $0x38, v5  }
0x1bc: {  	v8 =	vor.u32 v2, v4;
	v9 =	vor.u32 v3, v6;
	v3 =	vand.u32 $0x7, v5  }
.Ltmp27:
0x1bd: {  	v6 =	vor.u32 v3, v8;
	(pc) =	sbr.rel @p0 .LBB2_29-.Ltmp27, $2  }
0x1be: {  	_ =	sdelay $0x2  }
0x1bf: {  	v5 =	vmov s5;
	s5 =	sadd.s32 $0x1, s5;
	[tilespmem:v9+s28+$0x0] =	vst.idx.msk vm1, v7;
	vm1 =	vmmov vm0  }
.Ltmp28:
0x1c0: {  	_ = 	snop;
	(pc) =	sbr.rel .LBB2_30-.Ltmp28, $1  }
0x1c1: {  	_ =	sdelay $0x3  }
.LBB2_32:
.Ltmp29:
0x1c2: {  	(pc) =	sbr.rel .LBB2_33-.Ltmp29, $2  }
0x1c3: {  	_ =	sdelay $0x2  }
0x1c4: {  	s2 =	simm.s32 $0x0  }
.LBB2_36:
0x1c5: {  	_ =	sdelay $0x3  }
0x1c6: {  	v7 =	vand.u32 $0x38, v5;
	v4 =	vor.u32 v1, v4  }
0x1c7: {  	v6 =	vld.idx.msk [tilespmem:v6+s21+$0x0], vm0;
	v63 =	vand.u32 $0x7, v5;
	v2 =	vor.u32 v2, v7;
	v3 =	vor.u32 v3, v4  }
0x1c8: {  	v2 =	vor.u32 v63, v2;
	_ =	sdelay $0x3  }
0x1c9: {  	v1 =	vor.u32 v1, v7;
	[tilespmem:v3+s28+$0x0] =	vst.idx.msk vm1, v6  }
0x1ca: {  	v1 =	vor.u32 v63, v1;
	v2 =	vld.idx.msk [tilespmem:v2+s21+$0x0], vm0;
	_ =	sdelay $0x4  }
0x1cb: {  	vm15 =	vmmov vm0;
	[tilespmem:v1+s28+$0x0] =	vst.idx.msk vm0, v2  }
.LBB2_37:
0x1cc: {  	s2 =	sadd.s32 $0x1, s2  }
0x1cd: {  	p0 =	sne.s32 s2, $0xD  }
.Ltmp30:
0x1ce: {  	_ = 	snop;
	(pc) =	sbr.rel @!p0 .LBB2_38-.Ltmp30, $1  }
0x1cf: {  	_ =	sdelay $0x3  }
.LBB2_33:
0x1d0: {  	s5 =	sshll.u32 s2, $0x4  }
0x1d1: {  	s5 =	smin.u32 s5, $0xB8  }
0x1d2: {  	v3 =	vld [tilespmem:s5+$0x3E8];
	_ =	sdelay $0x4  }
0x1d3: {  	v1 =	vxor.u32 $0x80000000, v3  }
0x1d4: {  	(xrf0) =	vmax.scan.msk.u32 $0xffff, v1;
	_ =	sdelay $0x5  }
0x1d5: {  	v1, _, _ =	vpop (xrf0)  }
0x1d6: {  	(v2sf) =	vpush v1, $0xF;
	_ =	sdelay $0xe  }
0x1d7: {  	s9 =	spop (v2sf)  }
0x1d8: {  	p0 =	slt.u32 s9, $0x800F4240  }
.Ltmp31:
0x1d9: {  	_ = 	snop;
	(pc) =	sbr.rel @p0 .LBB2_37-.Ltmp31, $1  }
0x1da: {  	_ =	sdelay $0x3  }
0x1db: {  	vm0 =	vgt.s32 v3, $0xF4240;
	s5 =	sadd.s32 $0xC8, s5  }
0x1dc: {  	s9 =	simm.s32 $0x0;
	v1 =	vnsel vm0, $0xF4240, v3;
	v2 =	vmov s5  }
0x1dd: {  	v5 =	vmov s9;
	v4 =	vshll.u32 v2, $0x6;
	v1 =	vshll.u32 v1, $0x6  }
0x1de: {  	v2 =	vadd.s32 $0xFC2F7000, v1;
	v1 =	vadd.s32 v0, v4;
	v4 =	vand.u32 $0x38, v5  }
0x1df: {  	vm0 =	vgt.s32 v3, $0xF423F;
	v3 =	vand.u32 $0x7, v5;
	v5 =	vor.u32 v2, v4  }
0x1e0: {  	v6 =	vor.u32 v3, v5;
	_ =	sdelay $0x2  }
0x1e1: {  	s9 =	simm.s32 $0x1  }
0x1e2: {  	s5 =	simm.s32 $0x2;
	vm1 =	vmmov vm0;
	v5 =	vmov s9  }
.LBB2_35:
0x1e3: {  	p0 =	sne.s32 s5, $0x3F;
	v7 =	vld.idx.msk [tilespmem:v6+s21+$0x0], vm0;
	v6 =	vor.u32 v1, v4;
	v4 =	vand.u32 $0x38, v5  }
0x1e4: {  	v8 =	vor.u32 v2, v4;
	v9 =	vor.u32 v3, v6;
	v3 =	vand.u32 $0x7, v5  }
.Ltmp32:
0x1e5: {  	v6 =	vor.u32 v3, v8;
	(pc) =	sbr.rel @p0 .LBB2_35-.Ltmp32, $2  }
0x1e6: {  	_ =	sdelay $0x2  }
0x1e7: {  	v5 =	vmov s5;
	s5 =	sadd.s32 $0x1, s5;
	[tilespmem:v9+s28+$0x0] =	vst.idx.msk vm1, v7;
	vm1 =	vmmov vm0  }
.Ltmp33:
0x1e8: {  	_ = 	snop;
	(pc) =	sbr.rel .LBB2_36-.Ltmp33, $1  }
0x1e9: {  	_ =	sdelay $0x3  }
.LBB2_38:
0x1ea: {  	s2 =	rddreg [dreg:$0xb]  }
0x1eb: {  	s2 =	sadd.s32 s30, s2  }
0x1ec: {  	s5 =	sadd.s32 $0x3200, s0;
	s2 =	smul.u32 $0x19, s2  }
0x1ed: {  	[hbm4b:s5+s3] =	stream.strided.scatter [tilespmem:s28], [sflag:$0x7], $0x6400, s25, s3, $0x38;
	[tilespmem:$0xD660] =	vst v63  }
0x1ee: {  	s9 =	simm.s32 $0x190;
	s5 =	sadd.s32 s1, s2;
	s2 =	simm.s32 $0x0  }
0x1ef: {  	[tilespmem:s9], [sflag:$0x2] =	stream.linear.gather [hbm4b:s5+s2], $0x190, $0x38;
	[tilespmem:$0xD660] =	vst v63  }
0x1f0: {  	_ =	swait.ge [sflag:s24], $0x190  }
0x1f1: {  	[sflag:s24] =	ssyncset.done $0x0  }
0x1f2: {  	[sflag:s24] =	ssyncadd.s32 $0xFFFFFE70  }
0x1f3: {  	v1 =	vld [tilespmem:$0x0]  }
0x1f4: {  	v2 =	vld [tilespmem:$0x10]  }
0x1f5: {  	v3 =	vld [tilespmem:$0x20]  }
0x1f6: {  	v4 =	vld [tilespmem:$0x30]  }
0x1f7: {  	v5 =	vld [tilespmem:$0x40]  }
0x1f8: {  	v6 =	vld [tilespmem:$0x50];
	vm0 =	vgt.s32 v1, $0xF423F  }
0x1f9: {  	v7 =	vld [tilespmem:$0x60];
	vm15 =	vgt.s32 v2, $0xF423F;
	v1 =	vsel vm0, $0x0, v1  }
0x1fa: {  	vm4 =	vgt.s32 v3, $0xF423F;
	[tilespmem:$0x640] =	vst v1;
	v1 =	vsel vm15, $0x0, v2;
	v2 =	vld [tilespmem:$0x70]  }
0x1fb: {  	vm5 =	vgt.s32 v4, $0xF423F;
	[tilespmem:$0x650] =	vst v1;
	v1 =	vsel vm4, $0x0, v3;
	v3 =	vld [tilespmem:$0x80]  }
0x1fc: {  	v52 =	vld [tilespmem:$0x90];
	vm6 =	vgt.s32 v5, $0xF423F;
	[tilespmem:$0x660] =	vst v1;
	v1 =	vsel vm5, $0x0, v4  }
0x1fd: {  	v53 =	vld [tilespmem:$0xA0];
	vm7 =	vgt.s32 v6, $0xF423F;
	[tilespmem:$0x670] =	vst v1;
	v1 =	vsel vm6, $0x0, v5  }
0x1fe: {  	v54 =	vld [tilespmem:$0xB0];
	vm8 =	vgt.s32 v7, $0xF423F;
	[tilespmem:$0x680] =	vst v1;
	v1 =	vsel vm7, $0x0, v6  }
0x1ff: {  	v55 =	vld [tilespmem:$0xB8];
	[tilespmem:$0x690] =	vst v1;
	v1 =	vsel vm8, $0x0, v7;
	vm9 =	vgt.s32 v2, $0xF423F  }
0x200: {  	[tilespmem:$0x6A0] =	vst v1;
	v1 =	vsel vm9, $0x0, v2;
	vm10 =	vgt.s32 v3, $0xF423F;
	v2 =	vld [tilespmem:$0xC8]  }
0x201: {  	vm11 =	vgt.s32 v52, $0xF423F;
	[tilespmem:$0x6B0] =	vst v1;
	v1 =	vsel vm10, $0x0, v3;
	v3 =	vld [tilespmem:$0xD8]  }
0x202: {  	v56 =	vld [tilespmem:$0xE8];
	vm12 =	vgt.s32 v53, $0xF423F;
	[tilespmem:$0x6C0] =	vst v1;
	v1 =	vsel vm11, $0x0, v52  }
0x203: {  	v57 =	vld [tilespmem:$0xF8];
	vm13 =	vgt.s32 v54, $0xF423F;
	[tilespmem:$0x6D0] =	vst v1;
	v1 =	vsel vm12, $0x0, v53  }
0x204: {  	v58 =	vld [tilespmem:$0x108];
	vm14 =	vgt.s32 v55, $0xF423F;
	[tilespmem:$0x6E0] =	vst v1;
	v1 =	vsel vm13, $0x0, v54  }
0x205: {  	v59 =	vld [tilespmem:$0x118];
	[tilespmem:$0x6F0] =	vst v1;
	v1 =	vsel vm14, $0x0, v55;
	vm15 =	vgt.s32 v2, $0xF423F  }
0x206: {  	[tilespmem:$0x6F8] =	vst v1;
	v1 =	vsel vm15, $0x0, v2;
	vm4 =	vgt.s32 v3, $0xF423F;
	v2 =	vld [tilespmem:$0x128]  }
0x207: {  	vm5 =	vgt.s32 v56, $0xF423F;
	[tilespmem:$0x708] =	vst v1;
	v1 =	vsel vm4, $0x0, v3;
	v3 =	vld [tilespmem:$0x138]  }
0x208: {  	v60 =	vld [tilespmem:$0x148];
	vm6 =	vgt.s32 v57, $0xF423F;
	[tilespmem:$0x718] =	vst v1;
	v1 =	vsel vm5, $0x0, v56  }
0x209: {  	v61 =	vld [tilespmem:$0x158];
	vm7 =	vgt.s32 v58, $0xF423F;
	[tilespmem:$0x728] =	vst v1;
	v1 =	vsel vm6, $0x0, v57  }
0x20a: {  	v62 =	vld [tilespmem:$0x168];
	vm8 =	vgt.s32 v59, $0xF423F;
	[tilespmem:$0x738] =	vst v1;
	v1 =	vsel vm7, $0x0, v58  }
0x20b: {  	v63 =	vld [tilespmem:$0x178];
	[tilespmem:$0x748] =	vst v1;
	v1 =	vsel vm8, $0x0, v59;
	vm9 =	vgt.s32 v2, $0xF423F  }
0x20c: {  	[tilespmem:$0x758] =	vst v1;
	v1 =	vsel vm9, $0x0, v2;
	vm10 =	vgt.s32 v3, $0xF423F;
	v2 =	vld [tilespmem:$0x180]  }
0x20d: {  	vm11 =	vgt.s32 v60, $0xF423F;
	[tilespmem:$0x768] =	vst v1;
	v1 =	vsel vm10, $0x0, v3  }
0x20e: {  	vm12 =	vgt.s32 v61, $0xF423F;
	[tilespmem:$0x778] =	vst v1;
	v1 =	vsel vm11, $0x0, v60  }
0x20f: {  	vm13 =	vgt.s32 v62, $0xF423F;
	[tilespmem:$0x788] =	vst v1;
	v1 =	vsel vm12, $0x0, v61  }
0x210: {  	vm14 =	vgt.s32 v63, $0xF423F;
	[tilespmem:$0x798] =	vst v1;
	v1 =	vsel vm13, $0x0, v62  }
0x211: {  	[tilespmem:$0x7A8] =	vst v1;
	v1 =	vsel vm14, $0x0, v63;
	vm15 =	vgt.s32 v2, $0xF423F  }
0x212: {  	[tilespmem:$0x7B8] =	vst v1;
	v1 =	vsel vm15, $0x0, v2  }
0x213: {  	[tilespmem:$0x7C0] =	vst v1  }
0x214: {  	_ =	swait.ge [sflag:s13], $0x6400  }
0x215: {  	[sflag:s13] =	ssyncset.done $0x0  }
0x216: {  	s9 =	simm.s32 $0x640;
	[sflag:s13] =	ssyncadd.s32 $0xFFFF9C00  }
0x217: {  	[tilespmem:s28], [sflag:$0x5] =	stream.indirect.gather [hbm4b:s4+s25], $0x40, s9, s25, $0xb8;
	[tilespmem:$0xD660] =	vst v63  }
0x218: {  	s5 =	simm.s32 $0x6C0;
	s9 =	simm.s32 $0x2960  }
0x219: {  	[tilespmem:s9], [sflag:$0x5] =	stream.indirect.gather [hbm4b:s4+s29], $0x40, s5, s29, $0xb8;
	[tilespmem:$0xD660] =	vst v63  }
0x21a: {  	s5 =	simm.s32 $0x708;
	s9 =	simm.s32 $0x3B60  }
0x21b: {  	[tilespmem:s9], [sflag:$0x5] =	stream.indirect.gather [hbm4b:s4+s25], $0x40, s5, s25, $0xb8;
	[tilespmem:$0xD660] =	vst v63  }
.Ltmp34:
0x21c: {  	s5 =	simm.s32 $0x788;
	s9 =	simm.s32 $0x5B60;
	(pc) =	sbr.rel .LBB2_39-.Ltmp34, $4  }
0x21d: {  	[tilespmem:s9], [sflag:$0x5] =	stream.indirect.gather [hbm4b:s4+s29], $0x40, s5, s29, $0xb8;
	[tilespmem:$0xD660] =	vst v63  }
0x21e: {  	_ =	swait.ge [sflag:s14], $0x6400  }
0x21f: {  	[sflag:s14] =	ssyncset.done $0x0  }
0x220: {  	[sflag:s14] =	ssyncadd.s32 $0xFFFF9C00  }
.LBB2_42:
0x221: {  	_ =	sdelay $0x3  }
0x222: {  	v7 =	vand.u32 $0x38, v5;
	v4 =	vor.u32 v1, v4  }
0x223: {  	v6 =	vld.idx.msk [tilespmem:v6+s21+$0x0], vm0;
	v63 =	vand.u32 $0x7, v5;
	v2 =	vor.u32 v2, v7;
	v3 =	vor.u32 v3, v4  }
0x224: {  	v2 =	vor.u32 v63, v2;
	_ =	sdelay $0x3  }
0x225: {  	v1 =	vor.u32 v1, v7;
	[tilespmem:v3+s17+$0x0] =	vst.idx.msk vm1, v6  }
0x226: {  	v1 =	vor.u32 v63, v1;
	v2 =	vld.idx.msk [tilespmem:v2+s21+$0x0], vm0;
	_ =	sdelay $0x4  }
0x227: {  	vm15 =	vmmov vm0;
	[tilespmem:v1+s17+$0x0] =	vst.idx.msk vm0, v2  }
.LBB2_43:
0x228: {  	s2 =	sadd.s32 $0x1, s2  }
0x229: {  	p0 =	sne.s32 s2, $0xD  }
.Ltmp35:
0x22a: {  	_ = 	snop;
	(pc) =	sbr.rel @!p0 .LBB2_44-.Ltmp35, $1  }
0x22b: {  	_ =	sdelay $0x3  }
.LBB2_39:
0x22c: {  	s5 =	sshll.u32 s2, $0x4  }
0x22d: {  	s5 =	smin.u32 s5, $0xB8  }
0x22e: {  	v3 =	vld [tilespmem:s5+$0x4B0];
	_ =	sdelay $0x4  }
0x22f: {  	v1 =	vxor.u32 $0x80000000, v3  }
0x230: {  	(xrf0) =	vmax.scan.msk.u32 $0xffff, v1;
	_ =	sdelay $0x5  }
0x231: {  	v1, _, _ =	vpop (xrf0)  }
0x232: {  	(v2sf) =	vpush v1, $0xF;
	_ =	sdelay $0xe  }
0x233: {  	s9 =	spop (v2sf)  }
0x234: {  	p0 =	slt.u32 s9, $0x800F4240  }
.Ltmp36:
0x235: {  	_ = 	snop;
	(pc) =	sbr.rel @p0 .LBB2_43-.Ltmp36, $1  }
0x236: {  	_ =	sdelay $0x3  }
0x237: {  	vm0 =	vgt.s32 v3, $0xF4240  }
0x238: {  	v2 =	vmov s5;
	s9 =	simm.s32 $0x0;
	v1 =	vnsel vm0, $0xF4240, v3  }
0x239: {  	v4 =	vshll.u32 v2, $0x6;
	v5 =	vmov s9;
	v1 =	vshll.u32 v1, $0x6  }
0x23a: {  	v2 =	vadd.s32 $0xFC2F7000, v1;
	v1 =	vadd.s32 v0, v4;
	v4 =	vand.u32 $0x38, v5  }
0x23b: {  	vm0 =	vgt.s32 v3, $0xF423F;
	v3 =	vand.u32 $0x7, v5;
	v5 =	vor.u32 v2, v4  }
0x23c: {  	v6 =	vor.u32 v3, v5;
	_ =	sdelay $0x2  }
0x23d: {  	s9 =	simm.s32 $0x1  }
0x23e: {  	s5 =	simm.s32 $0x2;
	vm1 =	vmmov vm0;
	v5 =	vmov s9  }
.LBB2_41:
0x23f: {  	p0 =	sne.s32 s5, $0x3F;
	v7 =	vld.idx.msk [tilespmem:v6+s21+$0x0], vm0;
	v6 =	vor.u32 v1, v4;
	v4 =	vand.u32 $0x38, v5  }
0x240: {  	v8 =	vor.u32 v2, v4;
	v9 =	vor.u32 v3, v6;
	v3 =	vand.u32 $0x7, v5  }
.Ltmp37:
0x241: {  	v6 =	vor.u32 v3, v8;
	(pc) =	sbr.rel @p0 .LBB2_41-.Ltmp37, $2  }
0x242: {  	_ =	sdelay $0x2  }
0x243: {  	v5 =	vmov s5;
	s5 =	sadd.s32 $0x1, s5;
	[tilespmem:v9+s17+$0x0] =	vst.idx.msk vm1, v7;
	vm1 =	vmmov vm0  }
.Ltmp38:
0x244: {  	_ = 	snop;
	(pc) =	sbr.rel .LBB2_42-.Ltmp38, $1  }
0x245: {  	_ =	sdelay $0x3  }
.LBB2_44:
.Ltmp39:
0x246: {  	(pc) =	sbr.rel .LBB2_45-.Ltmp39, $2  }
0x247: {  	_ =	sdelay $0x2  }
0x248: {  	s2 =	simm.s32 $0x0  }
.LBB2_48:
0x249: {  	_ =	sdelay $0x3  }
0x24a: {  	v7 =	vand.u32 $0x38, v5;
	v4 =	vor.u32 v1, v4  }
0x24b: {  	v6 =	vld.idx.msk [tilespmem:v6+s21+$0x0], vm0;
	v63 =	vand.u32 $0x7, v5;
	v2 =	vor.u32 v2, v7;
	v3 =	vor.u32 v3, v4  }
0x24c: {  	v2 =	vor.u32 v63, v2;
	_ =	sdelay $0x3  }
0x24d: {  	v1 =	vor.u32 v1, v7;
	[tilespmem:v3+s17+$0x0] =	vst.idx.msk vm1, v6  }
0x24e: {  	v1 =	vor.u32 v63, v1;
	v2 =	vld.idx.msk [tilespmem:v2+s21+$0x0], vm0;
	_ =	sdelay $0x4  }
0x24f: {  	vm15 =	vmmov vm0;
	[tilespmem:v1+s17+$0x0] =	vst.idx.msk vm0, v2  }
.LBB2_49:
0x250: {  	s2 =	sadd.s32 $0x1, s2  }
0x251: {  	p0 =	sne.s32 s2, $0xD  }
.Ltmp40:
0x252: {  	_ = 	snop;
	(pc) =	sbr.rel @!p0 .LBB2_50-.Ltmp40, $1  }
0x253: {  	_ =	sdelay $0x3  }
.LBB2_45:
0x254: {  	s5 =	sshll.u32 s2, $0x4  }
0x255: {  	s5 =	smin.u32 s5, $0xB8  }
0x256: {  	v3 =	vld [tilespmem:s5+$0x578];
	_ =	sdelay $0x4  }
0x257: {  	v1 =	vxor.u32 $0x80000000, v3  }
0x258: {  	(xrf0) =	vmax.scan.msk.u32 $0xffff, v1;
	_ =	sdelay $0x5  }
0x259: {  	v1, _, _ =	vpop (xrf0)  }
0x25a: {  	(v2sf) =	vpush v1, $0xF;
	_ =	sdelay $0xe  }
0x25b: {  	s9 =	spop (v2sf)  }
0x25c: {  	p0 =	slt.u32 s9, $0x800F4240  }
.Ltmp41:
0x25d: {  	_ = 	snop;
	(pc) =	sbr.rel @p0 .LBB2_49-.Ltmp41, $1  }
0x25e: {  	_ =	sdelay $0x3  }
0x25f: {  	vm0 =	vgt.s32 v3, $0xF4240;
	s5 =	sadd.s32 $0xC8, s5  }
0x260: {  	s9 =	simm.s32 $0x0;
	v1 =	vnsel vm0, $0xF4240, v3;
	v2 =	vmov s5  }
0x261: {  	v5 =	vmov s9;
	v4 =	vshll.u32 v2, $0x6;
	v1 =	vshll.u32 v1, $0x6  }
0x262: {  	v2 =	vadd.s32 $0xFC2F7000, v1;
	v1 =	vadd.s32 v0, v4;
	v4 =	vand.u32 $0x38, v5  }
0x263: {  	vm0 =	vgt.s32 v3, $0xF423F;
	v3 =	vand.u32 $0x7, v5;
	v5 =	vor.u32 v2, v4  }
0x264: {  	v6 =	vor.u32 v3, v5;
	_ =	sdelay $0x2  }
0x265: {  	s9 =	simm.s32 $0x1  }
0x266: {  	s5 =	simm.s32 $0x2;
	vm1 =	vmmov vm0;
	v5 =	vmov s9  }
.LBB2_47:
0x267: {  	p0 =	sne.s32 s5, $0x3F;
	v7 =	vld.idx.msk [tilespmem:v6+s21+$0x0], vm0;
	v6 =	vor.u32 v1, v4;
	v4 =	vand.u32 $0x38, v5  }
0x268: {  	v8 =	vor.u32 v2, v4;
	v9 =	vor.u32 v3, v6;
	v3 =	vand.u32 $0x7, v5  }
.Ltmp42:
0x269: {  	v6 =	vor.u32 v3, v8;
	(pc) =	sbr.rel @p0 .LBB2_47-.Ltmp42, $2  }
0x26a: {  	_ =	sdelay $0x2  }
0x26b: {  	v5 =	vmov s5;
	s5 =	sadd.s32 $0x1, s5;
	[tilespmem:v9+s17+$0x0] =	vst.idx.msk vm1, v7;
	vm1 =	vmmov vm0  }
.Ltmp43:
0x26c: {  	_ = 	snop;
	(pc) =	sbr.rel .LBB2_48-.Ltmp43, $1  }
0x26d: {  	_ =	sdelay $0x3  }
.LBB2_50:
0x26e: {  	s2 =	rddreg [dreg:$0xc]  }
0x26f: {  	s2 =	sadd.s32 s30, s2  }
0x270: {  	s0 =	sadd.s32 $0x4B00, s0;
	s2 =	smul.u32 $0x19, s2  }
0x271: {  	[hbm4b:s0+s3] =	stream.strided.scatter [tilespmem:s17], [sflag:$0x8], $0x6400, s25, s3, $0x38;
	[tilespmem:$0xD660] =	vst v63  }
0x272: {  	s5 =	simm.s32 $0x320;
	s0 =	simm.s32 $0x0;
	s2 =	sadd.s32 s1, s2  }
0x273: {  	[tilespmem:s5], [sflag:$0x3] =	stream.linear.gather [hbm4b:s2+s0], $0x190, $0x38;
	[tilespmem:$0xD660] =	vst v63  }
0x274: {  	_ =	swait.ge [sflag:s11], $0x190  }
0x275: {  	[sflag:s11] =	ssyncset.done $0x0  }
0x276: {  	[sflag:s11] =	ssyncadd.s32 $0xFFFFFE70  }
0x277: {  	v1 =	vld [tilespmem:$0x190]  }
0x278: {  	v2 =	vld [tilespmem:$0x1A0]  }
0x279: {  	v3 =	vld [tilespmem:$0x1B0]  }
0x27a: {  	v4 =	vld [tilespmem:$0x1C0]  }
0x27b: {  	v5 =	vld [tilespmem:$0x1D0]  }
0x27c: {  	v6 =	vld [tilespmem:$0x1E0];
	vm0 =	vgt.s32 v1, $0xF423F  }
0x27d: {  	v7 =	vld [tilespmem:$0x1F0];
	vm15 =	vgt.s32 v2, $0xF423F;
	v1 =	vsel vm0, $0x0, v1  }
0x27e: {  	vm4 =	vgt.s32 v3, $0xF423F;
	[tilespmem:$0x7D0] =	vst v1;
	v1 =	vsel vm15, $0x0, v2;
	v2 =	vld [tilespmem:$0x200]  }
0x27f: {  	vm5 =	vgt.s32 v4, $0xF423F;
	[tilespmem:$0x7E0] =	vst v1;
	v1 =	vsel vm4, $0x0, v3;
	v3 =	vld [tilespmem:$0x210]  }
0x280: {  	v52 =	vld [tilespmem:$0x220];
	vm6 =	vgt.s32 v5, $0xF423F;
	[tilespmem:$0x7F0] =	vst v1;
	v1 =	vsel vm5, $0x0, v4  }
0x281: {  	v53 =	vld [tilespmem:$0x230];
	vm7 =	vgt.s32 v6, $0xF423F;
	[tilespmem:$0x800] =	vst v1;
	v1 =	vsel vm6, $0x0, v5  }
0x282: {  	v54 =	vld [tilespmem:$0x240];
	vm8 =	vgt.s32 v7, $0xF423F;
	[tilespmem:$0x810] =	vst v1;
	v1 =	vsel vm7, $0x0, v6  }
0x283: {  	v55 =	vld [tilespmem:$0x248];
	[tilespmem:$0x820] =	vst v1;
	v1 =	vsel vm8, $0x0, v7;
	vm9 =	vgt.s32 v2, $0xF423F  }
0x284: {  	[tilespmem:$0x830] =	vst v1;
	v1 =	vsel vm9, $0x0, v2;
	vm10 =	vgt.s32 v3, $0xF423F;
	v2 =	vld [tilespmem:$0x258]  }
0x285: {  	vm11 =	vgt.s32 v52, $0xF423F;
	[tilespmem:$0x840] =	vst v1;
	v1 =	vsel vm10, $0x0, v3;
	v3 =	vld [tilespmem:$0x268]  }
0x286: {  	v56 =	vld [tilespmem:$0x278];
	vm12 =	vgt.s32 v53, $0xF423F;
	[tilespmem:$0x850] =	vst v1;
	v1 =	vsel vm11, $0x0, v52  }
0x287: {  	v57 =	vld [tilespmem:$0x288];
	vm13 =	vgt.s32 v54, $0xF423F;
	[tilespmem:$0x860] =	vst v1;
	v1 =	vsel vm12, $0x0, v53  }
0x288: {  	v58 =	vld [tilespmem:$0x298];
	vm14 =	vgt.s32 v55, $0xF423F;
	[tilespmem:$0x870] =	vst v1;
	v1 =	vsel vm13, $0x0, v54  }
0x289: {  	v59 =	vld [tilespmem:$0x2A8];
	[tilespmem:$0x880] =	vst v1;
	v1 =	vsel vm14, $0x0, v55;
	vm15 =	vgt.s32 v2, $0xF423F  }
0x28a: {  	[tilespmem:$0x888] =	vst v1;
	v1 =	vsel vm15, $0x0, v2;
	vm4 =	vgt.s32 v3, $0xF423F;
	v2 =	vld [tilespmem:$0x2B8]  }
0x28b: {  	vm5 =	vgt.s32 v56, $0xF423F;
	[tilespmem:$0x898] =	vst v1;
	v1 =	vsel vm4, $0x0, v3;
	v3 =	vld [tilespmem:$0x2C8]  }
0x28c: {  	v60 =	vld [tilespmem:$0x2D8];
	vm6 =	vgt.s32 v57, $0xF423F;
	[tilespmem:$0x8A8] =	vst v1;
	v1 =	vsel vm5, $0x0, v56  }
0x28d: {  	v61 =	vld [tilespmem:$0x2E8];
	vm7 =	vgt.s32 v58, $0xF423F;
	[tilespmem:$0x8B8] =	vst v1;
	v1 =	vsel vm6, $0x0, v57  }
0x28e: {  	v62 =	vld [tilespmem:$0x2F8];
	vm8 =	vgt.s32 v59, $0xF423F;
	[tilespmem:$0x8C8] =	vst v1;
	v1 =	vsel vm7, $0x0, v58  }
0x28f: {  	v63 =	vld [tilespmem:$0x308];
	[tilespmem:$0x8D8] =	vst v1;
	v1 =	vsel vm8, $0x0, v59;
	vm9 =	vgt.s32 v2, $0xF423F  }
0x290: {  	[tilespmem:$0x8E8] =	vst v1;
	v1 =	vsel vm9, $0x0, v2;
	vm10 =	vgt.s32 v3, $0xF423F;
	v2 =	vld [tilespmem:$0x310]  }
0x291: {  	vm11 =	vgt.s32 v60, $0xF423F;
	[tilespmem:$0x8F8] =	vst v1;
	v1 =	vsel vm10, $0x0, v3  }
0x292: {  	vm12 =	vgt.s32 v61, $0xF423F;
	[tilespmem:$0x908] =	vst v1;
	v1 =	vsel vm11, $0x0, v60  }
0x293: {  	vm13 =	vgt.s32 v62, $0xF423F;
	[tilespmem:$0x918] =	vst v1;
	v1 =	vsel vm12, $0x0, v61  }
0x294: {  	vm14 =	vgt.s32 v63, $0xF423F;
	[tilespmem:$0x928] =	vst v1;
	v1 =	vsel vm13, $0x0, v62  }
0x295: {  	[tilespmem:$0x938] =	vst v1;
	v1 =	vsel vm14, $0x0, v63;
	vm15 =	vgt.s32 v2, $0xF423F  }
0x296: {  	[tilespmem:$0x948] =	vst v1;
	v1 =	vsel vm15, $0x0, v2  }
0x297: {  	[tilespmem:$0x950] =	vst v1  }
0x298: {  	_ =	swait.ge [sflag:s16], $0x6400  }
0x299: {  	[sflag:s16] =	ssyncset.done $0x0  }
0x29a: {  	[sflag:s16] =	ssyncadd.s32 $0xFFFF9C00  }
0x29b: {  	[tilespmem:s17], [sflag:$0x6] =	stream.indirect.gather [hbm4b:s4+s25], $0x40, s12, s25, $0xb8;
	[tilespmem:$0xD660] =	vst v63  }
0x29c: {  	_ = 	snop  }
0x29d: {  	[tilespmem:s19], [sflag:$0x6] =	stream.indirect.gather [hbm4b:s4+s29], $0x40, s18, s29, $0xb8;
	[tilespmem:$0xD660] =	vst v63  }
0x29e: {  	_ = 	snop  }
0x29f: {  	[tilespmem:s8], [sflag:$0x6] =	stream.indirect.gather [hbm4b:s4+s25], $0x40, s20, s25, $0xb8;
	[tilespmem:$0xD660] =	vst v63  }
.Ltmp44:
0x2a0: {  	_ = 	snop;
	(pc) =	sbr.rel .LBB2_51-.Ltmp44, $4  }
0x2a1: {  	[tilespmem:s23], [sflag:$0x6] =	stream.indirect.gather [hbm4b:s4+s29], $0x40, s22, s29, $0xb8;
	[tilespmem:$0xD660] =	vst v63  }
0x2a2: {  	_ =	swait.ge [sflag:s10], $0x6400  }
0x2a3: {  	[sflag:s10] =	ssyncset.done $0x0  }
0x2a4: {  	[sflag:s10] =	ssyncadd.s32 $0xFFFF9C00  }
.LBB2_54:
0x2a5: {  	_ =	sdelay $0x3  }
0x2a6: {  	v7 =	vand.u32 $0x38, v5;
	v4 =	vor.u32 v1, v4  }
0x2a7: {  	v6 =	vld.idx.msk [tilespmem:v6+s21+$0x0], vm0;
	v63 =	vand.u32 $0x7, v5;
	v2 =	vor.u32 v2, v7;
	v3 =	vor.u32 v3, v4  }
0x2a8: {  	v2 =	vor.u32 v63, v2;
	_ =	sdelay $0x3  }
0x2a9: {  	v1 =	vor.u32 v1, v7;
	[tilespmem:v3+s28+$0x0] =	vst.idx.msk vm1, v6  }
0x2aa: {  	v1 =	vor.u32 v63, v1;
	v2 =	vld.idx.msk [tilespmem:v2+s21+$0x0], vm0;
	_ =	sdelay $0x4  }
0x2ab: {  	vm15 =	vmmov vm0;
	[tilespmem:v1+s28+$0x0] =	vst.idx.msk vm0, v2  }
.LBB2_55:
0x2ac: {  	s0 =	sadd.s32 $0x1, s0  }
0x2ad: {  	p0 =	sne.s32 s0, $0xD  }
.Ltmp45:
0x2ae: {  	_ = 	snop;
	(pc) =	sbr.rel @!p0 .LBB2_56-.Ltmp45, $1  }
0x2af: {  	_ =	sdelay $0x3  }
.LBB2_51:
0x2b0: {  	s2 =	sshll.u32 s0, $0x4  }
0x2b1: {  	s2 =	smin.u32 s2, $0xB8  }
0x2b2: {  	v3 =	vld [tilespmem:s2+$0x0];
	_ =	sdelay $0x4  }
0x2b3: {  	v1 =	vxor.u32 $0x80000000, v3  }
0x2b4: {  	(xrf0) =	vmax.scan.msk.u32 $0xffff, v1;
	_ =	sdelay $0x5  }
0x2b5: {  	v1, _, _ =	vpop (xrf0)  }
0x2b6: {  	(v2sf) =	vpush v1, $0xF;
	_ =	sdelay $0xe  }
0x2b7: {  	s5 =	spop (v2sf)  }
0x2b8: {  	p0 =	slt.u32 s5, $0x800F4240  }
.Ltmp46:
0x2b9: {  	_ = 	snop;
	(pc) =	sbr.rel @p0 .LBB2_55-.Ltmp46, $1  }
0x2ba: {  	_ =	sdelay $0x3  }
0x2bb: {  	vm0 =	vgt.s32 v3, $0xF4240  }
0x2bc: {  	v2 =	vmov s2;
	s5 =	simm.s32 $0x0;
	v1 =	vnsel vm0, $0xF4240, v3  }
0x2bd: {  	v4 =	vshll.u32 v2, $0x6;
	v5 =	vmov s5;
	v1 =	vshll.u32 v1, $0x6  }
0x2be: {  	v2 =	vadd.s32 $0xFC2F7000, v1;
	v1 =	vadd.s32 v0, v4;
	v4 =	vand.u32 $0x38, v5  }
0x2bf: {  	vm0 =	vgt.s32 v3, $0xF423F;
	v3 =	vand.u32 $0x7, v5;
	v5 =	vor.u32 v2, v4  }
0x2c0: {  	v6 =	vor.u32 v3, v5;
	_ =	sdelay $0x2  }
0x2c1: {  	s9 =	simm.s32 $0x1  }
0x2c2: {  	s2 =	simm.s32 $0x2;
	vm1 =	vmmov vm0;
	v5 =	vmov s9  }
.LBB2_53:
0x2c3: {  	p0 =	sne.s32 s2, $0x3F;
	v7 =	vld.idx.msk [tilespmem:v6+s21+$0x0], vm0;
	v6 =	vor.u32 v1, v4;
	v4 =	vand.u32 $0x38, v5  }
0x2c4: {  	v8 =	vor.u32 v2, v4;
	v9 =	vor.u32 v3, v6;
	v3 =	vand.u32 $0x7, v5  }
.Ltmp47:
0x2c5: {  	v6 =	vor.u32 v3, v8;
	(pc) =	sbr.rel @p0 .LBB2_53-.Ltmp47, $2  }
0x2c6: {  	_ =	sdelay $0x2  }
0x2c7: {  	v5 =	vmov s2;
	s2 =	sadd.s32 $0x1, s2;
	[tilespmem:v9+s28+$0x0] =	vst.idx.msk vm1, v7;
	vm1 =	vmmov vm0  }
.Ltmp48:
0x2c8: {  	_ = 	snop;
	(pc) =	sbr.rel .LBB2_54-.Ltmp48, $1  }
0x2c9: {  	_ =	sdelay $0x3  }
.LBB2_56:
.Ltmp49:
0x2ca: {  	(pc) =	sbr.rel .LBB2_57-.Ltmp49, $2  }
0x2cb: {  	_ =	sdelay $0x2  }
0x2cc: {  	s0 =	simm.s32 $0x0  }
.LBB2_60:
0x2cd: {  	_ =	sdelay $0x3  }
0x2ce: {  	v7 =	vand.u32 $0x38, v5;
	v4 =	vor.u32 v1, v4  }
0x2cf: {  	v6 =	vld.idx.msk [tilespmem:v6+s21+$0x0], vm0;
	v63 =	vand.u32 $0x7, v5;
	v2 =	vor.u32 v2, v7;
	v3 =	vor.u32 v3, v4  }
0x2d0: {  	v2 =	vor.u32 v63, v2;
	_ =	sdelay $0x3  }
0x2d1: {  	v1 =	vor.u32 v1, v7;
	[tilespmem:v3+s28+$0x0] =	vst.idx.msk vm1, v6  }
0x2d2: {  	v1 =	vor.u32 v63, v1;
	v2 =	vld.idx.msk [tilespmem:v2+s21+$0x0], vm0;
	_ =	sdelay $0x4  }
0x2d3: {  	vm15 =	vmmov vm0;
	[tilespmem:v1+s28+$0x0] =	vst.idx.msk vm0, v2  }
.LBB2_61:
0x2d4: {  	s0 =	sadd.s32 $0x1, s0  }
0x2d5: {  	p0 =	sne.s32 s0, $0xD  }
.Ltmp50:
0x2d6: {  	_ = 	snop;
	(pc) =	sbr.rel @!p0 .LBB2_62-.Ltmp50, $1  }
0x2d7: {  	_ =	sdelay $0x3  }
.LBB2_57:
0x2d8: {  	s2 =	sshll.u32 s0, $0x4  }
0x2d9: {  	s2 =	smin.u32 s2, $0xB8  }
0x2da: {  	v3 =	vld [tilespmem:s2+$0xC8];
	_ =	sdelay $0x4  }
0x2db: {  	v1 =	vxor.u32 $0x80000000, v3  }
0x2dc: {  	(xrf0) =	vmax.scan.msk.u32 $0xffff, v1;
	_ =	sdelay $0x5  }
0x2dd: {  	v1, _, _ =	vpop (xrf0)  }
0x2de: {  	(v2sf) =	vpush v1, $0xF;
	_ =	sdelay $0xe  }
0x2df: {  	s5 =	spop (v2sf)  }
0x2e0: {  	p0 =	slt.u32 s5, $0x800F4240  }
.Ltmp51:
0x2e1: {  	_ = 	snop;
	(pc) =	sbr.rel @p0 .LBB2_61-.Ltmp51, $1  }
0x2e2: {  	_ =	sdelay $0x3  }
0x2e3: {  	vm0 =	vgt.s32 v3, $0xF4240;
	s2 =	sadd.s32 $0xC8, s2  }
0x2e4: {  	s5 =	simm.s32 $0x0;
	v1 =	vnsel vm0, $0xF4240, v3;
	v2 =	vmov s2  }
0x2e5: {  	v5 =	vmov s5;
	v4 =	vshll.u32 v2, $0x6;
	v1 =	vshll.u32 v1, $0x6  }
0x2e6: {  	v2 =	vadd.s32 $0xFC2F7000, v1;
	v1 =	vadd.s32 v0, v4;
	v4 =	vand.u32 $0x38, v5  }
0x2e7: {  	vm0 =	vgt.s32 v3, $0xF423F;
	v3 =	vand.u32 $0x7, v5;
	v5 =	vor.u32 v2, v4  }
0x2e8: {  	v6 =	vor.u32 v3, v5;
	_ =	sdelay $0x2  }
0x2e9: {  	s9 =	simm.s32 $0x1  }
0x2ea: {  	s2 =	simm.s32 $0x2;
	vm1 =	vmmov vm0;
	v5 =	vmov s9  }
.LBB2_59:
0x2eb: {  	p0 =	sne.s32 s2, $0x3F;
	v7 =	vld.idx.msk [tilespmem:v6+s21+$0x0], vm0;
	v6 =	vor.u32 v1, v4;
	v4 =	vand.u32 $0x38, v5  }
0x2ec: {  	v8 =	vor.u32 v2, v4;
	v9 =	vor.u32 v3, v6;
	v3 =	vand.u32 $0x7, v5  }
.Ltmp52:
0x2ed: {  	v6 =	vor.u32 v3, v8;
	(pc) =	sbr.rel @p0 .LBB2_59-.Ltmp52, $2  }
0x2ee: {  	_ =	sdelay $0x2  }
0x2ef: {  	v5 =	vmov s2;
	s2 =	sadd.s32 $0x1, s2;
	[tilespmem:v9+s28+$0x0] =	vst.idx.msk vm1, v7;
	vm1 =	vmmov vm0  }
.Ltmp53:
0x2f0: {  	_ = 	snop;
	(pc) =	sbr.rel .LBB2_60-.Ltmp53, $1  }
0x2f1: {  	_ =	sdelay $0x3  }
.LBB2_63:
0x2f2: {  	_ =	swait.ge [sflag:s7], $0x190  }
0x2f3: {  	[sflag:s7] =	ssyncset.done $0x0  }
0x2f4: {  	[sflag:s7] =	ssyncadd.s32 $0xFFFFFE70  }
0x2f5: {  	v1 =	vld [tilespmem:$0x320]  }
0x2f6: {  	v2 =	vld [tilespmem:$0x330]  }
0x2f7: {  	v3 =	vld [tilespmem:$0x340]  }
0x2f8: {  	v4 =	vld [tilespmem:$0x350]  }
0x2f9: {  	v5 =	vld [tilespmem:$0x360]  }
0x2fa: {  	v6 =	vld [tilespmem:$0x370];
	vm0 =	vgt.s32 v1, $0xF423F  }
0x2fb: {  	v7 =	vld [tilespmem:$0x380];
	vm15 =	vgt.s32 v2, $0xF423F;
	v1 =	vsel vm0, $0x0, v1  }
0x2fc: {  	vm4 =	vgt.s32 v3, $0xF423F;
	[tilespmem:$0x640] =	vst v1;
	v1 =	vsel vm15, $0x0, v2;
	v2 =	vld [tilespmem:$0x390]  }
0x2fd: {  	vm5 =	vgt.s32 v4, $0xF423F;
	[tilespmem:$0x650] =	vst v1;
	v1 =	vsel vm4, $0x0, v3;
	v3 =	vld [tilespmem:$0x3A0]  }
0x2fe: {  	v52 =	vld [tilespmem:$0x3B0];
	vm6 =	vgt.s32 v5, $0xF423F;
	[tilespmem:$0x660] =	vst v1;
	v1 =	vsel vm5, $0x0, v4  }
0x2ff: {  	v53 =	vld [tilespmem:$0x3C0];
	vm7 =	vgt.s32 v6, $0xF423F;
	[tilespmem:$0x670] =	vst v1;
	v1 =	vsel vm6, $0x0, v5  }
0x300: {  	v54 =	vld [tilespmem:$0x3D0];
	vm8 =	vgt.s32 v7, $0xF423F;
	[tilespmem:$0x680] =	vst v1;
	v1 =	vsel vm7, $0x0, v6  }
0x301: {  	v55 =	vld [tilespmem:$0x3D8];
	[tilespmem:$0x690] =	vst v1;
	v1 =	vsel vm8, $0x0, v7;
	vm9 =	vgt.s32 v2, $0xF423F  }
0x302: {  	[tilespmem:$0x6A0] =	vst v1;
	v1 =	vsel vm9, $0x0, v2;
	vm10 =	vgt.s32 v3, $0xF423F;
	v2 =	vld [tilespmem:$0x3E8]  }
0x303: {  	vm11 =	vgt.s32 v52, $0xF423F;
	[tilespmem:$0x6B0] =	vst v1;
	v1 =	vsel vm10, $0x0, v3;
	v3 =	vld [tilespmem:$0x3F8]  }
0x304: {  	v56 =	vld [tilespmem:$0x408];
	vm12 =	vgt.s32 v53, $0xF423F;
	[tilespmem:$0x6C0] =	vst v1;
	v1 =	vsel vm11, $0x0, v52  }
0x305: {  	v57 =	vld [tilespmem:$0x418];
	vm13 =	vgt.s32 v54, $0xF423F;
	[tilespmem:$0x6D0] =	vst v1;
	v1 =	vsel vm12, $0x0, v53  }
0x306: {  	v58 =	vld [tilespmem:$0x428];
	vm14 =	vgt.s32 v55, $0xF423F;
	[tilespmem:$0x6E0] =	vst v1;
	v1 =	vsel vm13, $0x0, v54  }
0x307: {  	v59 =	vld [tilespmem:$0x438];
	[tilespmem:$0x6F0] =	vst v1;
	v1 =	vsel vm14, $0x0, v55;
	vm15 =	vgt.s32 v2, $0xF423F  }
0x308: {  	[tilespmem:$0x6F8] =	vst v1;
	v1 =	vsel vm15, $0x0, v2;
	vm4 =	vgt.s32 v3, $0xF423F;
	v2 =	vld [tilespmem:$0x448]  }
0x309: {  	vm5 =	vgt.s32 v56, $0xF423F;
	[tilespmem:$0x708] =	vst v1;
	v1 =	vsel vm4, $0x0, v3;
	v3 =	vld [tilespmem:$0x458]  }
0x30a: {  	v60 =	vld [tilespmem:$0x468];
	vm6 =	vgt.s32 v57, $0xF423F;
	[tilespmem:$0x718] =	vst v1;
	v1 =	vsel vm5, $0x0, v56  }
0x30b: {  	v61 =	vld [tilespmem:$0x478];
	vm7 =	vgt.s32 v58, $0xF423F;
	[tilespmem:$0x728] =	vst v1;
	v1 =	vsel vm6, $0x0, v57  }
0x30c: {  	v62 =	vld [tilespmem:$0x488];
	vm8 =	vgt.s32 v59, $0xF423F;
	[tilespmem:$0x738] =	vst v1;
	v1 =	vsel vm7, $0x0, v58  }
0x30d: {  	v63 =	vld [tilespmem:$0x498];
	[tilespmem:$0x748] =	vst v1;
	v1 =	vsel vm8, $0x0, v59;
	vm9 =	vgt.s32 v2, $0xF423F  }
0x30e: {  	[tilespmem:$0x758] =	vst v1;
	v1 =	vsel vm9, $0x0, v2;
	vm10 =	vgt.s32 v3, $0xF423F;
	v2 =	vld [tilespmem:$0x4A0]  }
0x30f: {  	vm11 =	vgt.s32 v60, $0xF423F;
	[tilespmem:$0x768] =	vst v1;
	v1 =	vsel vm10, $0x0, v3  }
0x310: {  	vm12 =	vgt.s32 v61, $0xF423F;
	[tilespmem:$0x778] =	vst v1;
	v1 =	vsel vm11, $0x0, v60  }
0x311: {  	vm13 =	vgt.s32 v62, $0xF423F;
	[tilespmem:$0x788] =	vst v1;
	v1 =	vsel vm12, $0x0, v61  }
0x312: {  	vm14 =	vgt.s32 v63, $0xF423F;
	[tilespmem:$0x798] =	vst v1;
	v1 =	vsel vm13, $0x0, v62  }
0x313: {  	[tilespmem:$0x7A8] =	vst v1;
	v1 =	vsel vm14, $0x0, v63;
	vm15 =	vgt.s32 v2, $0xF423F  }
0x314: {  	[tilespmem:$0x7B8] =	vst v1;
	v1 =	vsel vm15, $0x0, v2  }
0x315: {  	[tilespmem:$0x7C0] =	vst v1  }
0x316: {  	_ =	swait.ge [sflag:s13], $0x6400  }
0x317: {  	[sflag:s13] =	ssyncset.done $0x0  }
0x318: {  	s0 =	simm.s32 $0x640;
	[sflag:s13] =	ssyncadd.s32 $0xFFFF9C00  }
0x319: {  	[tilespmem:s28], [sflag:$0x5] =	stream.indirect.gather [hbm4b:s4+s25], $0x40, s0, s25, $0xb8;
	[tilespmem:$0xD660] =	vst v63  }
0x31a: {  	s5 =	simm.s32 $0x6C0;
	s2 =	simm.s32 $0x2960  }
0x31b: {  	[tilespmem:s2], [sflag:$0x5] =	stream.indirect.gather [hbm4b:s4+s29], $0x40, s5, s29, $0xb8;
	[tilespmem:$0xD660] =	vst v63  }
0x31c: {  	s9 =	simm.s32 $0x708;
	s26 =	simm.s32 $0x3B60  }
0x31d: {  	[tilespmem:s26], [sflag:$0x5] =	stream.indirect.gather [hbm4b:s4+s25], $0x40, s9, s25, $0xb8;
	[tilespmem:$0xD660] =	vst v63  }
.Ltmp54:
0x31e: {  	s30 =	simm.s32 $0x788;
	s31 =	simm.s32 $0x5B60;
	(pc) =	sbr.rel .LBB2_64-.Ltmp54, $4  }
0x31f: {  	[tilespmem:s31], [sflag:$0x5] =	stream.indirect.gather [hbm4b:s4+s29], $0x40, s30, s29, $0xb8;
	[tilespmem:$0xD660] =	vst v63  }
0x320: {  	_ =	swait.ge [sflag:s14], $0x6400  }
0x321: {  	[sflag:s14] =	ssyncset.done $0x0  }
0x322: {  	s0 =	simm.s32 $0x0;
	[sflag:s14] =	ssyncadd.s32 $0xFFFF9C00  }
.LBB2_68:
0x323: {  	s0 =	sadd.s32 $0x1, s0  }
0x324: {  	p0 =	sne.s32 s0, $0xD  }
.Ltmp55:
0x325: {  	_ = 	snop;
	(pc) =	sbr.rel @!p0 .LBB2_69-.Ltmp55, $1  }
0x326: {  	_ =	sdelay $0x3  }
.LBB2_64:
0x327: {  	s2 =	sshll.u32 s0, $0x4  }
0x328: {  	s2 =	smin.u32 s2, $0xB8  }
0x329: {  	v3 =	vld [tilespmem:s2+$0x190];
	_ =	sdelay $0x4  }
0x32a: {  	v1 =	vxor.u32 $0x80000000, v3  }
0x32b: {  	(xrf0) =	vmax.scan.msk.u32 $0xffff, v1;
	_ =	sdelay $0x5  }
0x32c: {  	v1, _, _ =	vpop (xrf0)  }
0x32d: {  	(v2sf) =	vpush v1, $0xF;
	_ =	sdelay $0xe  }
0x32e: {  	s5 =	spop (v2sf)  }
0x32f: {  	p0 =	slt.u32 s5, $0x800F4240  }
.Ltmp56:
0x330: {  	_ = 	snop;
	(pc) =	sbr.rel @p0 .LBB2_68-.Ltmp56, $1  }
0x331: {  	_ =	sdelay $0x3  }
0x332: {  	vm0 =	vgt.s32 v3, $0xF4240  }
0x333: {  	v2 =	vmov s2;
	s30 =	simm.s32 $0x0;
	v1 =	vnsel vm0, $0xF4240, v3  }
0x334: {  	v4 =	vshll.u32 v2, $0x6;
	v5 =	vmov s30;
	v1 =	vshll.u32 v1, $0x6  }
0x335: {  	v2 =	vadd.s32 $0xFC2F7000, v1;
	v1 =	vadd.s32 v0, v4;
	v4 =	vand.u32 $0x38, v5  }
0x336: {  	vm0 =	vgt.s32 v3, $0xF423F;
	v3 =	vand.u32 $0x7, v5;
	v5 =	vor.u32 v2, v4  }
0x337: {  	v6 =	vor.u32 v3, v5;
	_ =	sdelay $0x2  }
0x338: {  	s31 =	simm.s32 $0x1  }
0x339: {  	s2 =	simm.s32 $0x2;
	vm1 =	vmmov vm0;
	v5 =	vmov s31  }
.LBB2_66:
0x33a: {  	p0 =	sne.s32 s2, $0x3F;
	v7 =	vld.idx.msk [tilespmem:v6+s21+$0x0], vm0;
	v6 =	vor.u32 v1, v4;
	v4 =	vand.u32 $0x38, v5  }
0x33b: {  	v8 =	vor.u32 v2, v4;
	v9 =	vor.u32 v3, v6;
	v3 =	vand.u32 $0x7, v5  }
.Ltmp57:
0x33c: {  	v6 =	vor.u32 v3, v8;
	(pc) =	sbr.rel @p0 .LBB2_66-.Ltmp57, $2  }
0x33d: {  	_ =	sdelay $0x2  }
0x33e: {  	v5 =	vmov s2;
	s2 =	sadd.s32 $0x1, s2;
	[tilespmem:v9+s17+$0x0] =	vst.idx.msk vm1, v7;
	vm1 =	vmmov vm0  }
0x33f: {  	_ =	sdelay $0x3  }
0x340: {  	v7 =	vand.u32 $0x38, v5;
	v4 =	vor.u32 v1, v4  }
0x341: {  	v6 =	vld.idx.msk [tilespmem:v6+s21+$0x0], vm0;
	v63 =	vand.u32 $0x7, v5;
	v2 =	vor.u32 v2, v7;
	v3 =	vor.u32 v3, v4  }
0x342: {  	v2 =	vor.u32 v63, v2;
	_ =	sdelay $0x3  }
0x343: {  	v1 =	vor.u32 v1, v7;
	[tilespmem:v3+s17+$0x0] =	vst.idx.msk vm1, v6  }
0x344: {  	v1 =	vor.u32 v63, v1;
	v2 =	vld.idx.msk [tilespmem:v2+s21+$0x0], vm0  }
.Ltmp58:
0x345: {  	_ = 	snop;
	(pc) =	sbr.rel .LBB2_68-.Ltmp58, $2  }
0x346: {  	_ =	sdelay $0x2  }
0x347: {  	vm15 =	vmmov vm0;
	[tilespmem:v1+s17+$0x0] =	vst.idx.msk vm0, v2  }
.LBB2_69:
.Ltmp59:
0x348: {  	(pc) =	sbr.rel .LBB2_70-.Ltmp59, $2  }
0x349: {  	_ =	sdelay $0x2  }
0x34a: {  	s0 =	simm.s32 $0x0  }
.LBB2_74:
0x34b: {  	s0 =	sadd.s32 $0x1, s0  }
0x34c: {  	p0 =	sne.s32 s0, $0xD  }
.Ltmp60:
0x34d: {  	_ = 	snop;
	(pc) =	sbr.rel @!p0 .LBB2_75-.Ltmp60, $1  }
0x34e: {  	_ =	sdelay $0x3  }
.LBB2_70:
0x34f: {  	s2 =	sshll.u32 s0, $0x4  }
0x350: {  	s2 =	smin.u32 s2, $0xB8  }
0x351: {  	v3 =	vld [tilespmem:s2+$0x258];
	_ =	sdelay $0x4  }
0x352: {  	v1 =	vxor.u32 $0x80000000, v3  }
0x353: {  	(xrf0) =	vmax.scan.msk.u32 $0xffff, v1;
	_ =	sdelay $0x5  }
0x354: {  	v1, _, _ =	vpop (xrf0)  }
0x355: {  	(v2sf) =	vpush v1, $0xF;
	_ =	sdelay $0xe  }
0x356: {  	s5 =	spop (v2sf)  }
0x357: {  	p0 =	slt.u32 s5, $0x800F4240  }
.Ltmp61:
0x358: {  	_ = 	snop;
	(pc) =	sbr.rel @p0 .LBB2_74-.Ltmp61, $1  }
0x359: {  	_ =	sdelay $0x3  }
0x35a: {  	vm0 =	vgt.s32 v3, $0xF4240;
	s2 =	sadd.s32 $0xC8, s2  }
0x35b: {  	s30 =	simm.s32 $0x0;
	v1 =	vnsel vm0, $0xF4240, v3;
	v2 =	vmov s2  }
0x35c: {  	v5 =	vmov s30;
	v4 =	vshll.u32 v2, $0x6;
	v1 =	vshll.u32 v1, $0x6  }
0x35d: {  	v2 =	vadd.s32 $0xFC2F7000, v1;
	v1 =	vadd.s32 v0, v4;
	v4 =	vand.u32 $0x38, v5  }
0x35e: {  	vm0 =	vgt.s32 v3, $0xF423F;
	v3 =	vand.u32 $0x7, v5;
	v5 =	vor.u32 v2, v4  }
0x35f: {  	v6 =	vor.u32 v3, v5;
	_ =	sdelay $0x2  }
0x360: {  	s31 =	simm.s32 $0x1  }
0x361: {  	s2 =	simm.s32 $0x2;
	vm1 =	vmmov vm0;
	v5 =	vmov s31  }
.LBB2_72:
0x362: {  	p0 =	sne.s32 s2, $0x3F;
	v7 =	vld.idx.msk [tilespmem:v6+s21+$0x0], vm0;
	v6 =	vor.u32 v1, v4;
	v4 =	vand.u32 $0x38, v5  }
0x363: {  	v8 =	vor.u32 v2, v4;
	v9 =	vor.u32 v3, v6;
	v3 =	vand.u32 $0x7, v5  }
.Ltmp62:
0x364: {  	v6 =	vor.u32 v3, v8;
	(pc) =	sbr.rel @p0 .LBB2_72-.Ltmp62, $2  }
0x365: {  	_ =	sdelay $0x2  }
0x366: {  	v5 =	vmov s2;
	s2 =	sadd.s32 $0x1, s2;
	[tilespmem:v9+s17+$0x0] =	vst.idx.msk vm1, v7;
	vm1 =	vmmov vm0  }
0x367: {  	_ =	sdelay $0x3  }
0x368: {  	v7 =	vand.u32 $0x38, v5;
	v4 =	vor.u32 v1, v4  }
0x369: {  	v6 =	vld.idx.msk [tilespmem:v6+s21+$0x0], vm0;
	v63 =	vand.u32 $0x7, v5;
	v2 =	vor.u32 v2, v7;
	v3 =	vor.u32 v3, v4  }
0x36a: {  	v2 =	vor.u32 v63, v2;
	_ =	sdelay $0x3  }
0x36b: {  	v1 =	vor.u32 v1, v7;
	[tilespmem:v3+s17+$0x0] =	vst.idx.msk vm1, v6  }
0x36c: {  	v1 =	vor.u32 v63, v1;
	v2 =	vld.idx.msk [tilespmem:v2+s21+$0x0], vm0  }
.Ltmp63:
0x36d: {  	_ = 	snop;
	(pc) =	sbr.rel .LBB2_74-.Ltmp63, $2  }
0x36e: {  	_ =	sdelay $0x2  }
0x36f: {  	vm15 =	vmmov vm0;
	[tilespmem:v1+s17+$0x0] =	vst.idx.msk vm0, v2  }
.LBB2_75:
0x370: {  	s0 =	rddreg [dreg:$0xe]  }
0x371: {  	[hbm4b:s0+s3] =	stream.strided.scatter [tilespmem:s17], [sflag:$0x8], $0x6400, s25, s3, $0x38;
	[tilespmem:$0xD660] =	vst v63  }
0x372: {  	_ =	swait.ge [sflag:s15], $0x190  }
0x373: {  	[sflag:s15] =	ssyncset.done $0x0  }
0x374: {  	[sflag:s15] =	ssyncadd.s32 $0xFFFFFE70  }
0x375: {  	v1 =	vld [tilespmem:$0x4B0]  }
0x376: {  	v2 =	vld [tilespmem:$0x4C0]  }
0x377: {  	v3 =	vld [tilespmem:$0x4D0]  }
0x378: {  	v4 =	vld [tilespmem:$0x4E0]  }
0x379: {  	v5 =	vld [tilespmem:$0x4F0]  }
0x37a: {  	v6 =	vld [tilespmem:$0x500];
	vm0 =	vgt.s32 v1, $0xF423F  }
0x37b: {  	v7 =	vld [tilespmem:$0x510];
	vm15 =	vgt.s32 v2, $0xF423F;
	v1 =	vsel vm0, $0x0, v1  }
0x37c: {  	vm4 =	vgt.s32 v3, $0xF423F;
	[tilespmem:$0x7D0] =	vst v1;
	v1 =	vsel vm15, $0x0, v2;
	v2 =	vld [tilespmem:$0x520]  }
0x37d: {  	vm5 =	vgt.s32 v4, $0xF423F;
	[tilespmem:$0x7E0] =	vst v1;
	v1 =	vsel vm4, $0x0, v3;
	v3 =	vld [tilespmem:$0x530]  }
0x37e: {  	v52 =	vld [tilespmem:$0x540];
	vm6 =	vgt.s32 v5, $0xF423F;
	[tilespmem:$0x7F0] =	vst v1;
	v1 =	vsel vm5, $0x0, v4  }
0x37f: {  	v53 =	vld [tilespmem:$0x550];
	vm7 =	vgt.s32 v6, $0xF423F;
	[tilespmem:$0x800] =	vst v1;
	v1 =	vsel vm6, $0x0, v5  }
0x380: {  	v54 =	vld [tilespmem:$0x560];
	vm8 =	vgt.s32 v7, $0xF423F;
	[tilespmem:$0x810] =	vst v1;
	v1 =	vsel vm7, $0x0, v6  }
0x381: {  	v55 =	vld [tilespmem:$0x568];
	[tilespmem:$0x820] =	vst v1;
	v1 =	vsel vm8, $0x0, v7;
	vm9 =	vgt.s32 v2, $0xF423F  }
0x382: {  	[tilespmem:$0x830] =	vst v1;
	v1 =	vsel vm9, $0x0, v2;
	vm10 =	vgt.s32 v3, $0xF423F;
	v2 =	vld [tilespmem:$0x578]  }
0x383: {  	vm11 =	vgt.s32 v52, $0xF423F;
	[tilespmem:$0x840] =	vst v1;
	v1 =	vsel vm10, $0x0, v3;
	v3 =	vld [tilespmem:$0x588]  }
0x384: {  	v56 =	vld [tilespmem:$0x598];
	vm12 =	vgt.s32 v53, $0xF423F;
	[tilespmem:$0x850] =	vst v1;
	v1 =	vsel vm11, $0x0, v52  }
0x385: {  	v57 =	vld [tilespmem:$0x5A8];
	vm13 =	vgt.s32 v54, $0xF423F;
	[tilespmem:$0x860] =	vst v1;
	v1 =	vsel vm12, $0x0, v53  }
0x386: {  	v58 =	vld [tilespmem:$0x5B8];
	vm14 =	vgt.s32 v55, $0xF423F;
	[tilespmem:$0x870] =	vst v1;
	v1 =	vsel vm13, $0x0, v54  }
0x387: {  	v59 =	vld [tilespmem:$0x5C8];
	[tilespmem:$0x880] =	vst v1;
	v1 =	vsel vm14, $0x0, v55;
	vm15 =	vgt.s32 v2, $0xF423F  }
0x388: {  	[tilespmem:$0x888] =	vst v1;
	v1 =	vsel vm15, $0x0, v2;
	vm4 =	vgt.s32 v3, $0xF423F;
	v2 =	vld [tilespmem:$0x5D8]  }
0x389: {  	vm5 =	vgt.s32 v56, $0xF423F;
	[tilespmem:$0x898] =	vst v1;
	v1 =	vsel vm4, $0x0, v3;
	v3 =	vld [tilespmem:$0x5E8]  }
0x38a: {  	v60 =	vld [tilespmem:$0x5F8];
	vm6 =	vgt.s32 v57, $0xF423F;
	[tilespmem:$0x8A8] =	vst v1;
	v1 =	vsel vm5, $0x0, v56  }
0x38b: {  	v61 =	vld [tilespmem:$0x608];
	vm7 =	vgt.s32 v58, $0xF423F;
	[tilespmem:$0x8B8] =	vst v1;
	v1 =	vsel vm6, $0x0, v57  }
0x38c: {  	v62 =	vld [tilespmem:$0x618];
	vm8 =	vgt.s32 v59, $0xF423F;
	[tilespmem:$0x8C8] =	vst v1;
	v1 =	vsel vm7, $0x0, v58  }
0x38d: {  	v63 =	vld [tilespmem:$0x628];
	[tilespmem:$0x8D8] =	vst v1;
	v1 =	vsel vm8, $0x0, v59;
	vm9 =	vgt.s32 v2, $0xF423F  }
0x38e: {  	[tilespmem:$0x8E8] =	vst v1;
	v1 =	vsel vm9, $0x0, v2;
	vm10 =	vgt.s32 v3, $0xF423F;
	v2 =	vld [tilespmem:$0x630]  }
0x38f: {  	vm11 =	vgt.s32 v60, $0xF423F;
	[tilespmem:$0x8F8] =	vst v1;
	v1 =	vsel vm10, $0x0, v3  }
0x390: {  	vm12 =	vgt.s32 v61, $0xF423F;
	[tilespmem:$0x908] =	vst v1;
	v1 =	vsel vm11, $0x0, v60  }
0x391: {  	vm13 =	vgt.s32 v62, $0xF423F;
	[tilespmem:$0x918] =	vst v1;
	v1 =	vsel vm12, $0x0, v61  }
0x392: {  	vm14 =	vgt.s32 v63, $0xF423F;
	[tilespmem:$0x928] =	vst v1;
	v1 =	vsel vm13, $0x0, v62  }
0x393: {  	[tilespmem:$0x938] =	vst v1;
	v1 =	vsel vm14, $0x0, v63;
	vm15 =	vgt.s32 v2, $0xF423F  }
0x394: {  	[tilespmem:$0x948] =	vst v1;
	v1 =	vsel vm15, $0x0, v2  }
0x395: {  	[tilespmem:$0x950] =	vst v1  }
0x396: {  	_ =	swait.ge [sflag:s16], $0x6400  }
0x397: {  	[sflag:s16] =	ssyncset.done $0x0  }
0x398: {  	[sflag:s16] =	ssyncadd.s32 $0xFFFF9C00  }
0x399: {  	[tilespmem:s17], [sflag:$0x6] =	stream.indirect.gather [hbm4b:s4+s25], $0x40, s12, s25, $0xb8;
	[tilespmem:$0xD660] =	vst v63  }
0x39a: {  	_ = 	snop  }
0x39b: {  	[tilespmem:s19], [sflag:$0x6] =	stream.indirect.gather [hbm4b:s4+s29], $0x40, s18, s29, $0xb8;
	[tilespmem:$0xD660] =	vst v63  }
0x39c: {  	_ = 	snop  }
0x39d: {  	[tilespmem:s8], [sflag:$0x6] =	stream.indirect.gather [hbm4b:s4+s25], $0x40, s20, s25, $0xb8;
	[tilespmem:$0xD660] =	vst v63  }
.Ltmp64:
0x39e: {  	_ = 	snop;
	(pc) =	sbr.rel .LBB2_76-.Ltmp64, $4  }
0x39f: {  	[tilespmem:s23], [sflag:$0x6] =	stream.indirect.gather [hbm4b:s4+s29], $0x40, s22, s29, $0xb8;
	[tilespmem:$0xD660] =	vst v63  }
0x3a0: {  	_ =	swait.ge [sflag:s10], $0x6400  }
0x3a1: {  	[sflag:s10] =	ssyncset.done $0x0  }
0x3a2: {  	s0 =	simm.s32 $0x0;
	[sflag:s10] =	ssyncadd.s32 $0xFFFF9C00  }
.LBB2_80:
0x3a3: {  	s0 =	sadd.s32 $0x1, s0  }
0x3a4: {  	p0 =	sne.s32 s0, $0xD  }
.Ltmp65:
0x3a5: {  	_ = 	snop;
	(pc) =	sbr.rel @!p0 .LBB2_81-.Ltmp65, $1  }
0x3a6: {  	_ =	sdelay $0x3  }
.LBB2_76:
0x3a7: {  	s2 =	sshll.u32 s0, $0x4  }
0x3a8: {  	s2 =	smin.u32 s2, $0xB8  }
0x3a9: {  	v3 =	vld [tilespmem:s2+$0x320];
	_ =	sdelay $0x4  }
0x3aa: {  	v1 =	vxor.u32 $0x80000000, v3  }
0x3ab: {  	(xrf0) =	vmax.scan.msk.u32 $0xffff, v1;
	_ =	sdelay $0x5  }
0x3ac: {  	v1, _, _ =	vpop (xrf0)  }
0x3ad: {  	(v2sf) =	vpush v1, $0xF;
	_ =	sdelay $0xe  }
0x3ae: {  	s5 =	spop (v2sf)  }
0x3af: {  	p0 =	slt.u32 s5, $0x800F4240  }
.Ltmp66:
0x3b0: {  	_ = 	snop;
	(pc) =	sbr.rel @p0 .LBB2_80-.Ltmp66, $1  }
0x3b1: {  	_ =	sdelay $0x3  }
0x3b2: {  	vm0 =	vgt.s32 v3, $0xF4240  }
0x3b3: {  	v2 =	vmov s2;
	s30 =	simm.s32 $0x0;
	v1 =	vnsel vm0, $0xF4240, v3  }
0x3b4: {  	v4 =	vshll.u32 v2, $0x6;
	v5 =	vmov s30;
	v1 =	vshll.u32 v1, $0x6  }
0x3b5: {  	v2 =	vadd.s32 $0xFC2F7000, v1;
	v1 =	vadd.s32 v0, v4;
	v4 =	vand.u32 $0x38, v5  }
0x3b6: {  	vm0 =	vgt.s32 v3, $0xF423F;
	v3 =	vand.u32 $0x7, v5;
	v5 =	vor.u32 v2, v4  }
0x3b7: {  	v6 =	vor.u32 v3, v5;
	_ =	sdelay $0x2  }
0x3b8: {  	s31 =	simm.s32 $0x1  }
0x3b9: {  	s2 =	simm.s32 $0x2;
	vm1 =	vmmov vm0;
	v5 =	vmov s31  }
.LBB2_78:
0x3ba: {  	p0 =	sne.s32 s2, $0x3F;
	v7 =	vld.idx.msk [tilespmem:v6+s21+$0x0], vm0;
	v6 =	vor.u32 v1, v4;
	v4 =	vand.u32 $0x38, v5  }
0x3bb: {  	v8 =	vor.u32 v2, v4;
	v9 =	vor.u32 v3, v6;
	v3 =	vand.u32 $0x7, v5  }
.Ltmp67:
0x3bc: {  	v6 =	vor.u32 v3, v8;
	(pc) =	sbr.rel @p0 .LBB2_78-.Ltmp67, $2  }
0x3bd: {  	_ =	sdelay $0x2  }
0x3be: {  	v5 =	vmov s2;
	s2 =	sadd.s32 $0x1, s2;
	[tilespmem:v9+s28+$0x0] =	vst.idx.msk vm1, v7;
	vm1 =	vmmov vm0  }
0x3bf: {  	_ =	sdelay $0x3  }
0x3c0: {  	v7 =	vand.u32 $0x38, v5;
	v4 =	vor.u32 v1, v4  }
0x3c1: {  	v6 =	vld.idx.msk [tilespmem:v6+s21+$0x0], vm0;
	v63 =	vand.u32 $0x7, v5;
	v2 =	vor.u32 v2, v7;
	v3 =	vor.u32 v3, v4  }
0x3c2: {  	v2 =	vor.u32 v63, v2;
	_ =	sdelay $0x3  }
0x3c3: {  	v1 =	vor.u32 v1, v7;
	[tilespmem:v3+s28+$0x0] =	vst.idx.msk vm1, v6  }
0x3c4: {  	v1 =	vor.u32 v63, v1;
	v2 =	vld.idx.msk [tilespmem:v2+s21+$0x0], vm0  }
.Ltmp68:
0x3c5: {  	_ = 	snop;
	(pc) =	sbr.rel .LBB2_80-.Ltmp68, $2  }
0x3c6: {  	_ =	sdelay $0x2  }
0x3c7: {  	vm15 =	vmmov vm0;
	[tilespmem:v1+s28+$0x0] =	vst.idx.msk vm0, v2  }
.LBB2_81:
.Ltmp69:
0x3c8: {  	(pc) =	sbr.rel .LBB2_82-.Ltmp69, $2  }
0x3c9: {  	_ =	sdelay $0x2  }
0x3ca: {  	s0 =	simm.s32 $0x0  }
.LBB2_86:
0x3cb: {  	s0 =	sadd.s32 $0x1, s0  }
0x3cc: {  	p0 =	sne.s32 s0, $0xD  }
.Ltmp70:
0x3cd: {  	_ = 	snop;
	(pc) =	sbr.rel @!p0 .LBB2_87-.Ltmp70, $1  }
0x3ce: {  	_ =	sdelay $0x3  }
.LBB2_82:
0x3cf: {  	s2 =	sshll.u32 s0, $0x4  }
0x3d0: {  	s2 =	smin.u32 s2, $0xB8  }
0x3d1: {  	v3 =	vld [tilespmem:s2+$0x3E8];
	_ =	sdelay $0x4  }
0x3d2: {  	v1 =	vxor.u32 $0x80000000, v3  }
0x3d3: {  	(xrf0) =	vmax.scan.msk.u32 $0xffff, v1;
	_ =	sdelay $0x5  }
0x3d4: {  	v1, _, _ =	vpop (xrf0)  }
0x3d5: {  	(v2sf) =	vpush v1, $0xF;
	_ =	sdelay $0xe  }
0x3d6: {  	s5 =	spop (v2sf)  }
0x3d7: {  	p0 =	slt.u32 s5, $0x800F4240  }
.Ltmp71:
0x3d8: {  	_ = 	snop;
	(pc) =	sbr.rel @p0 .LBB2_86-.Ltmp71, $1  }
0x3d9: {  	_ =	sdelay $0x3  }
0x3da: {  	vm0 =	vgt.s32 v3, $0xF4240;
	s2 =	sadd.s32 $0xC8, s2  }
0x3db: {  	s30 =	simm.s32 $0x0;
	v1 =	vnsel vm0, $0xF4240, v3;
	v2 =	vmov s2  }
0x3dc: {  	v5 =	vmov s30;
	v4 =	vshll.u32 v2, $0x6;
	v1 =	vshll.u32 v1, $0x6  }
0x3dd: {  	v2 =	vadd.s32 $0xFC2F7000, v1;
	v1 =	vadd.s32 v0, v4;
	v4 =	vand.u32 $0x38, v5  }
0x3de: {  	vm0 =	vgt.s32 v3, $0xF423F;
	v3 =	vand.u32 $0x7, v5;
	v5 =	vor.u32 v2, v4  }
0x3df: {  	v6 =	vor.u32 v3, v5;
	_ =	sdelay $0x2  }
0x3e0: {  	s31 =	simm.s32 $0x1  }
0x3e1: {  	s2 =	simm.s32 $0x2;
	vm1 =	vmmov vm0;
	v5 =	vmov s31  }
.LBB2_84:
0x3e2: {  	p0 =	sne.s32 s2, $0x3F;
	v7 =	vld.idx.msk [tilespmem:v6+s21+$0x0], vm0;
	v6 =	vor.u32 v1, v4;
	v4 =	vand.u32 $0x38, v5  }
0x3e3: {  	v8 =	vor.u32 v2, v4;
	v9 =	vor.u32 v3, v6;
	v3 =	vand.u32 $0x7, v5  }
.Ltmp72:
0x3e4: {  	v6 =	vor.u32 v3, v8;
	(pc) =	sbr.rel @p0 .LBB2_84-.Ltmp72, $2  }
0x3e5: {  	_ =	sdelay $0x2  }
0x3e6: {  	v5 =	vmov s2;
	s2 =	sadd.s32 $0x1, s2;
	[tilespmem:v9+s28+$0x0] =	vst.idx.msk vm1, v7;
	vm1 =	vmmov vm0  }
0x3e7: {  	_ =	sdelay $0x3  }
0x3e8: {  	v7 =	vand.u32 $0x38, v5;
	v4 =	vor.u32 v1, v4  }
0x3e9: {  	v6 =	vld.idx.msk [tilespmem:v6+s21+$0x0], vm0;
	v63 =	vand.u32 $0x7, v5;
	v2 =	vor.u32 v2, v7;
	v3 =	vor.u32 v3, v4  }
0x3ea: {  	v2 =	vor.u32 v63, v2;
	_ =	sdelay $0x3  }
0x3eb: {  	v1 =	vor.u32 v1, v7;
	[tilespmem:v3+s28+$0x0] =	vst.idx.msk vm1, v6  }
0x3ec: {  	v1 =	vor.u32 v63, v1;
	v2 =	vld.idx.msk [tilespmem:v2+s21+$0x0], vm0  }
.Ltmp73:
0x3ed: {  	_ = 	snop;
	(pc) =	sbr.rel .LBB2_86-.Ltmp73, $2  }
0x3ee: {  	_ =	sdelay $0x2  }
0x3ef: {  	vm15 =	vmmov vm0;
	[tilespmem:v1+s28+$0x0] =	vst.idx.msk vm0, v2  }
.LBB2_87:
.Ltmp74:
0x3f0: {  	s0 =	rddreg [dreg:$0xf];
	(pc) =	sbr.rel .LBB2_88-.Ltmp74, $4  }
0x3f1: {  	[hbm4b:s0+s3] =	stream.strided.scatter [tilespmem:s28], [sflag:$0x7], $0x6400, s25, s3, $0x38;
	[tilespmem:$0xD660] =	vst v63  }
0x3f2: {  	_ =	swait.ge [sflag:s14], $0x6400  }
0x3f3: {  	[sflag:s14] =	ssyncset.done $0x0  }
0x3f4: {  	s0 =	simm.s32 $0x0;
	[sflag:s14] =	ssyncadd.s32 $0xFFFF9C00  }
.LBB2_92:
0x3f5: {  	s0 =	sadd.s32 $0x1, s0  }
0x3f6: {  	p0 =	sne.s32 s0, $0xD  }
.Ltmp75:
0x3f7: {  	_ = 	snop;
	(pc) =	sbr.rel @!p0 .LBB2_93-.Ltmp75, $1  }
0x3f8: {  	_ =	sdelay $0x3  }
.LBB2_88:
0x3f9: {  	s2 =	sshll.u32 s0, $0x4  }
0x3fa: {  	s2 =	smin.u32 s2, $0xB8  }
0x3fb: {  	v3 =	vld [tilespmem:s2+$0x4B0];
	_ =	sdelay $0x4  }
0x3fc: {  	v1 =	vxor.u32 $0x80000000, v3  }
0x3fd: {  	(xrf0) =	vmax.scan.msk.u32 $0xffff, v1;
	_ =	sdelay $0x5  }
0x3fe: {  	v1, _, _ =	vpop (xrf0)  }
0x3ff: {  	(v2sf) =	vpush v1, $0xF;
	_ =	sdelay $0xe  }
0x400: {  	s5 =	spop (v2sf)  }
0x401: {  	p0 =	slt.u32 s5, $0x800F4240  }
.Ltmp76:
0x402: {  	_ = 	snop;
	(pc) =	sbr.rel @p0 .LBB2_92-.Ltmp76, $1  }
0x403: {  	_ =	sdelay $0x3  }
0x404: {  	vm0 =	vgt.s32 v3, $0xF4240  }
0x405: {  	v2 =	vmov s2;
	s30 =	simm.s32 $0x0;
	v1 =	vnsel vm0, $0xF4240, v3  }
0x406: {  	v4 =	vshll.u32 v2, $0x6;
	v5 =	vmov s30;
	v1 =	vshll.u32 v1, $0x6  }
0x407: {  	v2 =	vadd.s32 $0xFC2F7000, v1;
	v1 =	vadd.s32 v0, v4;
	v4 =	vand.u32 $0x38, v5  }
0x408: {  	vm0 =	vgt.s32 v3, $0xF423F;
	v3 =	vand.u32 $0x7, v5;
	v5 =	vor.u32 v2, v4  }
0x409: {  	v6 =	vor.u32 v3, v5;
	_ =	sdelay $0x2  }
0x40a: {  	s31 =	simm.s32 $0x1  }
0x40b: {  	s2 =	simm.s32 $0x2;
	vm1 =	vmmov vm0;
	v5 =	vmov s31  }
.LBB2_90:
0x40c: {  	p0 =	sne.s32 s2, $0x3F;
	v7 =	vld.idx.msk [tilespmem:v6+s21+$0x0], vm0;
	v6 =	vor.u32 v1, v4;
	v4 =	vand.u32 $0x38, v5  }
0x40d: {  	v8 =	vor.u32 v2, v4;
	v9 =	vor.u32 v3, v6;
	v3 =	vand.u32 $0x7, v5  }
.Ltmp77:
0x40e: {  	v6 =	vor.u32 v3, v8;
	(pc) =	sbr.rel @p0 .LBB2_90-.Ltmp77, $2  }
0x40f: {  	_ =	sdelay $0x2  }
0x410: {  	v5 =	vmov s2;
	s2 =	sadd.s32 $0x1, s2;
	[tilespmem:v9+s17+$0x0] =	vst.idx.msk vm1, v7;
	vm1 =	vmmov vm0  }
0x411: {  	_ =	sdelay $0x3  }
0x412: {  	v7 =	vand.u32 $0x38, v5;
	v4 =	vor.u32 v1, v4  }
0x413: {  	v6 =	vld.idx.msk [tilespmem:v6+s21+$0x0], vm0;
	v63 =	vand.u32 $0x7, v5;
	v2 =	vor.u32 v2, v7;
	v3 =	vor.u32 v3, v4  }
0x414: {  	v2 =	vor.u32 v63, v2;
	_ =	sdelay $0x3  }
0x415: {  	v1 =	vor.u32 v1, v7;
	[tilespmem:v3+s17+$0x0] =	vst.idx.msk vm1, v6  }
0x416: {  	v1 =	vor.u32 v63, v1;
	v2 =	vld.idx.msk [tilespmem:v2+s21+$0x0], vm0  }
.Ltmp78:
0x417: {  	_ = 	snop;
	(pc) =	sbr.rel .LBB2_92-.Ltmp78, $2  }
0x418: {  	_ =	sdelay $0x2  }
0x419: {  	vm15 =	vmmov vm0;
	[tilespmem:v1+s17+$0x0] =	vst.idx.msk vm0, v2  }
.LBB2_93:
.Ltmp79:
0x41a: {  	(pc) =	sbr.rel .LBB2_94-.Ltmp79, $2  }
0x41b: {  	_ =	sdelay $0x2  }
0x41c: {  	s0 =	simm.s32 $0x0  }
.LBB2_98:
0x41d: {  	s0 =	sadd.s32 $0x1, s0  }
0x41e: {  	p0 =	sne.s32 s0, $0xD  }
.Ltmp80:
0x41f: {  	_ = 	snop;
	(pc) =	sbr.rel @!p0 .LBB2_99-.Ltmp80, $1  }
0x420: {  	_ =	sdelay $0x3  }
.LBB2_94:
0x421: {  	s2 =	sshll.u32 s0, $0x4  }
0x422: {  	s2 =	smin.u32 s2, $0xB8  }
0x423: {  	v3 =	vld [tilespmem:s2+$0x578];
	_ =	sdelay $0x4  }
0x424: {  	v1 =	vxor.u32 $0x80000000, v3  }
0x425: {  	(xrf0) =	vmax.scan.msk.u32 $0xffff, v1;
	_ =	sdelay $0x5  }
0x426: {  	v1, _, _ =	vpop (xrf0)  }
0x427: {  	(v2sf) =	vpush v1, $0xF;
	_ =	sdelay $0xe  }
0x428: {  	s5 =	spop (v2sf)  }
0x429: {  	p0 =	slt.u32 s5, $0x800F4240  }
.Ltmp81:
0x42a: {  	_ = 	snop;
	(pc) =	sbr.rel @p0 .LBB2_98-.Ltmp81, $1  }
0x42b: {  	_ =	sdelay $0x3  }
0x42c: {  	vm0 =	vgt.s32 v3, $0xF4240;
	s2 =	sadd.s32 $0xC8, s2  }
0x42d: {  	s30 =	simm.s32 $0x0;
	v1 =	vnsel vm0, $0xF4240, v3;
	v2 =	vmov s2  }
0x42e: {  	v5 =	vmov s30;
	v4 =	vshll.u32 v2, $0x6;
	v1 =	vshll.u32 v1, $0x6  }
0x42f: {  	v2 =	vadd.s32 $0xFC2F7000, v1;
	v1 =	vadd.s32 v0, v4;
	v4 =	vand.u32 $0x38, v5  }
0x430: {  	vm0 =	vgt.s32 v3, $0xF423F;
	v3 =	vand.u32 $0x7, v5;
	v5 =	vor.u32 v2, v4  }
0x431: {  	v6 =	vor.u32 v3, v5;
	_ =	sdelay $0x2  }
0x432: {  	s31 =	simm.s32 $0x1  }
0x433: {  	s2 =	simm.s32 $0x2;
	vm1 =	vmmov vm0;
	v5 =	vmov s31  }
.LBB2_96:
0x434: {  	p0 =	sne.s32 s2, $0x3F;
	v7 =	vld.idx.msk [tilespmem:v6+s21+$0x0], vm0;
	v6 =	vor.u32 v1, v4;
	v4 =	vand.u32 $0x38, v5  }
0x435: {  	v8 =	vor.u32 v2, v4;
	v9 =	vor.u32 v3, v6;
	v3 =	vand.u32 $0x7, v5  }
.Ltmp82:
0x436: {  	v6 =	vor.u32 v3, v8;
	(pc) =	sbr.rel @p0 .LBB2_96-.Ltmp82, $2  }
0x437: {  	_ =	sdelay $0x2  }
0x438: {  	v5 =	vmov s2;
	s2 =	sadd.s32 $0x1, s2;
	[tilespmem:v9+s17+$0x0] =	vst.idx.msk vm1, v7;
	vm1 =	vmmov vm0  }
0x439: {  	_ =	sdelay $0x3  }
0x43a: {  	v7 =	vand.u32 $0x38, v5;
	v4 =	vor.u32 v1, v4  }
0x43b: {  	v6 =	vld.idx.msk [tilespmem:v6+s21+$0x0], vm0;
	v63 =	vand.u32 $0x7, v5;
	v2 =	vor.u32 v2, v7;
	v3 =	vor.u32 v3, v4  }
0x43c: {  	v2 =	vor.u32 v63, v2;
	_ =	sdelay $0x3  }
0x43d: {  	v1 =	vor.u32 v1, v7;
	[tilespmem:v3+s17+$0x0] =	vst.idx.msk vm1, v6  }
0x43e: {  	v1 =	vor.u32 v63, v1;
	v2 =	vld.idx.msk [tilespmem:v2+s21+$0x0], vm0  }
.Ltmp83:
0x43f: {  	_ = 	snop;
	(pc) =	sbr.rel .LBB2_98-.Ltmp83, $2  }
0x440: {  	_ =	sdelay $0x2  }
0x441: {  	vm15 =	vmmov vm0;
	[tilespmem:v1+s17+$0x0] =	vst.idx.msk vm0, v2  }
.LBB2_100:
0x442: {  	_ =	sfence.sel $0x180000  }
0x443: {  	[bflag:$0x0] =	sbarrier.arrive $0xFFFF  }
0x444: {  	_ =	strace $0x90000047  }
0x445: {  	s0 =	stileid.u32;
	[bflag:$0x2] =	sbarrier.arrive $0xFFFF  }
0x446: {  	p0 =	sne.s32 s0, $0x0;
	s0 =	rddreg [dreg:$0x2]  }
0x447: {  	s0 =	sadd.s32 @!p0 $0x100000, s0  }
0x448: {  	[sflag:s0] =	ssyncadd.tile.s32 @!p0 $0x1;
	_ =	shalt  }
.Lfunc_end2:
_tile_overlayer_lowered:
.L_overlay_start_2:
0x449: {  	(tag) =	ssettag $0x2  }
0x44a: {  	s0 =	rddreg [dreg:$0x0];
	s2 =	stileid.u32  }
0x44b: {  	s1 =	rddreg [dreg:$0x1];
	p0 =	sne.s32 s2, $0x0  }
0x44c: {  	s3 =	rddreg [dreg:$0x2];
	[bflag:$0x3] =	sbarrier.arrive $0xFFFF;
	s2 =	simm.s32 @!p0 $0x1C09  }
0x44d: {  	[timem:s3], [sflag:s2] =	dma.local @!p0 [hbm:s0], s1  }
0x44e: {  	s0 =	simm.s32 @!p0 $0x9  }
0x44f: {  	_ =	swait.ge @!p0 [sflag:s0], s1  }
0x450: {  	s1 =	ssub.s32 @!p0 $0x0, s1;
	[sflag:s0] =	ssyncset.done @!p0 $0x0  }
0x451: {  	[sflag:s0] =	ssyncadd.s32 @!p0 s1  }
0x452: {  	[bflag:$0x3] =	sbarrier.arrive $0xFFFF  }
0x453: {  	_ =	shalt  }

// kernel: sparse-core-data-format-call.cloned.1.call-start
scs
called_computation_lowered:
.L_overlay_start_0:
0x0: {  	s2 =	sld [smem:$0x3FD9]  }
0x1: {  	s3 =	sld [smem:$0x3FFE];
	_ =	sdelay $0x1  }
0x2: {  	s1 =	srdreg.scid  }
0x3: {  	s0 =	sand.u32 $0x1, s1  }
0x4: {  	s18 =	sshll.u32 s0, $0xA;
	s2 =	sadd.s32 s3, s2  }
0x5: {  	s2 =	sadd.s32 s2, s18  }
0x6: {  	[smem:$0x3FC5] =	sst s2  }
0x7: {  	_ = 	snop  }
0x8: {  	s2 =	sld [smem:$0x3FD0];
	(tm) =	ssettm $0x1  }
0x9: {  	s19 =	sld [smem:$0x3FFB];
	_ =	sdelay $0x3  }
0xa: {  	_ =	strace s19  }
0xb: {  	s3 =	sld [smem:$0x3FFC];
	_ =	sdelay $0x3  }
0xc: {  	_ =	strace s3  }
0xd: {  	s3 =	sld [smem:$0x3FFD];
	_ =	sdelay $0x3  }
0xe: {  	_ =	strace s3  }
0xf: {  	_ =	strace $0x8FFFFFFF  }
0x10: {  	s20 =	sld [smem:$0x3FDB];
	_ =	sdelay $0x1  }
0x11: {  	s4 =	simm.s32 $_scs_section_size  }
0x12: {  	s5 =	simm.s32 $_size__tile_overlayer_lowered;
	s6 =	simm.s32 $_tile_overlayer_lowered  }
0x13: {  	s23 =	simm.s32 $0x1BFF;
	s22 =	sshll.u32 s6, $0x1;
	s3 =	sadd.s32 s4, s20  }
0x14: {  	s7 =	simm.s32 $0x0;
	s21 =	sshll.u32 s5, $0x1;
	s5 =	sadd.s32 s22, s3  }
0x15: {  	[timem:s7], [sflag:s23] =	dma.local [hbm:s5], s21  }
0x16: {  	_ =	swait.ge [sflag:s23], s21  }
0x17: {  	s4 =	ssub.s32 $0x0, s21;
	[sflag:s23] =	ssyncset.done $0x0  }
0x18: {  	[sflag:s23] =	ssyncadd.s32 s4;
	_ =	sdelay $0x1  }
0x19: {  	s24 =	simm.s32 $0x1B8B  }
0x1a: {  	_ =	swait.ge [sflag:s24], $0x1  }
0x1b: {  	[sflag:s24] =	ssyncset.done $0x0  }
0x1c: {  	s26 =	simm.s32 $0x1B8E;
	s25 =	sld [smem:$0x3FFE];
	[sflag:s24] =	ssyncadd.s32 $0xFFFFFFFF  }
0x1d: {  	s27 =	simm.s32 $execute0_lowered;
	[smem:$0x3FD2] =	sst s26  }
0x1e: {  	s5 =	sshll.u32 s27, $0x1;
	_ =	strace $0x80000049;
	[dreg:$0x1] =	wrdreg $0xFFFFFFFF  }
0x1f: {  	s28 =	simm.s32 $_size_execute0_lowered;
	s3 =	sadd.s32 s3, s5;
	[dreg:$0x0] =	wrdreg $0x0  }
0x20: {  	s5 =	sshll.u32 s28, $0x1;
	[dreg:$0x2] =	wrdreg s3  }
0x21: {  	[dreg:$0x3] =	wrdreg s5  }
0x22: {  	[dreg:$0x4] =	wrdreg $0xC0  }
0x23: {  	_ =	task [dreg:s7], $0x5FFFF  }
0x24: {  	[dreg:$0x1] =	wrdreg $0xFFFFFFFF  }
0x25: {  	[dreg:$0x0] =	wrdreg $0x60  }
0x26: {  	[dreg:$0x2] =	wrdreg s25  }
0x27: {  	[dreg:$0x3] =	wrdreg s2  }
0x28: {  	[dreg:$0x4] =	wrdreg $0x9  }
0x29: {  	_ =	task.clear_ibuf [dreg:s7], $0x5FFFF;
	_ =	strace $0x90000049  }
0x2a: {  	s29 =	simm.s32 $0x9;
	_ =	strace $0x8000004B  }
0x2b: {  	_ =	swait.ge [sflag:s29], $0x1  }
0x2c: {  	[sflag:s29] =	ssyncadd.s32 $0xFFFFFFFF  }
0x2d: {  	_ =	strace $0x9000004B  }
0x2e: {  	_ =	sfence  }
0x2f: {  	s30 =	sld [smem:$0x0];
	_ =	sdelay $0x2  }
0x30: {  	s31 =	sshll.u32 s1, $0xD;
	s1 =	sshrl.u32 s1, $0x2  }
0x31: {  	s3 =	sand.u32 $0x4000, s31;
	s1 =	sadd.s32 s1, s30  }
0x32: {  	s0 =	sor.u32 s3, s0;
	s1 =	sshll.u32 s1, $0x11  }
0x33: {  	s0 =	sor.u32 s1, s0  }
0x34: {  	s0 =	sadd.s32 $0x8F2B, s0  }
0x35: {  	[sflag:s0] =	ssyncadd.remote.s32 $0x1  }
0x36: {  	_ =	sfence.sel $0xFFFF  }
0x37: {  	[dreg:$0x0] =	wrdreg $0xFFFFFFFF;
	(pc) =	sbr.abs _section_cstart, $3  }
0x38: {  	[dreg:$0x1] =	wrdreg $0xFFFFFFFF  }
0x39: {  	_ =	task.clear_ibuf [dreg:s7], $0x2FFFF;
	_ =	strace $0x9FFFFFFF  }
0x3a: {  	(tm) =	ssettm $0x7FFFFFFF  }
0x3b: {  	_ =	shalt  }
tec
execute0_lowered:
.L_overlay_start_1:
0x0: {  	(tag) =	ssettag $0x1  }
0x1: {  	s0 =	srdreg.scid  }
0x2: {  	s1 =	sshll.u32 s0, $0x4  }
0x3: {  	s0 =	stileid.u32;
	s1 =	sand.u32 $0x10, s1  }
0x4: {  	s1 =	sor.u32 s0, s1  }
0x5: {  	s6 =	rddreg [dreg:$0x0];
	s4 =	simm.s32 $0x1;
	s2 =	sshll.u32 s1, $0x7  }
0x6: {  	s7 =	simm.s32 $0x2;
	s12 =	simm.s32 $0x0;
	s1 =	ssub.s32 $0x1000, s2  }
0x7: {  	s8 =	simm.s32 $0x8000;
	s13 =	simm.s32 $0x0;
	s3 =	sand.u32 $0xF80, s1  }
0x8: {  	s9 =	simm.s32 $0x0;
	s5 =	sshrl.u32 s1, $0xC;
	p0 =	sne.s32 s3, $0x0  }
.Ltmp0:
0x9: {  	s1 =	rddreg [dreg:$0x2];
	s4 =	simm.s32 @!p0 $0x0;
	(pc) =	sbr.rel .LBB1_1-.Ltmp0, $4  }
0xa: {  	s11 =	simm.s32 $0x0;
	s3 =	rddreg [dreg:$0x1];
	s5 =	sadd.s32 s4, s5  }
0xb: {  	_ =	strace $0x8000004A;
	s4 =	simm.s32 $0x1;
	s5 =	smul.u32 $0xC8, s5  }
0xc: {  	s6 =	sadd.s32 $0xE00, s6;
	s10 =	smov.u32 s2;
	[sflag:s4] =	ssyncpa.u1 $0x0  }
0xd: {  	p0 =	por $0x0, $0x0;
	[sflag:s7] =	ssyncpa.u1 $0x0;
	s7 =	sor.u32 $0x1, s5  }
.LBB1_4:
0xe: {  	s16 =	sshll.u32 s13, $0x3;
	s17 =	sand.u32 $0x78, s13  }
0xf: {  	s30 =	sand.u32 $0x7E00, s13;
	s12 =	sshll.u32 s12, $0xF;
	s16 =	sand.u32 $0xC00, s16  }
0x10: {  	[tilespmem:s15+$0x810 ss:$0x81] =	vst.msk $0xffff, v2;
	s31 =	sand.u32 $0x7, s13;
	s16 =	sor.u32 s17, s16;
	s17 =	sadd.s32 s3, s30  }
0x11: {  	[tilespmem:s15+$0x1020 ss:$0x81] =	vst.msk $0xffff, v0;
	s13 =	sshll.u32 s31, $0x12;
	s12 =	sadd.s32 s12, s17;
	s16 =	sshrl.u32 s16, $0x3  }
0x12: {  	[tilespmem:s15+$0x0 ss:$0x81] =	vst.msk $0xffff, v1;
	s13 =	sor.u32 $0x400, s13;
	s12 =	sadd.s32 s16, s12  }
0x13: {  	[hbm4b:s12+s13] =	stream.strided.scatter [tilespmem:s14], [sflag:$0x2], $0x2000, s8, s13, $0x20;
	[tilespmem:$0x8080] =	vst v63  }
.LBB1_5:
0x14: {  	s14 =	sadd.s32 $0x1, s9  }
0x15: {  	s12 =	sadd.s32 $0x1000, s10;
	s16 =	smov.u32 s10;
	p2 =	sgt.s32 s14, $0xC7  }
0x16: {  	s16 =	smov.u32 @p2 s12  }
0x17: {  	s14 =	simm.s32 @p2 $0x0;
	p2 =	sgt.s32 s16, $0xFFF  }
0x18: {  	s16 =	smov.u32 @p2 s2;
	p2 =	sne.s32 s11, s7  }
.Ltmp1:
0x19: {  	p1 =	slt.u32 s11, $0x2;
	(pc) =	sbr.rel @!p2 .LBB1_6-.Ltmp1, $4  }
0x1a: {  	s15 =	simm.s32 @!p1 $0x2  }
0x1b: {  	s13 =	smov.u32 s10;
	p0 =	por !p0, !p0;
	_ =	swait.ge @!p1 [sflag:s15], $0x2000  }
0x1c: {  	s12 =	smov.u32 s9;
	[sflag:s15] =	ssyncset.done @!p1 $0x0;
	s9 =	smov.u32 s14  }
0x1d: {  	s11 =	sadd.s32 $0x1, s11;
	[sflag:s15] =	ssyncadd.s32 @!p1 $0xFFFFE000;
	s10 =	smov.u32 s16  }
.LBB1_1:
0x1e: {  	p1 =	sge.u32 s11, s5  }
0x1f: {  	s14 =	sand.u32 @!p1 $0x1FFFFFF, s9  }
0x20: {  	s15 =	smulhi.u32 @!p1 $0x147AE15, s14;
	_ =	sdelay $0x1  }
0x21: {  	s15 =	smul.u32 @!p1 $0xC8, s15  }
0x22: {  	s16 =	sxor.u32 @!p1 $0xFFFFFFFF, s11;
	s17 =	smul.u32 @!p1 $0xC80, s10  }
0x23: {  	s31 =	sadd.s32 $0xFFFFFFFF, s11;
	s16 =	sshll.u32 @!p1 s16, $0xD;
	s14 =	ssub.s32 @!p1 s14, s15  }
0x24: {  	s15 =	sand.u32 @!p1 $0x2000, s16;
	s16 =	sadd.s32 @!p1 s6, s17;
	s14 =	sshll.u32 @!p1 s14, $0x4  }
0x25: {  	s17 =	simm.s32 @!p1 $0x6400;
	s14 =	sadd.s32 @!p1 s14, s16;
	s16 =	simm.s32 @!p1 $0x40  }
0x26: {  	[tilespmem:s15], [sflag:$0x1] =	stream.strided.gather @!p1 [hbm4b:s14+s16], $0x2000, s17, s16, $0x38;
	[tilespmem:$0x8080] =	vst v63  }
0x27: {  	p1 =	sge.u32 s31, s5  }
.Ltmp2:
0x28: {  	_ = 	snop;
	(pc) =	sbr.rel @p1 .LBB1_5-.Ltmp2, $1  }
0x29: {  	_ =	sdelay $0x3  }
0x2a: {  	s14 =	simm.s32 $0x1  }
0x2b: {  	_ =	swait.ge [sflag:s4], $0x2000;
	s14 =	simm.s32 @!p0 $0x0  }
0x2c: {  	[sflag:s4] =	ssyncset.done $0x0;
	s15 =	sshll.u32 s14, $0xD  }
0x2d: {  	[sflag:s4] =	ssyncadd.s32 $0xFFFFE000;
	s18 =	sor.u32 $0x20, s15  }
0x2e: {  	s14 =	smul.u32 $0x8100, s14;
	v3 =	vld [tilespmem:s18+$0x10]  }
0x2f: {  	s30 =	sand.u32 $0x1, s11;
	v2 =	vld [tilespmem:s18+$0xFFFFFFF0]  }
0x30: {  	s15 =	smul.u32 $0x8100, s30;
	s14 =	sshrl.u32 s14, $0x2;
	v0 =	vld [tilespmem:s18+$0x0]  }
0x31: {  	v1 =	vld [tilespmem:s18+$0xFFFFFFE0];
	s16 =	sor.u32 $0x4000, s14  }
0x32: {  	s31 =	sshrl.u32 s15, $0x2;
	s15 =	sadd.s32 $0x0, s16  }
0x33: {  	s17 =	simm.s32 $0x4;
	s18 =	sadd.s32 $0x40, s18;
	s14 =	sor.u32 $0x4000, s31;
	[tilespmem:s15+$0x1830 ss:$0x81] =	vst.msk $0xffff, v3  }
.LBB1_3:
0x34: {  	v3 =	vld [tilespmem:s18+$0x10];
	p1 =	sne.s32 s17, $0x1FC;
	[tilespmem:s15+$0x810 ss:$0x81] =	vst.msk $0xffff, v2;
	s19 =	smov.u32 s17;
	s17 =	sadd.s32 $0x4, s17  }
.Ltmp3:
0x35: {  	v2 =	vld [tilespmem:s18+$0xFFFFFFF0];
	[tilespmem:s15+$0x1020 ss:$0x81] =	vst.msk $0xffff, v0;
	(pc) =	sbr.rel @p1 .LBB1_3-.Ltmp3, $4  }
0x36: {  	v0 =	vld [tilespmem:s18+$0x0];
	[tilespmem:s15+$0x0 ss:$0x81] =	vst.msk $0xffff, v1  }
0x37: {  	s15 =	sshra.s32 s19, $0x2;
	v1 =	vld [tilespmem:s18+$0xFFFFFFE0]  }
0x38: {  	s15 =	sadd.s32 s15, s16  }
0x39: {  	s18 =	sadd.s32 $0x40, s18;
	[tilespmem:s15+$0x1830 ss:$0x81] =	vst.msk $0xffff, v3  }
.Ltmp4:
0x3a: {  	_ = 	snop;
	(pc) =	sbr.rel .LBB1_4-.Ltmp4, $1  }
0x3b: {  	_ =	sdelay $0x3  }
.LBB1_6:
0x3c: {  	_ =	sfence.sel $0x180000  }
0x3d: {  	s2 =	simm.s32 $0x1;
	[bflag:$0x0] =	sbarrier.arrive $0xFFFF  }
0x3e: {  	s31 =	simm.s32 $0x2;
	[sflag:s2] =	ssyncpa.u1 $0x1  }
0x3f: {  	[sflag:s31] =	ssyncpa.u1 $0x1  }
0x40: {  	p0 =	sne.s32 s0, $0x0;
	_ =	strace $0x9000004A  }
0x41: {  	s0 =	sadd.s32 @!p0 $0x100000, s1;
	[bflag:$0x2] =	sbarrier.arrive $0xFFFF  }
0x42: {  	[sflag:s0] =	ssyncadd.tile.s32 @!p0 $0x1;
	_ =	shalt  }
.Lfunc_end1:
_tile_overlayer_lowered:
.L_overlay_start_2:
0x43: {  	(tag) =	ssettag $0x2  }
0x44: {  	s0 =	rddreg [dreg:$0x0];
	s2 =	stileid.u32  }
0x45: {  	s1 =	rddreg [dreg:$0x1];
	p0 =	sne.s32 s2, $0x0  }
0x46: {  	s3 =	rddreg [dreg:$0x2];
	[bflag:$0x3] =	sbarrier.arrive $0xFFFF;
	s2 =	simm.s32 @!p0 $0x1C01  }
0x47: {  	[timem:s3], [sflag:s2] =	dma.local @!p0 [hbm:s0], s1  }
0x48: {  	s0 =	simm.s32 @!p0 $0x1  }
0x49: {  	_ =	swait.ge @!p0 [sflag:s0], s1  }
0x4a: {  	s1 =	ssub.s32 @!p0 $0x0, s1;
	[sflag:s0] =	ssyncset.done @!p0 $0x0  }
0x4b: {  	[sflag:s0] =	ssyncadd.s32 @!p0 s1  }
0x4c: {  	[bflag:$0x3] =	sbarrier.arrive $0xFFFF  }
0x4d: {  	_ =	shalt  }

</sc_bundles>
